<compile_context>
chip_gen: v7x
topology: tpu7x:2x2x1
jax: 0.10.2.dev20260603
libtpu: 0.0.44.dev20260713+nightly
codegen_flags: <defaults>
</compile_context>

<pallas_src>
import functools

import jax
import jax.numpy as jnp
from jax import lax
from jax.experimental import pallas as pl
from jax.experimental.pallas import tpu as pltpu, tpu_sc as plsc

DIM = 2048
N_EXPERTS = 64
TOPK = 8
N_GROUPS = 8
EPG = N_EXPERTS // N_GROUPS
TOPK_GROUPS = 4
ROUTE_SCALE = 2.5
B_TOKENS = 16384
TBLK = 1024

_info = plsc.get_sparse_core_info()
_NC, _NS, _L = _info.num_cores, _info.num_subcores, _info.num_lanes
_NW = _NC * _NS
_RPW = B_TOKENS // _NW
_NT = _RPW // _L


def _scores_kernel(x_ref, w_ref, b_ref, sbt_ref):
    lt = jax.lax.dot_general(
        w_ref[...], x_ref[...], (((1,), (1,)), ((), ())),
        preferred_element_type=jnp.float32)
    sbt_ref[...] = jax.nn.sigmoid(lt) + b_ref[...]


def _scores_t(x, W, b):
    bc = b.reshape(N_EXPERTS, 1)
    return pl.pallas_call(
        _scores_kernel,
        grid=(B_TOKENS // TBLK,),
        in_specs=[
            pl.BlockSpec((TBLK, DIM), lambda i: (i, 0)),
            pl.BlockSpec((N_EXPERTS, DIM), lambda i: (0, 0)),
            pl.BlockSpec((N_EXPERTS, 1), lambda i: (0, 0)),
        ],
        out_specs=pl.BlockSpec((N_EXPERTS, TBLK), lambda i: (0, i)),
        out_shape=jax.ShapeDtypeStruct((N_EXPERTS, B_TOKENS), jnp.float32),
    )(x, W, bc)


_mesh = plsc.VectorSubcoreMesh(core_axis_name="c", subcore_axis_name="s")


@functools.partial(
    pl.kernel,
    out_type=[
        jax.ShapeDtypeStruct((B_TOKENS, TOPK), jnp.float32),
        jax.ShapeDtypeStruct((B_TOKENS, TOPK), jnp.int32),
    ],
    mesh=_mesh,
    scratch_types=[
        pltpu.VMEM((N_EXPERTS, _RPW), jnp.float32),
        pltpu.VMEM((N_EXPERTS,), jnp.float32),
        pltpu.VMEM((_RPW, TOPK), jnp.float32),
        pltpu.VMEM((_RPW, TOPK), jnp.int32),
        pltpu.SemaphoreType.DMA,
        pltpu.SemaphoreType.DMA,
    ],
    compiler_params=pltpu.CompilerParams(
        use_tc_tiling_on_sc=False, needs_layout_passes=False),
)
def _sc_route(sbt_hbm, b_hbm, wout_hbm, iout_hbm, sbloc, bloc, wloc, iloc,
              sem1, sem2):
    wid = lax.axis_index("s") * _NC + lax.axis_index("c")
    base = wid * _RPW
    cp1 = pltpu.async_copy(sbt_hbm.at[:, pl.ds(base, _RPW)], sbloc, sem1)
    cp2 = pltpu.async_copy(b_hbm, bloc, sem2)
    cp1.wait()
    cp2.wait()

    lanes = lax.iota(jnp.int32, _L)
    one = jnp.float32(1.0)
    zero = jnp.float32(0.0)

    def tile_body(t, carry):
        off = t * _L
        sb = [sbloc[e, pl.ds(off, _L)] for e in range(N_EXPERTS)]

        gs = []
        for g in range(N_GROUPS):
            v = sb[g * EPG:(g + 1) * EPG]
            hi = jnp.maximum(v[0], v[1])
            lo = jnp.minimum(v[0], v[1])
            for c in v[2:]:
                lo = jnp.maximum(lo, jnp.minimum(hi, c))
                hi = jnp.maximum(hi, c)
            gs.append(hi + lo)

        cnt = [jnp.zeros((_L,), jnp.float32) for _ in range(N_GROUPS)]
        for h in range(N_GROUPS):
            for g in range(h + 1, N_GROUPS):
                c = gs[h] >= gs[g]
                cf = jnp.where(c, one, zero)
                cnt[g] = cnt[g] + cf
                cnt[h] = cnt[h] + (one - cf)
        keep = [jnp.where(cnt[g] < TOPK_GROUPS, one, zero)
                for g in range(N_GROUPS)]

        masked = [sb[e] * keep[e // EPG] for e in range(N_EXPERTS)]

        m = [jnp.full((_L,), -1e30, jnp.float32) for _ in range(TOPK)]
        mi = [jnp.zeros((_L,), jnp.int32) for _ in range(TOPK)]
        for e in range(N_EXPERTS):
            v = masked[e]
            vi = jnp.full((_L,), e, jnp.int32)
            for k in range(TOPK):
                c = v > m[k]
                nm = jnp.where(c, v, m[k])
                v = jnp.where(c, m[k], v)
                ni = jnp.where(c, vi, mi[k])
                vi = jnp.where(c, mi[k], vi)
                m[k] = nm
                mi[k] = ni

        rows = off + lanes
        w = [plsc.load_gather(sbloc, [mi[k], rows])
             - plsc.load_gather(bloc, [mi[k]]) for k in range(TOPK)]
        wsum = w[0]
        for c in w[1:]:
            wsum = wsum + c
        scale = ROUTE_SCALE / wsum
        for k in range(TOPK):
            kcol = jnp.full((_L,), k, jnp.int32)
            plsc.store_scatter(wloc, [rows, kcol], w[k] * scale)
            plsc.store_scatter(iloc, [rows, kcol], mi[k])
        return carry

    lax.fori_loop(0, _NT, tile_body, 0)
    pltpu.sync_copy(wloc, wout_hbm.at[pl.ds(base, _RPW), :])
    pltpu.sync_copy(iloc, iout_hbm.at[pl.ds(base, _RPW), :])


def kernel(x, W, b):
    sbt = _scores_t(x, W, b)
    wts, idxs = _sc_route(sbt, b)
    return wts.astype(x.dtype), idxs

# --- scband reference (transcript-rebuilt; emitter-appended) ---
"""Pipeline reference for scband-gate-65481071394963 (READ-ONLY COPY).

The authoritative reference and input builder live on the scoring server;
editing this copy changes nothing except your own understanding.
"""

import jax, jax.numpy as jnp
import numpy as np

DIM = 2048
N_EXPERTS = 64
TOPK = 8
N_GROUPS = 8
TOPK_GROUPS = 4
ROUTE_SCALE = 2.5


def setup_inputs(seed: int = 0) -> dict:
    key = jax.random.key(seed)
    k1, k2, k3 = jax.random.split(key, 3)
    x = jax.random.normal(k1, (16384, DIM), dtype=jnp.float32)
    W = jax.random.normal(k2, (N_EXPERTS, DIM), dtype=jnp.float32) * (1.0 / np.sqrt(DIM))
    b = jax.random.normal(k3, (N_EXPERTS,), dtype=jnp.float32) * 0.01
    return {"x": x, "W": W, "b": b}


def reference(x, W, b):
    B = x.shape[0]
    logits = x @ W.T  # [B, E]
    scores = jax.nn.sigmoid(logits)
    original_scores = scores
    scores = scores + b
    # group-limited routing: n_groups > 1, bias is not None
    scores_g = scores.reshape(B, N_GROUPS, -1)  # [B, G, E/G]
    top2 = jax.lax.top_k(scores_g, 2)[0]
    group_scores = top2.sum(axis=-1)  # [B, G]
    group_idx = jax.lax.top_k(group_scores, TOPK_GROUPS)[1]  # [B, topk_groups]
    rows = jnp.arange(B)[:, None]
    mask = jnp.zeros((B, N_GROUPS), dtype=scores_g.dtype).at[rows, group_idx].set(1.0)
    scores_masked = (scores_g * mask[..., None]).reshape(B, -1)
    indices = jax.lax.top_k(scores_masked, TOPK)[1]  # [B, topk]
    weights = jnp.take_along_axis(original_scores, indices, axis=1)
    # sigmoid score_func normalization
    weights = weights / weights.sum(axis=-1, keepdims=True)
    weights = weights * ROUTE_SCALE
    return weights.astype(x.dtype), indices

if __name__ == "__main__":
    import jax
    _d = setup_inputs()
    print(jax.jit(kernel)(*tuple(_d.values())))

</pallas_src>

<mosaic_0001>
#map = affine_map<(d0, d1) -> (0, 0)>
#map1 = affine_map<(d0, d1) -> (0)>
module attributes {stable_mosaic.version = 14 : i64} {
  func.func @_sc_route(%arg0: i32, %arg1: i32, %arg2: memref<64x16384xf32, #tpu.memory_space<hbm>>, %arg3: memref<64xf32, #tpu.memory_space<hbm>>, %arg4: memref<16384x8xf32, #tpu.memory_space<hbm>>, %arg5: memref<16384x8xi32, #tpu.memory_space<hbm>>, %arg6: memref<64x512xf32, #tpu.memory_space<vmem>>, %arg7: memref<64xf32, #tpu.memory_space<vmem>>, %arg8: memref<512x8xf32, #tpu.memory_space<vmem>>, %arg9: memref<512x8xi32, #tpu.memory_space<vmem>>, %arg10: memref<!tpu.dma_semaphore, #tpu.memory_space<semaphore_mem>>, %arg11: memref<!tpu.dma_semaphore, #tpu.memory_space<semaphore_mem>>) attributes {dimension_semantics = [#tpu.dimension_semantics<core_parallel>, #tpu.dimension_semantics<subcore_parallel>], iteration_bounds = array<i64: 2, 16>, scalar_prefetch = 0 : i64, scratch_operands = 6 : i64, tpu.core_type = #tpu.core_type<sc_vector_subcore>, window_params = [{transform_indices = #map}, {transform_indices = #map1}, {transform_indices = #map}, {transform_indices = #map}]} {
    %mul3A = arith.constant 2 : i32
    %mul3A_0 = arith.muli %arg1, %mul3A : i32
    %add3A = arith.addi %mul3A_0, %arg0 : i32
    %mul3A_1 = arith.constant 512 : i32
    %mul3A_2 = arith.muli %add3A, %mul3A_1 : i32
    %dma_start3A = arith.constant 0 : i32
    %dma_start3A_3 = tpu.memref_slice %arg2[%dma_start3A, %mul3A_2] : memref<64x16384xf32, #tpu.memory_space<hbm>> -> memref<64x512xf32, #tpu.memory_space<hbm>>
    %dma_start3A_4 = arith.constant 0 : i32
    %dma_start3A_5 = tpu.memref_slice %arg2[%dma_start3A_4, %mul3A_2] : memref<64x16384xf32, #tpu.memory_space<hbm>> -> memref<64x512xf32, #tpu.memory_space<hbm>>
    tpu.enqueue_dma source(%dma_start3A_5 : memref<64x512xf32, #tpu.memory_space<hbm>>) target(%arg6 : memref<64x512xf32, #tpu.memory_space<vmem>>) target_semaphore(%arg10 : memref<!tpu.dma_semaphore, #tpu.memory_space<semaphore_mem>>)
    tpu.enqueue_dma source(%arg3 : memref<64xf32, #tpu.memory_space<hbm>>) target(%arg7 : memref<64xf32, #tpu.memory_space<vmem>>) target_semaphore(%arg11 : memref<!tpu.dma_semaphore, #tpu.memory_space<semaphore_mem>>)
    %dma_wait3A = arith.constant 0 : i32
    %dma_wait3A_6 = tpu.memref_slice %arg2[%dma_wait3A, %mul3A_2] : memref<64x16384xf32, #tpu.memory_space<hbm>> -> memref<64x512xf32, #tpu.memory_space<hbm>>
    %dma_wait3A_7 = arith.constant 0 : i32
    %dma_wait3A_8 = tpu.memref_slice %arg2[%dma_wait3A_7, %mul3A_2] : memref<64x16384xf32, #tpu.memory_space<hbm>> -> memref<64x512xf32, #tpu.memory_space<hbm>>
    tpu.wait_dma2 semaphore(%arg10 : memref<!tpu.dma_semaphore, #tpu.memory_space<semaphore_mem>>) src(%dma_wait3A_8 : memref<64x512xf32, #tpu.memory_space<hbm>>) dst(%arg6 : memref<64x512xf32, #tpu.memory_space<vmem>>)
    tpu.wait_dma2 semaphore(%arg11 : memref<!tpu.dma_semaphore, #tpu.memory_space<semaphore_mem>>) src(%arg3 : memref<64xf32, #tpu.memory_space<hbm>>) dst(%arg7 : memref<64xf32, #tpu.memory_space<vmem>>)
    %iota3A = tpu.iota {dimensions = array<i32: 0>} : vector<16xi32>
    %scan3A = arith.constant 0 : i32
    %scan3A_9 = arith.constant 1.000000e+00 : f32
    %scan3A_10 = arith.constant 0.000000e+00 : f32
    %scan3A_11 = arith.constant 0 : i32
    %scan3A_12 = arith.constant 32 : i32
    %scan3A_13 = arith.addi %scan3A_11, %scan3A_12 : i32
    %scan3A_14 = arith.constant 1 : i32
    scf.for %scan3A_16 = %scan3A_11 to %scan3A_13 step %scan3A_14  : i32 {
      %mul3A_17 = arith.constant 16 : i32
      %mul3A_18 = arith.muli %scan3A_16, %mul3A_17 : i32
      %get3A = arith.constant 0 : i32
      %get3A_19 = arith.index_cast %get3A : i32 to index
      %get3A_20 = arith.index_cast %mul3A_18 : i32 to index
      %get3A_21 = tpu.vector_load %arg6[%get3A_19, %get3A_20] {strides = array<i32>} : memref<64x512xf32, #tpu.memory_space<vmem>>, vector<16xf32>,
      %get3A_22 = arith.constant 1 : i32
      %get3A_23 = arith.index_cast %get3A_22 : i32 to index
      %get3A_24 = arith.index_cast %mul3A_18 : i32 to index
      %get3A_25 = tpu.vector_load %arg6[%get3A_23, %get3A_24] {strides = array<i32>} : memref<64x512xf32, #tpu.memory_space<vmem>>, vector<16xf32>,
      %get3A_26 = arith.constant 2 : i32
      %get3A_27 = arith.index_cast %get3A_26 : i32 to index
      %get3A_28 = arith.index_cast %mul3A_18 : i32 to index
      %get3A_29 = tpu.vector_load %arg6[%get3A_27, %get3A_28] {strides = array<i32>} : memref<64x512xf32, #tpu.memory_space<vmem>>, vector<16xf32>,
      %get3A_30 = arith.constant 3 : i32
      %get3A_31 = arith.index_cast %get3A_30 : i32 to index
      %get3A_32 = arith.index_cast %mul3A_18 : i32 to index
      %get3A_33 = tpu.vector_load %arg6[%get3A_31, %get3A_32] {strides = array<i32>} : memref<64x512xf32, #tpu.memory_space<vmem>>, vector<16xf32>,
      %get3A_34 = arith.constant 4 : i32
      %get3A_35 = arith.index_cast %get3A_34 : i32 to index
      %get3A_36 = arith.index_cast %mul3A_18 : i32 to index
      %get3A_37 = tpu.vector_load %arg6[%get3A_35, %get3A_36] {strides = array<i32>} : memref<64x512xf32, #tpu.memory_space<vmem>>, vector<16xf32>,
      %get3A_38 = arith.constant 5 : i32
      %get3A_39 = arith.index_cast %get3A_38 : i32 to index
      %get3A_40 = arith.index_cast %mul3A_18 : i32 to index
      %get3A_41 = tpu.vector_load %arg6[%get3A_39, %get3A_40] {strides = array<i32>} : memref<64x512xf32, #tpu.memory_space<vmem>>, vector<16xf32>,
      %get3A_42 = arith.constant 6 : i32
      %get3A_43 = arith.index_cast %get3A_42 : i32 to index
      %get3A_44 = arith.index_cast %mul3A_18 : i32 to index
      %get3A_45 = tpu.vector_load %arg6[%get3A_43, %get3A_44] {strides = array<i32>} : memref<64x512xf32, #tpu.memory_space<vmem>>, vector<16xf32>,
      %get3A_46 = arith.constant 7 : i32
      %get3A_47 = arith.index_cast %get3A_46 : i32 to index
      %get3A_48 = arith.index_cast %mul3A_18 : i32 to index
      %get3A_49 = tpu.vector_load %arg6[%get3A_47, %get3A_48] {strides = array<i32>} : memref<64x512xf32, #tpu.memory_space<vmem>>, vector<16xf32>,
      %get3A_50 = arith.constant 8 : i32
      %get3A_51 = arith.index_cast %get3A_50 : i32 to index
      %get3A_52 = arith.index_cast %mul3A_18 : i32 to index
      %get3A_53 = tpu.vector_load %arg6[%get3A_51, %get3A_52] {strides = array<i32>} : memref<64x512xf32, #tpu.memory_space<vmem>>, vector<16xf32>,
      %get3A_54 = arith.constant 9 : i32
      %get3A_55 = arith.index_cast %get3A_54 : i32 to index
      %get3A_56 = arith.index_cast %mul3A_18 : i32 to index
      %get3A_57 = tpu.vector_load %arg6[%get3A_55, %get3A_56] {strides = array<i32>} : memref<64x512xf32, #tpu.memory_space<vmem>>, vector<16xf32>,
      %get3A_58 = arith.constant 10 : i32
      %get3A_59 = arith.index_cast %get3A_58 : i32 to index
      %get3A_60 = arith.index_cast %mul3A_18 : i32 to index
      %get3A_61 = tpu.vector_load %arg6[%get3A_59, %get3A_60] {strides = array<i32>} : memref<64x512xf32, #tpu.memory_space<vmem>>, vector<16xf32>,
      %get3A_62 = arith.constant 11 : i32
      %get3A_63 = arith.index_cast %get3A_62 : i32 to index
      %get3A_64 = arith.index_cast %mul3A_18 : i32 to index
      %get3A_65 = tpu.vector_load %arg6[%get3A_63, %get3A_64] {strides = array<i32>} : memref<64x512xf32, #tpu.memory_space<vmem>>, vector<16xf32>,
      %get3A_66 = arith.constant 12 : i32
      %get3A_67 = arith.index_cast %get3A_66 : i32 to index
      %get3A_68 = arith.index_cast %mul3A_18 : i32 to index
      %get3A_69 = tpu.vector_load %arg6[%get3A_67, %get3A_68] {strides = array<i32>} : memref<64x512xf32, #tpu.memory_space<vmem>>, vector<16xf32>,
      %get3A_70 = arith.constant 13 : i32
      %get3A_71 = arith.index_cast %get3A_70 : i32 to index
      %get3A_72 = arith.index_cast %mul3A_18 : i32 to index
      %get3A_73 = tpu.vector_load %arg6[%get3A_71, %get3A_72] {strides = array<i32>} : memref<64x512xf32, #tpu.memory_space<vmem>>, vector<16xf32>,
      %get3A_74 = arith.constant 14 : i32
      %get3A_75 = arith.index_cast %get3A_74 : i32 to index
      %get3A_76 = arith.index_cast %mul3A_18 : i32 to index
      %get3A_77 = tpu.vector_load %arg6[%get3A_75, %get3A_76] {strides = array<i32>} : memref<64x512xf32, #tpu.memory_space<vmem>>, vector<16xf32>,
      %get3A_78 = arith.constant 15 : i32
      %get3A_79 = arith.index_cast %get3A_78 : i32 to index
      %get3A_80 = arith.index_cast %mul3A_18 : i32 to index
      %get3A_81 = tpu.vector_load %arg6[%get3A_79, %get3A_80] {strides = array<i32>} : memref<64x512xf32, #tpu.memory_space<vmem>>, vector<16xf32>,
      %get3A_82 = arith.constant 16 : i32
      %get3A_83 = arith.index_cast %get3A_82 : i32 to index
      %get3A_84 = arith.index_cast %mul3A_18 : i32 to index
      %get3A_85 = tpu.vector_load %arg6[%get3A_83, %get3A_84] {strides = array<i32>} : memref<64x512xf32, #tpu.memory_space<vmem>>, vector<16xf32>,
      %get3A_86 = arith.constant 17 : i32
      %get3A_87 = arith.index_cast %get3A_86 : i32 to index
      %get3A_88 = arith.index_cast %mul3A_18 : i32 to index
      %get3A_89 = tpu.vector_load %arg6[%get3A_87, %get3A_88] {strides = array<i32>} : memref<64x512xf32, #tpu.memory_space<vmem>>, vector<16xf32>,
      %get3A_90 = arith.constant 18 : i32
      %get3A_91 = arith.index_cast %get3A_90 : i32 to index
      %get3A_92 = arith.index_cast %mul3A_18 : i32 to index
      %get3A_93 = tpu.vector_load %arg6[%get3A_91, %get3A_92] {strides = array<i32>} : memref<64x512xf32, #tpu.memory_space<vmem>>, vector<16xf32>,
      %get3A_94 = arith.constant 19 : i32
      %get3A_95 = arith.index_cast %get3A_94 : i32 to index
      %get3A_96 = arith.index_cast %mul3A_18 : i32 to index
      %get3A_97 = tpu.vector_load %arg6[%get3A_95, %get3A_96] {strides = array<i32>} : memref<64x512xf32, #tpu.memory_space<vmem>>, vector<16xf32>,
      %get3A_98 = arith.constant 20 : i32
      %get3A_99 = arith.index_cast %get3A_98 : i32 to index
      %get3A_100 = arith.index_cast %mul3A_18 : i32 to index
      %get3A_101 = tpu.vector_load %arg6[%get3A_99, %get3A_100] {strides = array<i32>} : memref<64x512xf32, #tpu.memory_space<vmem>>, vector<16xf32>,
      %get3A_102 = arith.constant 21 : i32
      %get3A_103 = arith.index_cast %get3A_102 : i32 to index
      %get3A_104 = arith.index_cast %mul3A_18 : i32 to index
      %get3A_105 = tpu.vector_load %arg6[%get3A_103, %get3A_104] {strides = array<i32>} : memref<64x512xf32, #tpu.memory_space<vmem>>, vector<16xf32>,
      %get3A_106 = arith.constant 22 : i32
      %get3A_107 = arith.index_cast %get3A_106 : i32 to index
      %get3A_108 = arith.index_cast %mul3A_18 : i32 to index
      %get3A_109 = tpu.vector_load %arg6[%get3A_107, %get3A_108] {strides = array<i32>} : memref<64x512xf32, #tpu.memory_space<vmem>>, vector<16xf32>,
      %get3A_110 = arith.constant 23 : i32
      %get3A_111 = arith.index_cast %get3A_110 : i32 to index
      %get3A_112 = arith.index_cast %mul3A_18 : i32 to index
      %get3A_113 = tpu.vector_load %arg6[%get3A_111, %get3A_112] {strides = array<i32>} : memref<64x512xf32, #tpu.memory_space<vmem>>, vector<16xf32>,
      %get3A_114 = arith.constant 24 : i32
      %get3A_115 = arith.index_cast %get3A_114 : i32 to index
      %get3A_116 = arith.index_cast %mul3A_18 : i32 to index
      %get3A_117 = tpu.vector_load %arg6[%get3A_115, %get3A_116] {strides = array<i32>} : memref<64x512xf32, #tpu.memory_space<vmem>>, vector<16xf32>,
      %get3A_118 = arith.constant 25 : i32
      %get3A_119 = arith.index_cast %get3A_118 : i32 to index
      %get3A_120 = arith.index_cast %mul3A_18 : i32 to index
      %get3A_121 = tpu.vector_load %arg6[%get3A_119, %get3A_120] {strides = array<i32>} : memref<64x512xf32, #tpu.memory_space<vmem>>, vector<16xf32>,
      %get3A_122 = arith.constant 26 : i32
      %get3A_123 = arith.index_cast %get3A_122 : i32 to index
      %get3A_124 = arith.index_cast %mul3A_18 : i32 to index
      %get3A_125 = tpu.vector_load %arg6[%get3A_123, %get3A_124] {strides = array<i32>} : memref<64x512xf32, #tpu.memory_space<vmem>>, vector<16xf32>,
      %get3A_126 = arith.constant 27 : i32
      %get3A_127 = arith.index_cast %get3A_126 : i32 to index
      %get3A_128 = arith.index_cast %mul3A_18 : i32 to index
      %get3A_129 = tpu.vector_load %arg6[%get3A_127, %get3A_128] {strides = array<i32>} : memref<64x512xf32, #tpu.memory_space<vmem>>, vector<16xf32>,
      %get3A_130 = arith.constant 28 : i32
      %get3A_131 = arith.index_cast %get3A_130 : i32 to index
      %get3A_132 = arith.index_cast %mul3A_18 : i32 to index
      %get3A_133 = tpu.vector_load %arg6[%get3A_131, %get3A_132] {strides = array<i32>} : memref<64x512xf32, #tpu.memory_space<vmem>>, vector<16xf32>,
      %get3A_134 = arith.constant 29 : i32
      %get3A_135 = arith.index_cast %get3A_134 : i32 to index
      %get3A_136 = arith.index_cast %mul3A_18 : i32 to index
      %get3A_137 = tpu.vector_load %arg6[%get3A_135, %get3A_136] {strides = array<i32>} : memref<64x512xf32, #tpu.memory_space<vmem>>, vector<16xf32>,
      %get3A_138 = arith.constant 30 : i32
      %get3A_139 = arith.index_cast %get3A_138 : i32 to index
      %get3A_140 = arith.index_cast %mul3A_18 : i32 to index
      %get3A_141 = tpu.vector_load %arg6[%get3A_139, %get3A_140] {strides = array<i32>} : memref<64x512xf32, #tpu.memory_space<vmem>>, vector<16xf32>,
      %get3A_142 = arith.constant 31 : i32
      %get3A_143 = arith.index_cast %get3A_142 : i32 to index
      %get3A_144 = arith.index_cast %mul3A_18 : i32 to index
      %get3A_145 = tpu.vector_load %arg6[%get3A_143, %get3A_144] {strides = array<i32>} : memref<64x512xf32, #tpu.memory_space<vmem>>, vector<16xf32>,
      %get3A_146 = arith.constant 32 : i32
      %get3A_147 = arith.index_cast %get3A_146 : i32 to index
      %get3A_148 = arith.index_cast %mul3A_18 : i32 to index
      %get3A_149 = tpu.vector_load %arg6[%get3A_147, %get3A_148] {strides = array<i32>} : memref<64x512xf32, #tpu.memory_space<vmem>>, vector<16xf32>,
      %get3A_150 = arith.constant 33 : i32
      %get3A_151 = arith.index_cast %get3A_150 : i32 to index
      %get3A_152 = arith.index_cast %mul3A_18 : i32 to index
      %get3A_153 = tpu.vector_load %arg6[%get3A_151, %get3A_152] {strides = array<i32>} : memref<64x512xf32, #tpu.memory_space<vmem>>, vector<16xf32>,
      %get3A_154 = arith.constant 34 : i32
      %get3A_155 = arith.index_cast %get3A_154 : i32 to index
      %get3A_156 = arith.index_cast %mul3A_18 : i32 to index
      %get3A_157 = tpu.vector_load %arg6[%get3A_155, %get3A_156] {strides = array<i32>} : memref<64x512xf32, #tpu.memory_space<vmem>>, vector<16xf32>,
      %get3A_158 = arith.constant 35 : i32
      %get3A_159 = arith.index_cast %get3A_158 : i32 to index
      %get3A_160 = arith.index_cast %mul3A_18 : i32 to index
      %get3A_161 = tpu.vector_load %arg6[%get3A_159, %get3A_160] {strides = array<i32>} : memref<64x512xf32, #tpu.memory_space<vmem>>, vector<16xf32>,
      %get3A_162 = arith.constant 36 : i32
      %get3A_163 = arith.index_cast %get3A_162 : i32 to index
      %get3A_164 = arith.index_cast %mul3A_18 : i32 to index
      %get3A_165 = tpu.vector_load %arg6[%get3A_163, %get3A_164] {strides = array<i32>} : memref<64x512xf32, #tpu.memory_space<vmem>>, vector<16xf32>,
      %get3A_166 = arith.constant 37 : i32
      %get3A_167 = arith.index_cast %get3A_166 : i32 to index
      %get3A_168 = arith.index_cast %mul3A_18 : i32 to index
      %get3A_169 = tpu.vector_load %arg6[%get3A_167, %get3A_168] {strides = array<i32>} : memref<64x512xf32, #tpu.memory_space<vmem>>, vector<16xf32>,
      %get3A_170 = arith.constant 38 : i32
      %get3A_171 = arith.index_cast %get3A_170 : i32 to index
      %get3A_172 = arith.index_cast %mul3A_18 : i32 to index
      %get3A_173 = tpu.vector_load %arg6[%get3A_171, %get3A_172] {strides = array<i32>} : memref<64x512xf32, #tpu.memory_space<vmem>>, vector<16xf32>,
      %get3A_174 = arith.constant 39 : i32
      %get3A_175 = arith.index_cast %get3A_174 : i32 to index
      %get3A_176 = arith.index_cast %mul3A_18 : i32 to index
      %get3A_177 = tpu.vector_load %arg6[%get3A_175, %get3A_176] {strides = array<i32>} : memref<64x512xf32, #tpu.memory_space<vmem>>, vector<16xf32>,
      %get3A_178 = arith.constant 40 : i32
      %get3A_179 = arith.index_cast %get3A_178 : i32 to index
      %get3A_180 = arith.index_cast %mul3A_18 : i32 to index
      %get3A_181 = tpu.vector_load %arg6[%get3A_179, %get3A_180] {strides = array<i32>} : memref<64x512xf32, #tpu.memory_space<vmem>>, vector<16xf32>,
      %get3A_182 = arith.constant 41 : i32
      %get3A_183 = arith.index_cast %get3A_182 : i32 to index
      %get3A_184 = arith.index_cast %mul3A_18 : i32 to index
      %get3A_185 = tpu.vector_load %arg6[%get3A_183, %get3A_184] {strides = array<i32>} : memref<64x512xf32, #tpu.memory_space<vmem>>, vector<16xf32>,
      %get3A_186 = arith.constant 42 : i32
      %get3A_187 = arith.index_cast %get3A_186 : i32 to index
      %get3A_188 = arith.index_cast %mul3A_18 : i32 to index
      %get3A_189 = tpu.vector_load %arg6[%get3A_187, %get3A_188] {strides = array<i32>} : memref<64x512xf32, #tpu.memory_space<vmem>>, vector<16xf32>,
      %get3A_190 = arith.constant 43 : i32
      %get3A_191 = arith.index_cast %get3A_190 : i32 to index
      %get3A_192 = arith.index_cast %mul3A_18 : i32 to index
      %get3A_193 = tpu.vector_load %arg6[%get3A_191, %get3A_192] {strides = array<i32>} : memref<64x512xf32, #tpu.memory_space<vmem>>, vector<16xf32>,
      %get3A_194 = arith.constant 44 : i32
      %get3A_195 = arith.index_cast %get3A_194 : i32 to index
      %get3A_196 = arith.index_cast %mul3A_18 : i32 to index
      %get3A_197 = tpu.vector_load %arg6[%get3A_195, %get3A_196] {strides = array<i32>} : memref<64x512xf32, #tpu.memory_space<vmem>>, vector<16xf32>,
      %get3A_198 = arith.constant 45 : i32
      %get3A_199 = arith.index_cast %get3A_198 : i32 to index
      %get3A_200 = arith.index_cast %mul3A_18 : i32 to index
      %get3A_201 = tpu.vector_load %arg6[%get3A_199, %get3A_200] {strides = array<i32>} : memref<64x512xf32, #tpu.memory_space<vmem>>, vector<16xf32>,
      %get3A_202 = arith.constant 46 : i32
      %get3A_203 = arith.index_cast %get3A_202 : i32 to index
      %get3A_204 = arith.index_cast %mul3A_18 : i32 to index
      %get3A_205 = tpu.vector_load %arg6[%get3A_203, %get3A_204] {strides = array<i32>} : memref<64x512xf32, #tpu.memory_space<vmem>>, vector<16xf32>,
      %get3A_206 = arith.constant 47 : i32
      %get3A_207 = arith.index_cast %get3A_206 : i32 to index
      %get3A_208 = arith.index_cast %mul3A_18 : i32 to index
      %get3A_209 = tpu.vector_load %arg6[%get3A_207, %get3A_208] {strides = array<i32>} : memref<64x512xf32, #tpu.memory_space<vmem>>, vector<16xf32>,
      %get3A_210 = arith.constant 48 : i32
      %get3A_211 = arith.index_cast %get3A_210 : i32 to index
      %get3A_212 = arith.index_cast %mul3A_18 : i32 to index
      %get3A_213 = tpu.vector_load %arg6[%get3A_211, %get3A_212] {strides = array<i32>} : memref<64x512xf32, #tpu.memory_space<vmem>>, vector<16xf32>,
      %get3A_214 = arith.constant 49 : i32
      %get3A_215 = arith.index_cast %get3A_214 : i32 to index
      %get3A_216 = arith.index_cast %mul3A_18 : i32 to index
      %get3A_217 = tpu.vector_load %arg6[%get3A_215, %get3A_216] {strides = array<i32>} : memref<64x512xf32, #tpu.memory_space<vmem>>, vector<16xf32>,
      %get3A_218 = arith.constant 50 : i32
      %get3A_219 = arith.index_cast %get3A_218 : i32 to index
      %get3A_220 = arith.index_cast %mul3A_18 : i32 to index
      %get3A_221 = tpu.vector_load %arg6[%get3A_219, %get3A_220] {strides = array<i32>} : memref<64x512xf32, #tpu.memory_space<vmem>>, vector<16xf32>,
      %get3A_222 = arith.constant 51 : i32
      %get3A_223 = arith.index_cast %get3A_222 : i32 to index
      %get3A_224 = arith.index_cast %mul3A_18 : i32 to index
      %get3A_225 = tpu.vector_load %arg6[%get3A_223, %get3A_224] {strides = array<i32>} : memref<64x512xf32, #tpu.memory_space<vmem>>, vector<16xf32>,
      %get3A_226 = arith.constant 52 : i32
      %get3A_227 = arith.index_cast %get3A_226 : i32 to index
      %get3A_228 = arith.index_cast %mul3A_18 : i32 to index
      %get3A_229 = tpu.vector_load %arg6[%get3A_227, %get3A_228] {strides = array<i32>} : memref<64x512xf32, #tpu.memory_space<vmem>>, vector<16xf32>,
      %get3A_230 = arith.constant 53 : i32
      %get3A_231 = arith.index_cast %get3A_230 : i32 to index
      %get3A_232 = arith.index_cast %mul3A_18 : i32 to index
      %get3A_233 = tpu.vector_load %arg6[%get3A_231, %get3A_232] {strides = array<i32>} : memref<64x512xf32, #tpu.memory_space<vmem>>, vector<16xf32>,
      %get3A_234 = arith.constant 54 : i32
      %get3A_235 = arith.index_cast %get3A_234 : i32 to index
      %get3A_236 = arith.index_cast %mul3A_18 : i32 to index
      %get3A_237 = tpu.vector_load %arg6[%get3A_235, %get3A_236] {strides = array<i32>} : memref<64x512xf32, #tpu.memory_space<vmem>>, vector<16xf32>,
      %get3A_238 = arith.constant 55 : i32
      %get3A_239 = arith.index_cast %get3A_238 : i32 to index
      %get3A_240 = arith.index_cast %mul3A_18 : i32 to index
      %get3A_241 = tpu.vector_load %arg6[%get3A_239, %get3A_240] {strides = array<i32>} : memref<64x512xf32, #tpu.memory_space<vmem>>, vector<16xf32>,
      %get3A_242 = arith.constant 56 : i32
      %get3A_243 = arith.index_cast %get3A_242 : i32 to index
      %get3A_244 = arith.index_cast %mul3A_18 : i32 to index
      %get3A_245 = tpu.vector_load %arg6[%get3A_243, %get3A_244] {strides = array<i32>} : memref<64x512xf32, #tpu.memory_space<vmem>>, vector<16xf32>,
      %get3A_246 = arith.constant 57 : i32
      %get3A_247 = arith.index_cast %get3A_246 : i32 to index
      %get3A_248 = arith.index_cast %mul3A_18 : i32 to index
      %get3A_249 = tpu.vector_load %arg6[%get3A_247, %get3A_248] {strides = array<i32>} : memref<64x512xf32, #tpu.memory_space<vmem>>, vector<16xf32>,
      %get3A_250 = arith.constant 58 : i32
      %get3A_251 = arith.index_cast %get3A_250 : i32 to index
      %get3A_252 = arith.index_cast %mul3A_18 : i32 to index
      %get3A_253 = tpu.vector_load %arg6[%get3A_251, %get3A_252] {strides = array<i32>} : memref<64x512xf32, #tpu.memory_space<vmem>>, vector<16xf32>,
      %get3A_254 = arith.constant 59 : i32
      %get3A_255 = arith.index_cast %get3A_254 : i32 to index
      %get3A_256 = arith.index_cast %mul3A_18 : i32 to index
      %get3A_257 = tpu.vector_load %arg6[%get3A_255, %get3A_256] {strides = array<i32>} : memref<64x512xf32, #tpu.memory_space<vmem>>, vector<16xf32>,
      %get3A_258 = arith.constant 60 : i32
      %get3A_259 = arith.index_cast %get3A_258 : i32 to index
      %get3A_260 = arith.index_cast %mul3A_18 : i32 to index
      %get3A_261 = tpu.vector_load %arg6[%get3A_259, %get3A_260] {strides = array<i32>} : memref<64x512xf32, #tpu.memory_space<vmem>>, vector<16xf32>,
      %get3A_262 = arith.constant 61 : i32
      %get3A_263 = arith.index_cast %get3A_262 : i32 to index
      %get3A_264 = arith.index_cast %mul3A_18 : i32 to index
      %get3A_265 = tpu.vector_load %arg6[%get3A_263, %get3A_264] {strides = array<i32>} : memref<64x512xf32, #tpu.memory_space<vmem>>, vector<16xf32>,
      %get3A_266 = arith.constant 62 : i32
      %get3A_267 = arith.index_cast %get3A_266 : i32 to index
      %get3A_268 = arith.index_cast %mul3A_18 : i32 to index
      %get3A_269 = tpu.vector_load %arg6[%get3A_267, %get3A_268] {strides = array<i32>} : memref<64x512xf32, #tpu.memory_space<vmem>>, vector<16xf32>,
      %get3A_270 = arith.constant 63 : i32
      %get3A_271 = arith.index_cast %get3A_270 : i32 to index
      %get3A_272 = arith.index_cast %mul3A_18 : i32 to index
      %get3A_273 = tpu.vector_load %arg6[%get3A_271, %get3A_272] {strides = array<i32>} : memref<64x512xf32, #tpu.memory_space<vmem>>, vector<16xf32>,
      %max3A = arith.maximumf %get3A_21, %get3A_25 : vector<16xf32>
      %min3A = arith.minimumf %get3A_21, %get3A_25 : vector<16xf32>
      %min3A_274 = arith.minimumf %max3A, %get3A_29 : vector<16xf32>
      %max3A_275 = arith.maximumf %min3A, %min3A_274 : vector<16xf32>
      %max3A_276 = arith.maximumf %max3A, %get3A_29 : vector<16xf32>
      %min3A_277 = arith.minimumf %max3A_276, %get3A_33 : vector<16xf32>
      %max3A_278 = arith.maximumf %max3A_275, %min3A_277 : vector<16xf32>
      %max3A_279 = arith.maximumf %max3A_276, %get3A_33 : vector<16xf32>
      %min3A_280 = arith.minimumf %max3A_279, %get3A_37 : vector<16xf32>
      %max3A_281 = arith.maximumf %max3A_278, %min3A_280 : vector<16xf32>
      %max3A_282 = arith.maximumf %max3A_279, %get3A_37 : vector<16xf32>
      %min3A_283 = arith.minimumf %max3A_282, %get3A_41 : vector<16xf32>
      %max3A_284 = arith.maximumf %max3A_281, %min3A_283 : vector<16xf32>
      %max3A_285 = arith.maximumf %max3A_282, %get3A_41 : vector<16xf32>
      %min3A_286 = arith.minimumf %max3A_285, %get3A_45 : vector<16xf32>
      %max3A_287 = arith.maximumf %max3A_284, %min3A_286 : vector<16xf32>
      %max3A_288 = arith.maximumf %max3A_285, %get3A_45 : vector<16xf32>
      %min3A_289 = arith.minimumf %max3A_288, %get3A_49 : vector<16xf32>
      %max3A_290 = arith.maximumf %max3A_287, %min3A_289 : vector<16xf32>
      %max3A_291 = arith.maximumf %max3A_288, %get3A_49 : vector<16xf32>
      %add3A_292 = arith.addf %max3A_291, %max3A_290 : vector<16xf32>
      %max3A_293 = arith.maximumf %get3A_53, %get3A_57 : vector<16xf32>
      %min3A_294 = arith.minimumf %get3A_53, %get3A_57 : vector<16xf32>
      %min3A_295 = arith.minimumf %max3A_293, %get3A_61 : vector<16xf32>
      %max3A_296 = arith.maximumf %min3A_294, %min3A_295 : vector<16xf32>
      %max3A_297 = arith.maximumf %max3A_293, %get3A_61 : vector<16xf32>
      %min3A_298 = arith.minimumf %max3A_297, %get3A_65 : vector<16xf32>
      %max3A_299 = arith.maximumf %max3A_296, %min3A_298 : vector<16xf32>
      %max3A_300 = arith.maximumf %max3A_297, %get3A_65 : vector<16xf32>
      %min3A_301 = arith.minimumf %max3A_300, %get3A_69 : vector<16xf32>
      %max3A_302 = arith.maximumf %max3A_299, %min3A_301 : vector<16xf32>
      %max3A_303 = arith.maximumf %max3A_300, %get3A_69 : vector<16xf32>
      %min3A_304 = arith.minimumf %max3A_303, %get3A_73 : vector<16xf32>
      %max3A_305 = arith.maximumf %max3A_302, %min3A_304 : vector<16xf32>
      %max3A_306 = arith.maximumf %max3A_303, %get3A_73 : vector<16xf32>
      %min3A_307 = arith.minimumf %max3A_306, %get3A_77 : vector<16xf32>
      %max3A_308 = arith.maximumf %max3A_305, %min3A_307 : vector<16xf32>
      %max3A_309 = arith.maximumf %max3A_306, %get3A_77 : vector<16xf32>
      %min3A_310 = arith.minimumf %max3A_309, %get3A_81 : vector<16xf32>
      %max3A_311 = arith.maximumf %max3A_308, %min3A_310 : vector<16xf32>
      %max3A_312 = arith.maximumf %max3A_309, %get3A_81 : vector<16xf32>
      %add3A_313 = arith.addf %max3A_312, %max3A_311 : vector<16xf32>
      %max3A_314 = arith.maximumf %get3A_85, %get3A_89 : vector<16xf32>
      %min3A_315 = arith.minimumf %get3A_85, %get3A_89 : vector<16xf32>
      %min3A_316 = arith.minimumf %max3A_314, %get3A_93 : vector<16xf32>
      %max3A_317 = arith.maximumf %min3A_315, %min3A_316 : vector<16xf32>
      %max3A_318 = arith.maximumf %max3A_314, %get3A_93 : vector<16xf32>
      %min3A_319 = arith.minimumf %max3A_318, %get3A_97 : vector<16xf32>
      %max3A_320 = arith.maximumf %max3A_317, %min3A_319 : vector<16xf32>
      %max3A_321 = arith.maximumf %max3A_318, %get3A_97 : vector<16xf32>
      %min3A_322 = arith.minimumf %max3A_321, %get3A_101 : vector<16xf32>
      %max3A_323 = arith.maximumf %max3A_320, %min3A_322 : vector<16xf32>
      %max3A_324 = arith.maximumf %max3A_321, %get3A_101 : vector<16xf32>
      %min3A_325 = arith.minimumf %max3A_324, %get3A_105 : vector<16xf32>
      %max3A_326 = arith.maximumf %max3A_323, %min3A_325 : vector<16xf32>
      %max3A_327 = arith.maximumf %max3A_324, %get3A_105 : vector<16xf32>
      %min3A_328 = arith.minimumf %max3A_327, %get3A_109 : vector<16xf32>
      %max3A_329 = arith.maximumf %max3A_326, %min3A_328 : vector<16xf32>
      %max3A_330 = arith.maximumf %max3A_327, %get3A_109 : vector<16xf32>
      %min3A_331 = arith.minimumf %max3A_330, %get3A_113 : vector<16xf32>
      %max3A_332 = arith.maximumf %max3A_329, %min3A_331 : vector<16xf32>
      %max3A_333 = arith.maximumf %max3A_330, %get3A_113 : vector<16xf32>
      %add3A_334 = arith.addf %max3A_333, %max3A_332 : vector<16xf32>
      %max3A_335 = arith.maximumf %get3A_117, %get3A_121 : vector<16xf32>
      %min3A_336 = arith.minimumf %get3A_117, %get3A_121 : vector<16xf32>
      %min3A_337 = arith.minimumf %max3A_335, %get3A_125 : vector<16xf32>
      %max3A_338 = arith.maximumf %min3A_336, %min3A_337 : vector<16xf32>
      %max3A_339 = arith.maximumf %max3A_335, %get3A_125 : vector<16xf32>
      %min3A_340 = arith.minimumf %max3A_339, %get3A_129 : vector<16xf32>
      %max3A_341 = arith.maximumf %max3A_338, %min3A_340 : vector<16xf32>
      %max3A_342 = arith.maximumf %max3A_339, %get3A_129 : vector<16xf32>
      %min3A_343 = arith.minimumf %max3A_342, %get3A_133 : vector<16xf32>
      %max3A_344 = arith.maximumf %max3A_341, %min3A_343 : vector<16xf32>
      %max3A_345 = arith.maximumf %max3A_342, %get3A_133 : vector<16xf32>
      %min3A_346 = arith.minimumf %max3A_345, %get3A_137 : vector<16xf32>
      %max3A_347 = arith.maximumf %max3A_344, %min3A_346 : vector<16xf32>
      %max3A_348 = arith.maximumf %max3A_345, %get3A_137 : vector<16xf32>
      %min3A_349 = arith.minimumf %max3A_348, %get3A_141 : vector<16xf32>
      %max3A_350 = arith.maximumf %max3A_347, %min3A_349 : vector<16xf32>
      %max3A_351 = arith.maximumf %max3A_348, %get3A_141 : vector<16xf32>
      %min3A_352 = arith.minimumf %max3A_351, %get3A_145 : vector<16xf32>
      %max3A_353 = arith.maximumf %max3A_350, %min3A_352 : vector<16xf32>
      %max3A_354 = arith.maximumf %max3A_351, %get3A_145 : vector<16xf32>
      %add3A_355 = arith.addf %max3A_354, %max3A_353 : vector<16xf32>
      %max3A_356 = arith.maximumf %get3A_149, %get3A_153 : vector<16xf32>
      %min3A_357 = arith.minimumf %get3A_149, %get3A_153 : vector<16xf32>
      %min3A_358 = arith.minimumf %max3A_356, %get3A_157 : vector<16xf32>
      %max3A_359 = arith.maximumf %min3A_357, %min3A_358 : vector<16xf32>
      %max3A_360 = arith.maximumf %max3A_356, %get3A_157 : vector<16xf32>
      %min3A_361 = arith.minimumf %max3A_360, %get3A_161 : vector<16xf32>
      %max3A_362 = arith.maximumf %max3A_359, %min3A_361 : vector<16xf32>
      %max3A_363 = arith.maximumf %max3A_360, %get3A_161 : vector<16xf32>
      %min3A_364 = arith.minimumf %max3A_363, %get3A_165 : vector<16xf32>
      %max3A_365 = arith.maximumf %max3A_362, %min3A_364 : vector<16xf32>
      %max3A_366 = arith.maximumf %max3A_363, %get3A_165 : vector<16xf32>
      %min3A_367 = arith.minimumf %max3A_366, %get3A_169 : vector<16xf32>
      %max3A_368 = arith.maximumf %max3A_365, %min3A_367 : vector<16xf32>
      %max3A_369 = arith.maximumf %max3A_366, %get3A_169 : vector<16xf32>
      %min3A_370 = arith.minimumf %max3A_369, %get3A_173 : vector<16xf32>
      %max3A_371 = arith.maximumf %max3A_368, %min3A_370 : vector<16xf32>
      %max3A_372 = arith.maximumf %max3A_369, %get3A_173 : vector<16xf32>
      %min3A_373 = arith.minimumf %max3A_372, %get3A_177 : vector<16xf32>
      %max3A_374 = arith.maximumf %max3A_371, %min3A_373 : vector<16xf32>
      %max3A_375 = arith.maximumf %max3A_372, %get3A_177 : vector<16xf32>
      %add3A_376 = arith.addf %max3A_375, %max3A_374 : vector<16xf32>
      %max3A_377 = arith.maximumf %get3A_181, %get3A_185 : vector<16xf32>
      %min3A_378 = arith.minimumf %get3A_181, %get3A_185 : vector<16xf32>
      %min3A_379 = arith.minimumf %max3A_377, %get3A_189 : vector<16xf32>
      %max3A_380 = arith.maximumf %min3A_378, %min3A_379 : vector<16xf32>
      %max3A_381 = arith.maximumf %max3A_377, %get3A_189 : vector<16xf32>
      %min3A_382 = arith.minimumf %max3A_381, %get3A_193 : vector<16xf32>
      %max3A_383 = arith.maximumf %max3A_380, %min3A_382 : vector<16xf32>
      %max3A_384 = arith.maximumf %max3A_381, %get3A_193 : vector<16xf32>
      %min3A_385 = arith.minimumf %max3A_384, %get3A_197 : vector<16xf32>
      %max3A_386 = arith.maximumf %max3A_383, %min3A_385 : vector<16xf32>
      %max3A_387 = arith.maximumf %max3A_384, %get3A_197 : vector<16xf32>
      %min3A_388 = arith.minimumf %max3A_387, %get3A_201 : vector<16xf32>
      %max3A_389 = arith.maximumf %max3A_386, %min3A_388 : vector<16xf32>
      %max3A_390 = arith.maximumf %max3A_387, %get3A_201 : vector<16xf32>
      %min3A_391 = arith.minimumf %max3A_390, %get3A_205 : vector<16xf32>
      %max3A_392 = arith.maximumf %max3A_389, %min3A_391 : vector<16xf32>
      %max3A_393 = arith.maximumf %max3A_390, %get3A_205 : vector<16xf32>
      %min3A_394 = arith.minimumf %max3A_393, %get3A_209 : vector<16xf32>
      %max3A_395 = arith.maximumf %max3A_392, %min3A_394 : vector<16xf32>
      %max3A_396 = arith.maximumf %max3A_393, %get3A_209 : vector<16xf32>
      %add3A_397 = arith.addf %max3A_396, %max3A_395 : vector<16xf32>
      %max3A_398 = arith.maximumf %get3A_213, %get3A_217 : vector<16xf32>
      %min3A_399 = arith.minimumf %get3A_213, %get3A_217 : vector<16xf32>
      %min3A_400 = arith.minimumf %max3A_398, %get3A_221 : vector<16xf32>
      %max3A_401 = arith.maximumf %min3A_399, %min3A_400 : vector<16xf32>
      %max3A_402 = arith.maximumf %max3A_398, %get3A_221 : vector<16xf32>
      %min3A_403 = arith.minimumf %max3A_402, %get3A_225 : vector<16xf32>
      %max3A_404 = arith.maximumf %max3A_401, %min3A_403 : vector<16xf32>
      %max3A_405 = arith.maximumf %max3A_402, %get3A_225 : vector<16xf32>
      %min3A_406 = arith.minimumf %max3A_405, %get3A_229 : vector<16xf32>
      %max3A_407 = arith.maximumf %max3A_404, %min3A_406 : vector<16xf32>
      %max3A_408 = arith.maximumf %max3A_405, %get3A_229 : vector<16xf32>
      %min3A_409 = arith.minimumf %max3A_408, %get3A_233 : vector<16xf32>
      %max3A_410 = arith.maximumf %max3A_407, %min3A_409 : vector<16xf32>
      %max3A_411 = arith.maximumf %max3A_408, %get3A_233 : vector<16xf32>
      %min3A_412 = arith.minimumf %max3A_411, %get3A_237 : vector<16xf32>
      %max3A_413 = arith.maximumf %max3A_410, %min3A_412 : vector<16xf32>
      %max3A_414 = arith.maximumf %max3A_411, %get3A_237 : vector<16xf32>
      %min3A_415 = arith.minimumf %max3A_414, %get3A_241 : vector<16xf32>
      %max3A_416 = arith.maximumf %max3A_413, %min3A_415 : vector<16xf32>
      %max3A_417 = arith.maximumf %max3A_414, %get3A_241 : vector<16xf32>
      %add3A_418 = arith.addf %max3A_417, %max3A_416 : vector<16xf32>
      %max3A_419 = arith.maximumf %get3A_245, %get3A_249 : vector<16xf32>
      %min3A_420 = arith.minimumf %get3A_245, %get3A_249 : vector<16xf32>
      %min3A_421 = arith.minimumf %max3A_419, %get3A_253 : vector<16xf32>
      %max3A_422 = arith.maximumf %min3A_420, %min3A_421 : vector<16xf32>
      %max3A_423 = arith.maximumf %max3A_419, %get3A_253 : vector<16xf32>
      %min3A_424 = arith.minimumf %max3A_423, %get3A_257 : vector<16xf32>
      %max3A_425 = arith.maximumf %max3A_422, %min3A_424 : vector<16xf32>
      %max3A_426 = arith.maximumf %max3A_423, %get3A_257 : vector<16xf32>
      %min3A_427 = arith.minimumf %max3A_426, %get3A_261 : vector<16xf32>
      %max3A_428 = arith.maximumf %max3A_425, %min3A_427 : vector<16xf32>
      %max3A_429 = arith.maximumf %max3A_426, %get3A_261 : vector<16xf32>
      %min3A_430 = arith.minimumf %max3A_429, %get3A_265 : vector<16xf32>
      %max3A_431 = arith.maximumf %max3A_428, %min3A_430 : vector<16xf32>
      %max3A_432 = arith.maximumf %max3A_429, %get3A_265 : vector<16xf32>
      %min3A_433 = arith.minimumf %max3A_432, %get3A_269 : vector<16xf32>
      %max3A_434 = arith.maximumf %max3A_431, %min3A_433 : vector<16xf32>
      %max3A_435 = arith.maximumf %max3A_432, %get3A_269 : vector<16xf32>
      %min3A_436 = arith.minimumf %max3A_435, %get3A_273 : vector<16xf32>
      %max3A_437 = arith.maximumf %max3A_434, %min3A_436 : vector<16xf32>
      %max3A_438 = arith.maximumf %max3A_435, %get3A_273 : vector<16xf32>
      %add3A_439 = arith.addf %max3A_438, %max3A_437 : vector<16xf32>
      %broadcast_in_dim3A = arith.constant 0.000000e+00 : f32
      %broadcast_in_dim3A_440 = vector.broadcast %broadcast_in_dim3A : f32 to vector<16xf32>
      %broadcast_in_dim3A_441 = arith.constant 0.000000e+00 : f32
      %broadcast_in_dim3A_442 = vector.broadcast %broadcast_in_dim3A_441 : f32 to vector<16xf32>
      %broadcast_in_dim3A_443 = arith.constant 0.000000e+00 : f32
      %broadcast_in_dim3A_444 = vector.broadcast %broadcast_in_dim3A_443 : f32 to vector<16xf32>
      %broadcast_in_dim3A_445 = arith.constant 0.000000e+00 : f32
      %broadcast_in_dim3A_446 = vector.broadcast %broadcast_in_dim3A_445 : f32 to vector<16xf32>
      %broadcast_in_dim3A_447 = arith.constant 0.000000e+00 : f32
      %broadcast_in_dim3A_448 = vector.broadcast %broadcast_in_dim3A_447 : f32 to vector<16xf32>
      %broadcast_in_dim3A_449 = arith.constant 0.000000e+00 : f32
      %broadcast_in_dim3A_450 = vector.broadcast %broadcast_in_dim3A_449 : f32 to vector<16xf32>
      %broadcast_in_dim3A_451 = arith.constant 0.000000e+00 : f32
      %broadcast_in_dim3A_452 = vector.broadcast %broadcast_in_dim3A_451 : f32 to vector<16xf32>
      %broadcast_in_dim3A_453 = arith.constant 0.000000e+00 : f32
      %broadcast_in_dim3A_454 = vector.broadcast %broadcast_in_dim3A_453 : f32 to vector<16xf32>
      %ge3A = arith.cmpf oge, %add3A_292, %add3A_313 : vector<16xf32>
      %broadcast_in_dim3A_455 = vector.broadcast %scan3A_9 : f32 to vector<16xf32>
      %broadcast_in_dim3A_456 = vector.broadcast %scan3A_10 : f32 to vector<16xf32>
      %select_n3A = arith.select %ge3A, %broadcast_in_dim3A_455, %broadcast_in_dim3A_456 : vector<16xi1>, vector<16xf32>
      %add3A_457 = arith.addf %broadcast_in_dim3A_442, %select_n3A : vector<16xf32>
      %sub3A = vector.broadcast %scan3A_9 : f32 to vector<16xf32>
      %sub3A_458 = arith.subf %sub3A, %select_n3A : vector<16xf32>
      %add3A_459 = arith.addf %broadcast_in_dim3A_440, %sub3A_458 : vector<16xf32>
      %ge3A_460 = arith.cmpf oge, %add3A_292, %add3A_334 : vector<16xf32>
      %broadcast_in_dim3A_461 = vector.broadcast %scan3A_9 : f32 to vector<16xf32>
      %broadcast_in_dim3A_462 = vector.broadcast %scan3A_10 : f32 to vector<16xf32>
      %select_n3A_463 = arith.select %ge3A_460, %broadcast_in_dim3A_461, %broadcast_in_dim3A_462 : vector<16xi1>, vector<16xf32>
      %add3A_464 = arith.addf %broadcast_in_dim3A_444, %select_n3A_463 : vector<16xf32>
      %sub3A_465 = vector.broadcast %scan3A_9 : f32 to vector<16xf32>
      %sub3A_466 = arith.subf %sub3A_465, %select_n3A_463 : vector<16xf32>
      %add3A_467 = arith.addf %add3A_459, %sub3A_466 : vector<16xf32>
      %ge3A_468 = arith.cmpf oge, %add3A_292, %add3A_355 : vector<16xf32>
      %broadcast_in_dim3A_469 = vector.broadcast %scan3A_9 : f32 to vector<16xf32>
      %broadcast_in_dim3A_470 = vector.broadcast %scan3A_10 : f32 to vector<16xf32>
      %select_n3A_471 = arith.select %ge3A_468, %broadcast_in_dim3A_469, %broadcast_in_dim3A_470 : vector<16xi1>, vector<16xf32>
      %add3A_472 = arith.addf %broadcast_in_dim3A_446, %select_n3A_471 : vector<16xf32>
      %sub3A_473 = vector.broadcast %scan3A_9 : f32 to vector<16xf32>
      %sub3A_474 = arith.subf %sub3A_473, %select_n3A_471 : vector<16xf32>
      %add3A_475 = arith.addf %add3A_467, %sub3A_474 : vector<16xf32>
      %ge3A_476 = arith.cmpf oge, %add3A_292, %add3A_376 : vector<16xf32>
      %broadcast_in_dim3A_477 = vector.broadcast %scan3A_9 : f32 to vector<16xf32>
      %broadcast_in_dim3A_478 = vector.broadcast %scan3A_10 : f32 to vector<16xf32>
      %select_n3A_479 = arith.select %ge3A_476, %broadcast_in_dim3A_477, %broadcast_in_dim3A_478 : vector<16xi1>, vector<16xf32>
      %add3A_480 = arith.addf %broadcast_in_dim3A_448, %select_n3A_479 : vector<16xf32>
      %sub3A_481 = vector.broadcast %scan3A_9 : f32 to vector<16xf32>
      %sub3A_482 = arith.subf %sub3A_481, %select_n3A_479 : vector<16xf32>
      %add3A_483 = arith.addf %add3A_475, %sub3A_482 : vector<16xf32>
      %ge3A_484 = arith.cmpf oge, %add3A_292, %add3A_397 : vector<16xf32>
      %broadcast_in_dim3A_485 = vector.broadcast %scan3A_9 : f32 to vector<16xf32>
      %broadcast_in_dim3A_486 = vector.broadcast %scan3A_10 : f32 to vector<16xf32>
      %select_n3A_487 = arith.select %ge3A_484, %broadcast_in_dim3A_485, %broadcast_in_dim3A_486 : vector<16xi1>, vector<16xf32>
      %add3A_488 = arith.addf %broadcast_in_dim3A_450, %select_n3A_487 : vector<16xf32>
      %sub3A_489 = vector.broadcast %scan3A_9 : f32 to vector<16xf32>
      %sub3A_490 = arith.subf %sub3A_489, %select_n3A_487 : vector<16xf32>
      %add3A_491 = arith.addf %add3A_483, %sub3A_490 : vector<16xf32>
      %ge3A_492 = arith.cmpf oge, %add3A_292, %add3A_418 : vector<16xf32>
      %broadcast_in_dim3A_493 = vector.broadcast %scan3A_9 : f32 to vector<16xf32>
      %broadcast_in_dim3A_494 = vector.broadcast %scan3A_10 : f32 to vector<16xf32>
      %select_n3A_495 = arith.select %ge3A_492, %broadcast_in_dim3A_493, %broadcast_in_dim3A_494 : vector<16xi1>, vector<16xf32>
      %add3A_496 = arith.addf %broadcast_in_dim3A_452, %select_n3A_495 : vector<16xf32>
      %sub3A_497 = vector.broadcast %scan3A_9 : f32 to vector<16xf32>
      %sub3A_498 = arith.subf %sub3A_497, %select_n3A_495 : vector<16xf32>
      %add3A_499 = arith.addf %add3A_491, %sub3A_498 : vector<16xf32>
      %ge3A_500 = arith.cmpf oge, %add3A_292, %add3A_439 : vector<16xf32>
      %broadcast_in_dim3A_501 = vector.broadcast %scan3A_9 : f32 to vector<16xf32>
      %broadcast_in_dim3A_502 = vector.broadcast %scan3A_10 : f32 to vector<16xf32>
      %select_n3A_503 = arith.select %ge3A_500, %broadcast_in_dim3A_501, %broadcast_in_dim3A_502 : vector<16xi1>, vector<16xf32>
      %add3A_504 = arith.addf %broadcast_in_dim3A_454, %select_n3A_503 : vector<16xf32>
      %sub3A_505 = vector.broadcast %scan3A_9 : f32 to vector<16xf32>
      %sub3A_506 = arith.subf %sub3A_505, %select_n3A_503 : vector<16xf32>
      %add3A_507 = arith.addf %add3A_499, %sub3A_506 : vector<16xf32>
      %ge3A_508 = arith.cmpf oge, %add3A_313, %add3A_334 : vector<16xf32>
      %broadcast_in_dim3A_509 = vector.broadcast %scan3A_9 : f32 to vector<16xf32>
      %broadcast_in_dim3A_510 = vector.broadcast %scan3A_10 : f32 to vector<16xf32>
      %select_n3A_511 = arith.select %ge3A_508, %broadcast_in_dim3A_509, %broadcast_in_dim3A_510 : vector<16xi1>, vector<16xf32>
      %add3A_512 = arith.addf %add3A_464, %select_n3A_511 : vector<16xf32>
      %sub3A_513 = vector.broadcast %scan3A_9 : f32 to vector<16xf32>
      %sub3A_514 = arith.subf %sub3A_513, %select_n3A_511 : vector<16xf32>
      %add3A_515 = arith.addf %add3A_457, %sub3A_514 : vector<16xf32>
      %ge3A_516 = arith.cmpf oge, %add3A_313, %add3A_355 : vector<16xf32>
      %broadcast_in_dim3A_517 = vector.broadcast %scan3A_9 : f32 to vector<16xf32>
      %broadcast_in_dim3A_518 = vector.broadcast %scan3A_10 : f32 to vector<16xf32>
      %select_n3A_519 = arith.select %ge3A_516, %broadcast_in_dim3A_517, %broadcast_in_dim3A_518 : vector<16xi1>, vector<16xf32>
      %add3A_520 = arith.addf %add3A_472, %select_n3A_519 : vector<16xf32>
      %sub3A_521 = vector.broadcast %scan3A_9 : f32 to vector<16xf32>
      %sub3A_522 = arith.subf %sub3A_521, %select_n3A_519 : vector<16xf32>
      %add3A_523 = arith.addf %add3A_515, %sub3A_522 : vector<16xf32>
      %ge3A_524 = arith.cmpf oge, %add3A_313, %add3A_376 : vector<16xf32>
      %broadcast_in_dim3A_525 = vector.broadcast %scan3A_9 : f32 to vector<16xf32>
      %broadcast_in_dim3A_526 = vector.broadcast %scan3A_10 : f32 to vector<16xf32>
      %select_n3A_527 = arith.select %ge3A_524, %broadcast_in_dim3A_525, %broadcast_in_dim3A_526 : vector<16xi1>, vector<16xf32>
      %add3A_528 = arith.addf %add3A_480, %select_n3A_527 : vector<16xf32>
      %sub3A_529 = vector.broadcast %scan3A_9 : f32 to vector<16xf32>
      %sub3A_530 = arith.subf %sub3A_529, %select_n3A_527 : vector<16xf32>
      %add3A_531 = arith.addf %add3A_523, %sub3A_530 : vector<16xf32>
      %ge3A_532 = arith.cmpf oge, %add3A_313, %add3A_397 : vector<16xf32>
      %broadcast_in_dim3A_533 = vector.broadcast %scan3A_9 : f32 to vector<16xf32>
      %broadcast_in_dim3A_534 = vector.broadcast %scan3A_10 : f32 to vector<16xf32>
      %select_n3A_535 = arith.select %ge3A_532, %broadcast_in_dim3A_533, %broadcast_in_dim3A_534 : vector<16xi1>, vector<16xf32>
      %add3A_536 = arith.addf %add3A_488, %select_n3A_535 : vector<16xf32>
      %sub3A_537 = vector.broadcast %scan3A_9 : f32 to vector<16xf32>
      %sub3A_538 = arith.subf %sub3A_537, %select_n3A_535 : vector<16xf32>
      %add3A_539 = arith.addf %add3A_531, %sub3A_538 : vector<16xf32>
      %ge3A_540 = arith.cmpf oge, %add3A_313, %add3A_418 : vector<16xf32>
      %broadcast_in_dim3A_541 = vector.broadcast %scan3A_9 : f32 to vector<16xf32>
      %broadcast_in_dim3A_542 = vector.broadcast %scan3A_10 : f32 to vector<16xf32>
      %select_n3A_543 = arith.select %ge3A_540, %broadcast_in_dim3A_541, %broadcast_in_dim3A_542 : vector<16xi1>, vector<16xf32>
      %add3A_544 = arith.addf %add3A_496, %select_n3A_543 : vector<16xf32>
      %sub3A_545 = vector.broadcast %scan3A_9 : f32 to vector<16xf32>
      %sub3A_546 = arith.subf %sub3A_545, %select_n3A_543 : vector<16xf32>
      %add3A_547 = arith.addf %add3A_539, %sub3A_546 : vector<16xf32>
      %ge3A_548 = arith.cmpf oge, %add3A_313, %add3A_439 : vector<16xf32>
      %broadcast_in_dim3A_549 = vector.broadcast %scan3A_9 : f32 to vector<16xf32>
      %broadcast_in_dim3A_550 = vector.broadcast %scan3A_10 : f32 to vector<16xf32>
      %select_n3A_551 = arith.select %ge3A_548, %broadcast_in_dim3A_549, %broadcast_in_dim3A_550 : vector<16xi1>, vector<16xf32>
      %add3A_552 = arith.addf %add3A_504, %select_n3A_551 : vector<16xf32>
      %sub3A_553 = vector.broadcast %scan3A_9 : f32 to vector<16xf32>
      %sub3A_554 = arith.subf %sub3A_553, %select_n3A_551 : vector<16xf32>
      %add3A_555 = arith.addf %add3A_547, %sub3A_554 : vector<16xf32>
      %ge3A_556 = arith.cmpf oge, %add3A_334, %add3A_355 : vector<16xf32>
      %broadcast_in_dim3A_557 = vector.broadcast %scan3A_9 : f32 to vector<16xf32>
      %broadcast_in_dim3A_558 = vector.broadcast %scan3A_10 : f32 to vector<16xf32>
      %select_n3A_559 = arith.select %ge3A_556, %broadcast_in_dim3A_557, %broadcast_in_dim3A_558 : vector<16xi1>, vector<16xf32>
      %add3A_560 = arith.addf %add3A_520, %select_n3A_559 : vector<16xf32>
      %sub3A_561 = vector.broadcast %scan3A_9 : f32 to vector<16xf32>
      %sub3A_562 = arith.subf %sub3A_561, %select_n3A_559 : vector<16xf32>
      %add3A_563 = arith.addf %add3A_512, %sub3A_562 : vector<16xf32>
      %ge3A_564 = arith.cmpf oge, %add3A_334, %add3A_376 : vector<16xf32>
      %broadcast_in_dim3A_565 = vector.broadcast %scan3A_9 : f32 to vector<16xf32>
      %broadcast_in_dim3A_566 = vector.broadcast %scan3A_10 : f32 to vector<16xf32>
      %select_n3A_567 = arith.select %ge3A_564, %broadcast_in_dim3A_565, %broadcast_in_dim3A_566 : vector<16xi1>, vector<16xf32>
      %add3A_568 = arith.addf %add3A_528, %select_n3A_567 : vector<16xf32>
      %sub3A_569 = vector.broadcast %scan3A_9 : f32 to vector<16xf32>
      %sub3A_570 = arith.subf %sub3A_569, %select_n3A_567 : vector<16xf32>
      %add3A_571 = arith.addf %add3A_563, %sub3A_570 : vector<16xf32>
      %ge3A_572 = arith.cmpf oge, %add3A_334, %add3A_397 : vector<16xf32>
      %broadcast_in_dim3A_573 = vector.broadcast %scan3A_9 : f32 to vector<16xf32>
      %broadcast_in_dim3A_574 = vector.broadcast %scan3A_10 : f32 to vector<16xf32>
      %select_n3A_575 = arith.select %ge3A_572, %broadcast_in_dim3A_573, %broadcast_in_dim3A_574 : vector<16xi1>, vector<16xf32>
      %add3A_576 = arith.addf %add3A_536, %select_n3A_575 : vector<16xf32>
      %sub3A_577 = vector.broadcast %scan3A_9 : f32 to vector<16xf32>
      %sub3A_578 = arith.subf %sub3A_577, %select_n3A_575 : vector<16xf32>
      %add3A_579 = arith.addf %add3A_571, %sub3A_578 : vector<16xf32>
      %ge3A_580 = arith.cmpf oge, %add3A_334, %add3A_418 : vector<16xf32>
      %broadcast_in_dim3A_581 = vector.broadcast %scan3A_9 : f32 to vector<16xf32>
      %broadcast_in_dim3A_582 = vector.broadcast %scan3A_10 : f32 to vector<16xf32>
      %select_n3A_583 = arith.select %ge3A_580, %broadcast_in_dim3A_581, %broadcast_in_dim3A_582 : vector<16xi1>, vector<16xf32>
      %add3A_584 = arith.addf %add3A_544, %select_n3A_583 : vector<16xf32>
      %sub3A_585 = vector.broadcast %scan3A_9 : f32 to vector<16xf32>
      %sub3A_586 = arith.subf %sub3A_585, %select_n3A_583 : vector<16xf32>
      %add3A_587 = arith.addf %add3A_579, %sub3A_586 : vector<16xf32>
      %ge3A_588 = arith.cmpf oge, %add3A_334, %add3A_439 : vector<16xf32>
      %broadcast_in_dim3A_589 = vector.broadcast %scan3A_9 : f32 to vector<16xf32>
      %broadcast_in_dim3A_590 = vector.broadcast %scan3A_10 : f32 to vector<16xf32>
      %select_n3A_591 = arith.select %ge3A_588, %broadcast_in_dim3A_589, %broadcast_in_dim3A_590 : vector<16xi1>, vector<16xf32>
      %add3A_592 = arith.addf %add3A_552, %select_n3A_591 : vector<16xf32>
      %sub3A_593 = vector.broadcast %scan3A_9 : f32 to vector<16xf32>
      %sub3A_594 = arith.subf %sub3A_593, %select_n3A_591 : vector<16xf32>
      %add3A_595 = arith.addf %add3A_587, %sub3A_594 : vector<16xf32>
      %ge3A_596 = arith.cmpf oge, %add3A_355, %add3A_376 : vector<16xf32>
      %broadcast_in_dim3A_597 = vector.broadcast %scan3A_9 : f32 to vector<16xf32>
      %broadcast_in_dim3A_598 = vector.broadcast %scan3A_10 : f32 to vector<16xf32>
      %select_n3A_599 = arith.select %ge3A_596, %broadcast_in_dim3A_597, %broadcast_in_dim3A_598 : vector<16xi1>, vector<16xf32>
      %add3A_600 = arith.addf %add3A_568, %select_n3A_599 : vector<16xf32>
      %sub3A_601 = vector.broadcast %scan3A_9 : f32 to vector<16xf32>
      %sub3A_602 = arith.subf %sub3A_601, %select_n3A_599 : vector<16xf32>
      %add3A_603 = arith.addf %add3A_560, %sub3A_602 : vector<16xf32>
      %ge3A_604 = arith.cmpf oge, %add3A_355, %add3A_397 : vector<16xf32>
      %broadcast_in_dim3A_605 = vector.broadcast %scan3A_9 : f32 to vector<16xf32>
      %broadcast_in_dim3A_606 = vector.broadcast %scan3A_10 : f32 to vector<16xf32>
      %select_n3A_607 = arith.select %ge3A_604, %broadcast_in_dim3A_605, %broadcast_in_dim3A_606 : vector<16xi1>, vector<16xf32>
      %add3A_608 = arith.addf %add3A_576, %select_n3A_607 : vector<16xf32>
      %sub3A_609 = vector.broadcast %scan3A_9 : f32 to vector<16xf32>
      %sub3A_610 = arith.subf %sub3A_609, %select_n3A_607 : vector<16xf32>
      %add3A_611 = arith.addf %add3A_603, %sub3A_610 : vector<16xf32>
      %ge3A_612 = arith.cmpf oge, %add3A_355, %add3A_418 : vector<16xf32>
      %broadcast_in_dim3A_613 = vector.broadcast %scan3A_9 : f32 to vector<16xf32>
      %broadcast_in_dim3A_614 = vector.broadcast %scan3A_10 : f32 to vector<16xf32>
      %select_n3A_615 = arith.select %ge3A_612, %broadcast_in_dim3A_613, %broadcast_in_dim3A_614 : vector<16xi1>, vector<16xf32>
      %add3A_616 = arith.addf %add3A_584, %select_n3A_615 : vector<16xf32>
      %sub3A_617 = vector.broadcast %scan3A_9 : f32 to vector<16xf32>
      %sub3A_618 = arith.subf %sub3A_617, %select_n3A_615 : vector<16xf32>
      %add3A_619 = arith.addf %add3A_611, %sub3A_618 : vector<16xf32>
      %ge3A_620 = arith.cmpf oge, %add3A_355, %add3A_439 : vector<16xf32>
      %broadcast_in_dim3A_621 = vector.broadcast %scan3A_9 : f32 to vector<16xf32>
      %broadcast_in_dim3A_622 = vector.broadcast %scan3A_10 : f32 to vector<16xf32>
      %select_n3A_623 = arith.select %ge3A_620, %broadcast_in_dim3A_621, %broadcast_in_dim3A_622 : vector<16xi1>, vector<16xf32>
      %add3A_624 = arith.addf %add3A_592, %select_n3A_623 : vector<16xf32>
      %sub3A_625 = vector.broadcast %scan3A_9 : f32 to vector<16xf32>
      %sub3A_626 = arith.subf %sub3A_625, %select_n3A_623 : vector<16xf32>
      %add3A_627 = arith.addf %add3A_619, %sub3A_626 : vector<16xf32>
      %ge3A_628 = arith.cmpf oge, %add3A_376, %add3A_397 : vector<16xf32>
      %broadcast_in_dim3A_629 = vector.broadcast %scan3A_9 : f32 to vector<16xf32>
      %broadcast_in_dim3A_630 = vector.broadcast %scan3A_10 : f32 to vector<16xf32>
      %select_n3A_631 = arith.select %ge3A_628, %broadcast_in_dim3A_629, %broadcast_in_dim3A_630 : vector<16xi1>, vector<16xf32>
      %add3A_632 = arith.addf %add3A_608, %select_n3A_631 : vector<16xf32>
      %sub3A_633 = vector.broadcast %scan3A_9 : f32 to vector<16xf32>
      %sub3A_634 = arith.subf %sub3A_633, %select_n3A_631 : vector<16xf32>
      %add3A_635 = arith.addf %add3A_600, %sub3A_634 : vector<16xf32>
      %ge3A_636 = arith.cmpf oge, %add3A_376, %add3A_418 : vector<16xf32>
      %broadcast_in_dim3A_637 = vector.broadcast %scan3A_9 : f32 to vector<16xf32>
      %broadcast_in_dim3A_638 = vector.broadcast %scan3A_10 : f32 to vector<16xf32>
      %select_n3A_639 = arith.select %ge3A_636, %broadcast_in_dim3A_637, %broadcast_in_dim3A_638 : vector<16xi1>, vector<16xf32>
      %add3A_640 = arith.addf %add3A_616, %select_n3A_639 : vector<16xf32>
      %sub3A_641 = vector.broadcast %scan3A_9 : f32 to vector<16xf32>
      %sub3A_642 = arith.subf %sub3A_641, %select_n3A_639 : vector<16xf32>
      %add3A_643 = arith.addf %add3A_635, %sub3A_642 : vector<16xf32>
      %ge3A_644 = arith.cmpf oge, %add3A_376, %add3A_439 : vector<16xf32>
      %broadcast_in_dim3A_645 = vector.broadcast %scan3A_9 : f32 to vector<16xf32>
      %broadcast_in_dim3A_646 = vector.broadcast %scan3A_10 : f32 to vector<16xf32>
      %select_n3A_647 = arith.select %ge3A_644, %broadcast_in_dim3A_645, %broadcast_in_dim3A_646 : vector<16xi1>, vector<16xf32>
      %add3A_648 = arith.addf %add3A_624, %select_n3A_647 : vector<16xf32>
      %sub3A_649 = vector.broadcast %scan3A_9 : f32 to vector<16xf32>
      %sub3A_650 = arith.subf %sub3A_649, %select_n3A_647 : vector<16xf32>
      %add3A_651 = arith.addf %add3A_643, %sub3A_650 : vector<16xf32>
      %ge3A_652 = arith.cmpf oge, %add3A_397, %add3A_418 : vector<16xf32>
      %broadcast_in_dim3A_653 = vector.broadcast %scan3A_9 : f32 to vector<16xf32>
      %broadcast_in_dim3A_654 = vector.broadcast %scan3A_10 : f32 to vector<16xf32>
      %select_n3A_655 = arith.select %ge3A_652, %broadcast_in_dim3A_653, %broadcast_in_dim3A_654 : vector<16xi1>, vector<16xf32>
      %add3A_656 = arith.addf %add3A_640, %select_n3A_655 : vector<16xf32>
      %sub3A_657 = vector.broadcast %scan3A_9 : f32 to vector<16xf32>
      %sub3A_658 = arith.subf %sub3A_657, %select_n3A_655 : vector<16xf32>
      %add3A_659 = arith.addf %add3A_632, %sub3A_658 : vector<16xf32>
      %ge3A_660 = arith.cmpf oge, %add3A_397, %add3A_439 : vector<16xf32>
      %broadcast_in_dim3A_661 = vector.broadcast %scan3A_9 : f32 to vector<16xf32>
      %broadcast_in_dim3A_662 = vector.broadcast %scan3A_10 : f32 to vector<16xf32>
      %select_n3A_663 = arith.select %ge3A_660, %broadcast_in_dim3A_661, %broadcast_in_dim3A_662 : vector<16xi1>, vector<16xf32>
      %add3A_664 = arith.addf %add3A_648, %select_n3A_663 : vector<16xf32>
      %sub3A_665 = vector.broadcast %scan3A_9 : f32 to vector<16xf32>
      %sub3A_666 = arith.subf %sub3A_665, %select_n3A_663 : vector<16xf32>
      %add3A_667 = arith.addf %add3A_659, %sub3A_666 : vector<16xf32>
      %ge3A_668 = arith.cmpf oge, %add3A_418, %add3A_439 : vector<16xf32>
      %broadcast_in_dim3A_669 = vector.broadcast %scan3A_9 : f32 to vector<16xf32>
      %broadcast_in_dim3A_670 = vector.broadcast %scan3A_10 : f32 to vector<16xf32>
      %select_n3A_671 = arith.select %ge3A_668, %broadcast_in_dim3A_669, %broadcast_in_dim3A_670 : vector<16xi1>, vector<16xf32>
      %add3A_672 = arith.addf %add3A_664, %select_n3A_671 : vector<16xf32>
      %sub3A_673 = vector.broadcast %scan3A_9 : f32 to vector<16xf32>
      %sub3A_674 = arith.subf %sub3A_673, %select_n3A_671 : vector<16xf32>
      %add3A_675 = arith.addf %add3A_656, %sub3A_674 : vector<16xf32>
      %lt3A = arith.constant 4.000000e+00 : f32
      %lt3A_676 = vector.broadcast %lt3A : f32 to vector<16xf32>
      %lt3A_677 = arith.cmpf olt, %add3A_507, %lt3A_676 : vector<16xf32>
      %broadcast_in_dim3A_678 = vector.broadcast %scan3A_9 : f32 to vector<16xf32>
      %broadcast_in_dim3A_679 = vector.broadcast %scan3A_10 : f32 to vector<16xf32>
      %select_n3A_680 = arith.select %lt3A_677, %broadcast_in_dim3A_678, %broadcast_in_dim3A_679 : vector<16xi1>, vector<16xf32>
      %lt3A_681 = arith.constant 4.000000e+00 : f32
      %lt3A_682 = vector.broadcast %lt3A_681 : f32 to vector<16xf32>
      %lt3A_683 = arith.cmpf olt, %add3A_555, %lt3A_682 : vector<16xf32>
      %broadcast_in_dim3A_684 = vector.broadcast %scan3A_9 : f32 to vector<16xf32>
      %broadcast_in_dim3A_685 = vector.broadcast %scan3A_10 : f32 to vector<16xf32>
      %select_n3A_686 = arith.select %lt3A_683, %broadcast_in_dim3A_684, %broadcast_in_dim3A_685 : vector<16xi1>, vector<16xf32>
      %lt3A_687 = arith.constant 4.000000e+00 : f32
      %lt3A_688 = vector.broadcast %lt3A_687 : f32 to vector<16xf32>
      %lt3A_689 = arith.cmpf olt, %add3A_595, %lt3A_688 : vector<16xf32>
      %broadcast_in_dim3A_690 = vector.broadcast %scan3A_9 : f32 to vector<16xf32>
      %broadcast_in_dim3A_691 = vector.broadcast %scan3A_10 : f32 to vector<16xf32>
      %select_n3A_692 = arith.select %lt3A_689, %broadcast_in_dim3A_690, %broadcast_in_dim3A_691 : vector<16xi1>, vector<16xf32>
      %lt3A_693 = arith.constant 4.000000e+00 : f32
      %lt3A_694 = vector.broadcast %lt3A_693 : f32 to vector<16xf32>
      %lt3A_695 = arith.cmpf olt, %add3A_627, %lt3A_694 : vector<16xf32>
      %broadcast_in_dim3A_696 = vector.broadcast %scan3A_9 : f32 to vector<16xf32>
      %broadcast_in_dim3A_697 = vector.broadcast %scan3A_10 : f32 to vector<16xf32>
      %select_n3A_698 = arith.select %lt3A_695, %broadcast_in_dim3A_696, %broadcast_in_dim3A_697 : vector<16xi1>, vector<16xf32>
      %lt3A_699 = arith.constant 4.000000e+00 : f32
      %lt3A_700 = vector.broadcast %lt3A_699 : f32 to vector<16xf32>
      %lt3A_701 = arith.cmpf olt, %add3A_651, %lt3A_700 : vector<16xf32>
      %broadcast_in_dim3A_702 = vector.broadcast %scan3A_9 : f32 to vector<16xf32>
      %broadcast_in_dim3A_703 = vector.broadcast %scan3A_10 : f32 to vector<16xf32>
      %select_n3A_704 = arith.select %lt3A_701, %broadcast_in_dim3A_702, %broadcast_in_dim3A_703 : vector<16xi1>, vector<16xf32>
      %lt3A_705 = arith.constant 4.000000e+00 : f32
      %lt3A_706 = vector.broadcast %lt3A_705 : f32 to vector<16xf32>
      %lt3A_707 = arith.cmpf olt, %add3A_667, %lt3A_706 : vector<16xf32>
      %broadcast_in_dim3A_708 = vector.broadcast %scan3A_9 : f32 to vector<16xf32>
      %broadcast_in_dim3A_709 = vector.broadcast %scan3A_10 : f32 to vector<16xf32>
      %select_n3A_710 = arith.select %lt3A_707, %broadcast_in_dim3A_708, %broadcast_in_dim3A_709 : vector<16xi1>, vector<16xf32>
      %lt3A_711 = arith.constant 4.000000e+00 : f32
      %lt3A_712 = vector.broadcast %lt3A_711 : f32 to vector<16xf32>
      %lt3A_713 = arith.cmpf olt, %add3A_675, %lt3A_712 : vector<16xf32>
      %broadcast_in_dim3A_714 = vector.broadcast %scan3A_9 : f32 to vector<16xf32>
      %broadcast_in_dim3A_715 = vector.broadcast %scan3A_10 : f32 to vector<16xf32>
      %select_n3A_716 = arith.select %lt3A_713, %broadcast_in_dim3A_714, %broadcast_in_dim3A_715 : vector<16xi1>, vector<16xf32>
      %lt3A_717 = arith.constant 4.000000e+00 : f32
      %lt3A_718 = vector.broadcast %lt3A_717 : f32 to vector<16xf32>
      %lt3A_719 = arith.cmpf olt, %add3A_672, %lt3A_718 : vector<16xf32>
      %broadcast_in_dim3A_720 = vector.broadcast %scan3A_9 : f32 to vector<16xf32>
      %broadcast_in_dim3A_721 = vector.broadcast %scan3A_10 : f32 to vector<16xf32>
      %select_n3A_722 = arith.select %lt3A_719, %broadcast_in_dim3A_720, %broadcast_in_dim3A_721 : vector<16xi1>, vector<16xf32>
      %mul3A_723 = arith.mulf %get3A_21, %select_n3A_680 : vector<16xf32>
      %mul3A_724 = arith.mulf %get3A_25, %select_n3A_680 : vector<16xf32>
      %mul3A_725 = arith.mulf %get3A_29, %select_n3A_680 : vector<16xf32>
      %mul3A_726 = arith.mulf %get3A_33, %select_n3A_680 : vector<16xf32>
      %mul3A_727 = arith.mulf %get3A_37, %select_n3A_680 : vector<16xf32>
      %mul3A_728 = arith.mulf %get3A_41, %select_n3A_680 : vector<16xf32>
      %mul3A_729 = arith.mulf %get3A_45, %select_n3A_680 : vector<16xf32>
      %mul3A_730 = arith.mulf %get3A_49, %select_n3A_680 : vector<16xf32>
      %mul3A_731 = arith.mulf %get3A_53, %select_n3A_686 : vector<16xf32>
      %mul3A_732 = arith.mulf %get3A_57, %select_n3A_686 : vector<16xf32>
      %mul3A_733 = arith.mulf %get3A_61, %select_n3A_686 : vector<16xf32>
      %mul3A_734 = arith.mulf %get3A_65, %select_n3A_686 : vector<16xf32>
      %mul3A_735 = arith.mulf %get3A_69, %select_n3A_686 : vector<16xf32>
      %mul3A_736 = arith.mulf %get3A_73, %select_n3A_686 : vector<16xf32>
      %mul3A_737 = arith.mulf %get3A_77, %select_n3A_686 : vector<16xf32>
      %mul3A_738 = arith.mulf %get3A_81, %select_n3A_686 : vector<16xf32>
      %mul3A_739 = arith.mulf %get3A_85, %select_n3A_692 : vector<16xf32>
      %mul3A_740 = arith.mulf %get3A_89, %select_n3A_692 : vector<16xf32>
      %mul3A_741 = arith.mulf %get3A_93, %select_n3A_692 : vector<16xf32>
      %mul3A_742 = arith.mulf %get3A_97, %select_n3A_692 : vector<16xf32>
      %mul3A_743 = arith.mulf %get3A_101, %select_n3A_692 : vector<16xf32>
      %mul3A_744 = arith.mulf %get3A_105, %select_n3A_692 : vector<16xf32>
      %mul3A_745 = arith.mulf %get3A_109, %select_n3A_692 : vector<16xf32>
      %mul3A_746 = arith.mulf %get3A_113, %select_n3A_692 : vector<16xf32>
      %mul3A_747 = arith.mulf %get3A_117, %select_n3A_698 : vector<16xf32>
      %mul3A_748 = arith.mulf %get3A_121, %select_n3A_698 : vector<16xf32>
      %mul3A_749 = arith.mulf %get3A_125, %select_n3A_698 : vector<16xf32>
      %mul3A_750 = arith.mulf %get3A_129, %select_n3A_698 : vector<16xf32>
      %mul3A_751 = arith.mulf %get3A_133, %select_n3A_698 : vector<16xf32>
      %mul3A_752 = arith.mulf %get3A_137, %select_n3A_698 : vector<16xf32>
      %mul3A_753 = arith.mulf %get3A_141, %select_n3A_698 : vector<16xf32>
      %mul3A_754 = arith.mulf %get3A_145, %select_n3A_698 : vector<16xf32>
      %mul3A_755 = arith.mulf %get3A_149, %select_n3A_704 : vector<16xf32>
      %mul3A_756 = arith.mulf %get3A_153, %select_n3A_704 : vector<16xf32>
      %mul3A_757 = arith.mulf %get3A_157, %select_n3A_704 : vector<16xf32>
      %mul3A_758 = arith.mulf %get3A_161, %select_n3A_704 : vector<16xf32>
      %mul3A_759 = arith.mulf %get3A_165, %select_n3A_704 : vector<16xf32>
      %mul3A_760 = arith.mulf %get3A_169, %select_n3A_704 : vector<16xf32>
      %mul3A_761 = arith.mulf %get3A_173, %select_n3A_704 : vector<16xf32>
      %mul3A_762 = arith.mulf %get3A_177, %select_n3A_704 : vector<16xf32>
      %mul3A_763 = arith.mulf %get3A_181, %select_n3A_710 : vector<16xf32>
      %mul3A_764 = arith.mulf %get3A_185, %select_n3A_710 : vector<16xf32>
      %mul3A_765 = arith.mulf %get3A_189, %select_n3A_710 : vector<16xf32>
      %mul3A_766 = arith.mulf %get3A_193, %select_n3A_710 : vector<16xf32>
      %mul3A_767 = arith.mulf %get3A_197, %select_n3A_710 : vector<16xf32>
      %mul3A_768 = arith.mulf %get3A_201, %select_n3A_710 : vector<16xf32>
      %mul3A_769 = arith.mulf %get3A_205, %select_n3A_710 : vector<16xf32>
      %mul3A_770 = arith.mulf %get3A_209, %select_n3A_710 : vector<16xf32>
      %mul3A_771 = arith.mulf %get3A_213, %select_n3A_716 : vector<16xf32>
      %mul3A_772 = arith.mulf %get3A_217, %select_n3A_716 : vector<16xf32>
      %mul3A_773 = arith.mulf %get3A_221, %select_n3A_716 : vector<16xf32>
      %mul3A_774 = arith.mulf %get3A_225, %select_n3A_716 : vector<16xf32>
      %mul3A_775 = arith.mulf %get3A_229, %select_n3A_716 : vector<16xf32>
      %mul3A_776 = arith.mulf %get3A_233, %select_n3A_716 : vector<16xf32>
      %mul3A_777 = arith.mulf %get3A_237, %select_n3A_716 : vector<16xf32>
      %mul3A_778 = arith.mulf %get3A_241, %select_n3A_716 : vector<16xf32>
      %mul3A_779 = arith.mulf %get3A_245, %select_n3A_722 : vector<16xf32>
      %mul3A_780 = arith.mulf %get3A_249, %select_n3A_722 : vector<16xf32>
      %mul3A_781 = arith.mulf %get3A_253, %select_n3A_722 : vector<16xf32>
      %mul3A_782 = arith.mulf %get3A_257, %select_n3A_722 : vector<16xf32>
      %mul3A_783 = arith.mulf %get3A_261, %select_n3A_722 : vector<16xf32>
      %mul3A_784 = arith.mulf %get3A_265, %select_n3A_722 : vector<16xf32>
      %mul3A_785 = arith.mulf %get3A_269, %select_n3A_722 : vector<16xf32>
      %mul3A_786 = arith.mulf %get3A_273, %select_n3A_722 : vector<16xf32>
      %broadcast_in_dim3A_787 = arith.constant -1.000000e+30 : f32
      %broadcast_in_dim3A_788 = vector.broadcast %broadcast_in_dim3A_787 : f32 to vector<16xf32>
      %broadcast_in_dim3A_789 = arith.constant -1.000000e+30 : f32
      %broadcast_in_dim3A_790 = vector.broadcast %broadcast_in_dim3A_789 : f32 to vector<16xf32>
      %broadcast_in_dim3A_791 = arith.constant -1.000000e+30 : f32
      %broadcast_in_dim3A_792 = vector.broadcast %broadcast_in_dim3A_791 : f32 to vector<16xf32>
      %broadcast_in_dim3A_793 = arith.constant -1.000000e+30 : f32
      %broadcast_in_dim3A_794 = vector.broadcast %broadcast_in_dim3A_793 : f32 to vector<16xf32>
      %broadcast_in_dim3A_795 = arith.constant -1.000000e+30 : f32
      %broadcast_in_dim3A_796 = vector.broadcast %broadcast_in_dim3A_795 : f32 to vector<16xf32>
      %broadcast_in_dim3A_797 = arith.constant -1.000000e+30 : f32
      %broadcast_in_dim3A_798 = vector.broadcast %broadcast_in_dim3A_797 : f32 to vector<16xf32>
      %broadcast_in_dim3A_799 = arith.constant -1.000000e+30 : f32
      %broadcast_in_dim3A_800 = vector.broadcast %broadcast_in_dim3A_799 : f32 to vector<16xf32>
      %broadcast_in_dim3A_801 = arith.constant -1.000000e+30 : f32
      %broadcast_in_dim3A_802 = vector.broadcast %broadcast_in_dim3A_801 : f32 to vector<16xf32>
      %broadcast_in_dim3A_803 = arith.constant 0 : i32
      %broadcast_in_dim3A_804 = vector.broadcast %broadcast_in_dim3A_803 : i32 to vector<16xi32>
      %broadcast_in_dim3A_805 = arith.constant 0 : i32
      %broadcast_in_dim3A_806 = vector.broadcast %broadcast_in_dim3A_805 : i32 to vector<16xi32>
      %broadcast_in_dim3A_807 = arith.constant 0 : i32
      %broadcast_in_dim3A_808 = vector.broadcast %broadcast_in_dim3A_807 : i32 to vector<16xi32>
      %broadcast_in_dim3A_809 = arith.constant 0 : i32
      %broadcast_in_dim3A_810 = vector.broadcast %broadcast_in_dim3A_809 : i32 to vector<16xi32>
      %broadcast_in_dim3A_811 = arith.constant 0 : i32
      %broadcast_in_dim3A_812 = vector.broadcast %broadcast_in_dim3A_811 : i32 to vector<16xi32>
      %broadcast_in_dim3A_813 = arith.constant 0 : i32
      %broadcast_in_dim3A_814 = vector.broadcast %broadcast_in_dim3A_813 : i32 to vector<16xi32>
      %broadcast_in_dim3A_815 = arith.constant 0 : i32
      %broadcast_in_dim3A_816 = vector.broadcast %broadcast_in_dim3A_815 : i32 to vector<16xi32>
      %broadcast_in_dim3A_817 = arith.constant 0 : i32
      %broadcast_in_dim3A_818 = vector.broadcast %broadcast_in_dim3A_817 : i32 to vector<16xi32>
      %broadcast_in_dim3A_819 = arith.constant 0 : i32
      %broadcast_in_dim3A_820 = vector.broadcast %broadcast_in_dim3A_819 : i32 to vector<16xi32>
      %gt3A = arith.cmpf ogt, %mul3A_723, %broadcast_in_dim3A_788 : vector<16xf32>
      %select_n3A_821 = arith.select %gt3A, %mul3A_723, %broadcast_in_dim3A_788 : vector<16xi1>, vector<16xf32>
      %select_n3A_822 = arith.select %gt3A, %broadcast_in_dim3A_788, %mul3A_723 : vector<16xi1>, vector<16xf32>
      %select_n3A_823 = arith.select %gt3A, %broadcast_in_dim3A_820, %broadcast_in_dim3A_804 : vector<16xi1>, vector<16xi32>
      %select_n3A_824 = arith.select %gt3A, %broadcast_in_dim3A_804, %broadcast_in_dim3A_820 : vector<16xi1>, vector<16xi32>
      %gt3A_825 = arith.cmpf ogt, %select_n3A_822, %broadcast_in_dim3A_790 : vector<16xf32>
      %select_n3A_826 = arith.select %gt3A_825, %select_n3A_822, %broadcast_in_dim3A_790 : vector<16xi1>, vector<16xf32>
      %select_n3A_827 = arith.select %gt3A_825, %broadcast_in_dim3A_790, %select_n3A_822 : vector<16xi1>, vector<16xf32>
      %select_n3A_828 = arith.select %gt3A_825, %select_n3A_824, %broadcast_in_dim3A_806 : vector<16xi1>, vector<16xi32>
      %select_n3A_829 = arith.select %gt3A_825, %broadcast_in_dim3A_806, %select_n3A_824 : vector<16xi1>, vector<16xi32>
      %gt3A_830 = arith.cmpf ogt, %select_n3A_827, %broadcast_in_dim3A_792 : vector<16xf32>
      %select_n3A_831 = arith.select %gt3A_830, %select_n3A_827, %broadcast_in_dim3A_792 : vector<16xi1>, vector<16xf32>
      %select_n3A_832 = arith.select %gt3A_830, %broadcast_in_dim3A_792, %select_n3A_827 : vector<16xi1>, vector<16xf32>
      %select_n3A_833 = arith.select %gt3A_830, %select_n3A_829, %broadcast_in_dim3A_808 : vector<16xi1>, vector<16xi32>
      %select_n3A_834 = arith.select %gt3A_830, %broadcast_in_dim3A_808, %select_n3A_829 : vector<16xi1>, vector<16xi32>
      %gt3A_835 = arith.cmpf ogt, %select_n3A_832, %broadcast_in_dim3A_794 : vector<16xf32>
      %select_n3A_836 = arith.select %gt3A_835, %select_n3A_832, %broadcast_in_dim3A_794 : vector<16xi1>, vector<16xf32>
      %select_n3A_837 = arith.select %gt3A_835, %broadcast_in_dim3A_794, %select_n3A_832 : vector<16xi1>, vector<16xf32>
      %select_n3A_838 = arith.select %gt3A_835, %select_n3A_834, %broadcast_in_dim3A_810 : vector<16xi1>, vector<16xi32>
      %select_n3A_839 = arith.select %gt3A_835, %broadcast_in_dim3A_810, %select_n3A_834 : vector<16xi1>, vector<16xi32>
      %gt3A_840 = arith.cmpf ogt, %select_n3A_837, %broadcast_in_dim3A_796 : vector<16xf32>
      %select_n3A_841 = arith.select %gt3A_840, %select_n3A_837, %broadcast_in_dim3A_796 : vector<16xi1>, vector<16xf32>
      %select_n3A_842 = arith.select %gt3A_840, %broadcast_in_dim3A_796, %select_n3A_837 : vector<16xi1>, vector<16xf32>
      %select_n3A_843 = arith.select %gt3A_840, %select_n3A_839, %broadcast_in_dim3A_812 : vector<16xi1>, vector<16xi32>
      %select_n3A_844 = arith.select %gt3A_840, %broadcast_in_dim3A_812, %select_n3A_839 : vector<16xi1>, vector<16xi32>
      %gt3A_845 = arith.cmpf ogt, %select_n3A_842, %broadcast_in_dim3A_798 : vector<16xf32>
      %select_n3A_846 = arith.select %gt3A_845, %select_n3A_842, %broadcast_in_dim3A_798 : vector<16xi1>, vector<16xf32>
      %select_n3A_847 = arith.select %gt3A_845, %broadcast_in_dim3A_798, %select_n3A_842 : vector<16xi1>, vector<16xf32>
      %select_n3A_848 = arith.select %gt3A_845, %select_n3A_844, %broadcast_in_dim3A_814 : vector<16xi1>, vector<16xi32>
      %select_n3A_849 = arith.select %gt3A_845, %broadcast_in_dim3A_814, %select_n3A_844 : vector<16xi1>, vector<16xi32>
      %gt3A_850 = arith.cmpf ogt, %select_n3A_847, %broadcast_in_dim3A_800 : vector<16xf32>
      %select_n3A_851 = arith.select %gt3A_850, %select_n3A_847, %broadcast_in_dim3A_800 : vector<16xi1>, vector<16xf32>
      %select_n3A_852 = arith.select %gt3A_850, %broadcast_in_dim3A_800, %select_n3A_847 : vector<16xi1>, vector<16xf32>
      %select_n3A_853 = arith.select %gt3A_850, %select_n3A_849, %broadcast_in_dim3A_816 : vector<16xi1>, vector<16xi32>
      %select_n3A_854 = arith.select %gt3A_850, %broadcast_in_dim3A_816, %select_n3A_849 : vector<16xi1>, vector<16xi32>
      %gt3A_855 = arith.cmpf ogt, %select_n3A_852, %broadcast_in_dim3A_802 : vector<16xf32>
      %select_n3A_856 = arith.select %gt3A_855, %select_n3A_852, %broadcast_in_dim3A_802 : vector<16xi1>, vector<16xf32>
      %select_n3A_857 = arith.select %gt3A_855, %broadcast_in_dim3A_802, %select_n3A_852 : vector<16xi1>, vector<16xf32>
      %select_n3A_858 = arith.select %gt3A_855, %select_n3A_854, %broadcast_in_dim3A_818 : vector<16xi1>, vector<16xi32>
      %select_n3A_859 = arith.select %gt3A_855, %broadcast_in_dim3A_818, %select_n3A_854 : vector<16xi1>, vector<16xi32>
      %broadcast_in_dim3A_860 = arith.constant 1 : i32
      %broadcast_in_dim3A_861 = vector.broadcast %broadcast_in_dim3A_860 : i32 to vector<16xi32>
      %gt3A_862 = arith.cmpf ogt, %mul3A_724, %select_n3A_821 : vector<16xf32>
      %select_n3A_863 = arith.select %gt3A_862, %mul3A_724, %select_n3A_821 : vector<16xi1>, vector<16xf32>
      %select_n3A_864 = arith.select %gt3A_862, %select_n3A_821, %mul3A_724 : vector<16xi1>, vector<16xf32>
      %select_n3A_865 = arith.select %gt3A_862, %broadcast_in_dim3A_861, %select_n3A_823 : vector<16xi1>, vector<16xi32>
      %select_n3A_866 = arith.select %gt3A_862, %select_n3A_823, %broadcast_in_dim3A_861 : vector<16xi1>, vector<16xi32>
      %gt3A_867 = arith.cmpf ogt, %select_n3A_864, %select_n3A_826 : vector<16xf32>
      %select_n3A_868 = arith.select %gt3A_867, %select_n3A_864, %select_n3A_826 : vector<16xi1>, vector<16xf32>
      %select_n3A_869 = arith.select %gt3A_867, %select_n3A_826, %select_n3A_864 : vector<16xi1>, vector<16xf32>
      %select_n3A_870 = arith.select %gt3A_867, %select_n3A_866, %select_n3A_828 : vector<16xi1>, vector<16xi32>
      %select_n3A_871 = arith.select %gt3A_867, %select_n3A_828, %select_n3A_866 : vector<16xi1>, vector<16xi32>
      %gt3A_872 = arith.cmpf ogt, %select_n3A_869, %select_n3A_831 : vector<16xf32>
      %select_n3A_873 = arith.select %gt3A_872, %select_n3A_869, %select_n3A_831 : vector<16xi1>, vector<16xf32>
      %select_n3A_874 = arith.select %gt3A_872, %select_n3A_831, %select_n3A_869 : vector<16xi1>, vector<16xf32>
      %select_n3A_875 = arith.select %gt3A_872, %select_n3A_871, %select_n3A_833 : vector<16xi1>, vector<16xi32>
      %select_n3A_876 = arith.select %gt3A_872, %select_n3A_833, %select_n3A_871 : vector<16xi1>, vector<16xi32>
      %gt3A_877 = arith.cmpf ogt, %select_n3A_874, %select_n3A_836 : vector<16xf32>
      %select_n3A_878 = arith.select %gt3A_877, %select_n3A_874, %select_n3A_836 : vector<16xi1>, vector<16xf32>
      %select_n3A_879 = arith.select %gt3A_877, %select_n3A_836, %select_n3A_874 : vector<16xi1>, vector<16xf32>
      %select_n3A_880 = arith.select %gt3A_877, %select_n3A_876, %select_n3A_838 : vector<16xi1>, vector<16xi32>
      %select_n3A_881 = arith.select %gt3A_877, %select_n3A_838, %select_n3A_876 : vector<16xi1>, vector<16xi32>
      %gt3A_882 = arith.cmpf ogt, %select_n3A_879, %select_n3A_841 : vector<16xf32>
      %select_n3A_883 = arith.select %gt3A_882, %select_n3A_879, %select_n3A_841 : vector<16xi1>, vector<16xf32>
      %select_n3A_884 = arith.select %gt3A_882, %select_n3A_841, %select_n3A_879 : vector<16xi1>, vector<16xf32>
      %select_n3A_885 = arith.select %gt3A_882, %select_n3A_881, %select_n3A_843 : vector<16xi1>, vector<16xi32>
      %select_n3A_886 = arith.select %gt3A_882, %select_n3A_843, %select_n3A_881 : vector<16xi1>, vector<16xi32>
      %gt3A_887 = arith.cmpf ogt, %select_n3A_884, %select_n3A_846 : vector<16xf32>
      %select_n3A_888 = arith.select %gt3A_887, %select_n3A_884, %select_n3A_846 : vector<16xi1>, vector<16xf32>
      %select_n3A_889 = arith.select %gt3A_887, %select_n3A_846, %select_n3A_884 : vector<16xi1>, vector<16xf32>
      %select_n3A_890 = arith.select %gt3A_887, %select_n3A_886, %select_n3A_848 : vector<16xi1>, vector<16xi32>
      %select_n3A_891 = arith.select %gt3A_887, %select_n3A_848, %select_n3A_886 : vector<16xi1>, vector<16xi32>
      %gt3A_892 = arith.cmpf ogt, %select_n3A_889, %select_n3A_851 : vector<16xf32>
      %select_n3A_893 = arith.select %gt3A_892, %select_n3A_889, %select_n3A_851 : vector<16xi1>, vector<16xf32>
      %select_n3A_894 = arith.select %gt3A_892, %select_n3A_851, %select_n3A_889 : vector<16xi1>, vector<16xf32>
      %select_n3A_895 = arith.select %gt3A_892, %select_n3A_891, %select_n3A_853 : vector<16xi1>, vector<16xi32>
      %select_n3A_896 = arith.select %gt3A_892, %select_n3A_853, %select_n3A_891 : vector<16xi1>, vector<16xi32>
      %gt3A_897 = arith.cmpf ogt, %select_n3A_894, %select_n3A_856 : vector<16xf32>
      %select_n3A_898 = arith.select %gt3A_897, %select_n3A_894, %select_n3A_856 : vector<16xi1>, vector<16xf32>
      %select_n3A_899 = arith.select %gt3A_897, %select_n3A_856, %select_n3A_894 : vector<16xi1>, vector<16xf32>
      %select_n3A_900 = arith.select %gt3A_897, %select_n3A_896, %select_n3A_858 : vector<16xi1>, vector<16xi32>
      %select_n3A_901 = arith.select %gt3A_897, %select_n3A_858, %select_n3A_896 : vector<16xi1>, vector<16xi32>
      %broadcast_in_dim3A_902 = arith.constant 2 : i32
      %broadcast_in_dim3A_903 = vector.broadcast %broadcast_in_dim3A_902 : i32 to vector<16xi32>
      %gt3A_904 = arith.cmpf ogt, %mul3A_725, %select_n3A_863 : vector<16xf32>
      %select_n3A_905 = arith.select %gt3A_904, %mul3A_725, %select_n3A_863 : vector<16xi1>, vector<16xf32>
      %select_n3A_906 = arith.select %gt3A_904, %select_n3A_863, %mul3A_725 : vector<16xi1>, vector<16xf32>
      %select_n3A_907 = arith.select %gt3A_904, %broadcast_in_dim3A_903, %select_n3A_865 : vector<16xi1>, vector<16xi32>
      %select_n3A_908 = arith.select %gt3A_904, %select_n3A_865, %broadcast_in_dim3A_903 : vector<16xi1>, vector<16xi32>
      %gt3A_909 = arith.cmpf ogt, %select_n3A_906, %select_n3A_868 : vector<16xf32>
      %select_n3A_910 = arith.select %gt3A_909, %select_n3A_906, %select_n3A_868 : vector<16xi1>, vector<16xf32>
      %select_n3A_911 = arith.select %gt3A_909, %select_n3A_868, %select_n3A_906 : vector<16xi1>, vector<16xf32>
      %select_n3A_912 = arith.select %gt3A_909, %select_n3A_908, %select_n3A_870 : vector<16xi1>, vector<16xi32>
      %select_n3A_913 = arith.select %gt3A_909, %select_n3A_870, %select_n3A_908 : vector<16xi1>, vector<16xi32>
      %gt3A_914 = arith.cmpf ogt, %select_n3A_911, %select_n3A_873 : vector<16xf32>
      %select_n3A_915 = arith.select %gt3A_914, %select_n3A_911, %select_n3A_873 : vector<16xi1>, vector<16xf32>
      %select_n3A_916 = arith.select %gt3A_914, %select_n3A_873, %select_n3A_911 : vector<16xi1>, vector<16xf32>
      %select_n3A_917 = arith.select %gt3A_914, %select_n3A_913, %select_n3A_875 : vector<16xi1>, vector<16xi32>
      %select_n3A_918 = arith.select %gt3A_914, %select_n3A_875, %select_n3A_913 : vector<16xi1>, vector<16xi32>
      %gt3A_919 = arith.cmpf ogt, %select_n3A_916, %select_n3A_878 : vector<16xf32>
      %select_n3A_920 = arith.select %gt3A_919, %select_n3A_916, %select_n3A_878 : vector<16xi1>, vector<16xf32>
      %select_n3A_921 = arith.select %gt3A_919, %select_n3A_878, %select_n3A_916 : vector<16xi1>, vector<16xf32>
      %select_n3A_922 = arith.select %gt3A_919, %select_n3A_918, %select_n3A_880 : vector<16xi1>, vector<16xi32>
      %select_n3A_923 = arith.select %gt3A_919, %select_n3A_880, %select_n3A_918 : vector<16xi1>, vector<16xi32>
      %gt3A_924 = arith.cmpf ogt, %select_n3A_921, %select_n3A_883 : vector<16xf32>
      %select_n3A_925 = arith.select %gt3A_924, %select_n3A_921, %select_n3A_883 : vector<16xi1>, vector<16xf32>
      %select_n3A_926 = arith.select %gt3A_924, %select_n3A_883, %select_n3A_921 : vector<16xi1>, vector<16xf32>
      %select_n3A_927 = arith.select %gt3A_924, %select_n3A_923, %select_n3A_885 : vector<16xi1>, vector<16xi32>
      %select_n3A_928 = arith.select %gt3A_924, %select_n3A_885, %select_n3A_923 : vector<16xi1>, vector<16xi32>
      %gt3A_929 = arith.cmpf ogt, %select_n3A_926, %select_n3A_888 : vector<16xf32>
      %select_n3A_930 = arith.select %gt3A_929, %select_n3A_926, %select_n3A_888 : vector<16xi1>, vector<16xf32>
      %select_n3A_931 = arith.select %gt3A_929, %select_n3A_888, %select_n3A_926 : vector<16xi1>, vector<16xf32>
      %select_n3A_932 = arith.select %gt3A_929, %select_n3A_928, %select_n3A_890 : vector<16xi1>, vector<16xi32>
      %select_n3A_933 = arith.select %gt3A_929, %select_n3A_890, %select_n3A_928 : vector<16xi1>, vector<16xi32>
      %gt3A_934 = arith.cmpf ogt, %select_n3A_931, %select_n3A_893 : vector<16xf32>
      %select_n3A_935 = arith.select %gt3A_934, %select_n3A_931, %select_n3A_893 : vector<16xi1>, vector<16xf32>
      %select_n3A_936 = arith.select %gt3A_934, %select_n3A_893, %select_n3A_931 : vector<16xi1>, vector<16xf32>
      %select_n3A_937 = arith.select %gt3A_934, %select_n3A_933, %select_n3A_895 : vector<16xi1>, vector<16xi32>
      %select_n3A_938 = arith.select %gt3A_934, %select_n3A_895, %select_n3A_933 : vector<16xi1>, vector<16xi32>
      %gt3A_939 = arith.cmpf ogt, %select_n3A_936, %select_n3A_898 : vector<16xf32>
      %select_n3A_940 = arith.select %gt3A_939, %select_n3A_936, %select_n3A_898 : vector<16xi1>, vector<16xf32>
      %select_n3A_941 = arith.select %gt3A_939, %select_n3A_898, %select_n3A_936 : vector<16xi1>, vector<16xf32>
      %select_n3A_942 = arith.select %gt3A_939, %select_n3A_938, %select_n3A_900 : vector<16xi1>, vector<16xi32>
      %select_n3A_943 = arith.select %gt3A_939, %select_n3A_900, %select_n3A_938 : vector<16xi1>, vector<16xi32>
      %broadcast_in_dim3A_944 = arith.constant 3 : i32
      %broadcast_in_dim3A_945 = vector.broadcast %broadcast_in_dim3A_944 : i32 to vector<16xi32>
      %gt3A_946 = arith.cmpf ogt, %mul3A_726, %select_n3A_905 : vector<16xf32>
      %select_n3A_947 = arith.select %gt3A_946, %mul3A_726, %select_n3A_905 : vector<16xi1>, vector<16xf32>
      %select_n3A_948 = arith.select %gt3A_946, %select_n3A_905, %mul3A_726 : vector<16xi1>, vector<16xf32>
      %select_n3A_949 = arith.select %gt3A_946, %broadcast_in_dim3A_945, %select_n3A_907 : vector<16xi1>, vector<16xi32>
      %select_n3A_950 = arith.select %gt3A_946, %select_n3A_907, %broadcast_in_dim3A_945 : vector<16xi1>, vector<16xi32>
      %gt3A_951 = arith.cmpf ogt, %select_n3A_948, %select_n3A_910 : vector<16xf32>
      %select_n3A_952 = arith.select %gt3A_951, %select_n3A_948, %select_n3A_910 : vector<16xi1>, vector<16xf32>
      %select_n3A_953 = arith.select %gt3A_951, %select_n3A_910, %select_n3A_948 : vector<16xi1>, vector<16xf32>
      %select_n3A_954 = arith.select %gt3A_951, %select_n3A_950, %select_n3A_912 : vector<16xi1>, vector<16xi32>
      %select_n3A_955 = arith.select %gt3A_951, %select_n3A_912, %select_n3A_950 : vector<16xi1>, vector<16xi32>
      %gt3A_956 = arith.cmpf ogt, %select_n3A_953, %select_n3A_915 : vector<16xf32>
      %select_n3A_957 = arith.select %gt3A_956, %select_n3A_953, %select_n3A_915 : vector<16xi1>, vector<16xf32>
      %select_n3A_958 = arith.select %gt3A_956, %select_n3A_915, %select_n3A_953 : vector<16xi1>, vector<16xf32>
      %select_n3A_959 = arith.select %gt3A_956, %select_n3A_955, %select_n3A_917 : vector<16xi1>, vector<16xi32>
      %select_n3A_960 = arith.select %gt3A_956, %select_n3A_917, %select_n3A_955 : vector<16xi1>, vector<16xi32>
      %gt3A_961 = arith.cmpf ogt, %select_n3A_958, %select_n3A_920 : vector<16xf32>
      %select_n3A_962 = arith.select %gt3A_961, %select_n3A_958, %select_n3A_920 : vector<16xi1>, vector<16xf32>
      %select_n3A_963 = arith.select %gt3A_961, %select_n3A_920, %select_n3A_958 : vector<16xi1>, vector<16xf32>
      %select_n3A_964 = arith.select %gt3A_961, %select_n3A_960, %select_n3A_922 : vector<16xi1>, vector<16xi32>
      %select_n3A_965 = arith.select %gt3A_961, %select_n3A_922, %select_n3A_960 : vector<16xi1>, vector<16xi32>
      %gt3A_966 = arith.cmpf ogt, %select_n3A_963, %select_n3A_925 : vector<16xf32>
      %select_n3A_967 = arith.select %gt3A_966, %select_n3A_963, %select_n3A_925 : vector<16xi1>, vector<16xf32>
      %select_n3A_968 = arith.select %gt3A_966, %select_n3A_925, %select_n3A_963 : vector<16xi1>, vector<16xf32>
      %select_n3A_969 = arith.select %gt3A_966, %select_n3A_965, %select_n3A_927 : vector<16xi1>, vector<16xi32>
      %select_n3A_970 = arith.select %gt3A_966, %select_n3A_927, %select_n3A_965 : vector<16xi1>, vector<16xi32>
      %gt3A_971 = arith.cmpf ogt, %select_n3A_968, %select_n3A_930 : vector<16xf32>
      %select_n3A_972 = arith.select %gt3A_971, %select_n3A_968, %select_n3A_930 : vector<16xi1>, vector<16xf32>
      %select_n3A_973 = arith.select %gt3A_971, %select_n3A_930, %select_n3A_968 : vector<16xi1>, vector<16xf32>
      %select_n3A_974 = arith.select %gt3A_971, %select_n3A_970, %select_n3A_932 : vector<16xi1>, vector<16xi32>
      %select_n3A_975 = arith.select %gt3A_971, %select_n3A_932, %select_n3A_970 : vector<16xi1>, vector<16xi32>
      %gt3A_976 = arith.cmpf ogt, %select_n3A_973, %select_n3A_935 : vector<16xf32>
      %select_n3A_977 = arith.select %gt3A_976, %select_n3A_973, %select_n3A_935 : vector<16xi1>, vector<16xf32>
      %select_n3A_978 = arith.select %gt3A_976, %select_n3A_935, %select_n3A_973 : vector<16xi1>, vector<16xf32>
      %select_n3A_979 = arith.select %gt3A_976, %select_n3A_975, %select_n3A_937 : vector<16xi1>, vector<16xi32>
      %select_n3A_980 = arith.select %gt3A_976, %select_n3A_937, %select_n3A_975 : vector<16xi1>, vector<16xi32>
      %gt3A_981 = arith.cmpf ogt, %select_n3A_978, %select_n3A_940 : vector<16xf32>
      %select_n3A_982 = arith.select %gt3A_981, %select_n3A_978, %select_n3A_940 : vector<16xi1>, vector<16xf32>
      %select_n3A_983 = arith.select %gt3A_981, %select_n3A_940, %select_n3A_978 : vector<16xi1>, vector<16xf32>
      %select_n3A_984 = arith.select %gt3A_981, %select_n3A_980, %select_n3A_942 : vector<16xi1>, vector<16xi32>
      %select_n3A_985 = arith.select %gt3A_981, %select_n3A_942, %select_n3A_980 : vector<16xi1>, vector<16xi32>
      %broadcast_in_dim3A_986 = arith.constant 4 : i32
      %broadcast_in_dim3A_987 = vector.broadcast %broadcast_in_dim3A_986 : i32 to vector<16xi32>
      %gt3A_988 = arith.cmpf ogt, %mul3A_727, %select_n3A_947 : vector<16xf32>
      %select_n3A_989 = arith.select %gt3A_988, %mul3A_727, %select_n3A_947 : vector<16xi1>, vector<16xf32>
      %select_n3A_990 = arith.select %gt3A_988, %select_n3A_947, %mul3A_727 : vector<16xi1>, vector<16xf32>
      %select_n3A_991 = arith.select %gt3A_988, %broadcast_in_dim3A_987, %select_n3A_949 : vector<16xi1>, vector<16xi32>
      %select_n3A_992 = arith.select %gt3A_988, %select_n3A_949, %broadcast_in_dim3A_987 : vector<16xi1>, vector<16xi32>
      %gt3A_993 = arith.cmpf ogt, %select_n3A_990, %select_n3A_952 : vector<16xf32>
      %select_n3A_994 = arith.select %gt3A_993, %select_n3A_990, %select_n3A_952 : vector<16xi1>, vector<16xf32>
      %select_n3A_995 = arith.select %gt3A_993, %select_n3A_952, %select_n3A_990 : vector<16xi1>, vector<16xf32>
      %select_n3A_996 = arith.select %gt3A_993, %select_n3A_992, %select_n3A_954 : vector<16xi1>, vector<16xi32>
      %select_n3A_997 = arith.select %gt3A_993, %select_n3A_954, %select_n3A_992 : vector<16xi1>, vector<16xi32>
      %gt3A_998 = arith.cmpf ogt, %select_n3A_995, %select_n3A_957 : vector<16xf32>
      %select_n3A_999 = arith.select %gt3A_998, %select_n3A_995, %select_n3A_957 : vector<16xi1>, vector<16xf32>
      %select_n3A_1000 = arith.select %gt3A_998, %select_n3A_957, %select_n3A_995 : vector<16xi1>, vector<16xf32>
      %select_n3A_1001 = arith.select %gt3A_998, %select_n3A_997, %select_n3A_959 : vector<16xi1>, vector<16xi32>
      %select_n3A_1002 = arith.select %gt3A_998, %select_n3A_959, %select_n3A_997 : vector<16xi1>, vector<16xi32>
      %gt3A_1003 = arith.cmpf ogt, %select_n3A_1000, %select_n3A_962 : vector<16xf32>
      %select_n3A_1004 = arith.select %gt3A_1003, %select_n3A_1000, %select_n3A_962 : vector<16xi1>, vector<16xf32>
      %select_n3A_1005 = arith.select %gt3A_1003, %select_n3A_962, %select_n3A_1000 : vector<16xi1>, vector<16xf32>
      %select_n3A_1006 = arith.select %gt3A_1003, %select_n3A_1002, %select_n3A_964 : vector<16xi1>, vector<16xi32>
      %select_n3A_1007 = arith.select %gt3A_1003, %select_n3A_964, %select_n3A_1002 : vector<16xi1>, vector<16xi32>
      %gt3A_1008 = arith.cmpf ogt, %select_n3A_1005, %select_n3A_967 : vector<16xf32>
      %select_n3A_1009 = arith.select %gt3A_1008, %select_n3A_1005, %select_n3A_967 : vector<16xi1>, vector<16xf32>
      %select_n3A_1010 = arith.select %gt3A_1008, %select_n3A_967, %select_n3A_1005 : vector<16xi1>, vector<16xf32>
      %select_n3A_1011 = arith.select %gt3A_1008, %select_n3A_1007, %select_n3A_969 : vector<16xi1>, vector<16xi32>
      %select_n3A_1012 = arith.select %gt3A_1008, %select_n3A_969, %select_n3A_1007 : vector<16xi1>, vector<16xi32>
      %gt3A_1013 = arith.cmpf ogt, %select_n3A_1010, %select_n3A_972 : vector<16xf32>
      %select_n3A_1014 = arith.select %gt3A_1013, %select_n3A_1010, %select_n3A_972 : vector<16xi1>, vector<16xf32>
      %select_n3A_1015 = arith.select %gt3A_1013, %select_n3A_972, %select_n3A_1010 : vector<16xi1>, vector<16xf32>
      %select_n3A_1016 = arith.select %gt3A_1013, %select_n3A_1012, %select_n3A_974 : vector<16xi1>, vector<16xi32>
      %select_n3A_1017 = arith.select %gt3A_1013, %select_n3A_974, %select_n3A_1012 : vector<16xi1>, vector<16xi32>
      %gt3A_1018 = arith.cmpf ogt, %select_n3A_1015, %select_n3A_977 : vector<16xf32>
      %select_n3A_1019 = arith.select %gt3A_1018, %select_n3A_1015, %select_n3A_977 : vector<16xi1>, vector<16xf32>
      %select_n3A_1020 = arith.select %gt3A_1018, %select_n3A_977, %select_n3A_1015 : vector<16xi1>, vector<16xf32>
      %select_n3A_1021 = arith.select %gt3A_1018, %select_n3A_1017, %select_n3A_979 : vector<16xi1>, vector<16xi32>
      %select_n3A_1022 = arith.select %gt3A_1018, %select_n3A_979, %select_n3A_1017 : vector<16xi1>, vector<16xi32>
      %gt3A_1023 = arith.cmpf ogt, %select_n3A_1020, %select_n3A_982 : vector<16xf32>
      %select_n3A_1024 = arith.select %gt3A_1023, %select_n3A_1020, %select_n3A_982 : vector<16xi1>, vector<16xf32>
      %select_n3A_1025 = arith.select %gt3A_1023, %select_n3A_982, %select_n3A_1020 : vector<16xi1>, vector<16xf32>
      %select_n3A_1026 = arith.select %gt3A_1023, %select_n3A_1022, %select_n3A_984 : vector<16xi1>, vector<16xi32>
      %select_n3A_1027 = arith.select %gt3A_1023, %select_n3A_984, %select_n3A_1022 : vector<16xi1>, vector<16xi32>
      %broadcast_in_dim3A_1028 = arith.constant 5 : i32
      %broadcast_in_dim3A_1029 = vector.broadcast %broadcast_in_dim3A_1028 : i32 to vector<16xi32>
      %gt3A_1030 = arith.cmpf ogt, %mul3A_728, %select_n3A_989 : vector<16xf32>
      %select_n3A_1031 = arith.select %gt3A_1030, %mul3A_728, %select_n3A_989 : vector<16xi1>, vector<16xf32>
      %select_n3A_1032 = arith.select %gt3A_1030, %select_n3A_989, %mul3A_728 : vector<16xi1>, vector<16xf32>
      %select_n3A_1033 = arith.select %gt3A_1030, %broadcast_in_dim3A_1029, %select_n3A_991 : vector<16xi1>, vector<16xi32>
      %select_n3A_1034 = arith.select %gt3A_1030, %select_n3A_991, %broadcast_in_dim3A_1029 : vector<16xi1>, vector<16xi32>
      %gt3A_1035 = arith.cmpf ogt, %select_n3A_1032, %select_n3A_994 : vector<16xf32>
      %select_n3A_1036 = arith.select %gt3A_1035, %select_n3A_1032, %select_n3A_994 : vector<16xi1>, vector<16xf32>
      %select_n3A_1037 = arith.select %gt3A_1035, %select_n3A_994, %select_n3A_1032 : vector<16xi1>, vector<16xf32>
      %select_n3A_1038 = arith.select %gt3A_1035, %select_n3A_1034, %select_n3A_996 : vector<16xi1>, vector<16xi32>
      %select_n3A_1039 = arith.select %gt3A_1035, %select_n3A_996, %select_n3A_1034 : vector<16xi1>, vector<16xi32>
      %gt3A_1040 = arith.cmpf ogt, %select_n3A_1037, %select_n3A_999 : vector<16xf32>
      %select_n3A_1041 = arith.select %gt3A_1040, %select_n3A_1037, %select_n3A_999 : vector<16xi1>, vector<16xf32>
      %select_n3A_1042 = arith.select %gt3A_1040, %select_n3A_999, %select_n3A_1037 : vector<16xi1>, vector<16xf32>
      %select_n3A_1043 = arith.select %gt3A_1040, %select_n3A_1039, %select_n3A_1001 : vector<16xi1>, vector<16xi32>
      %select_n3A_1044 = arith.select %gt3A_1040, %select_n3A_1001, %select_n3A_1039 : vector<16xi1>, vector<16xi32>
      %gt3A_1045 = arith.cmpf ogt, %select_n3A_1042, %select_n3A_1004 : vector<16xf32>
      %select_n3A_1046 = arith.select %gt3A_1045, %select_n3A_1042, %select_n3A_1004 : vector<16xi1>, vector<16xf32>
      %select_n3A_1047 = arith.select %gt3A_1045, %select_n3A_1004, %select_n3A_1042 : vector<16xi1>, vector<16xf32>
      %select_n3A_1048 = arith.select %gt3A_1045, %select_n3A_1044, %select_n3A_1006 : vector<16xi1>, vector<16xi32>
      %select_n3A_1049 = arith.select %gt3A_1045, %select_n3A_1006, %select_n3A_1044 : vector<16xi1>, vector<16xi32>
      %gt3A_1050 = arith.cmpf ogt, %select_n3A_1047, %select_n3A_1009 : vector<16xf32>
      %select_n3A_1051 = arith.select %gt3A_1050, %select_n3A_1047, %select_n3A_1009 : vector<16xi1>, vector<16xf32>
      %select_n3A_1052 = arith.select %gt3A_1050, %select_n3A_1009, %select_n3A_1047 : vector<16xi1>, vector<16xf32>
      %select_n3A_1053 = arith.select %gt3A_1050, %select_n3A_1049, %select_n3A_1011 : vector<16xi1>, vector<16xi32>
      %select_n3A_1054 = arith.select %gt3A_1050, %select_n3A_1011, %select_n3A_1049 : vector<16xi1>, vector<16xi32>
      %gt3A_1055 = arith.cmpf ogt, %select_n3A_1052, %select_n3A_1014 : vector<16xf32>
      %select_n3A_1056 = arith.select %gt3A_1055, %select_n3A_1052, %select_n3A_1014 : vector<16xi1>, vector<16xf32>
      %select_n3A_1057 = arith.select %gt3A_1055, %select_n3A_1014, %select_n3A_1052 : vector<16xi1>, vector<16xf32>
      %select_n3A_1058 = arith.select %gt3A_1055, %select_n3A_1054, %select_n3A_1016 : vector<16xi1>, vector<16xi32>
      %select_n3A_1059 = arith.select %gt3A_1055, %select_n3A_1016, %select_n3A_1054 : vector<16xi1>, vector<16xi32>
      %gt3A_1060 = arith.cmpf ogt, %select_n3A_1057, %select_n3A_1019 : vector<16xf32>
      %select_n3A_1061 = arith.select %gt3A_1060, %select_n3A_1057, %select_n3A_1019 : vector<16xi1>, vector<16xf32>
      %select_n3A_1062 = arith.select %gt3A_1060, %select_n3A_1019, %select_n3A_1057 : vector<16xi1>, vector<16xf32>
      %select_n3A_1063 = arith.select %gt3A_1060, %select_n3A_1059, %select_n3A_1021 : vector<16xi1>, vector<16xi32>
      %select_n3A_1064 = arith.select %gt3A_1060, %select_n3A_1021, %select_n3A_1059 : vector<16xi1>, vector<16xi32>
      %gt3A_1065 = arith.cmpf ogt, %select_n3A_1062, %select_n3A_1024 : vector<16xf32>
      %select_n3A_1066 = arith.select %gt3A_1065, %select_n3A_1062, %select_n3A_1024 : vector<16xi1>, vector<16xf32>
      %select_n3A_1067 = arith.select %gt3A_1065, %select_n3A_1024, %select_n3A_1062 : vector<16xi1>, vector<16xf32>
      %select_n3A_1068 = arith.select %gt3A_1065, %select_n3A_1064, %select_n3A_1026 : vector<16xi1>, vector<16xi32>
      %select_n3A_1069 = arith.select %gt3A_1065, %select_n3A_1026, %select_n3A_1064 : vector<16xi1>, vector<16xi32>
      %broadcast_in_dim3A_1070 = arith.constant 6 : i32
      %broadcast_in_dim3A_1071 = vector.broadcast %broadcast_in_dim3A_1070 : i32 to vector<16xi32>
      %gt3A_1072 = arith.cmpf ogt, %mul3A_729, %select_n3A_1031 : vector<16xf32>
      %select_n3A_1073 = arith.select %gt3A_1072, %mul3A_729, %select_n3A_1031 : vector<16xi1>, vector<16xf32>
      %select_n3A_1074 = arith.select %gt3A_1072, %select_n3A_1031, %mul3A_729 : vector<16xi1>, vector<16xf32>
      %select_n3A_1075 = arith.select %gt3A_1072, %broadcast_in_dim3A_1071, %select_n3A_1033 : vector<16xi1>, vector<16xi32>
      %select_n3A_1076 = arith.select %gt3A_1072, %select_n3A_1033, %broadcast_in_dim3A_1071 : vector<16xi1>, vector<16xi32>
      %gt3A_1077 = arith.cmpf ogt, %select_n3A_1074, %select_n3A_1036 : vector<16xf32>
      %select_n3A_1078 = arith.select %gt3A_1077, %select_n3A_1074, %select_n3A_1036 : vector<16xi1>, vector<16xf32>
      %select_n3A_1079 = arith.select %gt3A_1077, %select_n3A_1036, %select_n3A_1074 : vector<16xi1>, vector<16xf32>
      %select_n3A_1080 = arith.select %gt3A_1077, %select_n3A_1076, %select_n3A_1038 : vector<16xi1>, vector<16xi32>
      %select_n3A_1081 = arith.select %gt3A_1077, %select_n3A_1038, %select_n3A_1076 : vector<16xi1>, vector<16xi32>
      %gt3A_1082 = arith.cmpf ogt, %select_n3A_1079, %select_n3A_1041 : vector<16xf32>
      %select_n3A_1083 = arith.select %gt3A_1082, %select_n3A_1079, %select_n3A_1041 : vector<16xi1>, vector<16xf32>
      %select_n3A_1084 = arith.select %gt3A_1082, %select_n3A_1041, %select_n3A_1079 : vector<16xi1>, vector<16xf32>
      %select_n3A_1085 = arith.select %gt3A_1082, %select_n3A_1081, %select_n3A_1043 : vector<16xi1>, vector<16xi32>
      %select_n3A_1086 = arith.select %gt3A_1082, %select_n3A_1043, %select_n3A_1081 : vector<16xi1>, vector<16xi32>
      %gt3A_1087 = arith.cmpf ogt, %select_n3A_1084, %select_n3A_1046 : vector<16xf32>
      %select_n3A_1088 = arith.select %gt3A_1087, %select_n3A_1084, %select_n3A_1046 : vector<16xi1>, vector<16xf32>
      %select_n3A_1089 = arith.select %gt3A_1087, %select_n3A_1046, %select_n3A_1084 : vector<16xi1>, vector<16xf32>
      %select_n3A_1090 = arith.select %gt3A_1087, %select_n3A_1086, %select_n3A_1048 : vector<16xi1>, vector<16xi32>
      %select_n3A_1091 = arith.select %gt3A_1087, %select_n3A_1048, %select_n3A_1086 : vector<16xi1>, vector<16xi32>
      %gt3A_1092 = arith.cmpf ogt, %select_n3A_1089, %select_n3A_1051 : vector<16xf32>
      %select_n3A_1093 = arith.select %gt3A_1092, %select_n3A_1089, %select_n3A_1051 : vector<16xi1>, vector<16xf32>
      %select_n3A_1094 = arith.select %gt3A_1092, %select_n3A_1051, %select_n3A_1089 : vector<16xi1>, vector<16xf32>
      %select_n3A_1095 = arith.select %gt3A_1092, %select_n3A_1091, %select_n3A_1053 : vector<16xi1>, vector<16xi32>
      %select_n3A_1096 = arith.select %gt3A_1092, %select_n3A_1053, %select_n3A_1091 : vector<16xi1>, vector<16xi32>
      %gt3A_1097 = arith.cmpf ogt, %select_n3A_1094, %select_n3A_1056 : vector<16xf32>
      %select_n3A_1098 = arith.select %gt3A_1097, %select_n3A_1094, %select_n3A_1056 : vector<16xi1>, vector<16xf32>
      %select_n3A_1099 = arith.select %gt3A_1097, %select_n3A_1056, %select_n3A_1094 : vector<16xi1>, vector<16xf32>
      %select_n3A_1100 = arith.select %gt3A_1097, %select_n3A_1096, %select_n3A_1058 : vector<16xi1>, vector<16xi32>
      %select_n3A_1101 = arith.select %gt3A_1097, %select_n3A_1058, %select_n3A_1096 : vector<16xi1>, vector<16xi32>
      %gt3A_1102 = arith.cmpf ogt, %select_n3A_1099, %select_n3A_1061 : vector<16xf32>
      %select_n3A_1103 = arith.select %gt3A_1102, %select_n3A_1099, %select_n3A_1061 : vector<16xi1>, vector<16xf32>
      %select_n3A_1104 = arith.select %gt3A_1102, %select_n3A_1061, %select_n3A_1099 : vector<16xi1>, vector<16xf32>
      %select_n3A_1105 = arith.select %gt3A_1102, %select_n3A_1101, %select_n3A_1063 : vector<16xi1>, vector<16xi32>
      %select_n3A_1106 = arith.select %gt3A_1102, %select_n3A_1063, %select_n3A_1101 : vector<16xi1>, vector<16xi32>
      %gt3A_1107 = arith.cmpf ogt, %select_n3A_1104, %select_n3A_1066 : vector<16xf32>
      %select_n3A_1108 = arith.select %gt3A_1107, %select_n3A_1104, %select_n3A_1066 : vector<16xi1>, vector<16xf32>
      %select_n3A_1109 = arith.select %gt3A_1107, %select_n3A_1066, %select_n3A_1104 : vector<16xi1>, vector<16xf32>
      %select_n3A_1110 = arith.select %gt3A_1107, %select_n3A_1106, %select_n3A_1068 : vector<16xi1>, vector<16xi32>
      %select_n3A_1111 = arith.select %gt3A_1107, %select_n3A_1068, %select_n3A_1106 : vector<16xi1>, vector<16xi32>
      %broadcast_in_dim3A_1112 = arith.constant 7 : i32
      %broadcast_in_dim3A_1113 = vector.broadcast %broadcast_in_dim3A_1112 : i32 to vector<16xi32>
      %gt3A_1114 = arith.cmpf ogt, %mul3A_730, %select_n3A_1073 : vector<16xf32>
      %select_n3A_1115 = arith.select %gt3A_1114, %mul3A_730, %select_n3A_1073 : vector<16xi1>, vector<16xf32>
      %select_n3A_1116 = arith.select %gt3A_1114, %select_n3A_1073, %mul3A_730 : vector<16xi1>, vector<16xf32>
      %select_n3A_1117 = arith.select %gt3A_1114, %broadcast_in_dim3A_1113, %select_n3A_1075 : vector<16xi1>, vector<16xi32>
      %select_n3A_1118 = arith.select %gt3A_1114, %select_n3A_1075, %broadcast_in_dim3A_1113 : vector<16xi1>, vector<16xi32>
      %gt3A_1119 = arith.cmpf ogt, %select_n3A_1116, %select_n3A_1078 : vector<16xf32>
      %select_n3A_1120 = arith.select %gt3A_1119, %select_n3A_1116, %select_n3A_1078 : vector<16xi1>, vector<16xf32>
      %select_n3A_1121 = arith.select %gt3A_1119, %select_n3A_1078, %select_n3A_1116 : vector<16xi1>, vector<16xf32>
      %select_n3A_1122 = arith.select %gt3A_1119, %select_n3A_1118, %select_n3A_1080 : vector<16xi1>, vector<16xi32>
      %select_n3A_1123 = arith.select %gt3A_1119, %select_n3A_1080, %select_n3A_1118 : vector<16xi1>, vector<16xi32>
      %gt3A_1124 = arith.cmpf ogt, %select_n3A_1121, %select_n3A_1083 : vector<16xf32>
      %select_n3A_1125 = arith.select %gt3A_1124, %select_n3A_1121, %select_n3A_1083 : vector<16xi1>, vector<16xf32>
      %select_n3A_1126 = arith.select %gt3A_1124, %select_n3A_1083, %select_n3A_1121 : vector<16xi1>, vector<16xf32>
      %select_n3A_1127 = arith.select %gt3A_1124, %select_n3A_1123, %select_n3A_1085 : vector<16xi1>, vector<16xi32>
      %select_n3A_1128 = arith.select %gt3A_1124, %select_n3A_1085, %select_n3A_1123 : vector<16xi1>, vector<16xi32>
      %gt3A_1129 = arith.cmpf ogt, %select_n3A_1126, %select_n3A_1088 : vector<16xf32>
      %select_n3A_1130 = arith.select %gt3A_1129, %select_n3A_1126, %select_n3A_1088 : vector<16xi1>, vector<16xf32>
      %select_n3A_1131 = arith.select %gt3A_1129, %select_n3A_1088, %select_n3A_1126 : vector<16xi1>, vector<16xf32>
      %select_n3A_1132 = arith.select %gt3A_1129, %select_n3A_1128, %select_n3A_1090 : vector<16xi1>, vector<16xi32>
      %select_n3A_1133 = arith.select %gt3A_1129, %select_n3A_1090, %select_n3A_1128 : vector<16xi1>, vector<16xi32>
      %gt3A_1134 = arith.cmpf ogt, %select_n3A_1131, %select_n3A_1093 : vector<16xf32>
      %select_n3A_1135 = arith.select %gt3A_1134, %select_n3A_1131, %select_n3A_1093 : vector<16xi1>, vector<16xf32>
      %select_n3A_1136 = arith.select %gt3A_1134, %select_n3A_1093, %select_n3A_1131 : vector<16xi1>, vector<16xf32>
      %select_n3A_1137 = arith.select %gt3A_1134, %select_n3A_1133, %select_n3A_1095 : vector<16xi1>, vector<16xi32>
      %select_n3A_1138 = arith.select %gt3A_1134, %select_n3A_1095, %select_n3A_1133 : vector<16xi1>, vector<16xi32>
      %gt3A_1139 = arith.cmpf ogt, %select_n3A_1136, %select_n3A_1098 : vector<16xf32>
      %select_n3A_1140 = arith.select %gt3A_1139, %select_n3A_1136, %select_n3A_1098 : vector<16xi1>, vector<16xf32>
      %select_n3A_1141 = arith.select %gt3A_1139, %select_n3A_1098, %select_n3A_1136 : vector<16xi1>, vector<16xf32>
      %select_n3A_1142 = arith.select %gt3A_1139, %select_n3A_1138, %select_n3A_1100 : vector<16xi1>, vector<16xi32>
      %select_n3A_1143 = arith.select %gt3A_1139, %select_n3A_1100, %select_n3A_1138 : vector<16xi1>, vector<16xi32>
      %gt3A_1144 = arith.cmpf ogt, %select_n3A_1141, %select_n3A_1103 : vector<16xf32>
      %select_n3A_1145 = arith.select %gt3A_1144, %select_n3A_1141, %select_n3A_1103 : vector<16xi1>, vector<16xf32>
      %select_n3A_1146 = arith.select %gt3A_1144, %select_n3A_1103, %select_n3A_1141 : vector<16xi1>, vector<16xf32>
      %select_n3A_1147 = arith.select %gt3A_1144, %select_n3A_1143, %select_n3A_1105 : vector<16xi1>, vector<16xi32>
      %select_n3A_1148 = arith.select %gt3A_1144, %select_n3A_1105, %select_n3A_1143 : vector<16xi1>, vector<16xi32>
      %gt3A_1149 = arith.cmpf ogt, %select_n3A_1146, %select_n3A_1108 : vector<16xf32>
      %select_n3A_1150 = arith.select %gt3A_1149, %select_n3A_1146, %select_n3A_1108 : vector<16xi1>, vector<16xf32>
      %select_n3A_1151 = arith.select %gt3A_1149, %select_n3A_1108, %select_n3A_1146 : vector<16xi1>, vector<16xf32>
      %select_n3A_1152 = arith.select %gt3A_1149, %select_n3A_1148, %select_n3A_1110 : vector<16xi1>, vector<16xi32>
      %select_n3A_1153 = arith.select %gt3A_1149, %select_n3A_1110, %select_n3A_1148 : vector<16xi1>, vector<16xi32>
      %broadcast_in_dim3A_1154 = arith.constant 8 : i32
      %broadcast_in_dim3A_1155 = vector.broadcast %broadcast_in_dim3A_1154 : i32 to vector<16xi32>
      %gt3A_1156 = arith.cmpf ogt, %mul3A_731, %select_n3A_1115 : vector<16xf32>
      %select_n3A_1157 = arith.select %gt3A_1156, %mul3A_731, %select_n3A_1115 : vector<16xi1>, vector<16xf32>
      %select_n3A_1158 = arith.select %gt3A_1156, %select_n3A_1115, %mul3A_731 : vector<16xi1>, vector<16xf32>
      %select_n3A_1159 = arith.select %gt3A_1156, %broadcast_in_dim3A_1155, %select_n3A_1117 : vector<16xi1>, vector<16xi32>
      %select_n3A_1160 = arith.select %gt3A_1156, %select_n3A_1117, %broadcast_in_dim3A_1155 : vector<16xi1>, vector<16xi32>
      %gt3A_1161 = arith.cmpf ogt, %select_n3A_1158, %select_n3A_1120 : vector<16xf32>
      %select_n3A_1162 = arith.select %gt3A_1161, %select_n3A_1158, %select_n3A_1120 : vector<16xi1>, vector<16xf32>
      %select_n3A_1163 = arith.select %gt3A_1161, %select_n3A_1120, %select_n3A_1158 : vector<16xi1>, vector<16xf32>
      %select_n3A_1164 = arith.select %gt3A_1161, %select_n3A_1160, %select_n3A_1122 : vector<16xi1>, vector<16xi32>
      %select_n3A_1165 = arith.select %gt3A_1161, %select_n3A_1122, %select_n3A_1160 : vector<16xi1>, vector<16xi32>
      %gt3A_1166 = arith.cmpf ogt, %select_n3A_1163, %select_n3A_1125 : vector<16xf32>
      %select_n3A_1167 = arith.select %gt3A_1166, %select_n3A_1163, %select_n3A_1125 : vector<16xi1>, vector<16xf32>
      %select_n3A_1168 = arith.select %gt3A_1166, %select_n3A_1125, %select_n3A_1163 : vector<16xi1>, vector<16xf32>
      %select_n3A_1169 = arith.select %gt3A_1166, %select_n3A_1165, %select_n3A_1127 : vector<16xi1>, vector<16xi32>
      %select_n3A_1170 = arith.select %gt3A_1166, %select_n3A_1127, %select_n3A_1165 : vector<16xi1>, vector<16xi32>
      %gt3A_1171 = arith.cmpf ogt, %select_n3A_1168, %select_n3A_1130 : vector<16xf32>
      %select_n3A_1172 = arith.select %gt3A_1171, %select_n3A_1168, %select_n3A_1130 : vector<16xi1>, vector<16xf32>
      %select_n3A_1173 = arith.select %gt3A_1171, %select_n3A_1130, %select_n3A_1168 : vector<16xi1>, vector<16xf32>
      %select_n3A_1174 = arith.select %gt3A_1171, %select_n3A_1170, %select_n3A_1132 : vector<16xi1>, vector<16xi32>
      %select_n3A_1175 = arith.select %gt3A_1171, %select_n3A_1132, %select_n3A_1170 : vector<16xi1>, vector<16xi32>
      %gt3A_1176 = arith.cmpf ogt, %select_n3A_1173, %select_n3A_1135 : vector<16xf32>
      %select_n3A_1177 = arith.select %gt3A_1176, %select_n3A_1173, %select_n3A_1135 : vector<16xi1>, vector<16xf32>
      %select_n3A_1178 = arith.select %gt3A_1176, %select_n3A_1135, %select_n3A_1173 : vector<16xi1>, vector<16xf32>
      %select_n3A_1179 = arith.select %gt3A_1176, %select_n3A_1175, %select_n3A_1137 : vector<16xi1>, vector<16xi32>
      %select_n3A_1180 = arith.select %gt3A_1176, %select_n3A_1137, %select_n3A_1175 : vector<16xi1>, vector<16xi32>
      %gt3A_1181 = arith.cmpf ogt, %select_n3A_1178, %select_n3A_1140 : vector<16xf32>
      %select_n3A_1182 = arith.select %gt3A_1181, %select_n3A_1178, %select_n3A_1140 : vector<16xi1>, vector<16xf32>
      %select_n3A_1183 = arith.select %gt3A_1181, %select_n3A_1140, %select_n3A_1178 : vector<16xi1>, vector<16xf32>
      %select_n3A_1184 = arith.select %gt3A_1181, %select_n3A_1180, %select_n3A_1142 : vector<16xi1>, vector<16xi32>
      %select_n3A_1185 = arith.select %gt3A_1181, %select_n3A_1142, %select_n3A_1180 : vector<16xi1>, vector<16xi32>
      %gt3A_1186 = arith.cmpf ogt, %select_n3A_1183, %select_n3A_1145 : vector<16xf32>
      %select_n3A_1187 = arith.select %gt3A_1186, %select_n3A_1183, %select_n3A_1145 : vector<16xi1>, vector<16xf32>
      %select_n3A_1188 = arith.select %gt3A_1186, %select_n3A_1145, %select_n3A_1183 : vector<16xi1>, vector<16xf32>
      %select_n3A_1189 = arith.select %gt3A_1186, %select_n3A_1185, %select_n3A_1147 : vector<16xi1>, vector<16xi32>
      %select_n3A_1190 = arith.select %gt3A_1186, %select_n3A_1147, %select_n3A_1185 : vector<16xi1>, vector<16xi32>
      %gt3A_1191 = arith.cmpf ogt, %select_n3A_1188, %select_n3A_1150 : vector<16xf32>
      %select_n3A_1192 = arith.select %gt3A_1191, %select_n3A_1188, %select_n3A_1150 : vector<16xi1>, vector<16xf32>
      %select_n3A_1193 = arith.select %gt3A_1191, %select_n3A_1150, %select_n3A_1188 : vector<16xi1>, vector<16xf32>
      %select_n3A_1194 = arith.select %gt3A_1191, %select_n3A_1190, %select_n3A_1152 : vector<16xi1>, vector<16xi32>
      %select_n3A_1195 = arith.select %gt3A_1191, %select_n3A_1152, %select_n3A_1190 : vector<16xi1>, vector<16xi32>
      %broadcast_in_dim3A_1196 = arith.constant 9 : i32
      %broadcast_in_dim3A_1197 = vector.broadcast %broadcast_in_dim3A_1196 : i32 to vector<16xi32>
      %gt3A_1198 = arith.cmpf ogt, %mul3A_732, %select_n3A_1157 : vector<16xf32>
      %select_n3A_1199 = arith.select %gt3A_1198, %mul3A_732, %select_n3A_1157 : vector<16xi1>, vector<16xf32>
      %select_n3A_1200 = arith.select %gt3A_1198, %select_n3A_1157, %mul3A_732 : vector<16xi1>, vector<16xf32>
      %select_n3A_1201 = arith.select %gt3A_1198, %broadcast_in_dim3A_1197, %select_n3A_1159 : vector<16xi1>, vector<16xi32>
      %select_n3A_1202 = arith.select %gt3A_1198, %select_n3A_1159, %broadcast_in_dim3A_1197 : vector<16xi1>, vector<16xi32>
      %gt3A_1203 = arith.cmpf ogt, %select_n3A_1200, %select_n3A_1162 : vector<16xf32>
      %select_n3A_1204 = arith.select %gt3A_1203, %select_n3A_1200, %select_n3A_1162 : vector<16xi1>, vector<16xf32>
      %select_n3A_1205 = arith.select %gt3A_1203, %select_n3A_1162, %select_n3A_1200 : vector<16xi1>, vector<16xf32>
      %select_n3A_1206 = arith.select %gt3A_1203, %select_n3A_1202, %select_n3A_1164 : vector<16xi1>, vector<16xi32>
      %select_n3A_1207 = arith.select %gt3A_1203, %select_n3A_1164, %select_n3A_1202 : vector<16xi1>, vector<16xi32>
      %gt3A_1208 = arith.cmpf ogt, %select_n3A_1205, %select_n3A_1167 : vector<16xf32>
      %select_n3A_1209 = arith.select %gt3A_1208, %select_n3A_1205, %select_n3A_1167 : vector<16xi1>, vector<16xf32>
      %select_n3A_1210 = arith.select %gt3A_1208, %select_n3A_1167, %select_n3A_1205 : vector<16xi1>, vector<16xf32>
      %select_n3A_1211 = arith.select %gt3A_1208, %select_n3A_1207, %select_n3A_1169 : vector<16xi1>, vector<16xi32>
      %select_n3A_1212 = arith.select %gt3A_1208, %select_n3A_1169, %select_n3A_1207 : vector<16xi1>, vector<16xi32>
      %gt3A_1213 = arith.cmpf ogt, %select_n3A_1210, %select_n3A_1172 : vector<16xf32>
      %select_n3A_1214 = arith.select %gt3A_1213, %select_n3A_1210, %select_n3A_1172 : vector<16xi1>, vector<16xf32>
      %select_n3A_1215 = arith.select %gt3A_1213, %select_n3A_1172, %select_n3A_1210 : vector<16xi1>, vector<16xf32>
      %select_n3A_1216 = arith.select %gt3A_1213, %select_n3A_1212, %select_n3A_1174 : vector<16xi1>, vector<16xi32>
      %select_n3A_1217 = arith.select %gt3A_1213, %select_n3A_1174, %select_n3A_1212 : vector<16xi1>, vector<16xi32>
      %gt3A_1218 = arith.cmpf ogt, %select_n3A_1215, %select_n3A_1177 : vector<16xf32>
      %select_n3A_1219 = arith.select %gt3A_1218, %select_n3A_1215, %select_n3A_1177 : vector<16xi1>, vector<16xf32>
      %select_n3A_1220 = arith.select %gt3A_1218, %select_n3A_1177, %select_n3A_1215 : vector<16xi1>, vector<16xf32>
      %select_n3A_1221 = arith.select %gt3A_1218, %select_n3A_1217, %select_n3A_1179 : vector<16xi1>, vector<16xi32>
      %select_n3A_1222 = arith.select %gt3A_1218, %select_n3A_1179, %select_n3A_1217 : vector<16xi1>, vector<16xi32>
      %gt3A_1223 = arith.cmpf ogt, %select_n3A_1220, %select_n3A_1182 : vector<16xf32>
      %select_n3A_1224 = arith.select %gt3A_1223, %select_n3A_1220, %select_n3A_1182 : vector<16xi1>, vector<16xf32>
      %select_n3A_1225 = arith.select %gt3A_1223, %select_n3A_1182, %select_n3A_1220 : vector<16xi1>, vector<16xf32>
      %select_n3A_1226 = arith.select %gt3A_1223, %select_n3A_1222, %select_n3A_1184 : vector<16xi1>, vector<16xi32>
      %select_n3A_1227 = arith.select %gt3A_1223, %select_n3A_1184, %select_n3A_1222 : vector<16xi1>, vector<16xi32>
      %gt3A_1228 = arith.cmpf ogt, %select_n3A_1225, %select_n3A_1187 : vector<16xf32>
      %select_n3A_1229 = arith.select %gt3A_1228, %select_n3A_1225, %select_n3A_1187 : vector<16xi1>, vector<16xf32>
      %select_n3A_1230 = arith.select %gt3A_1228, %select_n3A_1187, %select_n3A_1225 : vector<16xi1>, vector<16xf32>
      %select_n3A_1231 = arith.select %gt3A_1228, %select_n3A_1227, %select_n3A_1189 : vector<16xi1>, vector<16xi32>
      %select_n3A_1232 = arith.select %gt3A_1228, %select_n3A_1189, %select_n3A_1227 : vector<16xi1>, vector<16xi32>
      %gt3A_1233 = arith.cmpf ogt, %select_n3A_1230, %select_n3A_1192 : vector<16xf32>
      %select_n3A_1234 = arith.select %gt3A_1233, %select_n3A_1230, %select_n3A_1192 : vector<16xi1>, vector<16xf32>
      %select_n3A_1235 = arith.select %gt3A_1233, %select_n3A_1192, %select_n3A_1230 : vector<16xi1>, vector<16xf32>
      %select_n3A_1236 = arith.select %gt3A_1233, %select_n3A_1232, %select_n3A_1194 : vector<16xi1>, vector<16xi32>
      %select_n3A_1237 = arith.select %gt3A_1233, %select_n3A_1194, %select_n3A_1232 : vector<16xi1>, vector<16xi32>
      %broadcast_in_dim3A_1238 = arith.constant 10 : i32
      %broadcast_in_dim3A_1239 = vector.broadcast %broadcast_in_dim3A_1238 : i32 to vector<16xi32>
      %gt3A_1240 = arith.cmpf ogt, %mul3A_733, %select_n3A_1199 : vector<16xf32>
      %select_n3A_1241 = arith.select %gt3A_1240, %mul3A_733, %select_n3A_1199 : vector<16xi1>, vector<16xf32>
      %select_n3A_1242 = arith.select %gt3A_1240, %select_n3A_1199, %mul3A_733 : vector<16xi1>, vector<16xf32>
      %select_n3A_1243 = arith.select %gt3A_1240, %broadcast_in_dim3A_1239, %select_n3A_1201 : vector<16xi1>, vector<16xi32>
      %select_n3A_1244 = arith.select %gt3A_1240, %select_n3A_1201, %broadcast_in_dim3A_1239 : vector<16xi1>, vector<16xi32>
      %gt3A_1245 = arith.cmpf ogt, %select_n3A_1242, %select_n3A_1204 : vector<16xf32>
      %select_n3A_1246 = arith.select %gt3A_1245, %select_n3A_1242, %select_n3A_1204 : vector<16xi1>, vector<16xf32>
      %select_n3A_1247 = arith.select %gt3A_1245, %select_n3A_1204, %select_n3A_1242 : vector<16xi1>, vector<16xf32>
      %select_n3A_1248 = arith.select %gt3A_1245, %select_n3A_1244, %select_n3A_1206 : vector<16xi1>, vector<16xi32>
      %select_n3A_1249 = arith.select %gt3A_1245, %select_n3A_1206, %select_n3A_1244 : vector<16xi1>, vector<16xi32>
      %gt3A_1250 = arith.cmpf ogt, %select_n3A_1247, %select_n3A_1209 : vector<16xf32>
      %select_n3A_1251 = arith.select %gt3A_1250, %select_n3A_1247, %select_n3A_1209 : vector<16xi1>, vector<16xf32>
      %select_n3A_1252 = arith.select %gt3A_1250, %select_n3A_1209, %select_n3A_1247 : vector<16xi1>, vector<16xf32>
      %select_n3A_1253 = arith.select %gt3A_1250, %select_n3A_1249, %select_n3A_1211 : vector<16xi1>, vector<16xi32>
      %select_n3A_1254 = arith.select %gt3A_1250, %select_n3A_1211, %select_n3A_1249 : vector<16xi1>, vector<16xi32>
      %gt3A_1255 = arith.cmpf ogt, %select_n3A_1252, %select_n3A_1214 : vector<16xf32>
      %select_n3A_1256 = arith.select %gt3A_1255, %select_n3A_1252, %select_n3A_1214 : vector<16xi1>, vector<16xf32>
      %select_n3A_1257 = arith.select %gt3A_1255, %select_n3A_1214, %select_n3A_1252 : vector<16xi1>, vector<16xf32>
      %select_n3A_1258 = arith.select %gt3A_1255, %select_n3A_1254, %select_n3A_1216 : vector<16xi1>, vector<16xi32>
      %select_n3A_1259 = arith.select %gt3A_1255, %select_n3A_1216, %select_n3A_1254 : vector<16xi1>, vector<16xi32>
      %gt3A_1260 = arith.cmpf ogt, %select_n3A_1257, %select_n3A_1219 : vector<16xf32>
      %select_n3A_1261 = arith.select %gt3A_1260, %select_n3A_1257, %select_n3A_1219 : vector<16xi1>, vector<16xf32>
      %select_n3A_1262 = arith.select %gt3A_1260, %select_n3A_1219, %select_n3A_1257 : vector<16xi1>, vector<16xf32>
      %select_n3A_1263 = arith.select %gt3A_1260, %select_n3A_1259, %select_n3A_1221 : vector<16xi1>, vector<16xi32>
      %select_n3A_1264 = arith.select %gt3A_1260, %select_n3A_1221, %select_n3A_1259 : vector<16xi1>, vector<16xi32>
      %gt3A_1265 = arith.cmpf ogt, %select_n3A_1262, %select_n3A_1224 : vector<16xf32>
      %select_n3A_1266 = arith.select %gt3A_1265, %select_n3A_1262, %select_n3A_1224 : vector<16xi1>, vector<16xf32>
      %select_n3A_1267 = arith.select %gt3A_1265, %select_n3A_1224, %select_n3A_1262 : vector<16xi1>, vector<16xf32>
      %select_n3A_1268 = arith.select %gt3A_1265, %select_n3A_1264, %select_n3A_1226 : vector<16xi1>, vector<16xi32>
      %select_n3A_1269 = arith.select %gt3A_1265, %select_n3A_1226, %select_n3A_1264 : vector<16xi1>, vector<16xi32>
      %gt3A_1270 = arith.cmpf ogt, %select_n3A_1267, %select_n3A_1229 : vector<16xf32>
      %select_n3A_1271 = arith.select %gt3A_1270, %select_n3A_1267, %select_n3A_1229 : vector<16xi1>, vector<16xf32>
      %select_n3A_1272 = arith.select %gt3A_1270, %select_n3A_1229, %select_n3A_1267 : vector<16xi1>, vector<16xf32>
      %select_n3A_1273 = arith.select %gt3A_1270, %select_n3A_1269, %select_n3A_1231 : vector<16xi1>, vector<16xi32>
      %select_n3A_1274 = arith.select %gt3A_1270, %select_n3A_1231, %select_n3A_1269 : vector<16xi1>, vector<16xi32>
      %gt3A_1275 = arith.cmpf ogt, %select_n3A_1272, %select_n3A_1234 : vector<16xf32>
      %select_n3A_1276 = arith.select %gt3A_1275, %select_n3A_1272, %select_n3A_1234 : vector<16xi1>, vector<16xf32>
      %select_n3A_1277 = arith.select %gt3A_1275, %select_n3A_1234, %select_n3A_1272 : vector<16xi1>, vector<16xf32>
      %select_n3A_1278 = arith.select %gt3A_1275, %select_n3A_1274, %select_n3A_1236 : vector<16xi1>, vector<16xi32>
      %select_n3A_1279 = arith.select %gt3A_1275, %select_n3A_1236, %select_n3A_1274 : vector<16xi1>, vector<16xi32>
      %broadcast_in_dim3A_1280 = arith.constant 11 : i32
      %broadcast_in_dim3A_1281 = vector.broadcast %broadcast_in_dim3A_1280 : i32 to vector<16xi32>
      %gt3A_1282 = arith.cmpf ogt, %mul3A_734, %select_n3A_1241 : vector<16xf32>
      %select_n3A_1283 = arith.select %gt3A_1282, %mul3A_734, %select_n3A_1241 : vector<16xi1>, vector<16xf32>
      %select_n3A_1284 = arith.select %gt3A_1282, %select_n3A_1241, %mul3A_734 : vector<16xi1>, vector<16xf32>
      %select_n3A_1285 = arith.select %gt3A_1282, %broadcast_in_dim3A_1281, %select_n3A_1243 : vector<16xi1>, vector<16xi32>
      %select_n3A_1286 = arith.select %gt3A_1282, %select_n3A_1243, %broadcast_in_dim3A_1281 : vector<16xi1>, vector<16xi32>
      %gt3A_1287 = arith.cmpf ogt, %select_n3A_1284, %select_n3A_1246 : vector<16xf32>
      %select_n3A_1288 = arith.select %gt3A_1287, %select_n3A_1284, %select_n3A_1246 : vector<16xi1>, vector<16xf32>
      %select_n3A_1289 = arith.select %gt3A_1287, %select_n3A_1246, %select_n3A_1284 : vector<16xi1>, vector<16xf32>
      %select_n3A_1290 = arith.select %gt3A_1287, %select_n3A_1286, %select_n3A_1248 : vector<16xi1>, vector<16xi32>
      %select_n3A_1291 = arith.select %gt3A_1287, %select_n3A_1248, %select_n3A_1286 : vector<16xi1>, vector<16xi32>
      %gt3A_1292 = arith.cmpf ogt, %select_n3A_1289, %select_n3A_1251 : vector<16xf32>
      %select_n3A_1293 = arith.select %gt3A_1292, %select_n3A_1289, %select_n3A_1251 : vector<16xi1>, vector<16xf32>
      %select_n3A_1294 = arith.select %gt3A_1292, %select_n3A_1251, %select_n3A_1289 : vector<16xi1>, vector<16xf32>
      %select_n3A_1295 = arith.select %gt3A_1292, %select_n3A_1291, %select_n3A_1253 : vector<16xi1>, vector<16xi32>
      %select_n3A_1296 = arith.select %gt3A_1292, %select_n3A_1253, %select_n3A_1291 : vector<16xi1>, vector<16xi32>
      %gt3A_1297 = arith.cmpf ogt, %select_n3A_1294, %select_n3A_1256 : vector<16xf32>
      %select_n3A_1298 = arith.select %gt3A_1297, %select_n3A_1294, %select_n3A_1256 : vector<16xi1>, vector<16xf32>
      %select_n3A_1299 = arith.select %gt3A_1297, %select_n3A_1256, %select_n3A_1294 : vector<16xi1>, vector<16xf32>
      %select_n3A_1300 = arith.select %gt3A_1297, %select_n3A_1296, %select_n3A_1258 : vector<16xi1>, vector<16xi32>
      %select_n3A_1301 = arith.select %gt3A_1297, %select_n3A_1258, %select_n3A_1296 : vector<16xi1>, vector<16xi32>
      %gt3A_1302 = arith.cmpf ogt, %select_n3A_1299, %select_n3A_1261 : vector<16xf32>
      %select_n3A_1303 = arith.select %gt3A_1302, %select_n3A_1299, %select_n3A_1261 : vector<16xi1>, vector<16xf32>
      %select_n3A_1304 = arith.select %gt3A_1302, %select_n3A_1261, %select_n3A_1299 : vector<16xi1>, vector<16xf32>
      %select_n3A_1305 = arith.select %gt3A_1302, %select_n3A_1301, %select_n3A_1263 : vector<16xi1>, vector<16xi32>
      %select_n3A_1306 = arith.select %gt3A_1302, %select_n3A_1263, %select_n3A_1301 : vector<16xi1>, vector<16xi32>
      %gt3A_1307 = arith.cmpf ogt, %select_n3A_1304, %select_n3A_1266 : vector<16xf32>
      %select_n3A_1308 = arith.select %gt3A_1307, %select_n3A_1304, %select_n3A_1266 : vector<16xi1>, vector<16xf32>
      %select_n3A_1309 = arith.select %gt3A_1307, %select_n3A_1266, %select_n3A_1304 : vector<16xi1>, vector<16xf32>
      %select_n3A_1310 = arith.select %gt3A_1307, %select_n3A_1306, %select_n3A_1268 : vector<16xi1>, vector<16xi32>
      %select_n3A_1311 = arith.select %gt3A_1307, %select_n3A_1268, %select_n3A_1306 : vector<16xi1>, vector<16xi32>
      %gt3A_1312 = arith.cmpf ogt, %select_n3A_1309, %select_n3A_1271 : vector<16xf32>
      %select_n3A_1313 = arith.select %gt3A_1312, %select_n3A_1309, %select_n3A_1271 : vector<16xi1>, vector<16xf32>
      %select_n3A_1314 = arith.select %gt3A_1312, %select_n3A_1271, %select_n3A_1309 : vector<16xi1>, vector<16xf32>
      %select_n3A_1315 = arith.select %gt3A_1312, %select_n3A_1311, %select_n3A_1273 : vector<16xi1>, vector<16xi32>
      %select_n3A_1316 = arith.select %gt3A_1312, %select_n3A_1273, %select_n3A_1311 : vector<16xi1>, vector<16xi32>
      %gt3A_1317 = arith.cmpf ogt, %select_n3A_1314, %select_n3A_1276 : vector<16xf32>
      %select_n3A_1318 = arith.select %gt3A_1317, %select_n3A_1314, %select_n3A_1276 : vector<16xi1>, vector<16xf32>
      %select_n3A_1319 = arith.select %gt3A_1317, %select_n3A_1276, %select_n3A_1314 : vector<16xi1>, vector<16xf32>
      %select_n3A_1320 = arith.select %gt3A_1317, %select_n3A_1316, %select_n3A_1278 : vector<16xi1>, vector<16xi32>
      %select_n3A_1321 = arith.select %gt3A_1317, %select_n3A_1278, %select_n3A_1316 : vector<16xi1>, vector<16xi32>
      %broadcast_in_dim3A_1322 = arith.constant 12 : i32
      %broadcast_in_dim3A_1323 = vector.broadcast %broadcast_in_dim3A_1322 : i32 to vector<16xi32>
      %gt3A_1324 = arith.cmpf ogt, %mul3A_735, %select_n3A_1283 : vector<16xf32>
      %select_n3A_1325 = arith.select %gt3A_1324, %mul3A_735, %select_n3A_1283 : vector<16xi1>, vector<16xf32>
      %select_n3A_1326 = arith.select %gt3A_1324, %select_n3A_1283, %mul3A_735 : vector<16xi1>, vector<16xf32>
      %select_n3A_1327 = arith.select %gt3A_1324, %broadcast_in_dim3A_1323, %select_n3A_1285 : vector<16xi1>, vector<16xi32>
      %select_n3A_1328 = arith.select %gt3A_1324, %select_n3A_1285, %broadcast_in_dim3A_1323 : vector<16xi1>, vector<16xi32>
      %gt3A_1329 = arith.cmpf ogt, %select_n3A_1326, %select_n3A_1288 : vector<16xf32>
      %select_n3A_1330 = arith.select %gt3A_1329, %select_n3A_1326, %select_n3A_1288 : vector<16xi1>, vector<16xf32>
      %select_n3A_1331 = arith.select %gt3A_1329, %select_n3A_1288, %select_n3A_1326 : vector<16xi1>, vector<16xf32>
      %select_n3A_1332 = arith.select %gt3A_1329, %select_n3A_1328, %select_n3A_1290 : vector<16xi1>, vector<16xi32>
      %select_n3A_1333 = arith.select %gt3A_1329, %select_n3A_1290, %select_n3A_1328 : vector<16xi1>, vector<16xi32>
      %gt3A_1334 = arith.cmpf ogt, %select_n3A_1331, %select_n3A_1293 : vector<16xf32>
      %select_n3A_1335 = arith.select %gt3A_1334, %select_n3A_1331, %select_n3A_1293 : vector<16xi1>, vector<16xf32>
      %select_n3A_1336 = arith.select %gt3A_1334, %select_n3A_1293, %select_n3A_1331 : vector<16xi1>, vector<16xf32>
      %select_n3A_1337 = arith.select %gt3A_1334, %select_n3A_1333, %select_n3A_1295 : vector<16xi1>, vector<16xi32>
      %select_n3A_1338 = arith.select %gt3A_1334, %select_n3A_1295, %select_n3A_1333 : vector<16xi1>, vector<16xi32>
      %gt3A_1339 = arith.cmpf ogt, %select_n3A_1336, %select_n3A_1298 : vector<16xf32>
      %select_n3A_1340 = arith.select %gt3A_1339, %select_n3A_1336, %select_n3A_1298 : vector<16xi1>, vector<16xf32>
      %select_n3A_1341 = arith.select %gt3A_1339, %select_n3A_1298, %select_n3A_1336 : vector<16xi1>, vector<16xf32>
      %select_n3A_1342 = arith.select %gt3A_1339, %select_n3A_1338, %select_n3A_1300 : vector<16xi1>, vector<16xi32>
      %select_n3A_1343 = arith.select %gt3A_1339, %select_n3A_1300, %select_n3A_1338 : vector<16xi1>, vector<16xi32>
      %gt3A_1344 = arith.cmpf ogt, %select_n3A_1341, %select_n3A_1303 : vector<16xf32>
      %select_n3A_1345 = arith.select %gt3A_1344, %select_n3A_1341, %select_n3A_1303 : vector<16xi1>, vector<16xf32>
      %select_n3A_1346 = arith.select %gt3A_1344, %select_n3A_1303, %select_n3A_1341 : vector<16xi1>, vector<16xf32>
      %select_n3A_1347 = arith.select %gt3A_1344, %select_n3A_1343, %select_n3A_1305 : vector<16xi1>, vector<16xi32>
      %select_n3A_1348 = arith.select %gt3A_1344, %select_n3A_1305, %select_n3A_1343 : vector<16xi1>, vector<16xi32>
      %gt3A_1349 = arith.cmpf ogt, %select_n3A_1346, %select_n3A_1308 : vector<16xf32>
      %select_n3A_1350 = arith.select %gt3A_1349, %select_n3A_1346, %select_n3A_1308 : vector<16xi1>, vector<16xf32>
      %select_n3A_1351 = arith.select %gt3A_1349, %select_n3A_1308, %select_n3A_1346 : vector<16xi1>, vector<16xf32>
      %select_n3A_1352 = arith.select %gt3A_1349, %select_n3A_1348, %select_n3A_1310 : vector<16xi1>, vector<16xi32>
      %select_n3A_1353 = arith.select %gt3A_1349, %select_n3A_1310, %select_n3A_1348 : vector<16xi1>, vector<16xi32>
      %gt3A_1354 = arith.cmpf ogt, %select_n3A_1351, %select_n3A_1313 : vector<16xf32>
      %select_n3A_1355 = arith.select %gt3A_1354, %select_n3A_1351, %select_n3A_1313 : vector<16xi1>, vector<16xf32>
      %select_n3A_1356 = arith.select %gt3A_1354, %select_n3A_1313, %select_n3A_1351 : vector<16xi1>, vector<16xf32>
      %select_n3A_1357 = arith.select %gt3A_1354, %select_n3A_1353, %select_n3A_1315 : vector<16xi1>, vector<16xi32>
      %select_n3A_1358 = arith.select %gt3A_1354, %select_n3A_1315, %select_n3A_1353 : vector<16xi1>, vector<16xi32>
      %gt3A_1359 = arith.cmpf ogt, %select_n3A_1356, %select_n3A_1318 : vector<16xf32>
      %select_n3A_1360 = arith.select %gt3A_1359, %select_n3A_1356, %select_n3A_1318 : vector<16xi1>, vector<16xf32>
      %select_n3A_1361 = arith.select %gt3A_1359, %select_n3A_1318, %select_n3A_1356 : vector<16xi1>, vector<16xf32>
      %select_n3A_1362 = arith.select %gt3A_1359, %select_n3A_1358, %select_n3A_1320 : vector<16xi1>, vector<16xi32>
      %select_n3A_1363 = arith.select %gt3A_1359, %select_n3A_1320, %select_n3A_1358 : vector<16xi1>, vector<16xi32>
      %broadcast_in_dim3A_1364 = arith.constant 13 : i32
      %broadcast_in_dim3A_1365 = vector.broadcast %broadcast_in_dim3A_1364 : i32 to vector<16xi32>
      %gt3A_1366 = arith.cmpf ogt, %mul3A_736, %select_n3A_1325 : vector<16xf32>
      %select_n3A_1367 = arith.select %gt3A_1366, %mul3A_736, %select_n3A_1325 : vector<16xi1>, vector<16xf32>
      %select_n3A_1368 = arith.select %gt3A_1366, %select_n3A_1325, %mul3A_736 : vector<16xi1>, vector<16xf32>
      %select_n3A_1369 = arith.select %gt3A_1366, %broadcast_in_dim3A_1365, %select_n3A_1327 : vector<16xi1>, vector<16xi32>
      %select_n3A_1370 = arith.select %gt3A_1366, %select_n3A_1327, %broadcast_in_dim3A_1365 : vector<16xi1>, vector<16xi32>
      %gt3A_1371 = arith.cmpf ogt, %select_n3A_1368, %select_n3A_1330 : vector<16xf32>
      %select_n3A_1372 = arith.select %gt3A_1371, %select_n3A_1368, %select_n3A_1330 : vector<16xi1>, vector<16xf32>
      %select_n3A_1373 = arith.select %gt3A_1371, %select_n3A_1330, %select_n3A_1368 : vector<16xi1>, vector<16xf32>
      %select_n3A_1374 = arith.select %gt3A_1371, %select_n3A_1370, %select_n3A_1332 : vector<16xi1>, vector<16xi32>
      %select_n3A_1375 = arith.select %gt3A_1371, %select_n3A_1332, %select_n3A_1370 : vector<16xi1>, vector<16xi32>
      %gt3A_1376 = arith.cmpf ogt, %select_n3A_1373, %select_n3A_1335 : vector<16xf32>
      %select_n3A_1377 = arith.select %gt3A_1376, %select_n3A_1373, %select_n3A_1335 : vector<16xi1>, vector<16xf32>
      %select_n3A_1378 = arith.select %gt3A_1376, %select_n3A_1335, %select_n3A_1373 : vector<16xi1>, vector<16xf32>
      %select_n3A_1379 = arith.select %gt3A_1376, %select_n3A_1375, %select_n3A_1337 : vector<16xi1>, vector<16xi32>
      %select_n3A_1380 = arith.select %gt3A_1376, %select_n3A_1337, %select_n3A_1375 : vector<16xi1>, vector<16xi32>
      %gt3A_1381 = arith.cmpf ogt, %select_n3A_1378, %select_n3A_1340 : vector<16xf32>
      %select_n3A_1382 = arith.select %gt3A_1381, %select_n3A_1378, %select_n3A_1340 : vector<16xi1>, vector<16xf32>
      %select_n3A_1383 = arith.select %gt3A_1381, %select_n3A_1340, %select_n3A_1378 : vector<16xi1>, vector<16xf32>
      %select_n3A_1384 = arith.select %gt3A_1381, %select_n3A_1380, %select_n3A_1342 : vector<16xi1>, vector<16xi32>
      %select_n3A_1385 = arith.select %gt3A_1381, %select_n3A_1342, %select_n3A_1380 : vector<16xi1>, vector<16xi32>
      %gt3A_1386 = arith.cmpf ogt, %select_n3A_1383, %select_n3A_1345 : vector<16xf32>
      %select_n3A_1387 = arith.select %gt3A_1386, %select_n3A_1383, %select_n3A_1345 : vector<16xi1>, vector<16xf32>
      %select_n3A_1388 = arith.select %gt3A_1386, %select_n3A_1345, %select_n3A_1383 : vector<16xi1>, vector<16xf32>
      %select_n3A_1389 = arith.select %gt3A_1386, %select_n3A_1385, %select_n3A_1347 : vector<16xi1>, vector<16xi32>
      %select_n3A_1390 = arith.select %gt3A_1386, %select_n3A_1347, %select_n3A_1385 : vector<16xi1>, vector<16xi32>
      %gt3A_1391 = arith.cmpf ogt, %select_n3A_1388, %select_n3A_1350 : vector<16xf32>
      %select_n3A_1392 = arith.select %gt3A_1391, %select_n3A_1388, %select_n3A_1350 : vector<16xi1>, vector<16xf32>
      %select_n3A_1393 = arith.select %gt3A_1391, %select_n3A_1350, %select_n3A_1388 : vector<16xi1>, vector<16xf32>
      %select_n3A_1394 = arith.select %gt3A_1391, %select_n3A_1390, %select_n3A_1352 : vector<16xi1>, vector<16xi32>
      %select_n3A_1395 = arith.select %gt3A_1391, %select_n3A_1352, %select_n3A_1390 : vector<16xi1>, vector<16xi32>
      %gt3A_1396 = arith.cmpf ogt, %select_n3A_1393, %select_n3A_1355 : vector<16xf32>
      %select_n3A_1397 = arith.select %gt3A_1396, %select_n3A_1393, %select_n3A_1355 : vector<16xi1>, vector<16xf32>
      %select_n3A_1398 = arith.select %gt3A_1396, %select_n3A_1355, %select_n3A_1393 : vector<16xi1>, vector<16xf32>
      %select_n3A_1399 = arith.select %gt3A_1396, %select_n3A_1395, %select_n3A_1357 : vector<16xi1>, vector<16xi32>
      %select_n3A_1400 = arith.select %gt3A_1396, %select_n3A_1357, %select_n3A_1395 : vector<16xi1>, vector<16xi32>
      %gt3A_1401 = arith.cmpf ogt, %select_n3A_1398, %select_n3A_1360 : vector<16xf32>
      %select_n3A_1402 = arith.select %gt3A_1401, %select_n3A_1398, %select_n3A_1360 : vector<16xi1>, vector<16xf32>
      %select_n3A_1403 = arith.select %gt3A_1401, %select_n3A_1360, %select_n3A_1398 : vector<16xi1>, vector<16xf32>
      %select_n3A_1404 = arith.select %gt3A_1401, %select_n3A_1400, %select_n3A_1362 : vector<16xi1>, vector<16xi32>
      %select_n3A_1405 = arith.select %gt3A_1401, %select_n3A_1362, %select_n3A_1400 : vector<16xi1>, vector<16xi32>
      %broadcast_in_dim3A_1406 = arith.constant 14 : i32
      %broadcast_in_dim3A_1407 = vector.broadcast %broadcast_in_dim3A_1406 : i32 to vector<16xi32>
      %gt3A_1408 = arith.cmpf ogt, %mul3A_737, %select_n3A_1367 : vector<16xf32>
      %select_n3A_1409 = arith.select %gt3A_1408, %mul3A_737, %select_n3A_1367 : vector<16xi1>, vector<16xf32>
      %select_n3A_1410 = arith.select %gt3A_1408, %select_n3A_1367, %mul3A_737 : vector<16xi1>, vector<16xf32>
      %select_n3A_1411 = arith.select %gt3A_1408, %broadcast_in_dim3A_1407, %select_n3A_1369 : vector<16xi1>, vector<16xi32>
      %select_n3A_1412 = arith.select %gt3A_1408, %select_n3A_1369, %broadcast_in_dim3A_1407 : vector<16xi1>, vector<16xi32>
      %gt3A_1413 = arith.cmpf ogt, %select_n3A_1410, %select_n3A_1372 : vector<16xf32>
      %select_n3A_1414 = arith.select %gt3A_1413, %select_n3A_1410, %select_n3A_1372 : vector<16xi1>, vector<16xf32>
      %select_n3A_1415 = arith.select %gt3A_1413, %select_n3A_1372, %select_n3A_1410 : vector<16xi1>, vector<16xf32>
      %select_n3A_1416 = arith.select %gt3A_1413, %select_n3A_1412, %select_n3A_1374 : vector<16xi1>, vector<16xi32>
      %select_n3A_1417 = arith.select %gt3A_1413, %select_n3A_1374, %select_n3A_1412 : vector<16xi1>, vector<16xi32>
      %gt3A_1418 = arith.cmpf ogt, %select_n3A_1415, %select_n3A_1377 : vector<16xf32>
      %select_n3A_1419 = arith.select %gt3A_1418, %select_n3A_1415, %select_n3A_1377 : vector<16xi1>, vector<16xf32>
      %select_n3A_1420 = arith.select %gt3A_1418, %select_n3A_1377, %select_n3A_1415 : vector<16xi1>, vector<16xf32>
      %select_n3A_1421 = arith.select %gt3A_1418, %select_n3A_1417, %select_n3A_1379 : vector<16xi1>, vector<16xi32>
      %select_n3A_1422 = arith.select %gt3A_1418, %select_n3A_1379, %select_n3A_1417 : vector<16xi1>, vector<16xi32>
      %gt3A_1423 = arith.cmpf ogt, %select_n3A_1420, %select_n3A_1382 : vector<16xf32>
      %select_n3A_1424 = arith.select %gt3A_1423, %select_n3A_1420, %select_n3A_1382 : vector<16xi1>, vector<16xf32>
      %select_n3A_1425 = arith.select %gt3A_1423, %select_n3A_1382, %select_n3A_1420 : vector<16xi1>, vector<16xf32>
      %select_n3A_1426 = arith.select %gt3A_1423, %select_n3A_1422, %select_n3A_1384 : vector<16xi1>, vector<16xi32>
      %select_n3A_1427 = arith.select %gt3A_1423, %select_n3A_1384, %select_n3A_1422 : vector<16xi1>, vector<16xi32>
      %gt3A_1428 = arith.cmpf ogt, %select_n3A_1425, %select_n3A_1387 : vector<16xf32>
      %select_n3A_1429 = arith.select %gt3A_1428, %select_n3A_1425, %select_n3A_1387 : vector<16xi1>, vector<16xf32>
      %select_n3A_1430 = arith.select %gt3A_1428, %select_n3A_1387, %select_n3A_1425 : vector<16xi1>, vector<16xf32>
      %select_n3A_1431 = arith.select %gt3A_1428, %select_n3A_1427, %select_n3A_1389 : vector<16xi1>, vector<16xi32>
      %select_n3A_1432 = arith.select %gt3A_1428, %select_n3A_1389, %select_n3A_1427 : vector<16xi1>, vector<16xi32>
      %gt3A_1433 = arith.cmpf ogt, %select_n3A_1430, %select_n3A_1392 : vector<16xf32>
      %select_n3A_1434 = arith.select %gt3A_1433, %select_n3A_1430, %select_n3A_1392 : vector<16xi1>, vector<16xf32>
      %select_n3A_1435 = arith.select %gt3A_1433, %select_n3A_1392, %select_n3A_1430 : vector<16xi1>, vector<16xf32>
      %select_n3A_1436 = arith.select %gt3A_1433, %select_n3A_1432, %select_n3A_1394 : vector<16xi1>, vector<16xi32>
      %select_n3A_1437 = arith.select %gt3A_1433, %select_n3A_1394, %select_n3A_1432 : vector<16xi1>, vector<16xi32>
      %gt3A_1438 = arith.cmpf ogt, %select_n3A_1435, %select_n3A_1397 : vector<16xf32>
      %select_n3A_1439 = arith.select %gt3A_1438, %select_n3A_1435, %select_n3A_1397 : vector<16xi1>, vector<16xf32>
      %select_n3A_1440 = arith.select %gt3A_1438, %select_n3A_1397, %select_n3A_1435 : vector<16xi1>, vector<16xf32>
      %select_n3A_1441 = arith.select %gt3A_1438, %select_n3A_1437, %select_n3A_1399 : vector<16xi1>, vector<16xi32>
      %select_n3A_1442 = arith.select %gt3A_1438, %select_n3A_1399, %select_n3A_1437 : vector<16xi1>, vector<16xi32>
      %gt3A_1443 = arith.cmpf ogt, %select_n3A_1440, %select_n3A_1402 : vector<16xf32>
      %select_n3A_1444 = arith.select %gt3A_1443, %select_n3A_1440, %select_n3A_1402 : vector<16xi1>, vector<16xf32>
      %select_n3A_1445 = arith.select %gt3A_1443, %select_n3A_1402, %select_n3A_1440 : vector<16xi1>, vector<16xf32>
      %select_n3A_1446 = arith.select %gt3A_1443, %select_n3A_1442, %select_n3A_1404 : vector<16xi1>, vector<16xi32>
      %select_n3A_1447 = arith.select %gt3A_1443, %select_n3A_1404, %select_n3A_1442 : vector<16xi1>, vector<16xi32>
      %broadcast_in_dim3A_1448 = arith.constant 15 : i32
      %broadcast_in_dim3A_1449 = vector.broadcast %broadcast_in_dim3A_1448 : i32 to vector<16xi32>
      %gt3A_1450 = arith.cmpf ogt, %mul3A_738, %select_n3A_1409 : vector<16xf32>
      %select_n3A_1451 = arith.select %gt3A_1450, %mul3A_738, %select_n3A_1409 : vector<16xi1>, vector<16xf32>
      %select_n3A_1452 = arith.select %gt3A_1450, %select_n3A_1409, %mul3A_738 : vector<16xi1>, vector<16xf32>
      %select_n3A_1453 = arith.select %gt3A_1450, %broadcast_in_dim3A_1449, %select_n3A_1411 : vector<16xi1>, vector<16xi32>
      %select_n3A_1454 = arith.select %gt3A_1450, %select_n3A_1411, %broadcast_in_dim3A_1449 : vector<16xi1>, vector<16xi32>
      %gt3A_1455 = arith.cmpf ogt, %select_n3A_1452, %select_n3A_1414 : vector<16xf32>
      %select_n3A_1456 = arith.select %gt3A_1455, %select_n3A_1452, %select_n3A_1414 : vector<16xi1>, vector<16xf32>
      %select_n3A_1457 = arith.select %gt3A_1455, %select_n3A_1414, %select_n3A_1452 : vector<16xi1>, vector<16xf32>
      %select_n3A_1458 = arith.select %gt3A_1455, %select_n3A_1454, %select_n3A_1416 : vector<16xi1>, vector<16xi32>
      %select_n3A_1459 = arith.select %gt3A_1455, %select_n3A_1416, %select_n3A_1454 : vector<16xi1>, vector<16xi32>
      %gt3A_1460 = arith.cmpf ogt, %select_n3A_1457, %select_n3A_1419 : vector<16xf32>
      %select_n3A_1461 = arith.select %gt3A_1460, %select_n3A_1457, %select_n3A_1419 : vector<16xi1>, vector<16xf32>
      %select_n3A_1462 = arith.select %gt3A_1460, %select_n3A_1419, %select_n3A_1457 : vector<16xi1>, vector<16xf32>
      %select_n3A_1463 = arith.select %gt3A_1460, %select_n3A_1459, %select_n3A_1421 : vector<16xi1>, vector<16xi32>
      %select_n3A_1464 = arith.select %gt3A_1460, %select_n3A_1421, %select_n3A_1459 : vector<16xi1>, vector<16xi32>
      %gt3A_1465 = arith.cmpf ogt, %select_n3A_1462, %select_n3A_1424 : vector<16xf32>
      %select_n3A_1466 = arith.select %gt3A_1465, %select_n3A_1462, %select_n3A_1424 : vector<16xi1>, vector<16xf32>
      %select_n3A_1467 = arith.select %gt3A_1465, %select_n3A_1424, %select_n3A_1462 : vector<16xi1>, vector<16xf32>
      %select_n3A_1468 = arith.select %gt3A_1465, %select_n3A_1464, %select_n3A_1426 : vector<16xi1>, vector<16xi32>
      %select_n3A_1469 = arith.select %gt3A_1465, %select_n3A_1426, %select_n3A_1464 : vector<16xi1>, vector<16xi32>
      %gt3A_1470 = arith.cmpf ogt, %select_n3A_1467, %select_n3A_1429 : vector<16xf32>
      %select_n3A_1471 = arith.select %gt3A_1470, %select_n3A_1467, %select_n3A_1429 : vector<16xi1>, vector<16xf32>
      %select_n3A_1472 = arith.select %gt3A_1470, %select_n3A_1429, %select_n3A_1467 : vector<16xi1>, vector<16xf32>
      %select_n3A_1473 = arith.select %gt3A_1470, %select_n3A_1469, %select_n3A_1431 : vector<16xi1>, vector<16xi32>
      %select_n3A_1474 = arith.select %gt3A_1470, %select_n3A_1431, %select_n3A_1469 : vector<16xi1>, vector<16xi32>
      %gt3A_1475 = arith.cmpf ogt, %select_n3A_1472, %select_n3A_1434 : vector<16xf32>
      %select_n3A_1476 = arith.select %gt3A_1475, %select_n3A_1472, %select_n3A_1434 : vector<16xi1>, vector<16xf32>
      %select_n3A_1477 = arith.select %gt3A_1475, %select_n3A_1434, %select_n3A_1472 : vector<16xi1>, vector<16xf32>
      %select_n3A_1478 = arith.select %gt3A_1475, %select_n3A_1474, %select_n3A_1436 : vector<16xi1>, vector<16xi32>
      %select_n3A_1479 = arith.select %gt3A_1475, %select_n3A_1436, %select_n3A_1474 : vector<16xi1>, vector<16xi32>
      %gt3A_1480 = arith.cmpf ogt, %select_n3A_1477, %select_n3A_1439 : vector<16xf32>
      %select_n3A_1481 = arith.select %gt3A_1480, %select_n3A_1477, %select_n3A_1439 : vector<16xi1>, vector<16xf32>
      %select_n3A_1482 = arith.select %gt3A_1480, %select_n3A_1439, %select_n3A_1477 : vector<16xi1>, vector<16xf32>
      %select_n3A_1483 = arith.select %gt3A_1480, %select_n3A_1479, %select_n3A_1441 : vector<16xi1>, vector<16xi32>
      %select_n3A_1484 = arith.select %gt3A_1480, %select_n3A_1441, %select_n3A_1479 : vector<16xi1>, vector<16xi32>
      %gt3A_1485 = arith.cmpf ogt, %select_n3A_1482, %select_n3A_1444 : vector<16xf32>
      %select_n3A_1486 = arith.select %gt3A_1485, %select_n3A_1482, %select_n3A_1444 : vector<16xi1>, vector<16xf32>
      %select_n3A_1487 = arith.select %gt3A_1485, %select_n3A_1444, %select_n3A_1482 : vector<16xi1>, vector<16xf32>
      %select_n3A_1488 = arith.select %gt3A_1485, %select_n3A_1484, %select_n3A_1446 : vector<16xi1>, vector<16xi32>
      %select_n3A_1489 = arith.select %gt3A_1485, %select_n3A_1446, %select_n3A_1484 : vector<16xi1>, vector<16xi32>
      %broadcast_in_dim3A_1490 = arith.constant 16 : i32
      %broadcast_in_dim3A_1491 = vector.broadcast %broadcast_in_dim3A_1490 : i32 to vector<16xi32>
      %gt3A_1492 = arith.cmpf ogt, %mul3A_739, %select_n3A_1451 : vector<16xf32>
      %select_n3A_1493 = arith.select %gt3A_1492, %mul3A_739, %select_n3A_1451 : vector<16xi1>, vector<16xf32>
      %select_n3A_1494 = arith.select %gt3A_1492, %select_n3A_1451, %mul3A_739 : vector<16xi1>, vector<16xf32>
      %select_n3A_1495 = arith.select %gt3A_1492, %broadcast_in_dim3A_1491, %select_n3A_1453 : vector<16xi1>, vector<16xi32>
      %select_n3A_1496 = arith.select %gt3A_1492, %select_n3A_1453, %broadcast_in_dim3A_1491 : vector<16xi1>, vector<16xi32>
      %gt3A_1497 = arith.cmpf ogt, %select_n3A_1494, %select_n3A_1456 : vector<16xf32>
      %select_n3A_1498 = arith.select %gt3A_1497, %select_n3A_1494, %select_n3A_1456 : vector<16xi1>, vector<16xf32>
      %select_n3A_1499 = arith.select %gt3A_1497, %select_n3A_1456, %select_n3A_1494 : vector<16xi1>, vector<16xf32>
      %select_n3A_1500 = arith.select %gt3A_1497, %select_n3A_1496, %select_n3A_1458 : vector<16xi1>, vector<16xi32>
      %select_n3A_1501 = arith.select %gt3A_1497, %select_n3A_1458, %select_n3A_1496 : vector<16xi1>, vector<16xi32>
      %gt3A_1502 = arith.cmpf ogt, %select_n3A_1499, %select_n3A_1461 : vector<16xf32>
      %select_n3A_1503 = arith.select %gt3A_1502, %select_n3A_1499, %select_n3A_1461 : vector<16xi1>, vector<16xf32>
      %select_n3A_1504 = arith.select %gt3A_1502, %select_n3A_1461, %select_n3A_1499 : vector<16xi1>, vector<16xf32>
      %select_n3A_1505 = arith.select %gt3A_1502, %select_n3A_1501, %select_n3A_1463 : vector<16xi1>, vector<16xi32>
      %select_n3A_1506 = arith.select %gt3A_1502, %select_n3A_1463, %select_n3A_1501 : vector<16xi1>, vector<16xi32>
      %gt3A_1507 = arith.cmpf ogt, %select_n3A_1504, %select_n3A_1466 : vector<16xf32>
      %select_n3A_1508 = arith.select %gt3A_1507, %select_n3A_1504, %select_n3A_1466 : vector<16xi1>, vector<16xf32>
      %select_n3A_1509 = arith.select %gt3A_1507, %select_n3A_1466, %select_n3A_1504 : vector<16xi1>, vector<16xf32>
      %select_n3A_1510 = arith.select %gt3A_1507, %select_n3A_1506, %select_n3A_1468 : vector<16xi1>, vector<16xi32>
      %select_n3A_1511 = arith.select %gt3A_1507, %select_n3A_1468, %select_n3A_1506 : vector<16xi1>, vector<16xi32>
      %gt3A_1512 = arith.cmpf ogt, %select_n3A_1509, %select_n3A_1471 : vector<16xf32>
      %select_n3A_1513 = arith.select %gt3A_1512, %select_n3A_1509, %select_n3A_1471 : vector<16xi1>, vector<16xf32>
      %select_n3A_1514 = arith.select %gt3A_1512, %select_n3A_1471, %select_n3A_1509 : vector<16xi1>, vector<16xf32>
      %select_n3A_1515 = arith.select %gt3A_1512, %select_n3A_1511, %select_n3A_1473 : vector<16xi1>, vector<16xi32>
      %select_n3A_1516 = arith.select %gt3A_1512, %select_n3A_1473, %select_n3A_1511 : vector<16xi1>, vector<16xi32>
      %gt3A_1517 = arith.cmpf ogt, %select_n3A_1514, %select_n3A_1476 : vector<16xf32>
      %select_n3A_1518 = arith.select %gt3A_1517, %select_n3A_1514, %select_n3A_1476 : vector<16xi1>, vector<16xf32>
      %select_n3A_1519 = arith.select %gt3A_1517, %select_n3A_1476, %select_n3A_1514 : vector<16xi1>, vector<16xf32>
      %select_n3A_1520 = arith.select %gt3A_1517, %select_n3A_1516, %select_n3A_1478 : vector<16xi1>, vector<16xi32>
      %select_n3A_1521 = arith.select %gt3A_1517, %select_n3A_1478, %select_n3A_1516 : vector<16xi1>, vector<16xi32>
      %gt3A_1522 = arith.cmpf ogt, %select_n3A_1519, %select_n3A_1481 : vector<16xf32>
      %select_n3A_1523 = arith.select %gt3A_1522, %select_n3A_1519, %select_n3A_1481 : vector<16xi1>, vector<16xf32>
      %select_n3A_1524 = arith.select %gt3A_1522, %select_n3A_1481, %select_n3A_1519 : vector<16xi1>, vector<16xf32>
      %select_n3A_1525 = arith.select %gt3A_1522, %select_n3A_1521, %select_n3A_1483 : vector<16xi1>, vector<16xi32>
      %select_n3A_1526 = arith.select %gt3A_1522, %select_n3A_1483, %select_n3A_1521 : vector<16xi1>, vector<16xi32>
      %gt3A_1527 = arith.cmpf ogt, %select_n3A_1524, %select_n3A_1486 : vector<16xf32>
      %select_n3A_1528 = arith.select %gt3A_1527, %select_n3A_1524, %select_n3A_1486 : vector<16xi1>, vector<16xf32>
      %select_n3A_1529 = arith.select %gt3A_1527, %select_n3A_1486, %select_n3A_1524 : vector<16xi1>, vector<16xf32>
      %select_n3A_1530 = arith.select %gt3A_1527, %select_n3A_1526, %select_n3A_1488 : vector<16xi1>, vector<16xi32>
      %select_n3A_1531 = arith.select %gt3A_1527, %select_n3A_1488, %select_n3A_1526 : vector<16xi1>, vector<16xi32>
      %broadcast_in_dim3A_1532 = arith.constant 17 : i32
      %broadcast_in_dim3A_1533 = vector.broadcast %broadcast_in_dim3A_1532 : i32 to vector<16xi32>
      %gt3A_1534 = arith.cmpf ogt, %mul3A_740, %select_n3A_1493 : vector<16xf32>
      %select_n3A_1535 = arith.select %gt3A_1534, %mul3A_740, %select_n3A_1493 : vector<16xi1>, vector<16xf32>
      %select_n3A_1536 = arith.select %gt3A_1534, %select_n3A_1493, %mul3A_740 : vector<16xi1>, vector<16xf32>
      %select_n3A_1537 = arith.select %gt3A_1534, %broadcast_in_dim3A_1533, %select_n3A_1495 : vector<16xi1>, vector<16xi32>
      %select_n3A_1538 = arith.select %gt3A_1534, %select_n3A_1495, %broadcast_in_dim3A_1533 : vector<16xi1>, vector<16xi32>
      %gt3A_1539 = arith.cmpf ogt, %select_n3A_1536, %select_n3A_1498 : vector<16xf32>
      %select_n3A_1540 = arith.select %gt3A_1539, %select_n3A_1536, %select_n3A_1498 : vector<16xi1>, vector<16xf32>
      %select_n3A_1541 = arith.select %gt3A_1539, %select_n3A_1498, %select_n3A_1536 : vector<16xi1>, vector<16xf32>
      %select_n3A_1542 = arith.select %gt3A_1539, %select_n3A_1538, %select_n3A_1500 : vector<16xi1>, vector<16xi32>
      %select_n3A_1543 = arith.select %gt3A_1539, %select_n3A_1500, %select_n3A_1538 : vector<16xi1>, vector<16xi32>
      %gt3A_1544 = arith.cmpf ogt, %select_n3A_1541, %select_n3A_1503 : vector<16xf32>
      %select_n3A_1545 = arith.select %gt3A_1544, %select_n3A_1541, %select_n3A_1503 : vector<16xi1>, vector<16xf32>
      %select_n3A_1546 = arith.select %gt3A_1544, %select_n3A_1503, %select_n3A_1541 : vector<16xi1>, vector<16xf32>
      %select_n3A_1547 = arith.select %gt3A_1544, %select_n3A_1543, %select_n3A_1505 : vector<16xi1>, vector<16xi32>
      %select_n3A_1548 = arith.select %gt3A_1544, %select_n3A_1505, %select_n3A_1543 : vector<16xi1>, vector<16xi32>
      %gt3A_1549 = arith.cmpf ogt, %select_n3A_1546, %select_n3A_1508 : vector<16xf32>
      %select_n3A_1550 = arith.select %gt3A_1549, %select_n3A_1546, %select_n3A_1508 : vector<16xi1>, vector<16xf32>
      %select_n3A_1551 = arith.select %gt3A_1549, %select_n3A_1508, %select_n3A_1546 : vector<16xi1>, vector<16xf32>
      %select_n3A_1552 = arith.select %gt3A_1549, %select_n3A_1548, %select_n3A_1510 : vector<16xi1>, vector<16xi32>
      %select_n3A_1553 = arith.select %gt3A_1549, %select_n3A_1510, %select_n3A_1548 : vector<16xi1>, vector<16xi32>
      %gt3A_1554 = arith.cmpf ogt, %select_n3A_1551, %select_n3A_1513 : vector<16xf32>
      %select_n3A_1555 = arith.select %gt3A_1554, %select_n3A_1551, %select_n3A_1513 : vector<16xi1>, vector<16xf32>
      %select_n3A_1556 = arith.select %gt3A_1554, %select_n3A_1513, %select_n3A_1551 : vector<16xi1>, vector<16xf32>
      %select_n3A_1557 = arith.select %gt3A_1554, %select_n3A_1553, %select_n3A_1515 : vector<16xi1>, vector<16xi32>
      %select_n3A_1558 = arith.select %gt3A_1554, %select_n3A_1515, %select_n3A_1553 : vector<16xi1>, vector<16xi32>
      %gt3A_1559 = arith.cmpf ogt, %select_n3A_1556, %select_n3A_1518 : vector<16xf32>
      %select_n3A_1560 = arith.select %gt3A_1559, %select_n3A_1556, %select_n3A_1518 : vector<16xi1>, vector<16xf32>
      %select_n3A_1561 = arith.select %gt3A_1559, %select_n3A_1518, %select_n3A_1556 : vector<16xi1>, vector<16xf32>
      %select_n3A_1562 = arith.select %gt3A_1559, %select_n3A_1558, %select_n3A_1520 : vector<16xi1>, vector<16xi32>
      %select_n3A_1563 = arith.select %gt3A_1559, %select_n3A_1520, %select_n3A_1558 : vector<16xi1>, vector<16xi32>
      %gt3A_1564 = arith.cmpf ogt, %select_n3A_1561, %select_n3A_1523 : vector<16xf32>
      %select_n3A_1565 = arith.select %gt3A_1564, %select_n3A_1561, %select_n3A_1523 : vector<16xi1>, vector<16xf32>
      %select_n3A_1566 = arith.select %gt3A_1564, %select_n3A_1523, %select_n3A_1561 : vector<16xi1>, vector<16xf32>
      %select_n3A_1567 = arith.select %gt3A_1564, %select_n3A_1563, %select_n3A_1525 : vector<16xi1>, vector<16xi32>
      %select_n3A_1568 = arith.select %gt3A_1564, %select_n3A_1525, %select_n3A_1563 : vector<16xi1>, vector<16xi32>
      %gt3A_1569 = arith.cmpf ogt, %select_n3A_1566, %select_n3A_1528 : vector<16xf32>
      %select_n3A_1570 = arith.select %gt3A_1569, %select_n3A_1566, %select_n3A_1528 : vector<16xi1>, vector<16xf32>
      %select_n3A_1571 = arith.select %gt3A_1569, %select_n3A_1528, %select_n3A_1566 : vector<16xi1>, vector<16xf32>
      %select_n3A_1572 = arith.select %gt3A_1569, %select_n3A_1568, %select_n3A_1530 : vector<16xi1>, vector<16xi32>
      %select_n3A_1573 = arith.select %gt3A_1569, %select_n3A_1530, %select_n3A_1568 : vector<16xi1>, vector<16xi32>
      %broadcast_in_dim3A_1574 = arith.constant 18 : i32
      %broadcast_in_dim3A_1575 = vector.broadcast %broadcast_in_dim3A_1574 : i32 to vector<16xi32>
      %gt3A_1576 = arith.cmpf ogt, %mul3A_741, %select_n3A_1535 : vector<16xf32>
      %select_n3A_1577 = arith.select %gt3A_1576, %mul3A_741, %select_n3A_1535 : vector<16xi1>, vector<16xf32>
      %select_n3A_1578 = arith.select %gt3A_1576, %select_n3A_1535, %mul3A_741 : vector<16xi1>, vector<16xf32>
      %select_n3A_1579 = arith.select %gt3A_1576, %broadcast_in_dim3A_1575, %select_n3A_1537 : vector<16xi1>, vector<16xi32>
      %select_n3A_1580 = arith.select %gt3A_1576, %select_n3A_1537, %broadcast_in_dim3A_1575 : vector<16xi1>, vector<16xi32>
      %gt3A_1581 = arith.cmpf ogt, %select_n3A_1578, %select_n3A_1540 : vector<16xf32>
      %select_n3A_1582 = arith.select %gt3A_1581, %select_n3A_1578, %select_n3A_1540 : vector<16xi1>, vector<16xf32>
      %select_n3A_1583 = arith.select %gt3A_1581, %select_n3A_1540, %select_n3A_1578 : vector<16xi1>, vector<16xf32>
      %select_n3A_1584 = arith.select %gt3A_1581, %select_n3A_1580, %select_n3A_1542 : vector<16xi1>, vector<16xi32>
      %select_n3A_1585 = arith.select %gt3A_1581, %select_n3A_1542, %select_n3A_1580 : vector<16xi1>, vector<16xi32>
      %gt3A_1586 = arith.cmpf ogt, %select_n3A_1583, %select_n3A_1545 : vector<16xf32>
      %select_n3A_1587 = arith.select %gt3A_1586, %select_n3A_1583, %select_n3A_1545 : vector<16xi1>, vector<16xf32>
      %select_n3A_1588 = arith.select %gt3A_1586, %select_n3A_1545, %select_n3A_1583 : vector<16xi1>, vector<16xf32>
      %select_n3A_1589 = arith.select %gt3A_1586, %select_n3A_1585, %select_n3A_1547 : vector<16xi1>, vector<16xi32>
      %select_n3A_1590 = arith.select %gt3A_1586, %select_n3A_1547, %select_n3A_1585 : vector<16xi1>, vector<16xi32>
      %gt3A_1591 = arith.cmpf ogt, %select_n3A_1588, %select_n3A_1550 : vector<16xf32>
      %select_n3A_1592 = arith.select %gt3A_1591, %select_n3A_1588, %select_n3A_1550 : vector<16xi1>, vector<16xf32>
      %select_n3A_1593 = arith.select %gt3A_1591, %select_n3A_1550, %select_n3A_1588 : vector<16xi1>, vector<16xf32>
      %select_n3A_1594 = arith.select %gt3A_1591, %select_n3A_1590, %select_n3A_1552 : vector<16xi1>, vector<16xi32>
      %select_n3A_1595 = arith.select %gt3A_1591, %select_n3A_1552, %select_n3A_1590 : vector<16xi1>, vector<16xi32>
      %gt3A_1596 = arith.cmpf ogt, %select_n3A_1593, %select_n3A_1555 : vector<16xf32>
      %select_n3A_1597 = arith.select %gt3A_1596, %select_n3A_1593, %select_n3A_1555 : vector<16xi1>, vector<16xf32>
      %select_n3A_1598 = arith.select %gt3A_1596, %select_n3A_1555, %select_n3A_1593 : vector<16xi1>, vector<16xf32>
      %select_n3A_1599 = arith.select %gt3A_1596, %select_n3A_1595, %select_n3A_1557 : vector<16xi1>, vector<16xi32>
      %select_n3A_1600 = arith.select %gt3A_1596, %select_n3A_1557, %select_n3A_1595 : vector<16xi1>, vector<16xi32>
      %gt3A_1601 = arith.cmpf ogt, %select_n3A_1598, %select_n3A_1560 : vector<16xf32>
      %select_n3A_1602 = arith.select %gt3A_1601, %select_n3A_1598, %select_n3A_1560 : vector<16xi1>, vector<16xf32>
      %select_n3A_1603 = arith.select %gt3A_1601, %select_n3A_1560, %select_n3A_1598 : vector<16xi1>, vector<16xf32>
      %select_n3A_1604 = arith.select %gt3A_1601, %select_n3A_1600, %select_n3A_1562 : vector<16xi1>, vector<16xi32>
      %select_n3A_1605 = arith.select %gt3A_1601, %select_n3A_1562, %select_n3A_1600 : vector<16xi1>, vector<16xi32>
      %gt3A_1606 = arith.cmpf ogt, %select_n3A_1603, %select_n3A_1565 : vector<16xf32>
      %select_n3A_1607 = arith.select %gt3A_1606, %select_n3A_1603, %select_n3A_1565 : vector<16xi1>, vector<16xf32>
      %select_n3A_1608 = arith.select %gt3A_1606, %select_n3A_1565, %select_n3A_1603 : vector<16xi1>, vector<16xf32>
      %select_n3A_1609 = arith.select %gt3A_1606, %select_n3A_1605, %select_n3A_1567 : vector<16xi1>, vector<16xi32>
      %select_n3A_1610 = arith.select %gt3A_1606, %select_n3A_1567, %select_n3A_1605 : vector<16xi1>, vector<16xi32>
      %gt3A_1611 = arith.cmpf ogt, %select_n3A_1608, %select_n3A_1570 : vector<16xf32>
      %select_n3A_1612 = arith.select %gt3A_1611, %select_n3A_1608, %select_n3A_1570 : vector<16xi1>, vector<16xf32>
      %select_n3A_1613 = arith.select %gt3A_1611, %select_n3A_1570, %select_n3A_1608 : vector<16xi1>, vector<16xf32>
      %select_n3A_1614 = arith.select %gt3A_1611, %select_n3A_1610, %select_n3A_1572 : vector<16xi1>, vector<16xi32>
      %select_n3A_1615 = arith.select %gt3A_1611, %select_n3A_1572, %select_n3A_1610 : vector<16xi1>, vector<16xi32>
      %broadcast_in_dim3A_1616 = arith.constant 19 : i32
      %broadcast_in_dim3A_1617 = vector.broadcast %broadcast_in_dim3A_1616 : i32 to vector<16xi32>
      %gt3A_1618 = arith.cmpf ogt, %mul3A_742, %select_n3A_1577 : vector<16xf32>
      %select_n3A_1619 = arith.select %gt3A_1618, %mul3A_742, %select_n3A_1577 : vector<16xi1>, vector<16xf32>
      %select_n3A_1620 = arith.select %gt3A_1618, %select_n3A_1577, %mul3A_742 : vector<16xi1>, vector<16xf32>
      %select_n3A_1621 = arith.select %gt3A_1618, %broadcast_in_dim3A_1617, %select_n3A_1579 : vector<16xi1>, vector<16xi32>
      %select_n3A_1622 = arith.select %gt3A_1618, %select_n3A_1579, %broadcast_in_dim3A_1617 : vector<16xi1>, vector<16xi32>
      %gt3A_1623 = arith.cmpf ogt, %select_n3A_1620, %select_n3A_1582 : vector<16xf32>
      %select_n3A_1624 = arith.select %gt3A_1623, %select_n3A_1620, %select_n3A_1582 : vector<16xi1>, vector<16xf32>
      %select_n3A_1625 = arith.select %gt3A_1623, %select_n3A_1582, %select_n3A_1620 : vector<16xi1>, vector<16xf32>
      %select_n3A_1626 = arith.select %gt3A_1623, %select_n3A_1622, %select_n3A_1584 : vector<16xi1>, vector<16xi32>
      %select_n3A_1627 = arith.select %gt3A_1623, %select_n3A_1584, %select_n3A_1622 : vector<16xi1>, vector<16xi32>
      %gt3A_1628 = arith.cmpf ogt, %select_n3A_1625, %select_n3A_1587 : vector<16xf32>
      %select_n3A_1629 = arith.select %gt3A_1628, %select_n3A_1625, %select_n3A_1587 : vector<16xi1>, vector<16xf32>
      %select_n3A_1630 = arith.select %gt3A_1628, %select_n3A_1587, %select_n3A_1625 : vector<16xi1>, vector<16xf32>
      %select_n3A_1631 = arith.select %gt3A_1628, %select_n3A_1627, %select_n3A_1589 : vector<16xi1>, vector<16xi32>
      %select_n3A_1632 = arith.select %gt3A_1628, %select_n3A_1589, %select_n3A_1627 : vector<16xi1>, vector<16xi32>
      %gt3A_1633 = arith.cmpf ogt, %select_n3A_1630, %select_n3A_1592 : vector<16xf32>
      %select_n3A_1634 = arith.select %gt3A_1633, %select_n3A_1630, %select_n3A_1592 : vector<16xi1>, vector<16xf32>
      %select_n3A_1635 = arith.select %gt3A_1633, %select_n3A_1592, %select_n3A_1630 : vector<16xi1>, vector<16xf32>
      %select_n3A_1636 = arith.select %gt3A_1633, %select_n3A_1632, %select_n3A_1594 : vector<16xi1>, vector<16xi32>
      %select_n3A_1637 = arith.select %gt3A_1633, %select_n3A_1594, %select_n3A_1632 : vector<16xi1>, vector<16xi32>
      %gt3A_1638 = arith.cmpf ogt, %select_n3A_1635, %select_n3A_1597 : vector<16xf32>
      %select_n3A_1639 = arith.select %gt3A_1638, %select_n3A_1635, %select_n3A_1597 : vector<16xi1>, vector<16xf32>
      %select_n3A_1640 = arith.select %gt3A_1638, %select_n3A_1597, %select_n3A_1635 : vector<16xi1>, vector<16xf32>
      %select_n3A_1641 = arith.select %gt3A_1638, %select_n3A_1637, %select_n3A_1599 : vector<16xi1>, vector<16xi32>
      %select_n3A_1642 = arith.select %gt3A_1638, %select_n3A_1599, %select_n3A_1637 : vector<16xi1>, vector<16xi32>
      %gt3A_1643 = arith.cmpf ogt, %select_n3A_1640, %select_n3A_1602 : vector<16xf32>
      %select_n3A_1644 = arith.select %gt3A_1643, %select_n3A_1640, %select_n3A_1602 : vector<16xi1>, vector<16xf32>
      %select_n3A_1645 = arith.select %gt3A_1643, %select_n3A_1602, %select_n3A_1640 : vector<16xi1>, vector<16xf32>
      %select_n3A_1646 = arith.select %gt3A_1643, %select_n3A_1642, %select_n3A_1604 : vector<16xi1>, vector<16xi32>
      %select_n3A_1647 = arith.select %gt3A_1643, %select_n3A_1604, %select_n3A_1642 : vector<16xi1>, vector<16xi32>
      %gt3A_1648 = arith.cmpf ogt, %select_n3A_1645, %select_n3A_1607 : vector<16xf32>
      %select_n3A_1649 = arith.select %gt3A_1648, %select_n3A_1645, %select_n3A_1607 : vector<16xi1>, vector<16xf32>
      %select_n3A_1650 = arith.select %gt3A_1648, %select_n3A_1607, %select_n3A_1645 : vector<16xi1>, vector<16xf32>
      %select_n3A_1651 = arith.select %gt3A_1648, %select_n3A_1647, %select_n3A_1609 : vector<16xi1>, vector<16xi32>
      %select_n3A_1652 = arith.select %gt3A_1648, %select_n3A_1609, %select_n3A_1647 : vector<16xi1>, vector<16xi32>
      %gt3A_1653 = arith.cmpf ogt, %select_n3A_1650, %select_n3A_1612 : vector<16xf32>
      %select_n3A_1654 = arith.select %gt3A_1653, %select_n3A_1650, %select_n3A_1612 : vector<16xi1>, vector<16xf32>
      %select_n3A_1655 = arith.select %gt3A_1653, %select_n3A_1612, %select_n3A_1650 : vector<16xi1>, vector<16xf32>
      %select_n3A_1656 = arith.select %gt3A_1653, %select_n3A_1652, %select_n3A_1614 : vector<16xi1>, vector<16xi32>
      %select_n3A_1657 = arith.select %gt3A_1653, %select_n3A_1614, %select_n3A_1652 : vector<16xi1>, vector<16xi32>
      %broadcast_in_dim3A_1658 = arith.constant 20 : i32
      %broadcast_in_dim3A_1659 = vector.broadcast %broadcast_in_dim3A_1658 : i32 to vector<16xi32>
      %gt3A_1660 = arith.cmpf ogt, %mul3A_743, %select_n3A_1619 : vector<16xf32>
      %select_n3A_1661 = arith.select %gt3A_1660, %mul3A_743, %select_n3A_1619 : vector<16xi1>, vector<16xf32>
      %select_n3A_1662 = arith.select %gt3A_1660, %select_n3A_1619, %mul3A_743 : vector<16xi1>, vector<16xf32>
      %select_n3A_1663 = arith.select %gt3A_1660, %broadcast_in_dim3A_1659, %select_n3A_1621 : vector<16xi1>, vector<16xi32>
      %select_n3A_1664 = arith.select %gt3A_1660, %select_n3A_1621, %broadcast_in_dim3A_1659 : vector<16xi1>, vector<16xi32>
      %gt3A_1665 = arith.cmpf ogt, %select_n3A_1662, %select_n3A_1624 : vector<16xf32>
      %select_n3A_1666 = arith.select %gt3A_1665, %select_n3A_1662, %select_n3A_1624 : vector<16xi1>, vector<16xf32>
      %select_n3A_1667 = arith.select %gt3A_1665, %select_n3A_1624, %select_n3A_1662 : vector<16xi1>, vector<16xf32>
      %select_n3A_1668 = arith.select %gt3A_1665, %select_n3A_1664, %select_n3A_1626 : vector<16xi1>, vector<16xi32>
      %select_n3A_1669 = arith.select %gt3A_1665, %select_n3A_1626, %select_n3A_1664 : vector<16xi1>, vector<16xi32>
      %gt3A_1670 = arith.cmpf ogt, %select_n3A_1667, %select_n3A_1629 : vector<16xf32>
      %select_n3A_1671 = arith.select %gt3A_1670, %select_n3A_1667, %select_n3A_1629 : vector<16xi1>, vector<16xf32>
      %select_n3A_1672 = arith.select %gt3A_1670, %select_n3A_1629, %select_n3A_1667 : vector<16xi1>, vector<16xf32>
      %select_n3A_1673 = arith.select %gt3A_1670, %select_n3A_1669, %select_n3A_1631 : vector<16xi1>, vector<16xi32>
      %select_n3A_1674 = arith.select %gt3A_1670, %select_n3A_1631, %select_n3A_1669 : vector<16xi1>, vector<16xi32>
      %gt3A_1675 = arith.cmpf ogt, %select_n3A_1672, %select_n3A_1634 : vector<16xf32>
      %select_n3A_1676 = arith.select %gt3A_1675, %select_n3A_1672, %select_n3A_1634 : vector<16xi1>, vector<16xf32>
      %select_n3A_1677 = arith.select %gt3A_1675, %select_n3A_1634, %select_n3A_1672 : vector<16xi1>, vector<16xf32>
      %select_n3A_1678 = arith.select %gt3A_1675, %select_n3A_1674, %select_n3A_1636 : vector<16xi1>, vector<16xi32>
      %select_n3A_1679 = arith.select %gt3A_1675, %select_n3A_1636, %select_n3A_1674 : vector<16xi1>, vector<16xi32>
      %gt3A_1680 = arith.cmpf ogt, %select_n3A_1677, %select_n3A_1639 : vector<16xf32>
      %select_n3A_1681 = arith.select %gt3A_1680, %select_n3A_1677, %select_n3A_1639 : vector<16xi1>, vector<16xf32>
      %select_n3A_1682 = arith.select %gt3A_1680, %select_n3A_1639, %select_n3A_1677 : vector<16xi1>, vector<16xf32>
      %select_n3A_1683 = arith.select %gt3A_1680, %select_n3A_1679, %select_n3A_1641 : vector<16xi1>, vector<16xi32>
      %select_n3A_1684 = arith.select %gt3A_1680, %select_n3A_1641, %select_n3A_1679 : vector<16xi1>, vector<16xi32>
      %gt3A_1685 = arith.cmpf ogt, %select_n3A_1682, %select_n3A_1644 : vector<16xf32>
      %select_n3A_1686 = arith.select %gt3A_1685, %select_n3A_1682, %select_n3A_1644 : vector<16xi1>, vector<16xf32>
      %select_n3A_1687 = arith.select %gt3A_1685, %select_n3A_1644, %select_n3A_1682 : vector<16xi1>, vector<16xf32>
      %select_n3A_1688 = arith.select %gt3A_1685, %select_n3A_1684, %select_n3A_1646 : vector<16xi1>, vector<16xi32>
      %select_n3A_1689 = arith.select %gt3A_1685, %select_n3A_1646, %select_n3A_1684 : vector<16xi1>, vector<16xi32>
      %gt3A_1690 = arith.cmpf ogt, %select_n3A_1687, %select_n3A_1649 : vector<16xf32>
      %select_n3A_1691 = arith.select %gt3A_1690, %select_n3A_1687, %select_n3A_1649 : vector<16xi1>, vector<16xf32>
      %select_n3A_1692 = arith.select %gt3A_1690, %select_n3A_1649, %select_n3A_1687 : vector<16xi1>, vector<16xf32>
      %select_n3A_1693 = arith.select %gt3A_1690, %select_n3A_1689, %select_n3A_1651 : vector<16xi1>, vector<16xi32>
      %select_n3A_1694 = arith.select %gt3A_1690, %select_n3A_1651, %select_n3A_1689 : vector<16xi1>, vector<16xi32>
      %gt3A_1695 = arith.cmpf ogt, %select_n3A_1692, %select_n3A_1654 : vector<16xf32>
      %select_n3A_1696 = arith.select %gt3A_1695, %select_n3A_1692, %select_n3A_1654 : vector<16xi1>, vector<16xf32>
      %select_n3A_1697 = arith.select %gt3A_1695, %select_n3A_1654, %select_n3A_1692 : vector<16xi1>, vector<16xf32>
      %select_n3A_1698 = arith.select %gt3A_1695, %select_n3A_1694, %select_n3A_1656 : vector<16xi1>, vector<16xi32>
      %select_n3A_1699 = arith.select %gt3A_1695, %select_n3A_1656, %select_n3A_1694 : vector<16xi1>, vector<16xi32>
      %broadcast_in_dim3A_1700 = arith.constant 21 : i32
      %broadcast_in_dim3A_1701 = vector.broadcast %broadcast_in_dim3A_1700 : i32 to vector<16xi32>
      %gt3A_1702 = arith.cmpf ogt, %mul3A_744, %select_n3A_1661 : vector<16xf32>
      %select_n3A_1703 = arith.select %gt3A_1702, %mul3A_744, %select_n3A_1661 : vector<16xi1>, vector<16xf32>
      %select_n3A_1704 = arith.select %gt3A_1702, %select_n3A_1661, %mul3A_744 : vector<16xi1>, vector<16xf32>
      %select_n3A_1705 = arith.select %gt3A_1702, %broadcast_in_dim3A_1701, %select_n3A_1663 : vector<16xi1>, vector<16xi32>
      %select_n3A_1706 = arith.select %gt3A_1702, %select_n3A_1663, %broadcast_in_dim3A_1701 : vector<16xi1>, vector<16xi32>
      %gt3A_1707 = arith.cmpf ogt, %select_n3A_1704, %select_n3A_1666 : vector<16xf32>
      %select_n3A_1708 = arith.select %gt3A_1707, %select_n3A_1704, %select_n3A_1666 : vector<16xi1>, vector<16xf32>
      %select_n3A_1709 = arith.select %gt3A_1707, %select_n3A_1666, %select_n3A_1704 : vector<16xi1>, vector<16xf32>
      %select_n3A_1710 = arith.select %gt3A_1707, %select_n3A_1706, %select_n3A_1668 : vector<16xi1>, vector<16xi32>
      %select_n3A_1711 = arith.select %gt3A_1707, %select_n3A_1668, %select_n3A_1706 : vector<16xi1>, vector<16xi32>
      %gt3A_1712 = arith.cmpf ogt, %select_n3A_1709, %select_n3A_1671 : vector<16xf32>
      %select_n3A_1713 = arith.select %gt3A_1712, %select_n3A_1709, %select_n3A_1671 : vector<16xi1>, vector<16xf32>
      %select_n3A_1714 = arith.select %gt3A_1712, %select_n3A_1671, %select_n3A_1709 : vector<16xi1>, vector<16xf32>
      %select_n3A_1715 = arith.select %gt3A_1712, %select_n3A_1711, %select_n3A_1673 : vector<16xi1>, vector<16xi32>
      %select_n3A_1716 = arith.select %gt3A_1712, %select_n3A_1673, %select_n3A_1711 : vector<16xi1>, vector<16xi32>
      %gt3A_1717 = arith.cmpf ogt, %select_n3A_1714, %select_n3A_1676 : vector<16xf32>
      %select_n3A_1718 = arith.select %gt3A_1717, %select_n3A_1714, %select_n3A_1676 : vector<16xi1>, vector<16xf32>
      %select_n3A_1719 = arith.select %gt3A_1717, %select_n3A_1676, %select_n3A_1714 : vector<16xi1>, vector<16xf32>
      %select_n3A_1720 = arith.select %gt3A_1717, %select_n3A_1716, %select_n3A_1678 : vector<16xi1>, vector<16xi32>
      %select_n3A_1721 = arith.select %gt3A_1717, %select_n3A_1678, %select_n3A_1716 : vector<16xi1>, vector<16xi32>
      %gt3A_1722 = arith.cmpf ogt, %select_n3A_1719, %select_n3A_1681 : vector<16xf32>
      %select_n3A_1723 = arith.select %gt3A_1722, %select_n3A_1719, %select_n3A_1681 : vector<16xi1>, vector<16xf32>
      %select_n3A_1724 = arith.select %gt3A_1722, %select_n3A_1681, %select_n3A_1719 : vector<16xi1>, vector<16xf32>
      %select_n3A_1725 = arith.select %gt3A_1722, %select_n3A_1721, %select_n3A_1683 : vector<16xi1>, vector<16xi32>
      %select_n3A_1726 = arith.select %gt3A_1722, %select_n3A_1683, %select_n3A_1721 : vector<16xi1>, vector<16xi32>
      %gt3A_1727 = arith.cmpf ogt, %select_n3A_1724, %select_n3A_1686 : vector<16xf32>
      %select_n3A_1728 = arith.select %gt3A_1727, %select_n3A_1724, %select_n3A_1686 : vector<16xi1>, vector<16xf32>
      %select_n3A_1729 = arith.select %gt3A_1727, %select_n3A_1686, %select_n3A_1724 : vector<16xi1>, vector<16xf32>
      %select_n3A_1730 = arith.select %gt3A_1727, %select_n3A_1726, %select_n3A_1688 : vector<16xi1>, vector<16xi32>
      %select_n3A_1731 = arith.select %gt3A_1727, %select_n3A_1688, %select_n3A_1726 : vector<16xi1>, vector<16xi32>
      %gt3A_1732 = arith.cmpf ogt, %select_n3A_1729, %select_n3A_1691 : vector<16xf32>
      %select_n3A_1733 = arith.select %gt3A_1732, %select_n3A_1729, %select_n3A_1691 : vector<16xi1>, vector<16xf32>
      %select_n3A_1734 = arith.select %gt3A_1732, %select_n3A_1691, %select_n3A_1729 : vector<16xi1>, vector<16xf32>
      %select_n3A_1735 = arith.select %gt3A_1732, %select_n3A_1731, %select_n3A_1693 : vector<16xi1>, vector<16xi32>
      %select_n3A_1736 = arith.select %gt3A_1732, %select_n3A_1693, %select_n3A_1731 : vector<16xi1>, vector<16xi32>
      %gt3A_1737 = arith.cmpf ogt, %select_n3A_1734, %select_n3A_1696 : vector<16xf32>
      %select_n3A_1738 = arith.select %gt3A_1737, %select_n3A_1734, %select_n3A_1696 : vector<16xi1>, vector<16xf32>
      %select_n3A_1739 = arith.select %gt3A_1737, %select_n3A_1696, %select_n3A_1734 : vector<16xi1>, vector<16xf32>
      %select_n3A_1740 = arith.select %gt3A_1737, %select_n3A_1736, %select_n3A_1698 : vector<16xi1>, vector<16xi32>
      %select_n3A_1741 = arith.select %gt3A_1737, %select_n3A_1698, %select_n3A_1736 : vector<16xi1>, vector<16xi32>
      %broadcast_in_dim3A_1742 = arith.constant 22 : i32
      %broadcast_in_dim3A_1743 = vector.broadcast %broadcast_in_dim3A_1742 : i32 to vector<16xi32>
      %gt3A_1744 = arith.cmpf ogt, %mul3A_745, %select_n3A_1703 : vector<16xf32>
      %select_n3A_1745 = arith.select %gt3A_1744, %mul3A_745, %select_n3A_1703 : vector<16xi1>, vector<16xf32>
      %select_n3A_1746 = arith.select %gt3A_1744, %select_n3A_1703, %mul3A_745 : vector<16xi1>, vector<16xf32>
      %select_n3A_1747 = arith.select %gt3A_1744, %broadcast_in_dim3A_1743, %select_n3A_1705 : vector<16xi1>, vector<16xi32>
      %select_n3A_1748 = arith.select %gt3A_1744, %select_n3A_1705, %broadcast_in_dim3A_1743 : vector<16xi1>, vector<16xi32>
      %gt3A_1749 = arith.cmpf ogt, %select_n3A_1746, %select_n3A_1708 : vector<16xf32>
      %select_n3A_1750 = arith.select %gt3A_1749, %select_n3A_1746, %select_n3A_1708 : vector<16xi1>, vector<16xf32>
      %select_n3A_1751 = arith.select %gt3A_1749, %select_n3A_1708, %select_n3A_1746 : vector<16xi1>, vector<16xf32>
      %select_n3A_1752 = arith.select %gt3A_1749, %select_n3A_1748, %select_n3A_1710 : vector<16xi1>, vector<16xi32>
      %select_n3A_1753 = arith.select %gt3A_1749, %select_n3A_1710, %select_n3A_1748 : vector<16xi1>, vector<16xi32>
      %gt3A_1754 = arith.cmpf ogt, %select_n3A_1751, %select_n3A_1713 : vector<16xf32>
      %select_n3A_1755 = arith.select %gt3A_1754, %select_n3A_1751, %select_n3A_1713 : vector<16xi1>, vector<16xf32>
      %select_n3A_1756 = arith.select %gt3A_1754, %select_n3A_1713, %select_n3A_1751 : vector<16xi1>, vector<16xf32>
      %select_n3A_1757 = arith.select %gt3A_1754, %select_n3A_1753, %select_n3A_1715 : vector<16xi1>, vector<16xi32>
      %select_n3A_1758 = arith.select %gt3A_1754, %select_n3A_1715, %select_n3A_1753 : vector<16xi1>, vector<16xi32>
      %gt3A_1759 = arith.cmpf ogt, %select_n3A_1756, %select_n3A_1718 : vector<16xf32>
      %select_n3A_1760 = arith.select %gt3A_1759, %select_n3A_1756, %select_n3A_1718 : vector<16xi1>, vector<16xf32>
      %select_n3A_1761 = arith.select %gt3A_1759, %select_n3A_1718, %select_n3A_1756 : vector<16xi1>, vector<16xf32>
      %select_n3A_1762 = arith.select %gt3A_1759, %select_n3A_1758, %select_n3A_1720 : vector<16xi1>, vector<16xi32>
      %select_n3A_1763 = arith.select %gt3A_1759, %select_n3A_1720, %select_n3A_1758 : vector<16xi1>, vector<16xi32>
      %gt3A_1764 = arith.cmpf ogt, %select_n3A_1761, %select_n3A_1723 : vector<16xf32>
      %select_n3A_1765 = arith.select %gt3A_1764, %select_n3A_1761, %select_n3A_1723 : vector<16xi1>, vector<16xf32>
      %select_n3A_1766 = arith.select %gt3A_1764, %select_n3A_1723, %select_n3A_1761 : vector<16xi1>, vector<16xf32>
      %select_n3A_1767 = arith.select %gt3A_1764, %select_n3A_1763, %select_n3A_1725 : vector<16xi1>, vector<16xi32>
      %select_n3A_1768 = arith.select %gt3A_1764, %select_n3A_1725, %select_n3A_1763 : vector<16xi1>, vector<16xi32>
      %gt3A_1769 = arith.cmpf ogt, %select_n3A_1766, %select_n3A_1728 : vector<16xf32>
      %select_n3A_1770 = arith.select %gt3A_1769, %select_n3A_1766, %select_n3A_1728 : vector<16xi1>, vector<16xf32>
      %select_n3A_1771 = arith.select %gt3A_1769, %select_n3A_1728, %select_n3A_1766 : vector<16xi1>, vector<16xf32>
      %select_n3A_1772 = arith.select %gt3A_1769, %select_n3A_1768, %select_n3A_1730 : vector<16xi1>, vector<16xi32>
      %select_n3A_1773 = arith.select %gt3A_1769, %select_n3A_1730, %select_n3A_1768 : vector<16xi1>, vector<16xi32>
      %gt3A_1774 = arith.cmpf ogt, %select_n3A_1771, %select_n3A_1733 : vector<16xf32>
      %select_n3A_1775 = arith.select %gt3A_1774, %select_n3A_1771, %select_n3A_1733 : vector<16xi1>, vector<16xf32>
      %select_n3A_1776 = arith.select %gt3A_1774, %select_n3A_1733, %select_n3A_1771 : vector<16xi1>, vector<16xf32>
      %select_n3A_1777 = arith.select %gt3A_1774, %select_n3A_1773, %select_n3A_1735 : vector<16xi1>, vector<16xi32>
      %select_n3A_1778 = arith.select %gt3A_1774, %select_n3A_1735, %select_n3A_1773 : vector<16xi1>, vector<16xi32>
      %gt3A_1779 = arith.cmpf ogt, %select_n3A_1776, %select_n3A_1738 : vector<16xf32>
      %select_n3A_1780 = arith.select %gt3A_1779, %select_n3A_1776, %select_n3A_1738 : vector<16xi1>, vector<16xf32>
      %select_n3A_1781 = arith.select %gt3A_1779, %select_n3A_1738, %select_n3A_1776 : vector<16xi1>, vector<16xf32>
      %select_n3A_1782 = arith.select %gt3A_1779, %select_n3A_1778, %select_n3A_1740 : vector<16xi1>, vector<16xi32>
      %select_n3A_1783 = arith.select %gt3A_1779, %select_n3A_1740, %select_n3A_1778 : vector<16xi1>, vector<16xi32>
      %broadcast_in_dim3A_1784 = arith.constant 23 : i32
      %broadcast_in_dim3A_1785 = vector.broadcast %broadcast_in_dim3A_1784 : i32 to vector<16xi32>
      %gt3A_1786 = arith.cmpf ogt, %mul3A_746, %select_n3A_1745 : vector<16xf32>
      %select_n3A_1787 = arith.select %gt3A_1786, %mul3A_746, %select_n3A_1745 : vector<16xi1>, vector<16xf32>
      %select_n3A_1788 = arith.select %gt3A_1786, %select_n3A_1745, %mul3A_746 : vector<16xi1>, vector<16xf32>
      %select_n3A_1789 = arith.select %gt3A_1786, %broadcast_in_dim3A_1785, %select_n3A_1747 : vector<16xi1>, vector<16xi32>
      %select_n3A_1790 = arith.select %gt3A_1786, %select_n3A_1747, %broadcast_in_dim3A_1785 : vector<16xi1>, vector<16xi32>
      %gt3A_1791 = arith.cmpf ogt, %select_n3A_1788, %select_n3A_1750 : vector<16xf32>
      %select_n3A_1792 = arith.select %gt3A_1791, %select_n3A_1788, %select_n3A_1750 : vector<16xi1>, vector<16xf32>
      %select_n3A_1793 = arith.select %gt3A_1791, %select_n3A_1750, %select_n3A_1788 : vector<16xi1>, vector<16xf32>
      %select_n3A_1794 = arith.select %gt3A_1791, %select_n3A_1790, %select_n3A_1752 : vector<16xi1>, vector<16xi32>
      %select_n3A_1795 = arith.select %gt3A_1791, %select_n3A_1752, %select_n3A_1790 : vector<16xi1>, vector<16xi32>
      %gt3A_1796 = arith.cmpf ogt, %select_n3A_1793, %select_n3A_1755 : vector<16xf32>
      %select_n3A_1797 = arith.select %gt3A_1796, %select_n3A_1793, %select_n3A_1755 : vector<16xi1>, vector<16xf32>
      %select_n3A_1798 = arith.select %gt3A_1796, %select_n3A_1755, %select_n3A_1793 : vector<16xi1>, vector<16xf32>
      %select_n3A_1799 = arith.select %gt3A_1796, %select_n3A_1795, %select_n3A_1757 : vector<16xi1>, vector<16xi32>
      %select_n3A_1800 = arith.select %gt3A_1796, %select_n3A_1757, %select_n3A_1795 : vector<16xi1>, vector<16xi32>
      %gt3A_1801 = arith.cmpf ogt, %select_n3A_1798, %select_n3A_1760 : vector<16xf32>
      %select_n3A_1802 = arith.select %gt3A_1801, %select_n3A_1798, %select_n3A_1760 : vector<16xi1>, vector<16xf32>
      %select_n3A_1803 = arith.select %gt3A_1801, %select_n3A_1760, %select_n3A_1798 : vector<16xi1>, vector<16xf32>
      %select_n3A_1804 = arith.select %gt3A_1801, %select_n3A_1800, %select_n3A_1762 : vector<16xi1>, vector<16xi32>
      %select_n3A_1805 = arith.select %gt3A_1801, %select_n3A_1762, %select_n3A_1800 : vector<16xi1>, vector<16xi32>
      %gt3A_1806 = arith.cmpf ogt, %select_n3A_1803, %select_n3A_1765 : vector<16xf32>
      %select_n3A_1807 = arith.select %gt3A_1806, %select_n3A_1803, %select_n3A_1765 : vector<16xi1>, vector<16xf32>
      %select_n3A_1808 = arith.select %gt3A_1806, %select_n3A_1765, %select_n3A_1803 : vector<16xi1>, vector<16xf32>
      %select_n3A_1809 = arith.select %gt3A_1806, %select_n3A_1805, %select_n3A_1767 : vector<16xi1>, vector<16xi32>
      %select_n3A_1810 = arith.select %gt3A_1806, %select_n3A_1767, %select_n3A_1805 : vector<16xi1>, vector<16xi32>
      %gt3A_1811 = arith.cmpf ogt, %select_n3A_1808, %select_n3A_1770 : vector<16xf32>
      %select_n3A_1812 = arith.select %gt3A_1811, %select_n3A_1808, %select_n3A_1770 : vector<16xi1>, vector<16xf32>
      %select_n3A_1813 = arith.select %gt3A_1811, %select_n3A_1770, %select_n3A_1808 : vector<16xi1>, vector<16xf32>
      %select_n3A_1814 = arith.select %gt3A_1811, %select_n3A_1810, %select_n3A_1772 : vector<16xi1>, vector<16xi32>
      %select_n3A_1815 = arith.select %gt3A_1811, %select_n3A_1772, %select_n3A_1810 : vector<16xi1>, vector<16xi32>
      %gt3A_1816 = arith.cmpf ogt, %select_n3A_1813, %select_n3A_1775 : vector<16xf32>
      %select_n3A_1817 = arith.select %gt3A_1816, %select_n3A_1813, %select_n3A_1775 : vector<16xi1>, vector<16xf32>
      %select_n3A_1818 = arith.select %gt3A_1816, %select_n3A_1775, %select_n3A_1813 : vector<16xi1>, vector<16xf32>
      %select_n3A_1819 = arith.select %gt3A_1816, %select_n3A_1815, %select_n3A_1777 : vector<16xi1>, vector<16xi32>
      %select_n3A_1820 = arith.select %gt3A_1816, %select_n3A_1777, %select_n3A_1815 : vector<16xi1>, vector<16xi32>
      %gt3A_1821 = arith.cmpf ogt, %select_n3A_1818, %select_n3A_1780 : vector<16xf32>
      %select_n3A_1822 = arith.select %gt3A_1821, %select_n3A_1818, %select_n3A_1780 : vector<16xi1>, vector<16xf32>
      %select_n3A_1823 = arith.select %gt3A_1821, %select_n3A_1780, %select_n3A_1818 : vector<16xi1>, vector<16xf32>
      %select_n3A_1824 = arith.select %gt3A_1821, %select_n3A_1820, %select_n3A_1782 : vector<16xi1>, vector<16xi32>
      %select_n3A_1825 = arith.select %gt3A_1821, %select_n3A_1782, %select_n3A_1820 : vector<16xi1>, vector<16xi32>
      %broadcast_in_dim3A_1826 = arith.constant 24 : i32
      %broadcast_in_dim3A_1827 = vector.broadcast %broadcast_in_dim3A_1826 : i32 to vector<16xi32>
      %gt3A_1828 = arith.cmpf ogt, %mul3A_747, %select_n3A_1787 : vector<16xf32>
      %select_n3A_1829 = arith.select %gt3A_1828, %mul3A_747, %select_n3A_1787 : vector<16xi1>, vector<16xf32>
      %select_n3A_1830 = arith.select %gt3A_1828, %select_n3A_1787, %mul3A_747 : vector<16xi1>, vector<16xf32>
      %select_n3A_1831 = arith.select %gt3A_1828, %broadcast_in_dim3A_1827, %select_n3A_1789 : vector<16xi1>, vector<16xi32>
      %select_n3A_1832 = arith.select %gt3A_1828, %select_n3A_1789, %broadcast_in_dim3A_1827 : vector<16xi1>, vector<16xi32>
      %gt3A_1833 = arith.cmpf ogt, %select_n3A_1830, %select_n3A_1792 : vector<16xf32>
      %select_n3A_1834 = arith.select %gt3A_1833, %select_n3A_1830, %select_n3A_1792 : vector<16xi1>, vector<16xf32>
      %select_n3A_1835 = arith.select %gt3A_1833, %select_n3A_1792, %select_n3A_1830 : vector<16xi1>, vector<16xf32>
      %select_n3A_1836 = arith.select %gt3A_1833, %select_n3A_1832, %select_n3A_1794 : vector<16xi1>, vector<16xi32>
      %select_n3A_1837 = arith.select %gt3A_1833, %select_n3A_1794, %select_n3A_1832 : vector<16xi1>, vector<16xi32>
      %gt3A_1838 = arith.cmpf ogt, %select_n3A_1835, %select_n3A_1797 : vector<16xf32>
      %select_n3A_1839 = arith.select %gt3A_1838, %select_n3A_1835, %select_n3A_1797 : vector<16xi1>, vector<16xf32>
      %select_n3A_1840 = arith.select %gt3A_1838, %select_n3A_1797, %select_n3A_1835 : vector<16xi1>, vector<16xf32>
      %select_n3A_1841 = arith.select %gt3A_1838, %select_n3A_1837, %select_n3A_1799 : vector<16xi1>, vector<16xi32>
      %select_n3A_1842 = arith.select %gt3A_1838, %select_n3A_1799, %select_n3A_1837 : vector<16xi1>, vector<16xi32>
      %gt3A_1843 = arith.cmpf ogt, %select_n3A_1840, %select_n3A_1802 : vector<16xf32>
      %select_n3A_1844 = arith.select %gt3A_1843, %select_n3A_1840, %select_n3A_1802 : vector<16xi1>, vector<16xf32>
      %select_n3A_1845 = arith.select %gt3A_1843, %select_n3A_1802, %select_n3A_1840 : vector<16xi1>, vector<16xf32>
      %select_n3A_1846 = arith.select %gt3A_1843, %select_n3A_1842, %select_n3A_1804 : vector<16xi1>, vector<16xi32>
      %select_n3A_1847 = arith.select %gt3A_1843, %select_n3A_1804, %select_n3A_1842 : vector<16xi1>, vector<16xi32>
      %gt3A_1848 = arith.cmpf ogt, %select_n3A_1845, %select_n3A_1807 : vector<16xf32>
      %select_n3A_1849 = arith.select %gt3A_1848, %select_n3A_1845, %select_n3A_1807 : vector<16xi1>, vector<16xf32>
      %select_n3A_1850 = arith.select %gt3A_1848, %select_n3A_1807, %select_n3A_1845 : vector<16xi1>, vector<16xf32>
      %select_n3A_1851 = arith.select %gt3A_1848, %select_n3A_1847, %select_n3A_1809 : vector<16xi1>, vector<16xi32>
      %select_n3A_1852 = arith.select %gt3A_1848, %select_n3A_1809, %select_n3A_1847 : vector<16xi1>, vector<16xi32>
      %gt3A_1853 = arith.cmpf ogt, %select_n3A_1850, %select_n3A_1812 : vector<16xf32>
      %select_n3A_1854 = arith.select %gt3A_1853, %select_n3A_1850, %select_n3A_1812 : vector<16xi1>, vector<16xf32>
      %select_n3A_1855 = arith.select %gt3A_1853, %select_n3A_1812, %select_n3A_1850 : vector<16xi1>, vector<16xf32>
      %select_n3A_1856 = arith.select %gt3A_1853, %select_n3A_1852, %select_n3A_1814 : vector<16xi1>, vector<16xi32>
      %select_n3A_1857 = arith.select %gt3A_1853, %select_n3A_1814, %select_n3A_1852 : vector<16xi1>, vector<16xi32>
      %gt3A_1858 = arith.cmpf ogt, %select_n3A_1855, %select_n3A_1817 : vector<16xf32>
      %select_n3A_1859 = arith.select %gt3A_1858, %select_n3A_1855, %select_n3A_1817 : vector<16xi1>, vector<16xf32>
      %select_n3A_1860 = arith.select %gt3A_1858, %select_n3A_1817, %select_n3A_1855 : vector<16xi1>, vector<16xf32>
      %select_n3A_1861 = arith.select %gt3A_1858, %select_n3A_1857, %select_n3A_1819 : vector<16xi1>, vector<16xi32>
      %select_n3A_1862 = arith.select %gt3A_1858, %select_n3A_1819, %select_n3A_1857 : vector<16xi1>, vector<16xi32>
      %gt3A_1863 = arith.cmpf ogt, %select_n3A_1860, %select_n3A_1822 : vector<16xf32>
      %select_n3A_1864 = arith.select %gt3A_1863, %select_n3A_1860, %select_n3A_1822 : vector<16xi1>, vector<16xf32>
      %select_n3A_1865 = arith.select %gt3A_1863, %select_n3A_1822, %select_n3A_1860 : vector<16xi1>, vector<16xf32>
      %select_n3A_1866 = arith.select %gt3A_1863, %select_n3A_1862, %select_n3A_1824 : vector<16xi1>, vector<16xi32>
      %select_n3A_1867 = arith.select %gt3A_1863, %select_n3A_1824, %select_n3A_1862 : vector<16xi1>, vector<16xi32>
      %broadcast_in_dim3A_1868 = arith.constant 25 : i32
      %broadcast_in_dim3A_1869 = vector.broadcast %broadcast_in_dim3A_1868 : i32 to vector<16xi32>
      %gt3A_1870 = arith.cmpf ogt, %mul3A_748, %select_n3A_1829 : vector<16xf32>
      %select_n3A_1871 = arith.select %gt3A_1870, %mul3A_748, %select_n3A_1829 : vector<16xi1>, vector<16xf32>
      %select_n3A_1872 = arith.select %gt3A_1870, %select_n3A_1829, %mul3A_748 : vector<16xi1>, vector<16xf32>
      %select_n3A_1873 = arith.select %gt3A_1870, %broadcast_in_dim3A_1869, %select_n3A_1831 : vector<16xi1>, vector<16xi32>
      %select_n3A_1874 = arith.select %gt3A_1870, %select_n3A_1831, %broadcast_in_dim3A_1869 : vector<16xi1>, vector<16xi32>
      %gt3A_1875 = arith.cmpf ogt, %select_n3A_1872, %select_n3A_1834 : vector<16xf32>
      %select_n3A_1876 = arith.select %gt3A_1875, %select_n3A_1872, %select_n3A_1834 : vector<16xi1>, vector<16xf32>
      %select_n3A_1877 = arith.select %gt3A_1875, %select_n3A_1834, %select_n3A_1872 : vector<16xi1>, vector<16xf32>
      %select_n3A_1878 = arith.select %gt3A_1875, %select_n3A_1874, %select_n3A_1836 : vector<16xi1>, vector<16xi32>
      %select_n3A_1879 = arith.select %gt3A_1875, %select_n3A_1836, %select_n3A_1874 : vector<16xi1>, vector<16xi32>
      %gt3A_1880 = arith.cmpf ogt, %select_n3A_1877, %select_n3A_1839 : vector<16xf32>
      %select_n3A_1881 = arith.select %gt3A_1880, %select_n3A_1877, %select_n3A_1839 : vector<16xi1>, vector<16xf32>
      %select_n3A_1882 = arith.select %gt3A_1880, %select_n3A_1839, %select_n3A_1877 : vector<16xi1>, vector<16xf32>
      %select_n3A_1883 = arith.select %gt3A_1880, %select_n3A_1879, %select_n3A_1841 : vector<16xi1>, vector<16xi32>
      %select_n3A_1884 = arith.select %gt3A_1880, %select_n3A_1841, %select_n3A_1879 : vector<16xi1>, vector<16xi32>
      %gt3A_1885 = arith.cmpf ogt, %select_n3A_1882, %select_n3A_1844 : vector<16xf32>
      %select_n3A_1886 = arith.select %gt3A_1885, %select_n3A_1882, %select_n3A_1844 : vector<16xi1>, vector<16xf32>
      %select_n3A_1887 = arith.select %gt3A_1885, %select_n3A_1844, %select_n3A_1882 : vector<16xi1>, vector<16xf32>
      %select_n3A_1888 = arith.select %gt3A_1885, %select_n3A_1884, %select_n3A_1846 : vector<16xi1>, vector<16xi32>
      %select_n3A_1889 = arith.select %gt3A_1885, %select_n3A_1846, %select_n3A_1884 : vector<16xi1>, vector<16xi32>
      %gt3A_1890 = arith.cmpf ogt, %select_n3A_1887, %select_n3A_1849 : vector<16xf32>
      %select_n3A_1891 = arith.select %gt3A_1890, %select_n3A_1887, %select_n3A_1849 : vector<16xi1>, vector<16xf32>
      %select_n3A_1892 = arith.select %gt3A_1890, %select_n3A_1849, %select_n3A_1887 : vector<16xi1>, vector<16xf32>
      %select_n3A_1893 = arith.select %gt3A_1890, %select_n3A_1889, %select_n3A_1851 : vector<16xi1>, vector<16xi32>
      %select_n3A_1894 = arith.select %gt3A_1890, %select_n3A_1851, %select_n3A_1889 : vector<16xi1>, vector<16xi32>
      %gt3A_1895 = arith.cmpf ogt, %select_n3A_1892, %select_n3A_1854 : vector<16xf32>
      %select_n3A_1896 = arith.select %gt3A_1895, %select_n3A_1892, %select_n3A_1854 : vector<16xi1>, vector<16xf32>
      %select_n3A_1897 = arith.select %gt3A_1895, %select_n3A_1854, %select_n3A_1892 : vector<16xi1>, vector<16xf32>
      %select_n3A_1898 = arith.select %gt3A_1895, %select_n3A_1894, %select_n3A_1856 : vector<16xi1>, vector<16xi32>
      %select_n3A_1899 = arith.select %gt3A_1895, %select_n3A_1856, %select_n3A_1894 : vector<16xi1>, vector<16xi32>
      %gt3A_1900 = arith.cmpf ogt, %select_n3A_1897, %select_n3A_1859 : vector<16xf32>
      %select_n3A_1901 = arith.select %gt3A_1900, %select_n3A_1897, %select_n3A_1859 : vector<16xi1>, vector<16xf32>
      %select_n3A_1902 = arith.select %gt3A_1900, %select_n3A_1859, %select_n3A_1897 : vector<16xi1>, vector<16xf32>
      %select_n3A_1903 = arith.select %gt3A_1900, %select_n3A_1899, %select_n3A_1861 : vector<16xi1>, vector<16xi32>
      %select_n3A_1904 = arith.select %gt3A_1900, %select_n3A_1861, %select_n3A_1899 : vector<16xi1>, vector<16xi32>
      %gt3A_1905 = arith.cmpf ogt, %select_n3A_1902, %select_n3A_1864 : vector<16xf32>
      %select_n3A_1906 = arith.select %gt3A_1905, %select_n3A_1902, %select_n3A_1864 : vector<16xi1>, vector<16xf32>
      %select_n3A_1907 = arith.select %gt3A_1905, %select_n3A_1864, %select_n3A_1902 : vector<16xi1>, vector<16xf32>
      %select_n3A_1908 = arith.select %gt3A_1905, %select_n3A_1904, %select_n3A_1866 : vector<16xi1>, vector<16xi32>
      %select_n3A_1909 = arith.select %gt3A_1905, %select_n3A_1866, %select_n3A_1904 : vector<16xi1>, vector<16xi32>
      %broadcast_in_dim3A_1910 = arith.constant 26 : i32
      %broadcast_in_dim3A_1911 = vector.broadcast %broadcast_in_dim3A_1910 : i32 to vector<16xi32>
      %gt3A_1912 = arith.cmpf ogt, %mul3A_749, %select_n3A_1871 : vector<16xf32>
      %select_n3A_1913 = arith.select %gt3A_1912, %mul3A_749, %select_n3A_1871 : vector<16xi1>, vector<16xf32>
      %select_n3A_1914 = arith.select %gt3A_1912, %select_n3A_1871, %mul3A_749 : vector<16xi1>, vector<16xf32>
      %select_n3A_1915 = arith.select %gt3A_1912, %broadcast_in_dim3A_1911, %select_n3A_1873 : vector<16xi1>, vector<16xi32>
      %select_n3A_1916 = arith.select %gt3A_1912, %select_n3A_1873, %broadcast_in_dim3A_1911 : vector<16xi1>, vector<16xi32>
      %gt3A_1917 = arith.cmpf ogt, %select_n3A_1914, %select_n3A_1876 : vector<16xf32>
      %select_n3A_1918 = arith.select %gt3A_1917, %select_n3A_1914, %select_n3A_1876 : vector<16xi1>, vector<16xf32>
      %select_n3A_1919 = arith.select %gt3A_1917, %select_n3A_1876, %select_n3A_1914 : vector<16xi1>, vector<16xf32>
      %select_n3A_1920 = arith.select %gt3A_1917, %select_n3A_1916, %select_n3A_1878 : vector<16xi1>, vector<16xi32>
      %select_n3A_1921 = arith.select %gt3A_1917, %select_n3A_1878, %select_n3A_1916 : vector<16xi1>, vector<16xi32>
      %gt3A_1922 = arith.cmpf ogt, %select_n3A_1919, %select_n3A_1881 : vector<16xf32>
      %select_n3A_1923 = arith.select %gt3A_1922, %select_n3A_1919, %select_n3A_1881 : vector<16xi1>, vector<16xf32>
      %select_n3A_1924 = arith.select %gt3A_1922, %select_n3A_1881, %select_n3A_1919 : vector<16xi1>, vector<16xf32>
      %select_n3A_1925 = arith.select %gt3A_1922, %select_n3A_1921, %select_n3A_1883 : vector<16xi1>, vector<16xi32>
      %select_n3A_1926 = arith.select %gt3A_1922, %select_n3A_1883, %select_n3A_1921 : vector<16xi1>, vector<16xi32>
      %gt3A_1927 = arith.cmpf ogt, %select_n3A_1924, %select_n3A_1886 : vector<16xf32>
      %select_n3A_1928 = arith.select %gt3A_1927, %select_n3A_1924, %select_n3A_1886 : vector<16xi1>, vector<16xf32>
      %select_n3A_1929 = arith.select %gt3A_1927, %select_n3A_1886, %select_n3A_1924 : vector<16xi1>, vector<16xf32>
      %select_n3A_1930 = arith.select %gt3A_1927, %select_n3A_1926, %select_n3A_1888 : vector<16xi1>, vector<16xi32>
      %select_n3A_1931 = arith.select %gt3A_1927, %select_n3A_1888, %select_n3A_1926 : vector<16xi1>, vector<16xi32>
      %gt3A_1932 = arith.cmpf ogt, %select_n3A_1929, %select_n3A_1891 : vector<16xf32>
      %select_n3A_1933 = arith.select %gt3A_1932, %select_n3A_1929, %select_n3A_1891 : vector<16xi1>, vector<16xf32>
      %select_n3A_1934 = arith.select %gt3A_1932, %select_n3A_1891, %select_n3A_1929 : vector<16xi1>, vector<16xf32>
      %select_n3A_1935 = arith.select %gt3A_1932, %select_n3A_1931, %select_n3A_1893 : vector<16xi1>, vector<16xi32>
      %select_n3A_1936 = arith.select %gt3A_1932, %select_n3A_1893, %select_n3A_1931 : vector<16xi1>, vector<16xi32>
      %gt3A_1937 = arith.cmpf ogt, %select_n3A_1934, %select_n3A_1896 : vector<16xf32>
      %select_n3A_1938 = arith.select %gt3A_1937, %select_n3A_1934, %select_n3A_1896 : vector<16xi1>, vector<16xf32>
      %select_n3A_1939 = arith.select %gt3A_1937, %select_n3A_1896, %select_n3A_1934 : vector<16xi1>, vector<16xf32>
      %select_n3A_1940 = arith.select %gt3A_1937, %select_n3A_1936, %select_n3A_1898 : vector<16xi1>, vector<16xi32>
      %select_n3A_1941 = arith.select %gt3A_1937, %select_n3A_1898, %select_n3A_1936 : vector<16xi1>, vector<16xi32>
      %gt3A_1942 = arith.cmpf ogt, %select_n3A_1939, %select_n3A_1901 : vector<16xf32>
      %select_n3A_1943 = arith.select %gt3A_1942, %select_n3A_1939, %select_n3A_1901 : vector<16xi1>, vector<16xf32>
      %select_n3A_1944 = arith.select %gt3A_1942, %select_n3A_1901, %select_n3A_1939 : vector<16xi1>, vector<16xf32>
      %select_n3A_1945 = arith.select %gt3A_1942, %select_n3A_1941, %select_n3A_1903 : vector<16xi1>, vector<16xi32>
      %select_n3A_1946 = arith.select %gt3A_1942, %select_n3A_1903, %select_n3A_1941 : vector<16xi1>, vector<16xi32>
      %gt3A_1947 = arith.cmpf ogt, %select_n3A_1944, %select_n3A_1906 : vector<16xf32>
      %select_n3A_1948 = arith.select %gt3A_1947, %select_n3A_1944, %select_n3A_1906 : vector<16xi1>, vector<16xf32>
      %select_n3A_1949 = arith.select %gt3A_1947, %select_n3A_1906, %select_n3A_1944 : vector<16xi1>, vector<16xf32>
      %select_n3A_1950 = arith.select %gt3A_1947, %select_n3A_1946, %select_n3A_1908 : vector<16xi1>, vector<16xi32>
      %select_n3A_1951 = arith.select %gt3A_1947, %select_n3A_1908, %select_n3A_1946 : vector<16xi1>, vector<16xi32>
      %broadcast_in_dim3A_1952 = arith.constant 27 : i32
      %broadcast_in_dim3A_1953 = vector.broadcast %broadcast_in_dim3A_1952 : i32 to vector<16xi32>
      %gt3A_1954 = arith.cmpf ogt, %mul3A_750, %select_n3A_1913 : vector<16xf32>
      %select_n3A_1955 = arith.select %gt3A_1954, %mul3A_750, %select_n3A_1913 : vector<16xi1>, vector<16xf32>
      %select_n3A_1956 = arith.select %gt3A_1954, %select_n3A_1913, %mul3A_750 : vector<16xi1>, vector<16xf32>
      %select_n3A_1957 = arith.select %gt3A_1954, %broadcast_in_dim3A_1953, %select_n3A_1915 : vector<16xi1>, vector<16xi32>
      %select_n3A_1958 = arith.select %gt3A_1954, %select_n3A_1915, %broadcast_in_dim3A_1953 : vector<16xi1>, vector<16xi32>
      %gt3A_1959 = arith.cmpf ogt, %select_n3A_1956, %select_n3A_1918 : vector<16xf32>
      %select_n3A_1960 = arith.select %gt3A_1959, %select_n3A_1956, %select_n3A_1918 : vector<16xi1>, vector<16xf32>
      %select_n3A_1961 = arith.select %gt3A_1959, %select_n3A_1918, %select_n3A_1956 : vector<16xi1>, vector<16xf32>
      %select_n3A_1962 = arith.select %gt3A_1959, %select_n3A_1958, %select_n3A_1920 : vector<16xi1>, vector<16xi32>
      %select_n3A_1963 = arith.select %gt3A_1959, %select_n3A_1920, %select_n3A_1958 : vector<16xi1>, vector<16xi32>
      %gt3A_1964 = arith.cmpf ogt, %select_n3A_1961, %select_n3A_1923 : vector<16xf32>
      %select_n3A_1965 = arith.select %gt3A_1964, %select_n3A_1961, %select_n3A_1923 : vector<16xi1>, vector<16xf32>
      %select_n3A_1966 = arith.select %gt3A_1964, %select_n3A_1923, %select_n3A_1961 : vector<16xi1>, vector<16xf32>
      %select_n3A_1967 = arith.select %gt3A_1964, %select_n3A_1963, %select_n3A_1925 : vector<16xi1>, vector<16xi32>
      %select_n3A_1968 = arith.select %gt3A_1964, %select_n3A_1925, %select_n3A_1963 : vector<16xi1>, vector<16xi32>
      %gt3A_1969 = arith.cmpf ogt, %select_n3A_1966, %select_n3A_1928 : vector<16xf32>
      %select_n3A_1970 = arith.select %gt3A_1969, %select_n3A_1966, %select_n3A_1928 : vector<16xi1>, vector<16xf32>
      %select_n3A_1971 = arith.select %gt3A_1969, %select_n3A_1928, %select_n3A_1966 : vector<16xi1>, vector<16xf32>
      %select_n3A_1972 = arith.select %gt3A_1969, %select_n3A_1968, %select_n3A_1930 : vector<16xi1>, vector<16xi32>
      %select_n3A_1973 = arith.select %gt3A_1969, %select_n3A_1930, %select_n3A_1968 : vector<16xi1>, vector<16xi32>
      %gt3A_1974 = arith.cmpf ogt, %select_n3A_1971, %select_n3A_1933 : vector<16xf32>
      %select_n3A_1975 = arith.select %gt3A_1974, %select_n3A_1971, %select_n3A_1933 : vector<16xi1>, vector<16xf32>
      %select_n3A_1976 = arith.select %gt3A_1974, %select_n3A_1933, %select_n3A_1971 : vector<16xi1>, vector<16xf32>
      %select_n3A_1977 = arith.select %gt3A_1974, %select_n3A_1973, %select_n3A_1935 : vector<16xi1>, vector<16xi32>
      %select_n3A_1978 = arith.select %gt3A_1974, %select_n3A_1935, %select_n3A_1973 : vector<16xi1>, vector<16xi32>
      %gt3A_1979 = arith.cmpf ogt, %select_n3A_1976, %select_n3A_1938 : vector<16xf32>
      %select_n3A_1980 = arith.select %gt3A_1979, %select_n3A_1976, %select_n3A_1938 : vector<16xi1>, vector<16xf32>
      %select_n3A_1981 = arith.select %gt3A_1979, %select_n3A_1938, %select_n3A_1976 : vector<16xi1>, vector<16xf32>
      %select_n3A_1982 = arith.select %gt3A_1979, %select_n3A_1978, %select_n3A_1940 : vector<16xi1>, vector<16xi32>
      %select_n3A_1983 = arith.select %gt3A_1979, %select_n3A_1940, %select_n3A_1978 : vector<16xi1>, vector<16xi32>
      %gt3A_1984 = arith.cmpf ogt, %select_n3A_1981, %select_n3A_1943 : vector<16xf32>
      %select_n3A_1985 = arith.select %gt3A_1984, %select_n3A_1981, %select_n3A_1943 : vector<16xi1>, vector<16xf32>
      %select_n3A_1986 = arith.select %gt3A_1984, %select_n3A_1943, %select_n3A_1981 : vector<16xi1>, vector<16xf32>
      %select_n3A_1987 = arith.select %gt3A_1984, %select_n3A_1983, %select_n3A_1945 : vector<16xi1>, vector<16xi32>
      %select_n3A_1988 = arith.select %gt3A_1984, %select_n3A_1945, %select_n3A_1983 : vector<16xi1>, vector<16xi32>
      %gt3A_1989 = arith.cmpf ogt, %select_n3A_1986, %select_n3A_1948 : vector<16xf32>
      %select_n3A_1990 = arith.select %gt3A_1989, %select_n3A_1986, %select_n3A_1948 : vector<16xi1>, vector<16xf32>
      %select_n3A_1991 = arith.select %gt3A_1989, %select_n3A_1948, %select_n3A_1986 : vector<16xi1>, vector<16xf32>
      %select_n3A_1992 = arith.select %gt3A_1989, %select_n3A_1988, %select_n3A_1950 : vector<16xi1>, vector<16xi32>
      %select_n3A_1993 = arith.select %gt3A_1989, %select_n3A_1950, %select_n3A_1988 : vector<16xi1>, vector<16xi32>
      %broadcast_in_dim3A_1994 = arith.constant 28 : i32
      %broadcast_in_dim3A_1995 = vector.broadcast %broadcast_in_dim3A_1994 : i32 to vector<16xi32>
      %gt3A_1996 = arith.cmpf ogt, %mul3A_751, %select_n3A_1955 : vector<16xf32>
      %select_n3A_1997 = arith.select %gt3A_1996, %mul3A_751, %select_n3A_1955 : vector<16xi1>, vector<16xf32>
      %select_n3A_1998 = arith.select %gt3A_1996, %select_n3A_1955, %mul3A_751 : vector<16xi1>, vector<16xf32>
      %select_n3A_1999 = arith.select %gt3A_1996, %broadcast_in_dim3A_1995, %select_n3A_1957 : vector<16xi1>, vector<16xi32>
      %select_n3A_2000 = arith.select %gt3A_1996, %select_n3A_1957, %broadcast_in_dim3A_1995 : vector<16xi1>, vector<16xi32>
      %gt3A_2001 = arith.cmpf ogt, %select_n3A_1998, %select_n3A_1960 : vector<16xf32>
      %select_n3A_2002 = arith.select %gt3A_2001, %select_n3A_1998, %select_n3A_1960 : vector<16xi1>, vector<16xf32>
      %select_n3A_2003 = arith.select %gt3A_2001, %select_n3A_1960, %select_n3A_1998 : vector<16xi1>, vector<16xf32>
      %select_n3A_2004 = arith.select %gt3A_2001, %select_n3A_2000, %select_n3A_1962 : vector<16xi1>, vector<16xi32>
      %select_n3A_2005 = arith.select %gt3A_2001, %select_n3A_1962, %select_n3A_2000 : vector<16xi1>, vector<16xi32>
      %gt3A_2006 = arith.cmpf ogt, %select_n3A_2003, %select_n3A_1965 : vector<16xf32>
      %select_n3A_2007 = arith.select %gt3A_2006, %select_n3A_2003, %select_n3A_1965 : vector<16xi1>, vector<16xf32>
      %select_n3A_2008 = arith.select %gt3A_2006, %select_n3A_1965, %select_n3A_2003 : vector<16xi1>, vector<16xf32>
      %select_n3A_2009 = arith.select %gt3A_2006, %select_n3A_2005, %select_n3A_1967 : vector<16xi1>, vector<16xi32>
      %select_n3A_2010 = arith.select %gt3A_2006, %select_n3A_1967, %select_n3A_2005 : vector<16xi1>, vector<16xi32>
      %gt3A_2011 = arith.cmpf ogt, %select_n3A_2008, %select_n3A_1970 : vector<16xf32>
      %select_n3A_2012 = arith.select %gt3A_2011, %select_n3A_2008, %select_n3A_1970 : vector<16xi1>, vector<16xf32>
      %select_n3A_2013 = arith.select %gt3A_2011, %select_n3A_1970, %select_n3A_2008 : vector<16xi1>, vector<16xf32>
      %select_n3A_2014 = arith.select %gt3A_2011, %select_n3A_2010, %select_n3A_1972 : vector<16xi1>, vector<16xi32>
      %select_n3A_2015 = arith.select %gt3A_2011, %select_n3A_1972, %select_n3A_2010 : vector<16xi1>, vector<16xi32>
      %gt3A_2016 = arith.cmpf ogt, %select_n3A_2013, %select_n3A_1975 : vector<16xf32>
      %select_n3A_2017 = arith.select %gt3A_2016, %select_n3A_2013, %select_n3A_1975 : vector<16xi1>, vector<16xf32>
      %select_n3A_2018 = arith.select %gt3A_2016, %select_n3A_1975, %select_n3A_2013 : vector<16xi1>, vector<16xf32>
      %select_n3A_2019 = arith.select %gt3A_2016, %select_n3A_2015, %select_n3A_1977 : vector<16xi1>, vector<16xi32>
      %select_n3A_2020 = arith.select %gt3A_2016, %select_n3A_1977, %select_n3A_2015 : vector<16xi1>, vector<16xi32>
      %gt3A_2021 = arith.cmpf ogt, %select_n3A_2018, %select_n3A_1980 : vector<16xf32>
      %select_n3A_2022 = arith.select %gt3A_2021, %select_n3A_2018, %select_n3A_1980 : vector<16xi1>, vector<16xf32>
      %select_n3A_2023 = arith.select %gt3A_2021, %select_n3A_1980, %select_n3A_2018 : vector<16xi1>, vector<16xf32>
      %select_n3A_2024 = arith.select %gt3A_2021, %select_n3A_2020, %select_n3A_1982 : vector<16xi1>, vector<16xi32>
      %select_n3A_2025 = arith.select %gt3A_2021, %select_n3A_1982, %select_n3A_2020 : vector<16xi1>, vector<16xi32>
      %gt3A_2026 = arith.cmpf ogt, %select_n3A_2023, %select_n3A_1985 : vector<16xf32>
      %select_n3A_2027 = arith.select %gt3A_2026, %select_n3A_2023, %select_n3A_1985 : vector<16xi1>, vector<16xf32>
      %select_n3A_2028 = arith.select %gt3A_2026, %select_n3A_1985, %select_n3A_2023 : vector<16xi1>, vector<16xf32>
      %select_n3A_2029 = arith.select %gt3A_2026, %select_n3A_2025, %select_n3A_1987 : vector<16xi1>, vector<16xi32>
      %select_n3A_2030 = arith.select %gt3A_2026, %select_n3A_1987, %select_n3A_2025 : vector<16xi1>, vector<16xi32>
      %gt3A_2031 = arith.cmpf ogt, %select_n3A_2028, %select_n3A_1990 : vector<16xf32>
      %select_n3A_2032 = arith.select %gt3A_2031, %select_n3A_2028, %select_n3A_1990 : vector<16xi1>, vector<16xf32>
      %select_n3A_2033 = arith.select %gt3A_2031, %select_n3A_1990, %select_n3A_2028 : vector<16xi1>, vector<16xf32>
      %select_n3A_2034 = arith.select %gt3A_2031, %select_n3A_2030, %select_n3A_1992 : vector<16xi1>, vector<16xi32>
      %select_n3A_2035 = arith.select %gt3A_2031, %select_n3A_1992, %select_n3A_2030 : vector<16xi1>, vector<16xi32>
      %broadcast_in_dim3A_2036 = arith.constant 29 : i32
      %broadcast_in_dim3A_2037 = vector.broadcast %broadcast_in_dim3A_2036 : i32 to vector<16xi32>
      %gt3A_2038 = arith.cmpf ogt, %mul3A_752, %select_n3A_1997 : vector<16xf32>
      %select_n3A_2039 = arith.select %gt3A_2038, %mul3A_752, %select_n3A_1997 : vector<16xi1>, vector<16xf32>
      %select_n3A_2040 = arith.select %gt3A_2038, %select_n3A_1997, %mul3A_752 : vector<16xi1>, vector<16xf32>
      %select_n3A_2041 = arith.select %gt3A_2038, %broadcast_in_dim3A_2037, %select_n3A_1999 : vector<16xi1>, vector<16xi32>
      %select_n3A_2042 = arith.select %gt3A_2038, %select_n3A_1999, %broadcast_in_dim3A_2037 : vector<16xi1>, vector<16xi32>
      %gt3A_2043 = arith.cmpf ogt, %select_n3A_2040, %select_n3A_2002 : vector<16xf32>
      %select_n3A_2044 = arith.select %gt3A_2043, %select_n3A_2040, %select_n3A_2002 : vector<16xi1>, vector<16xf32>
      %select_n3A_2045 = arith.select %gt3A_2043, %select_n3A_2002, %select_n3A_2040 : vector<16xi1>, vector<16xf32>
      %select_n3A_2046 = arith.select %gt3A_2043, %select_n3A_2042, %select_n3A_2004 : vector<16xi1>, vector<16xi32>
      %select_n3A_2047 = arith.select %gt3A_2043, %select_n3A_2004, %select_n3A_2042 : vector<16xi1>, vector<16xi32>
      %gt3A_2048 = arith.cmpf ogt, %select_n3A_2045, %select_n3A_2007 : vector<16xf32>
      %select_n3A_2049 = arith.select %gt3A_2048, %select_n3A_2045, %select_n3A_2007 : vector<16xi1>, vector<16xf32>
      %select_n3A_2050 = arith.select %gt3A_2048, %select_n3A_2007, %select_n3A_2045 : vector<16xi1>, vector<16xf32>
      %select_n3A_2051 = arith.select %gt3A_2048, %select_n3A_2047, %select_n3A_2009 : vector<16xi1>, vector<16xi32>
      %select_n3A_2052 = arith.select %gt3A_2048, %select_n3A_2009, %select_n3A_2047 : vector<16xi1>, vector<16xi32>
      %gt3A_2053 = arith.cmpf ogt, %select_n3A_2050, %select_n3A_2012 : vector<16xf32>
      %select_n3A_2054 = arith.select %gt3A_2053, %select_n3A_2050, %select_n3A_2012 : vector<16xi1>, vector<16xf32>
      %select_n3A_2055 = arith.select %gt3A_2053, %select_n3A_2012, %select_n3A_2050 : vector<16xi1>, vector<16xf32>
      %select_n3A_2056 = arith.select %gt3A_2053, %select_n3A_2052, %select_n3A_2014 : vector<16xi1>, vector<16xi32>
      %select_n3A_2057 = arith.select %gt3A_2053, %select_n3A_2014, %select_n3A_2052 : vector<16xi1>, vector<16xi32>
      %gt3A_2058 = arith.cmpf ogt, %select_n3A_2055, %select_n3A_2017 : vector<16xf32>
      %select_n3A_2059 = arith.select %gt3A_2058, %select_n3A_2055, %select_n3A_2017 : vector<16xi1>, vector<16xf32>
      %select_n3A_2060 = arith.select %gt3A_2058, %select_n3A_2017, %select_n3A_2055 : vector<16xi1>, vector<16xf32>
      %select_n3A_2061 = arith.select %gt3A_2058, %select_n3A_2057, %select_n3A_2019 : vector<16xi1>, vector<16xi32>
      %select_n3A_2062 = arith.select %gt3A_2058, %select_n3A_2019, %select_n3A_2057 : vector<16xi1>, vector<16xi32>
      %gt3A_2063 = arith.cmpf ogt, %select_n3A_2060, %select_n3A_2022 : vector<16xf32>
      %select_n3A_2064 = arith.select %gt3A_2063, %select_n3A_2060, %select_n3A_2022 : vector<16xi1>, vector<16xf32>
      %select_n3A_2065 = arith.select %gt3A_2063, %select_n3A_2022, %select_n3A_2060 : vector<16xi1>, vector<16xf32>
      %select_n3A_2066 = arith.select %gt3A_2063, %select_n3A_2062, %select_n3A_2024 : vector<16xi1>, vector<16xi32>
      %select_n3A_2067 = arith.select %gt3A_2063, %select_n3A_2024, %select_n3A_2062 : vector<16xi1>, vector<16xi32>
      %gt3A_2068 = arith.cmpf ogt, %select_n3A_2065, %select_n3A_2027 : vector<16xf32>
      %select_n3A_2069 = arith.select %gt3A_2068, %select_n3A_2065, %select_n3A_2027 : vector<16xi1>, vector<16xf32>
      %select_n3A_2070 = arith.select %gt3A_2068, %select_n3A_2027, %select_n3A_2065 : vector<16xi1>, vector<16xf32>
      %select_n3A_2071 = arith.select %gt3A_2068, %select_n3A_2067, %select_n3A_2029 : vector<16xi1>, vector<16xi32>
      %select_n3A_2072 = arith.select %gt3A_2068, %select_n3A_2029, %select_n3A_2067 : vector<16xi1>, vector<16xi32>
      %gt3A_2073 = arith.cmpf ogt, %select_n3A_2070, %select_n3A_2032 : vector<16xf32>
      %select_n3A_2074 = arith.select %gt3A_2073, %select_n3A_2070, %select_n3A_2032 : vector<16xi1>, vector<16xf32>
      %select_n3A_2075 = arith.select %gt3A_2073, %select_n3A_2032, %select_n3A_2070 : vector<16xi1>, vector<16xf32>
      %select_n3A_2076 = arith.select %gt3A_2073, %select_n3A_2072, %select_n3A_2034 : vector<16xi1>, vector<16xi32>
      %select_n3A_2077 = arith.select %gt3A_2073, %select_n3A_2034, %select_n3A_2072 : vector<16xi1>, vector<16xi32>
      %broadcast_in_dim3A_2078 = arith.constant 30 : i32
      %broadcast_in_dim3A_2079 = vector.broadcast %broadcast_in_dim3A_2078 : i32 to vector<16xi32>
      %gt3A_2080 = arith.cmpf ogt, %mul3A_753, %select_n3A_2039 : vector<16xf32>
      %select_n3A_2081 = arith.select %gt3A_2080, %mul3A_753, %select_n3A_2039 : vector<16xi1>, vector<16xf32>
      %select_n3A_2082 = arith.select %gt3A_2080, %select_n3A_2039, %mul3A_753 : vector<16xi1>, vector<16xf32>
      %select_n3A_2083 = arith.select %gt3A_2080, %broadcast_in_dim3A_2079, %select_n3A_2041 : vector<16xi1>, vector<16xi32>
      %select_n3A_2084 = arith.select %gt3A_2080, %select_n3A_2041, %broadcast_in_dim3A_2079 : vector<16xi1>, vector<16xi32>
      %gt3A_2085 = arith.cmpf ogt, %select_n3A_2082, %select_n3A_2044 : vector<16xf32>
      %select_n3A_2086 = arith.select %gt3A_2085, %select_n3A_2082, %select_n3A_2044 : vector<16xi1>, vector<16xf32>
      %select_n3A_2087 = arith.select %gt3A_2085, %select_n3A_2044, %select_n3A_2082 : vector<16xi1>, vector<16xf32>
      %select_n3A_2088 = arith.select %gt3A_2085, %select_n3A_2084, %select_n3A_2046 : vector<16xi1>, vector<16xi32>
      %select_n3A_2089 = arith.select %gt3A_2085, %select_n3A_2046, %select_n3A_2084 : vector<16xi1>, vector<16xi32>
      %gt3A_2090 = arith.cmpf ogt, %select_n3A_2087, %select_n3A_2049 : vector<16xf32>
      %select_n3A_2091 = arith.select %gt3A_2090, %select_n3A_2087, %select_n3A_2049 : vector<16xi1>, vector<16xf32>
      %select_n3A_2092 = arith.select %gt3A_2090, %select_n3A_2049, %select_n3A_2087 : vector<16xi1>, vector<16xf32>
      %select_n3A_2093 = arith.select %gt3A_2090, %select_n3A_2089, %select_n3A_2051 : vector<16xi1>, vector<16xi32>
      %select_n3A_2094 = arith.select %gt3A_2090, %select_n3A_2051, %select_n3A_2089 : vector<16xi1>, vector<16xi32>
      %gt3A_2095 = arith.cmpf ogt, %select_n3A_2092, %select_n3A_2054 : vector<16xf32>
      %select_n3A_2096 = arith.select %gt3A_2095, %select_n3A_2092, %select_n3A_2054 : vector<16xi1>, vector<16xf32>
      %select_n3A_2097 = arith.select %gt3A_2095, %select_n3A_2054, %select_n3A_2092 : vector<16xi1>, vector<16xf32>
      %select_n3A_2098 = arith.select %gt3A_2095, %select_n3A_2094, %select_n3A_2056 : vector<16xi1>, vector<16xi32>
      %select_n3A_2099 = arith.select %gt3A_2095, %select_n3A_2056, %select_n3A_2094 : vector<16xi1>, vector<16xi32>
      %gt3A_2100 = arith.cmpf ogt, %select_n3A_2097, %select_n3A_2059 : vector<16xf32>
      %select_n3A_2101 = arith.select %gt3A_2100, %select_n3A_2097, %select_n3A_2059 : vector<16xi1>, vector<16xf32>
      %select_n3A_2102 = arith.select %gt3A_2100, %select_n3A_2059, %select_n3A_2097 : vector<16xi1>, vector<16xf32>
      %select_n3A_2103 = arith.select %gt3A_2100, %select_n3A_2099, %select_n3A_2061 : vector<16xi1>, vector<16xi32>
      %select_n3A_2104 = arith.select %gt3A_2100, %select_n3A_2061, %select_n3A_2099 : vector<16xi1>, vector<16xi32>
      %gt3A_2105 = arith.cmpf ogt, %select_n3A_2102, %select_n3A_2064 : vector<16xf32>
      %select_n3A_2106 = arith.select %gt3A_2105, %select_n3A_2102, %select_n3A_2064 : vector<16xi1>, vector<16xf32>
      %select_n3A_2107 = arith.select %gt3A_2105, %select_n3A_2064, %select_n3A_2102 : vector<16xi1>, vector<16xf32>
      %select_n3A_2108 = arith.select %gt3A_2105, %select_n3A_2104, %select_n3A_2066 : vector<16xi1>, vector<16xi32>
      %select_n3A_2109 = arith.select %gt3A_2105, %select_n3A_2066, %select_n3A_2104 : vector<16xi1>, vector<16xi32>
      %gt3A_2110 = arith.cmpf ogt, %select_n3A_2107, %select_n3A_2069 : vector<16xf32>
      %select_n3A_2111 = arith.select %gt3A_2110, %select_n3A_2107, %select_n3A_2069 : vector<16xi1>, vector<16xf32>
      %select_n3A_2112 = arith.select %gt3A_2110, %select_n3A_2069, %select_n3A_2107 : vector<16xi1>, vector<16xf32>
      %select_n3A_2113 = arith.select %gt3A_2110, %select_n3A_2109, %select_n3A_2071 : vector<16xi1>, vector<16xi32>
      %select_n3A_2114 = arith.select %gt3A_2110, %select_n3A_2071, %select_n3A_2109 : vector<16xi1>, vector<16xi32>
      %gt3A_2115 = arith.cmpf ogt, %select_n3A_2112, %select_n3A_2074 : vector<16xf32>
      %select_n3A_2116 = arith.select %gt3A_2115, %select_n3A_2112, %select_n3A_2074 : vector<16xi1>, vector<16xf32>
      %select_n3A_2117 = arith.select %gt3A_2115, %select_n3A_2074, %select_n3A_2112 : vector<16xi1>, vector<16xf32>
      %select_n3A_2118 = arith.select %gt3A_2115, %select_n3A_2114, %select_n3A_2076 : vector<16xi1>, vector<16xi32>
      %select_n3A_2119 = arith.select %gt3A_2115, %select_n3A_2076, %select_n3A_2114 : vector<16xi1>, vector<16xi32>
      %broadcast_in_dim3A_2120 = arith.constant 31 : i32
      %broadcast_in_dim3A_2121 = vector.broadcast %broadcast_in_dim3A_2120 : i32 to vector<16xi32>
      %gt3A_2122 = arith.cmpf ogt, %mul3A_754, %select_n3A_2081 : vector<16xf32>
      %select_n3A_2123 = arith.select %gt3A_2122, %mul3A_754, %select_n3A_2081 : vector<16xi1>, vector<16xf32>
      %select_n3A_2124 = arith.select %gt3A_2122, %select_n3A_2081, %mul3A_754 : vector<16xi1>, vector<16xf32>
      %select_n3A_2125 = arith.select %gt3A_2122, %broadcast_in_dim3A_2121, %select_n3A_2083 : vector<16xi1>, vector<16xi32>
      %select_n3A_2126 = arith.select %gt3A_2122, %select_n3A_2083, %broadcast_in_dim3A_2121 : vector<16xi1>, vector<16xi32>
      %gt3A_2127 = arith.cmpf ogt, %select_n3A_2124, %select_n3A_2086 : vector<16xf32>
      %select_n3A_2128 = arith.select %gt3A_2127, %select_n3A_2124, %select_n3A_2086 : vector<16xi1>, vector<16xf32>
      %select_n3A_2129 = arith.select %gt3A_2127, %select_n3A_2086, %select_n3A_2124 : vector<16xi1>, vector<16xf32>
      %select_n3A_2130 = arith.select %gt3A_2127, %select_n3A_2126, %select_n3A_2088 : vector<16xi1>, vector<16xi32>
      %select_n3A_2131 = arith.select %gt3A_2127, %select_n3A_2088, %select_n3A_2126 : vector<16xi1>, vector<16xi32>
      %gt3A_2132 = arith.cmpf ogt, %select_n3A_2129, %select_n3A_2091 : vector<16xf32>
      %select_n3A_2133 = arith.select %gt3A_2132, %select_n3A_2129, %select_n3A_2091 : vector<16xi1>, vector<16xf32>
      %select_n3A_2134 = arith.select %gt3A_2132, %select_n3A_2091, %select_n3A_2129 : vector<16xi1>, vector<16xf32>
      %select_n3A_2135 = arith.select %gt3A_2132, %select_n3A_2131, %select_n3A_2093 : vector<16xi1>, vector<16xi32>
      %select_n3A_2136 = arith.select %gt3A_2132, %select_n3A_2093, %select_n3A_2131 : vector<16xi1>, vector<16xi32>
      %gt3A_2137 = arith.cmpf ogt, %select_n3A_2134, %select_n3A_2096 : vector<16xf32>
      %select_n3A_2138 = arith.select %gt3A_2137, %select_n3A_2134, %select_n3A_2096 : vector<16xi1>, vector<16xf32>
      %select_n3A_2139 = arith.select %gt3A_2137, %select_n3A_2096, %select_n3A_2134 : vector<16xi1>, vector<16xf32>
      %select_n3A_2140 = arith.select %gt3A_2137, %select_n3A_2136, %select_n3A_2098 : vector<16xi1>, vector<16xi32>
      %select_n3A_2141 = arith.select %gt3A_2137, %select_n3A_2098, %select_n3A_2136 : vector<16xi1>, vector<16xi32>
      %gt3A_2142 = arith.cmpf ogt, %select_n3A_2139, %select_n3A_2101 : vector<16xf32>
      %select_n3A_2143 = arith.select %gt3A_2142, %select_n3A_2139, %select_n3A_2101 : vector<16xi1>, vector<16xf32>
      %select_n3A_2144 = arith.select %gt3A_2142, %select_n3A_2101, %select_n3A_2139 : vector<16xi1>, vector<16xf32>
      %select_n3A_2145 = arith.select %gt3A_2142, %select_n3A_2141, %select_n3A_2103 : vector<16xi1>, vector<16xi32>
      %select_n3A_2146 = arith.select %gt3A_2142, %select_n3A_2103, %select_n3A_2141 : vector<16xi1>, vector<16xi32>
      %gt3A_2147 = arith.cmpf ogt, %select_n3A_2144, %select_n3A_2106 : vector<16xf32>
      %select_n3A_2148 = arith.select %gt3A_2147, %select_n3A_2144, %select_n3A_2106 : vector<16xi1>, vector<16xf32>
      %select_n3A_2149 = arith.select %gt3A_2147, %select_n3A_2106, %select_n3A_2144 : vector<16xi1>, vector<16xf32>
      %select_n3A_2150 = arith.select %gt3A_2147, %select_n3A_2146, %select_n3A_2108 : vector<16xi1>, vector<16xi32>
      %select_n3A_2151 = arith.select %gt3A_2147, %select_n3A_2108, %select_n3A_2146 : vector<16xi1>, vector<16xi32>
      %gt3A_2152 = arith.cmpf ogt, %select_n3A_2149, %select_n3A_2111 : vector<16xf32>
      %select_n3A_2153 = arith.select %gt3A_2152, %select_n3A_2149, %select_n3A_2111 : vector<16xi1>, vector<16xf32>
      %select_n3A_2154 = arith.select %gt3A_2152, %select_n3A_2111, %select_n3A_2149 : vector<16xi1>, vector<16xf32>
      %select_n3A_2155 = arith.select %gt3A_2152, %select_n3A_2151, %select_n3A_2113 : vector<16xi1>, vector<16xi32>
      %select_n3A_2156 = arith.select %gt3A_2152, %select_n3A_2113, %select_n3A_2151 : vector<16xi1>, vector<16xi32>
      %gt3A_2157 = arith.cmpf ogt, %select_n3A_2154, %select_n3A_2116 : vector<16xf32>
      %select_n3A_2158 = arith.select %gt3A_2157, %select_n3A_2154, %select_n3A_2116 : vector<16xi1>, vector<16xf32>
      %select_n3A_2159 = arith.select %gt3A_2157, %select_n3A_2116, %select_n3A_2154 : vector<16xi1>, vector<16xf32>
      %select_n3A_2160 = arith.select %gt3A_2157, %select_n3A_2156, %select_n3A_2118 : vector<16xi1>, vector<16xi32>
      %select_n3A_2161 = arith.select %gt3A_2157, %select_n3A_2118, %select_n3A_2156 : vector<16xi1>, vector<16xi32>
      %broadcast_in_dim3A_2162 = arith.constant 32 : i32
      %broadcast_in_dim3A_2163 = vector.broadcast %broadcast_in_dim3A_2162 : i32 to vector<16xi32>
      %gt3A_2164 = arith.cmpf ogt, %mul3A_755, %select_n3A_2123 : vector<16xf32>
      %select_n3A_2165 = arith.select %gt3A_2164, %mul3A_755, %select_n3A_2123 : vector<16xi1>, vector<16xf32>
      %select_n3A_2166 = arith.select %gt3A_2164, %select_n3A_2123, %mul3A_755 : vector<16xi1>, vector<16xf32>
      %select_n3A_2167 = arith.select %gt3A_2164, %broadcast_in_dim3A_2163, %select_n3A_2125 : vector<16xi1>, vector<16xi32>
      %select_n3A_2168 = arith.select %gt3A_2164, %select_n3A_2125, %broadcast_in_dim3A_2163 : vector<16xi1>, vector<16xi32>
      %gt3A_2169 = arith.cmpf ogt, %select_n3A_2166, %select_n3A_2128 : vector<16xf32>
      %select_n3A_2170 = arith.select %gt3A_2169, %select_n3A_2166, %select_n3A_2128 : vector<16xi1>, vector<16xf32>
      %select_n3A_2171 = arith.select %gt3A_2169, %select_n3A_2128, %select_n3A_2166 : vector<16xi1>, vector<16xf32>
      %select_n3A_2172 = arith.select %gt3A_2169, %select_n3A_2168, %select_n3A_2130 : vector<16xi1>, vector<16xi32>
      %select_n3A_2173 = arith.select %gt3A_2169, %select_n3A_2130, %select_n3A_2168 : vector<16xi1>, vector<16xi32>
      %gt3A_2174 = arith.cmpf ogt, %select_n3A_2171, %select_n3A_2133 : vector<16xf32>
      %select_n3A_2175 = arith.select %gt3A_2174, %select_n3A_2171, %select_n3A_2133 : vector<16xi1>, vector<16xf32>
      %select_n3A_2176 = arith.select %gt3A_2174, %select_n3A_2133, %select_n3A_2171 : vector<16xi1>, vector<16xf32>
      %select_n3A_2177 = arith.select %gt3A_2174, %select_n3A_2173, %select_n3A_2135 : vector<16xi1>, vector<16xi32>
      %select_n3A_2178 = arith.select %gt3A_2174, %select_n3A_2135, %select_n3A_2173 : vector<16xi1>, vector<16xi32>
      %gt3A_2179 = arith.cmpf ogt, %select_n3A_2176, %select_n3A_2138 : vector<16xf32>
      %select_n3A_2180 = arith.select %gt3A_2179, %select_n3A_2176, %select_n3A_2138 : vector<16xi1>, vector<16xf32>
      %select_n3A_2181 = arith.select %gt3A_2179, %select_n3A_2138, %select_n3A_2176 : vector<16xi1>, vector<16xf32>
      %select_n3A_2182 = arith.select %gt3A_2179, %select_n3A_2178, %select_n3A_2140 : vector<16xi1>, vector<16xi32>
      %select_n3A_2183 = arith.select %gt3A_2179, %select_n3A_2140, %select_n3A_2178 : vector<16xi1>, vector<16xi32>
      %gt3A_2184 = arith.cmpf ogt, %select_n3A_2181, %select_n3A_2143 : vector<16xf32>
      %select_n3A_2185 = arith.select %gt3A_2184, %select_n3A_2181, %select_n3A_2143 : vector<16xi1>, vector<16xf32>
      %select_n3A_2186 = arith.select %gt3A_2184, %select_n3A_2143, %select_n3A_2181 : vector<16xi1>, vector<16xf32>
      %select_n3A_2187 = arith.select %gt3A_2184, %select_n3A_2183, %select_n3A_2145 : vector<16xi1>, vector<16xi32>
      %select_n3A_2188 = arith.select %gt3A_2184, %select_n3A_2145, %select_n3A_2183 : vector<16xi1>, vector<16xi32>
      %gt3A_2189 = arith.cmpf ogt, %select_n3A_2186, %select_n3A_2148 : vector<16xf32>
      %select_n3A_2190 = arith.select %gt3A_2189, %select_n3A_2186, %select_n3A_2148 : vector<16xi1>, vector<16xf32>
      %select_n3A_2191 = arith.select %gt3A_2189, %select_n3A_2148, %select_n3A_2186 : vector<16xi1>, vector<16xf32>
      %select_n3A_2192 = arith.select %gt3A_2189, %select_n3A_2188, %select_n3A_2150 : vector<16xi1>, vector<16xi32>
      %select_n3A_2193 = arith.select %gt3A_2189, %select_n3A_2150, %select_n3A_2188 : vector<16xi1>, vector<16xi32>
      %gt3A_2194 = arith.cmpf ogt, %select_n3A_2191, %select_n3A_2153 : vector<16xf32>
      %select_n3A_2195 = arith.select %gt3A_2194, %select_n3A_2191, %select_n3A_2153 : vector<16xi1>, vector<16xf32>
      %select_n3A_2196 = arith.select %gt3A_2194, %select_n3A_2153, %select_n3A_2191 : vector<16xi1>, vector<16xf32>
      %select_n3A_2197 = arith.select %gt3A_2194, %select_n3A_2193, %select_n3A_2155 : vector<16xi1>, vector<16xi32>
      %select_n3A_2198 = arith.select %gt3A_2194, %select_n3A_2155, %select_n3A_2193 : vector<16xi1>, vector<16xi32>
      %gt3A_2199 = arith.cmpf ogt, %select_n3A_2196, %select_n3A_2158 : vector<16xf32>
      %select_n3A_2200 = arith.select %gt3A_2199, %select_n3A_2196, %select_n3A_2158 : vector<16xi1>, vector<16xf32>
      %select_n3A_2201 = arith.select %gt3A_2199, %select_n3A_2158, %select_n3A_2196 : vector<16xi1>, vector<16xf32>
      %select_n3A_2202 = arith.select %gt3A_2199, %select_n3A_2198, %select_n3A_2160 : vector<16xi1>, vector<16xi32>
      %select_n3A_2203 = arith.select %gt3A_2199, %select_n3A_2160, %select_n3A_2198 : vector<16xi1>, vector<16xi32>
      %broadcast_in_dim3A_2204 = arith.constant 33 : i32
      %broadcast_in_dim3A_2205 = vector.broadcast %broadcast_in_dim3A_2204 : i32 to vector<16xi32>
      %gt3A_2206 = arith.cmpf ogt, %mul3A_756, %select_n3A_2165 : vector<16xf32>
      %select_n3A_2207 = arith.select %gt3A_2206, %mul3A_756, %select_n3A_2165 : vector<16xi1>, vector<16xf32>
      %select_n3A_2208 = arith.select %gt3A_2206, %select_n3A_2165, %mul3A_756 : vector<16xi1>, vector<16xf32>
      %select_n3A_2209 = arith.select %gt3A_2206, %broadcast_in_dim3A_2205, %select_n3A_2167 : vector<16xi1>, vector<16xi32>
      %select_n3A_2210 = arith.select %gt3A_2206, %select_n3A_2167, %broadcast_in_dim3A_2205 : vector<16xi1>, vector<16xi32>
      %gt3A_2211 = arith.cmpf ogt, %select_n3A_2208, %select_n3A_2170 : vector<16xf32>
      %select_n3A_2212 = arith.select %gt3A_2211, %select_n3A_2208, %select_n3A_2170 : vector<16xi1>, vector<16xf32>
      %select_n3A_2213 = arith.select %gt3A_2211, %select_n3A_2170, %select_n3A_2208 : vector<16xi1>, vector<16xf32>
      %select_n3A_2214 = arith.select %gt3A_2211, %select_n3A_2210, %select_n3A_2172 : vector<16xi1>, vector<16xi32>
      %select_n3A_2215 = arith.select %gt3A_2211, %select_n3A_2172, %select_n3A_2210 : vector<16xi1>, vector<16xi32>
      %gt3A_2216 = arith.cmpf ogt, %select_n3A_2213, %select_n3A_2175 : vector<16xf32>
      %select_n3A_2217 = arith.select %gt3A_2216, %select_n3A_2213, %select_n3A_2175 : vector<16xi1>, vector<16xf32>
      %select_n3A_2218 = arith.select %gt3A_2216, %select_n3A_2175, %select_n3A_2213 : vector<16xi1>, vector<16xf32>
      %select_n3A_2219 = arith.select %gt3A_2216, %select_n3A_2215, %select_n3A_2177 : vector<16xi1>, vector<16xi32>
      %select_n3A_2220 = arith.select %gt3A_2216, %select_n3A_2177, %select_n3A_2215 : vector<16xi1>, vector<16xi32>
      %gt3A_2221 = arith.cmpf ogt, %select_n3A_2218, %select_n3A_2180 : vector<16xf32>
      %select_n3A_2222 = arith.select %gt3A_2221, %select_n3A_2218, %select_n3A_2180 : vector<16xi1>, vector<16xf32>
      %select_n3A_2223 = arith.select %gt3A_2221, %select_n3A_2180, %select_n3A_2218 : vector<16xi1>, vector<16xf32>
      %select_n3A_2224 = arith.select %gt3A_2221, %select_n3A_2220, %select_n3A_2182 : vector<16xi1>, vector<16xi32>
      %select_n3A_2225 = arith.select %gt3A_2221, %select_n3A_2182, %select_n3A_2220 : vector<16xi1>, vector<16xi32>
      %gt3A_2226 = arith.cmpf ogt, %select_n3A_2223, %select_n3A_2185 : vector<16xf32>
      %select_n3A_2227 = arith.select %gt3A_2226, %select_n3A_2223, %select_n3A_2185 : vector<16xi1>, vector<16xf32>
      %select_n3A_2228 = arith.select %gt3A_2226, %select_n3A_2185, %select_n3A_2223 : vector<16xi1>, vector<16xf32>
      %select_n3A_2229 = arith.select %gt3A_2226, %select_n3A_2225, %select_n3A_2187 : vector<16xi1>, vector<16xi32>
      %select_n3A_2230 = arith.select %gt3A_2226, %select_n3A_2187, %select_n3A_2225 : vector<16xi1>, vector<16xi32>
      %gt3A_2231 = arith.cmpf ogt, %select_n3A_2228, %select_n3A_2190 : vector<16xf32>
      %select_n3A_2232 = arith.select %gt3A_2231, %select_n3A_2228, %select_n3A_2190 : vector<16xi1>, vector<16xf32>
      %select_n3A_2233 = arith.select %gt3A_2231, %select_n3A_2190, %select_n3A_2228 : vector<16xi1>, vector<16xf32>
      %select_n3A_2234 = arith.select %gt3A_2231, %select_n3A_2230, %select_n3A_2192 : vector<16xi1>, vector<16xi32>
      %select_n3A_2235 = arith.select %gt3A_2231, %select_n3A_2192, %select_n3A_2230 : vector<16xi1>, vector<16xi32>
      %gt3A_2236 = arith.cmpf ogt, %select_n3A_2233, %select_n3A_2195 : vector<16xf32>
      %select_n3A_2237 = arith.select %gt3A_2236, %select_n3A_2233, %select_n3A_2195 : vector<16xi1>, vector<16xf32>
      %select_n3A_2238 = arith.select %gt3A_2236, %select_n3A_2195, %select_n3A_2233 : vector<16xi1>, vector<16xf32>
      %select_n3A_2239 = arith.select %gt3A_2236, %select_n3A_2235, %select_n3A_2197 : vector<16xi1>, vector<16xi32>
      %select_n3A_2240 = arith.select %gt3A_2236, %select_n3A_2197, %select_n3A_2235 : vector<16xi1>, vector<16xi32>
      %gt3A_2241 = arith.cmpf ogt, %select_n3A_2238, %select_n3A_2200 : vector<16xf32>
      %select_n3A_2242 = arith.select %gt3A_2241, %select_n3A_2238, %select_n3A_2200 : vector<16xi1>, vector<16xf32>
      %select_n3A_2243 = arith.select %gt3A_2241, %select_n3A_2200, %select_n3A_2238 : vector<16xi1>, vector<16xf32>
      %select_n3A_2244 = arith.select %gt3A_2241, %select_n3A_2240, %select_n3A_2202 : vector<16xi1>, vector<16xi32>
      %select_n3A_2245 = arith.select %gt3A_2241, %select_n3A_2202, %select_n3A_2240 : vector<16xi1>, vector<16xi32>
      %broadcast_in_dim3A_2246 = arith.constant 34 : i32
      %broadcast_in_dim3A_2247 = vector.broadcast %broadcast_in_dim3A_2246 : i32 to vector<16xi32>
      %gt3A_2248 = arith.cmpf ogt, %mul3A_757, %select_n3A_2207 : vector<16xf32>
      %select_n3A_2249 = arith.select %gt3A_2248, %mul3A_757, %select_n3A_2207 : vector<16xi1>, vector<16xf32>
      %select_n3A_2250 = arith.select %gt3A_2248, %select_n3A_2207, %mul3A_757 : vector<16xi1>, vector<16xf32>
      %select_n3A_2251 = arith.select %gt3A_2248, %broadcast_in_dim3A_2247, %select_n3A_2209 : vector<16xi1>, vector<16xi32>
      %select_n3A_2252 = arith.select %gt3A_2248, %select_n3A_2209, %broadcast_in_dim3A_2247 : vector<16xi1>, vector<16xi32>
      %gt3A_2253 = arith.cmpf ogt, %select_n3A_2250, %select_n3A_2212 : vector<16xf32>
      %select_n3A_2254 = arith.select %gt3A_2253, %select_n3A_2250, %select_n3A_2212 : vector<16xi1>, vector<16xf32>
      %select_n3A_2255 = arith.select %gt3A_2253, %select_n3A_2212, %select_n3A_2250 : vector<16xi1>, vector<16xf32>
      %select_n3A_2256 = arith.select %gt3A_2253, %select_n3A_2252, %select_n3A_2214 : vector<16xi1>, vector<16xi32>
      %select_n3A_2257 = arith.select %gt3A_2253, %select_n3A_2214, %select_n3A_2252 : vector<16xi1>, vector<16xi32>
      %gt3A_2258 = arith.cmpf ogt, %select_n3A_2255, %select_n3A_2217 : vector<16xf32>
      %select_n3A_2259 = arith.select %gt3A_2258, %select_n3A_2255, %select_n3A_2217 : vector<16xi1>, vector<16xf32>
      %select_n3A_2260 = arith.select %gt3A_2258, %select_n3A_2217, %select_n3A_2255 : vector<16xi1>, vector<16xf32>
      %select_n3A_2261 = arith.select %gt3A_2258, %select_n3A_2257, %select_n3A_2219 : vector<16xi1>, vector<16xi32>
      %select_n3A_2262 = arith.select %gt3A_2258, %select_n3A_2219, %select_n3A_2257 : vector<16xi1>, vector<16xi32>
      %gt3A_2263 = arith.cmpf ogt, %select_n3A_2260, %select_n3A_2222 : vector<16xf32>
      %select_n3A_2264 = arith.select %gt3A_2263, %select_n3A_2260, %select_n3A_2222 : vector<16xi1>, vector<16xf32>
      %select_n3A_2265 = arith.select %gt3A_2263, %select_n3A_2222, %select_n3A_2260 : vector<16xi1>, vector<16xf32>
      %select_n3A_2266 = arith.select %gt3A_2263, %select_n3A_2262, %select_n3A_2224 : vector<16xi1>, vector<16xi32>
      %select_n3A_2267 = arith.select %gt3A_2263, %select_n3A_2224, %select_n3A_2262 : vector<16xi1>, vector<16xi32>
      %gt3A_2268 = arith.cmpf ogt, %select_n3A_2265, %select_n3A_2227 : vector<16xf32>
      %select_n3A_2269 = arith.select %gt3A_2268, %select_n3A_2265, %select_n3A_2227 : vector<16xi1>, vector<16xf32>
      %select_n3A_2270 = arith.select %gt3A_2268, %select_n3A_2227, %select_n3A_2265 : vector<16xi1>, vector<16xf32>
      %select_n3A_2271 = arith.select %gt3A_2268, %select_n3A_2267, %select_n3A_2229 : vector<16xi1>, vector<16xi32>
      %select_n3A_2272 = arith.select %gt3A_2268, %select_n3A_2229, %select_n3A_2267 : vector<16xi1>, vector<16xi32>
      %gt3A_2273 = arith.cmpf ogt, %select_n3A_2270, %select_n3A_2232 : vector<16xf32>
      %select_n3A_2274 = arith.select %gt3A_2273, %select_n3A_2270, %select_n3A_2232 : vector<16xi1>, vector<16xf32>
      %select_n3A_2275 = arith.select %gt3A_2273, %select_n3A_2232, %select_n3A_2270 : vector<16xi1>, vector<16xf32>
      %select_n3A_2276 = arith.select %gt3A_2273, %select_n3A_2272, %select_n3A_2234 : vector<16xi1>, vector<16xi32>
      %select_n3A_2277 = arith.select %gt3A_2273, %select_n3A_2234, %select_n3A_2272 : vector<16xi1>, vector<16xi32>
      %gt3A_2278 = arith.cmpf ogt, %select_n3A_2275, %select_n3A_2237 : vector<16xf32>
      %select_n3A_2279 = arith.select %gt3A_2278, %select_n3A_2275, %select_n3A_2237 : vector<16xi1>, vector<16xf32>
      %select_n3A_2280 = arith.select %gt3A_2278, %select_n3A_2237, %select_n3A_2275 : vector<16xi1>, vector<16xf32>
      %select_n3A_2281 = arith.select %gt3A_2278, %select_n3A_2277, %select_n3A_2239 : vector<16xi1>, vector<16xi32>
      %select_n3A_2282 = arith.select %gt3A_2278, %select_n3A_2239, %select_n3A_2277 : vector<16xi1>, vector<16xi32>
      %gt3A_2283 = arith.cmpf ogt, %select_n3A_2280, %select_n3A_2242 : vector<16xf32>
      %select_n3A_2284 = arith.select %gt3A_2283, %select_n3A_2280, %select_n3A_2242 : vector<16xi1>, vector<16xf32>
      %select_n3A_2285 = arith.select %gt3A_2283, %select_n3A_2242, %select_n3A_2280 : vector<16xi1>, vector<16xf32>
      %select_n3A_2286 = arith.select %gt3A_2283, %select_n3A_2282, %select_n3A_2244 : vector<16xi1>, vector<16xi32>
      %select_n3A_2287 = arith.select %gt3A_2283, %select_n3A_2244, %select_n3A_2282 : vector<16xi1>, vector<16xi32>
      %broadcast_in_dim3A_2288 = arith.constant 35 : i32
      %broadcast_in_dim3A_2289 = vector.broadcast %broadcast_in_dim3A_2288 : i32 to vector<16xi32>
      %gt3A_2290 = arith.cmpf ogt, %mul3A_758, %select_n3A_2249 : vector<16xf32>
      %select_n3A_2291 = arith.select %gt3A_2290, %mul3A_758, %select_n3A_2249 : vector<16xi1>, vector<16xf32>
      %select_n3A_2292 = arith.select %gt3A_2290, %select_n3A_2249, %mul3A_758 : vector<16xi1>, vector<16xf32>
      %select_n3A_2293 = arith.select %gt3A_2290, %broadcast_in_dim3A_2289, %select_n3A_2251 : vector<16xi1>, vector<16xi32>
      %select_n3A_2294 = arith.select %gt3A_2290, %select_n3A_2251, %broadcast_in_dim3A_2289 : vector<16xi1>, vector<16xi32>
      %gt3A_2295 = arith.cmpf ogt, %select_n3A_2292, %select_n3A_2254 : vector<16xf32>
      %select_n3A_2296 = arith.select %gt3A_2295, %select_n3A_2292, %select_n3A_2254 : vector<16xi1>, vector<16xf32>
      %select_n3A_2297 = arith.select %gt3A_2295, %select_n3A_2254, %select_n3A_2292 : vector<16xi1>, vector<16xf32>
      %select_n3A_2298 = arith.select %gt3A_2295, %select_n3A_2294, %select_n3A_2256 : vector<16xi1>, vector<16xi32>
      %select_n3A_2299 = arith.select %gt3A_2295, %select_n3A_2256, %select_n3A_2294 : vector<16xi1>, vector<16xi32>
      %gt3A_2300 = arith.cmpf ogt, %select_n3A_2297, %select_n3A_2259 : vector<16xf32>
      %select_n3A_2301 = arith.select %gt3A_2300, %select_n3A_2297, %select_n3A_2259 : vector<16xi1>, vector<16xf32>
      %select_n3A_2302 = arith.select %gt3A_2300, %select_n3A_2259, %select_n3A_2297 : vector<16xi1>, vector<16xf32>
      %select_n3A_2303 = arith.select %gt3A_2300, %select_n3A_2299, %select_n3A_2261 : vector<16xi1>, vector<16xi32>
      %select_n3A_2304 = arith.select %gt3A_2300, %select_n3A_2261, %select_n3A_2299 : vector<16xi1>, vector<16xi32>
      %gt3A_2305 = arith.cmpf ogt, %select_n3A_2302, %select_n3A_2264 : vector<16xf32>
      %select_n3A_2306 = arith.select %gt3A_2305, %select_n3A_2302, %select_n3A_2264 : vector<16xi1>, vector<16xf32>
      %select_n3A_2307 = arith.select %gt3A_2305, %select_n3A_2264, %select_n3A_2302 : vector<16xi1>, vector<16xf32>
      %select_n3A_2308 = arith.select %gt3A_2305, %select_n3A_2304, %select_n3A_2266 : vector<16xi1>, vector<16xi32>
      %select_n3A_2309 = arith.select %gt3A_2305, %select_n3A_2266, %select_n3A_2304 : vector<16xi1>, vector<16xi32>
      %gt3A_2310 = arith.cmpf ogt, %select_n3A_2307, %select_n3A_2269 : vector<16xf32>
      %select_n3A_2311 = arith.select %gt3A_2310, %select_n3A_2307, %select_n3A_2269 : vector<16xi1>, vector<16xf32>
      %select_n3A_2312 = arith.select %gt3A_2310, %select_n3A_2269, %select_n3A_2307 : vector<16xi1>, vector<16xf32>
      %select_n3A_2313 = arith.select %gt3A_2310, %select_n3A_2309, %select_n3A_2271 : vector<16xi1>, vector<16xi32>
      %select_n3A_2314 = arith.select %gt3A_2310, %select_n3A_2271, %select_n3A_2309 : vector<16xi1>, vector<16xi32>
      %gt3A_2315 = arith.cmpf ogt, %select_n3A_2312, %select_n3A_2274 : vector<16xf32>
      %select_n3A_2316 = arith.select %gt3A_2315, %select_n3A_2312, %select_n3A_2274 : vector<16xi1>, vector<16xf32>
      %select_n3A_2317 = arith.select %gt3A_2315, %select_n3A_2274, %select_n3A_2312 : vector<16xi1>, vector<16xf32>
      %select_n3A_2318 = arith.select %gt3A_2315, %select_n3A_2314, %select_n3A_2276 : vector<16xi1>, vector<16xi32>
      %select_n3A_2319 = arith.select %gt3A_2315, %select_n3A_2276, %select_n3A_2314 : vector<16xi1>, vector<16xi32>
      %gt3A_2320 = arith.cmpf ogt, %select_n3A_2317, %select_n3A_2279 : vector<16xf32>
      %select_n3A_2321 = arith.select %gt3A_2320, %select_n3A_2317, %select_n3A_2279 : vector<16xi1>, vector<16xf32>
      %select_n3A_2322 = arith.select %gt3A_2320, %select_n3A_2279, %select_n3A_2317 : vector<16xi1>, vector<16xf32>
      %select_n3A_2323 = arith.select %gt3A_2320, %select_n3A_2319, %select_n3A_2281 : vector<16xi1>, vector<16xi32>
      %select_n3A_2324 = arith.select %gt3A_2320, %select_n3A_2281, %select_n3A_2319 : vector<16xi1>, vector<16xi32>
      %gt3A_2325 = arith.cmpf ogt, %select_n3A_2322, %select_n3A_2284 : vector<16xf32>
      %select_n3A_2326 = arith.select %gt3A_2325, %select_n3A_2322, %select_n3A_2284 : vector<16xi1>, vector<16xf32>
      %select_n3A_2327 = arith.select %gt3A_2325, %select_n3A_2284, %select_n3A_2322 : vector<16xi1>, vector<16xf32>
      %select_n3A_2328 = arith.select %gt3A_2325, %select_n3A_2324, %select_n3A_2286 : vector<16xi1>, vector<16xi32>
      %select_n3A_2329 = arith.select %gt3A_2325, %select_n3A_2286, %select_n3A_2324 : vector<16xi1>, vector<16xi32>
      %broadcast_in_dim3A_2330 = arith.constant 36 : i32
      %broadcast_in_dim3A_2331 = vector.broadcast %broadcast_in_dim3A_2330 : i32 to vector<16xi32>
      %gt3A_2332 = arith.cmpf ogt, %mul3A_759, %select_n3A_2291 : vector<16xf32>
      %select_n3A_2333 = arith.select %gt3A_2332, %mul3A_759, %select_n3A_2291 : vector<16xi1>, vector<16xf32>
      %select_n3A_2334 = arith.select %gt3A_2332, %select_n3A_2291, %mul3A_759 : vector<16xi1>, vector<16xf32>
      %select_n3A_2335 = arith.select %gt3A_2332, %broadcast_in_dim3A_2331, %select_n3A_2293 : vector<16xi1>, vector<16xi32>
      %select_n3A_2336 = arith.select %gt3A_2332, %select_n3A_2293, %broadcast_in_dim3A_2331 : vector<16xi1>, vector<16xi32>
      %gt3A_2337 = arith.cmpf ogt, %select_n3A_2334, %select_n3A_2296 : vector<16xf32>
      %select_n3A_2338 = arith.select %gt3A_2337, %select_n3A_2334, %select_n3A_2296 : vector<16xi1>, vector<16xf32>
      %select_n3A_2339 = arith.select %gt3A_2337, %select_n3A_2296, %select_n3A_2334 : vector<16xi1>, vector<16xf32>
      %select_n3A_2340 = arith.select %gt3A_2337, %select_n3A_2336, %select_n3A_2298 : vector<16xi1>, vector<16xi32>
      %select_n3A_2341 = arith.select %gt3A_2337, %select_n3A_2298, %select_n3A_2336 : vector<16xi1>, vector<16xi32>
      %gt3A_2342 = arith.cmpf ogt, %select_n3A_2339, %select_n3A_2301 : vector<16xf32>
      %select_n3A_2343 = arith.select %gt3A_2342, %select_n3A_2339, %select_n3A_2301 : vector<16xi1>, vector<16xf32>
      %select_n3A_2344 = arith.select %gt3A_2342, %select_n3A_2301, %select_n3A_2339 : vector<16xi1>, vector<16xf32>
      %select_n3A_2345 = arith.select %gt3A_2342, %select_n3A_2341, %select_n3A_2303 : vector<16xi1>, vector<16xi32>
      %select_n3A_2346 = arith.select %gt3A_2342, %select_n3A_2303, %select_n3A_2341 : vector<16xi1>, vector<16xi32>
      %gt3A_2347 = arith.cmpf ogt, %select_n3A_2344, %select_n3A_2306 : vector<16xf32>
      %select_n3A_2348 = arith.select %gt3A_2347, %select_n3A_2344, %select_n3A_2306 : vector<16xi1>, vector<16xf32>
      %select_n3A_2349 = arith.select %gt3A_2347, %select_n3A_2306, %select_n3A_2344 : vector<16xi1>, vector<16xf32>
      %select_n3A_2350 = arith.select %gt3A_2347, %select_n3A_2346, %select_n3A_2308 : vector<16xi1>, vector<16xi32>
      %select_n3A_2351 = arith.select %gt3A_2347, %select_n3A_2308, %select_n3A_2346 : vector<16xi1>, vector<16xi32>
      %gt3A_2352 = arith.cmpf ogt, %select_n3A_2349, %select_n3A_2311 : vector<16xf32>
      %select_n3A_2353 = arith.select %gt3A_2352, %select_n3A_2349, %select_n3A_2311 : vector<16xi1>, vector<16xf32>
      %select_n3A_2354 = arith.select %gt3A_2352, %select_n3A_2311, %select_n3A_2349 : vector<16xi1>, vector<16xf32>
      %select_n3A_2355 = arith.select %gt3A_2352, %select_n3A_2351, %select_n3A_2313 : vector<16xi1>, vector<16xi32>
      %select_n3A_2356 = arith.select %gt3A_2352, %select_n3A_2313, %select_n3A_2351 : vector<16xi1>, vector<16xi32>
      %gt3A_2357 = arith.cmpf ogt, %select_n3A_2354, %select_n3A_2316 : vector<16xf32>
      %select_n3A_2358 = arith.select %gt3A_2357, %select_n3A_2354, %select_n3A_2316 : vector<16xi1>, vector<16xf32>
      %select_n3A_2359 = arith.select %gt3A_2357, %select_n3A_2316, %select_n3A_2354 : vector<16xi1>, vector<16xf32>
      %select_n3A_2360 = arith.select %gt3A_2357, %select_n3A_2356, %select_n3A_2318 : vector<16xi1>, vector<16xi32>
      %select_n3A_2361 = arith.select %gt3A_2357, %select_n3A_2318, %select_n3A_2356 : vector<16xi1>, vector<16xi32>
      %gt3A_2362 = arith.cmpf ogt, %select_n3A_2359, %select_n3A_2321 : vector<16xf32>
      %select_n3A_2363 = arith.select %gt3A_2362, %select_n3A_2359, %select_n3A_2321 : vector<16xi1>, vector<16xf32>
      %select_n3A_2364 = arith.select %gt3A_2362, %select_n3A_2321, %select_n3A_2359 : vector<16xi1>, vector<16xf32>
      %select_n3A_2365 = arith.select %gt3A_2362, %select_n3A_2361, %select_n3A_2323 : vector<16xi1>, vector<16xi32>
      %select_n3A_2366 = arith.select %gt3A_2362, %select_n3A_2323, %select_n3A_2361 : vector<16xi1>, vector<16xi32>
      %gt3A_2367 = arith.cmpf ogt, %select_n3A_2364, %select_n3A_2326 : vector<16xf32>
      %select_n3A_2368 = arith.select %gt3A_2367, %select_n3A_2364, %select_n3A_2326 : vector<16xi1>, vector<16xf32>
      %select_n3A_2369 = arith.select %gt3A_2367, %select_n3A_2326, %select_n3A_2364 : vector<16xi1>, vector<16xf32>
      %select_n3A_2370 = arith.select %gt3A_2367, %select_n3A_2366, %select_n3A_2328 : vector<16xi1>, vector<16xi32>
      %select_n3A_2371 = arith.select %gt3A_2367, %select_n3A_2328, %select_n3A_2366 : vector<16xi1>, vector<16xi32>
      %broadcast_in_dim3A_2372 = arith.constant 37 : i32
      %broadcast_in_dim3A_2373 = vector.broadcast %broadcast_in_dim3A_2372 : i32 to vector<16xi32>
      %gt3A_2374 = arith.cmpf ogt, %mul3A_760, %select_n3A_2333 : vector<16xf32>
      %select_n3A_2375 = arith.select %gt3A_2374, %mul3A_760, %select_n3A_2333 : vector<16xi1>, vector<16xf32>
      %select_n3A_2376 = arith.select %gt3A_2374, %select_n3A_2333, %mul3A_760 : vector<16xi1>, vector<16xf32>
      %select_n3A_2377 = arith.select %gt3A_2374, %broadcast_in_dim3A_2373, %select_n3A_2335 : vector<16xi1>, vector<16xi32>
      %select_n3A_2378 = arith.select %gt3A_2374, %select_n3A_2335, %broadcast_in_dim3A_2373 : vector<16xi1>, vector<16xi32>
      %gt3A_2379 = arith.cmpf ogt, %select_n3A_2376, %select_n3A_2338 : vector<16xf32>
      %select_n3A_2380 = arith.select %gt3A_2379, %select_n3A_2376, %select_n3A_2338 : vector<16xi1>, vector<16xf32>
      %select_n3A_2381 = arith.select %gt3A_2379, %select_n3A_2338, %select_n3A_2376 : vector<16xi1>, vector<16xf32>
      %select_n3A_2382 = arith.select %gt3A_2379, %select_n3A_2378, %select_n3A_2340 : vector<16xi1>, vector<16xi32>
      %select_n3A_2383 = arith.select %gt3A_2379, %select_n3A_2340, %select_n3A_2378 : vector<16xi1>, vector<16xi32>
      %gt3A_2384 = arith.cmpf ogt, %select_n3A_2381, %select_n3A_2343 : vector<16xf32>
      %select_n3A_2385 = arith.select %gt3A_2384, %select_n3A_2381, %select_n3A_2343 : vector<16xi1>, vector<16xf32>
      %select_n3A_2386 = arith.select %gt3A_2384, %select_n3A_2343, %select_n3A_2381 : vector<16xi1>, vector<16xf32>
      %select_n3A_2387 = arith.select %gt3A_2384, %select_n3A_2383, %select_n3A_2345 : vector<16xi1>, vector<16xi32>
      %select_n3A_2388 = arith.select %gt3A_2384, %select_n3A_2345, %select_n3A_2383 : vector<16xi1>, vector<16xi32>
      %gt3A_2389 = arith.cmpf ogt, %select_n3A_2386, %select_n3A_2348 : vector<16xf32>
      %select_n3A_2390 = arith.select %gt3A_2389, %select_n3A_2386, %select_n3A_2348 : vector<16xi1>, vector<16xf32>
      %select_n3A_2391 = arith.select %gt3A_2389, %select_n3A_2348, %select_n3A_2386 : vector<16xi1>, vector<16xf32>
      %select_n3A_2392 = arith.select %gt3A_2389, %select_n3A_2388, %select_n3A_2350 : vector<16xi1>, vector<16xi32>
      %select_n3A_2393 = arith.select %gt3A_2389, %select_n3A_2350, %select_n3A_2388 : vector<16xi1>, vector<16xi32>
      %gt3A_2394 = arith.cmpf ogt, %select_n3A_2391, %select_n3A_2353 : vector<16xf32>
      %select_n3A_2395 = arith.select %gt3A_2394, %select_n3A_2391, %select_n3A_2353 : vector<16xi1>, vector<16xf32>
      %select_n3A_2396 = arith.select %gt3A_2394, %select_n3A_2353, %select_n3A_2391 : vector<16xi1>, vector<16xf32>
      %select_n3A_2397 = arith.select %gt3A_2394, %select_n3A_2393, %select_n3A_2355 : vector<16xi1>, vector<16xi32>
      %select_n3A_2398 = arith.select %gt3A_2394, %select_n3A_2355, %select_n3A_2393 : vector<16xi1>, vector<16xi32>
      %gt3A_2399 = arith.cmpf ogt, %select_n3A_2396, %select_n3A_2358 : vector<16xf32>
      %select_n3A_2400 = arith.select %gt3A_2399, %select_n3A_2396, %select_n3A_2358 : vector<16xi1>, vector<16xf32>
      %select_n3A_2401 = arith.select %gt3A_2399, %select_n3A_2358, %select_n3A_2396 : vector<16xi1>, vector<16xf32>
      %select_n3A_2402 = arith.select %gt3A_2399, %select_n3A_2398, %select_n3A_2360 : vector<16xi1>, vector<16xi32>
      %select_n3A_2403 = arith.select %gt3A_2399, %select_n3A_2360, %select_n3A_2398 : vector<16xi1>, vector<16xi32>
      %gt3A_2404 = arith.cmpf ogt, %select_n3A_2401, %select_n3A_2363 : vector<16xf32>
      %select_n3A_2405 = arith.select %gt3A_2404, %select_n3A_2401, %select_n3A_2363 : vector<16xi1>, vector<16xf32>
      %select_n3A_2406 = arith.select %gt3A_2404, %select_n3A_2363, %select_n3A_2401 : vector<16xi1>, vector<16xf32>
      %select_n3A_2407 = arith.select %gt3A_2404, %select_n3A_2403, %select_n3A_2365 : vector<16xi1>, vector<16xi32>
      %select_n3A_2408 = arith.select %gt3A_2404, %select_n3A_2365, %select_n3A_2403 : vector<16xi1>, vector<16xi32>
      %gt3A_2409 = arith.cmpf ogt, %select_n3A_2406, %select_n3A_2368 : vector<16xf32>
      %select_n3A_2410 = arith.select %gt3A_2409, %select_n3A_2406, %select_n3A_2368 : vector<16xi1>, vector<16xf32>
      %select_n3A_2411 = arith.select %gt3A_2409, %select_n3A_2368, %select_n3A_2406 : vector<16xi1>, vector<16xf32>
      %select_n3A_2412 = arith.select %gt3A_2409, %select_n3A_2408, %select_n3A_2370 : vector<16xi1>, vector<16xi32>
      %select_n3A_2413 = arith.select %gt3A_2409, %select_n3A_2370, %select_n3A_2408 : vector<16xi1>, vector<16xi32>
      %broadcast_in_dim3A_2414 = arith.constant 38 : i32
      %broadcast_in_dim3A_2415 = vector.broadcast %broadcast_in_dim3A_2414 : i32 to vector<16xi32>
      %gt3A_2416 = arith.cmpf ogt, %mul3A_761, %select_n3A_2375 : vector<16xf32>
      %select_n3A_2417 = arith.select %gt3A_2416, %mul3A_761, %select_n3A_2375 : vector<16xi1>, vector<16xf32>
      %select_n3A_2418 = arith.select %gt3A_2416, %select_n3A_2375, %mul3A_761 : vector<16xi1>, vector<16xf32>
      %select_n3A_2419 = arith.select %gt3A_2416, %broadcast_in_dim3A_2415, %select_n3A_2377 : vector<16xi1>, vector<16xi32>
      %select_n3A_2420 = arith.select %gt3A_2416, %select_n3A_2377, %broadcast_in_dim3A_2415 : vector<16xi1>, vector<16xi32>
      %gt3A_2421 = arith.cmpf ogt, %select_n3A_2418, %select_n3A_2380 : vector<16xf32>
      %select_n3A_2422 = arith.select %gt3A_2421, %select_n3A_2418, %select_n3A_2380 : vector<16xi1>, vector<16xf32>
      %select_n3A_2423 = arith.select %gt3A_2421, %select_n3A_2380, %select_n3A_2418 : vector<16xi1>, vector<16xf32>
      %select_n3A_2424 = arith.select %gt3A_2421, %select_n3A_2420, %select_n3A_2382 : vector<16xi1>, vector<16xi32>
      %select_n3A_2425 = arith.select %gt3A_2421, %select_n3A_2382, %select_n3A_2420 : vector<16xi1>, vector<16xi32>
      %gt3A_2426 = arith.cmpf ogt, %select_n3A_2423, %select_n3A_2385 : vector<16xf32>
      %select_n3A_2427 = arith.select %gt3A_2426, %select_n3A_2423, %select_n3A_2385 : vector<16xi1>, vector<16xf32>
      %select_n3A_2428 = arith.select %gt3A_2426, %select_n3A_2385, %select_n3A_2423 : vector<16xi1>, vector<16xf32>
      %select_n3A_2429 = arith.select %gt3A_2426, %select_n3A_2425, %select_n3A_2387 : vector<16xi1>, vector<16xi32>
      %select_n3A_2430 = arith.select %gt3A_2426, %select_n3A_2387, %select_n3A_2425 : vector<16xi1>, vector<16xi32>
      %gt3A_2431 = arith.cmpf ogt, %select_n3A_2428, %select_n3A_2390 : vector<16xf32>
      %select_n3A_2432 = arith.select %gt3A_2431, %select_n3A_2428, %select_n3A_2390 : vector<16xi1>, vector<16xf32>
      %select_n3A_2433 = arith.select %gt3A_2431, %select_n3A_2390, %select_n3A_2428 : vector<16xi1>, vector<16xf32>
      %select_n3A_2434 = arith.select %gt3A_2431, %select_n3A_2430, %select_n3A_2392 : vector<16xi1>, vector<16xi32>
      %select_n3A_2435 = arith.select %gt3A_2431, %select_n3A_2392, %select_n3A_2430 : vector<16xi1>, vector<16xi32>
      %gt3A_2436 = arith.cmpf ogt, %select_n3A_2433, %select_n3A_2395 : vector<16xf32>
      %select_n3A_2437 = arith.select %gt3A_2436, %select_n3A_2433, %select_n3A_2395 : vector<16xi1>, vector<16xf32>
      %select_n3A_2438 = arith.select %gt3A_2436, %select_n3A_2395, %select_n3A_2433 : vector<16xi1>, vector<16xf32>
      %select_n3A_2439 = arith.select %gt3A_2436, %select_n3A_2435, %select_n3A_2397 : vector<16xi1>, vector<16xi32>
      %select_n3A_2440 = arith.select %gt3A_2436, %select_n3A_2397, %select_n3A_2435 : vector<16xi1>, vector<16xi32>
      %gt3A_2441 = arith.cmpf ogt, %select_n3A_2438, %select_n3A_2400 : vector<16xf32>
      %select_n3A_2442 = arith.select %gt3A_2441, %select_n3A_2438, %select_n3A_2400 : vector<16xi1>, vector<16xf32>
      %select_n3A_2443 = arith.select %gt3A_2441, %select_n3A_2400, %select_n3A_2438 : vector<16xi1>, vector<16xf32>
      %select_n3A_2444 = arith.select %gt3A_2441, %select_n3A_2440, %select_n3A_2402 : vector<16xi1>, vector<16xi32>
      %select_n3A_2445 = arith.select %gt3A_2441, %select_n3A_2402, %select_n3A_2440 : vector<16xi1>, vector<16xi32>
      %gt3A_2446 = arith.cmpf ogt, %select_n3A_2443, %select_n3A_2405 : vector<16xf32>
      %select_n3A_2447 = arith.select %gt3A_2446, %select_n3A_2443, %select_n3A_2405 : vector<16xi1>, vector<16xf32>
      %select_n3A_2448 = arith.select %gt3A_2446, %select_n3A_2405, %select_n3A_2443 : vector<16xi1>, vector<16xf32>
      %select_n3A_2449 = arith.select %gt3A_2446, %select_n3A_2445, %select_n3A_2407 : vector<16xi1>, vector<16xi32>
      %select_n3A_2450 = arith.select %gt3A_2446, %select_n3A_2407, %select_n3A_2445 : vector<16xi1>, vector<16xi32>
      %gt3A_2451 = arith.cmpf ogt, %select_n3A_2448, %select_n3A_2410 : vector<16xf32>
      %select_n3A_2452 = arith.select %gt3A_2451, %select_n3A_2448, %select_n3A_2410 : vector<16xi1>, vector<16xf32>
      %select_n3A_2453 = arith.select %gt3A_2451, %select_n3A_2410, %select_n3A_2448 : vector<16xi1>, vector<16xf32>
      %select_n3A_2454 = arith.select %gt3A_2451, %select_n3A_2450, %select_n3A_2412 : vector<16xi1>, vector<16xi32>
      %select_n3A_2455 = arith.select %gt3A_2451, %select_n3A_2412, %select_n3A_2450 : vector<16xi1>, vector<16xi32>
      %broadcast_in_dim3A_2456 = arith.constant 39 : i32
      %broadcast_in_dim3A_2457 = vector.broadcast %broadcast_in_dim3A_2456 : i32 to vector<16xi32>
      %gt3A_2458 = arith.cmpf ogt, %mul3A_762, %select_n3A_2417 : vector<16xf32>
      %select_n3A_2459 = arith.select %gt3A_2458, %mul3A_762, %select_n3A_2417 : vector<16xi1>, vector<16xf32>
      %select_n3A_2460 = arith.select %gt3A_2458, %select_n3A_2417, %mul3A_762 : vector<16xi1>, vector<16xf32>
      %select_n3A_2461 = arith.select %gt3A_2458, %broadcast_in_dim3A_2457, %select_n3A_2419 : vector<16xi1>, vector<16xi32>
      %select_n3A_2462 = arith.select %gt3A_2458, %select_n3A_2419, %broadcast_in_dim3A_2457 : vector<16xi1>, vector<16xi32>
      %gt3A_2463 = arith.cmpf ogt, %select_n3A_2460, %select_n3A_2422 : vector<16xf32>
      %select_n3A_2464 = arith.select %gt3A_2463, %select_n3A_2460, %select_n3A_2422 : vector<16xi1>, vector<16xf32>
      %select_n3A_2465 = arith.select %gt3A_2463, %select_n3A_2422, %select_n3A_2460 : vector<16xi1>, vector<16xf32>
      %select_n3A_2466 = arith.select %gt3A_2463, %select_n3A_2462, %select_n3A_2424 : vector<16xi1>, vector<16xi32>
      %select_n3A_2467 = arith.select %gt3A_2463, %select_n3A_2424, %select_n3A_2462 : vector<16xi1>, vector<16xi32>
      %gt3A_2468 = arith.cmpf ogt, %select_n3A_2465, %select_n3A_2427 : vector<16xf32>
      %select_n3A_2469 = arith.select %gt3A_2468, %select_n3A_2465, %select_n3A_2427 : vector<16xi1>, vector<16xf32>
      %select_n3A_2470 = arith.select %gt3A_2468, %select_n3A_2427, %select_n3A_2465 : vector<16xi1>, vector<16xf32>
      %select_n3A_2471 = arith.select %gt3A_2468, %select_n3A_2467, %select_n3A_2429 : vector<16xi1>, vector<16xi32>
      %select_n3A_2472 = arith.select %gt3A_2468, %select_n3A_2429, %select_n3A_2467 : vector<16xi1>, vector<16xi32>
      %gt3A_2473 = arith.cmpf ogt, %select_n3A_2470, %select_n3A_2432 : vector<16xf32>
      %select_n3A_2474 = arith.select %gt3A_2473, %select_n3A_2470, %select_n3A_2432 : vector<16xi1>, vector<16xf32>
      %select_n3A_2475 = arith.select %gt3A_2473, %select_n3A_2432, %select_n3A_2470 : vector<16xi1>, vector<16xf32>
      %select_n3A_2476 = arith.select %gt3A_2473, %select_n3A_2472, %select_n3A_2434 : vector<16xi1>, vector<16xi32>
      %select_n3A_2477 = arith.select %gt3A_2473, %select_n3A_2434, %select_n3A_2472 : vector<16xi1>, vector<16xi32>
      %gt3A_2478 = arith.cmpf ogt, %select_n3A_2475, %select_n3A_2437 : vector<16xf32>
      %select_n3A_2479 = arith.select %gt3A_2478, %select_n3A_2475, %select_n3A_2437 : vector<16xi1>, vector<16xf32>
      %select_n3A_2480 = arith.select %gt3A_2478, %select_n3A_2437, %select_n3A_2475 : vector<16xi1>, vector<16xf32>
      %select_n3A_2481 = arith.select %gt3A_2478, %select_n3A_2477, %select_n3A_2439 : vector<16xi1>, vector<16xi32>
      %select_n3A_2482 = arith.select %gt3A_2478, %select_n3A_2439, %select_n3A_2477 : vector<16xi1>, vector<16xi32>
      %gt3A_2483 = arith.cmpf ogt, %select_n3A_2480, %select_n3A_2442 : vector<16xf32>
      %select_n3A_2484 = arith.select %gt3A_2483, %select_n3A_2480, %select_n3A_2442 : vector<16xi1>, vector<16xf32>
      %select_n3A_2485 = arith.select %gt3A_2483, %select_n3A_2442, %select_n3A_2480 : vector<16xi1>, vector<16xf32>
      %select_n3A_2486 = arith.select %gt3A_2483, %select_n3A_2482, %select_n3A_2444 : vector<16xi1>, vector<16xi32>
      %select_n3A_2487 = arith.select %gt3A_2483, %select_n3A_2444, %select_n3A_2482 : vector<16xi1>, vector<16xi32>
      %gt3A_2488 = arith.cmpf ogt, %select_n3A_2485, %select_n3A_2447 : vector<16xf32>
      %select_n3A_2489 = arith.select %gt3A_2488, %select_n3A_2485, %select_n3A_2447 : vector<16xi1>, vector<16xf32>
      %select_n3A_2490 = arith.select %gt3A_2488, %select_n3A_2447, %select_n3A_2485 : vector<16xi1>, vector<16xf32>
      %select_n3A_2491 = arith.select %gt3A_2488, %select_n3A_2487, %select_n3A_2449 : vector<16xi1>, vector<16xi32>
      %select_n3A_2492 = arith.select %gt3A_2488, %select_n3A_2449, %select_n3A_2487 : vector<16xi1>, vector<16xi32>
      %gt3A_2493 = arith.cmpf ogt, %select_n3A_2490, %select_n3A_2452 : vector<16xf32>
      %select_n3A_2494 = arith.select %gt3A_2493, %select_n3A_2490, %select_n3A_2452 : vector<16xi1>, vector<16xf32>
      %select_n3A_2495 = arith.select %gt3A_2493, %select_n3A_2452, %select_n3A_2490 : vector<16xi1>, vector<16xf32>
      %select_n3A_2496 = arith.select %gt3A_2493, %select_n3A_2492, %select_n3A_2454 : vector<16xi1>, vector<16xi32>
      %select_n3A_2497 = arith.select %gt3A_2493, %select_n3A_2454, %select_n3A_2492 : vector<16xi1>, vector<16xi32>
      %broadcast_in_dim3A_2498 = arith.constant 40 : i32
      %broadcast_in_dim3A_2499 = vector.broadcast %broadcast_in_dim3A_2498 : i32 to vector<16xi32>
      %gt3A_2500 = arith.cmpf ogt, %mul3A_763, %select_n3A_2459 : vector<16xf32>
      %select_n3A_2501 = arith.select %gt3A_2500, %mul3A_763, %select_n3A_2459 : vector<16xi1>, vector<16xf32>
      %select_n3A_2502 = arith.select %gt3A_2500, %select_n3A_2459, %mul3A_763 : vector<16xi1>, vector<16xf32>
      %select_n3A_2503 = arith.select %gt3A_2500, %broadcast_in_dim3A_2499, %select_n3A_2461 : vector<16xi1>, vector<16xi32>
      %select_n3A_2504 = arith.select %gt3A_2500, %select_n3A_2461, %broadcast_in_dim3A_2499 : vector<16xi1>, vector<16xi32>
      %gt3A_2505 = arith.cmpf ogt, %select_n3A_2502, %select_n3A_2464 : vector<16xf32>
      %select_n3A_2506 = arith.select %gt3A_2505, %select_n3A_2502, %select_n3A_2464 : vector<16xi1>, vector<16xf32>
      %select_n3A_2507 = arith.select %gt3A_2505, %select_n3A_2464, %select_n3A_2502 : vector<16xi1>, vector<16xf32>
      %select_n3A_2508 = arith.select %gt3A_2505, %select_n3A_2504, %select_n3A_2466 : vector<16xi1>, vector<16xi32>
      %select_n3A_2509 = arith.select %gt3A_2505, %select_n3A_2466, %select_n3A_2504 : vector<16xi1>, vector<16xi32>
      %gt3A_2510 = arith.cmpf ogt, %select_n3A_2507, %select_n3A_2469 : vector<16xf32>
      %select_n3A_2511 = arith.select %gt3A_2510, %select_n3A_2507, %select_n3A_2469 : vector<16xi1>, vector<16xf32>
      %select_n3A_2512 = arith.select %gt3A_2510, %select_n3A_2469, %select_n3A_2507 : vector<16xi1>, vector<16xf32>
      %select_n3A_2513 = arith.select %gt3A_2510, %select_n3A_2509, %select_n3A_2471 : vector<16xi1>, vector<16xi32>
      %select_n3A_2514 = arith.select %gt3A_2510, %select_n3A_2471, %select_n3A_2509 : vector<16xi1>, vector<16xi32>
      %gt3A_2515 = arith.cmpf ogt, %select_n3A_2512, %select_n3A_2474 : vector<16xf32>
      %select_n3A_2516 = arith.select %gt3A_2515, %select_n3A_2512, %select_n3A_2474 : vector<16xi1>, vector<16xf32>
      %select_n3A_2517 = arith.select %gt3A_2515, %select_n3A_2474, %select_n3A_2512 : vector<16xi1>, vector<16xf32>
      %select_n3A_2518 = arith.select %gt3A_2515, %select_n3A_2514, %select_n3A_2476 : vector<16xi1>, vector<16xi32>
      %select_n3A_2519 = arith.select %gt3A_2515, %select_n3A_2476, %select_n3A_2514 : vector<16xi1>, vector<16xi32>
      %gt3A_2520 = arith.cmpf ogt, %select_n3A_2517, %select_n3A_2479 : vector<16xf32>
      %select_n3A_2521 = arith.select %gt3A_2520, %select_n3A_2517, %select_n3A_2479 : vector<16xi1>, vector<16xf32>
      %select_n3A_2522 = arith.select %gt3A_2520, %select_n3A_2479, %select_n3A_2517 : vector<16xi1>, vector<16xf32>
      %select_n3A_2523 = arith.select %gt3A_2520, %select_n3A_2519, %select_n3A_2481 : vector<16xi1>, vector<16xi32>
      %select_n3A_2524 = arith.select %gt3A_2520, %select_n3A_2481, %select_n3A_2519 : vector<16xi1>, vector<16xi32>
      %gt3A_2525 = arith.cmpf ogt, %select_n3A_2522, %select_n3A_2484 : vector<16xf32>
      %select_n3A_2526 = arith.select %gt3A_2525, %select_n3A_2522, %select_n3A_2484 : vector<16xi1>, vector<16xf32>
      %select_n3A_2527 = arith.select %gt3A_2525, %select_n3A_2484, %select_n3A_2522 : vector<16xi1>, vector<16xf32>
      %select_n3A_2528 = arith.select %gt3A_2525, %select_n3A_2524, %select_n3A_2486 : vector<16xi1>, vector<16xi32>
      %select_n3A_2529 = arith.select %gt3A_2525, %select_n3A_2486, %select_n3A_2524 : vector<16xi1>, vector<16xi32>
      %gt3A_2530 = arith.cmpf ogt, %select_n3A_2527, %select_n3A_2489 : vector<16xf32>
      %select_n3A_2531 = arith.select %gt3A_2530, %select_n3A_2527, %select_n3A_2489 : vector<16xi1>, vector<16xf32>
      %select_n3A_2532 = arith.select %gt3A_2530, %select_n3A_2489, %select_n3A_2527 : vector<16xi1>, vector<16xf32>
      %select_n3A_2533 = arith.select %gt3A_2530, %select_n3A_2529, %select_n3A_2491 : vector<16xi1>, vector<16xi32>
      %select_n3A_2534 = arith.select %gt3A_2530, %select_n3A_2491, %select_n3A_2529 : vector<16xi1>, vector<16xi32>
      %gt3A_2535 = arith.cmpf ogt, %select_n3A_2532, %select_n3A_2494 : vector<16xf32>
      %select_n3A_2536 = arith.select %gt3A_2535, %select_n3A_2532, %select_n3A_2494 : vector<16xi1>, vector<16xf32>
      %select_n3A_2537 = arith.select %gt3A_2535, %select_n3A_2494, %select_n3A_2532 : vector<16xi1>, vector<16xf32>
      %select_n3A_2538 = arith.select %gt3A_2535, %select_n3A_2534, %select_n3A_2496 : vector<16xi1>, vector<16xi32>
      %select_n3A_2539 = arith.select %gt3A_2535, %select_n3A_2496, %select_n3A_2534 : vector<16xi1>, vector<16xi32>
      %broadcast_in_dim3A_2540 = arith.constant 41 : i32
      %broadcast_in_dim3A_2541 = vector.broadcast %broadcast_in_dim3A_2540 : i32 to vector<16xi32>
      %gt3A_2542 = arith.cmpf ogt, %mul3A_764, %select_n3A_2501 : vector<16xf32>
      %select_n3A_2543 = arith.select %gt3A_2542, %mul3A_764, %select_n3A_2501 : vector<16xi1>, vector<16xf32>
      %select_n3A_2544 = arith.select %gt3A_2542, %select_n3A_2501, %mul3A_764 : vector<16xi1>, vector<16xf32>
      %select_n3A_2545 = arith.select %gt3A_2542, %broadcast_in_dim3A_2541, %select_n3A_2503 : vector<16xi1>, vector<16xi32>
      %select_n3A_2546 = arith.select %gt3A_2542, %select_n3A_2503, %broadcast_in_dim3A_2541 : vector<16xi1>, vector<16xi32>
      %gt3A_2547 = arith.cmpf ogt, %select_n3A_2544, %select_n3A_2506 : vector<16xf32>
      %select_n3A_2548 = arith.select %gt3A_2547, %select_n3A_2544, %select_n3A_2506 : vector<16xi1>, vector<16xf32>
      %select_n3A_2549 = arith.select %gt3A_2547, %select_n3A_2506, %select_n3A_2544 : vector<16xi1>, vector<16xf32>
      %select_n3A_2550 = arith.select %gt3A_2547, %select_n3A_2546, %select_n3A_2508 : vector<16xi1>, vector<16xi32>
      %select_n3A_2551 = arith.select %gt3A_2547, %select_n3A_2508, %select_n3A_2546 : vector<16xi1>, vector<16xi32>
      %gt3A_2552 = arith.cmpf ogt, %select_n3A_2549, %select_n3A_2511 : vector<16xf32>
      %select_n3A_2553 = arith.select %gt3A_2552, %select_n3A_2549, %select_n3A_2511 : vector<16xi1>, vector<16xf32>
      %select_n3A_2554 = arith.select %gt3A_2552, %select_n3A_2511, %select_n3A_2549 : vector<16xi1>, vector<16xf32>
      %select_n3A_2555 = arith.select %gt3A_2552, %select_n3A_2551, %select_n3A_2513 : vector<16xi1>, vector<16xi32>
      %select_n3A_2556 = arith.select %gt3A_2552, %select_n3A_2513, %select_n3A_2551 : vector<16xi1>, vector<16xi32>
      %gt3A_2557 = arith.cmpf ogt, %select_n3A_2554, %select_n3A_2516 : vector<16xf32>
      %select_n3A_2558 = arith.select %gt3A_2557, %select_n3A_2554, %select_n3A_2516 : vector<16xi1>, vector<16xf32>
      %select_n3A_2559 = arith.select %gt3A_2557, %select_n3A_2516, %select_n3A_2554 : vector<16xi1>, vector<16xf32>
      %select_n3A_2560 = arith.select %gt3A_2557, %select_n3A_2556, %select_n3A_2518 : vector<16xi1>, vector<16xi32>
      %select_n3A_2561 = arith.select %gt3A_2557, %select_n3A_2518, %select_n3A_2556 : vector<16xi1>, vector<16xi32>
      %gt3A_2562 = arith.cmpf ogt, %select_n3A_2559, %select_n3A_2521 : vector<16xf32>
      %select_n3A_2563 = arith.select %gt3A_2562, %select_n3A_2559, %select_n3A_2521 : vector<16xi1>, vector<16xf32>
      %select_n3A_2564 = arith.select %gt3A_2562, %select_n3A_2521, %select_n3A_2559 : vector<16xi1>, vector<16xf32>
      %select_n3A_2565 = arith.select %gt3A_2562, %select_n3A_2561, %select_n3A_2523 : vector<16xi1>, vector<16xi32>
      %select_n3A_2566 = arith.select %gt3A_2562, %select_n3A_2523, %select_n3A_2561 : vector<16xi1>, vector<16xi32>
      %gt3A_2567 = arith.cmpf ogt, %select_n3A_2564, %select_n3A_2526 : vector<16xf32>
      %select_n3A_2568 = arith.select %gt3A_2567, %select_n3A_2564, %select_n3A_2526 : vector<16xi1>, vector<16xf32>
      %select_n3A_2569 = arith.select %gt3A_2567, %select_n3A_2526, %select_n3A_2564 : vector<16xi1>, vector<16xf32>
      %select_n3A_2570 = arith.select %gt3A_2567, %select_n3A_2566, %select_n3A_2528 : vector<16xi1>, vector<16xi32>
      %select_n3A_2571 = arith.select %gt3A_2567, %select_n3A_2528, %select_n3A_2566 : vector<16xi1>, vector<16xi32>
      %gt3A_2572 = arith.cmpf ogt, %select_n3A_2569, %select_n3A_2531 : vector<16xf32>
      %select_n3A_2573 = arith.select %gt3A_2572, %select_n3A_2569, %select_n3A_2531 : vector<16xi1>, vector<16xf32>
      %select_n3A_2574 = arith.select %gt3A_2572, %select_n3A_2531, %select_n3A_2569 : vector<16xi1>, vector<16xf32>
      %select_n3A_2575 = arith.select %gt3A_2572, %select_n3A_2571, %select_n3A_2533 : vector<16xi1>, vector<16xi32>
      %select_n3A_2576 = arith.select %gt3A_2572, %select_n3A_2533, %select_n3A_2571 : vector<16xi1>, vector<16xi32>
      %gt3A_2577 = arith.cmpf ogt, %select_n3A_2574, %select_n3A_2536 : vector<16xf32>
      %select_n3A_2578 = arith.select %gt3A_2577, %select_n3A_2574, %select_n3A_2536 : vector<16xi1>, vector<16xf32>
      %select_n3A_2579 = arith.select %gt3A_2577, %select_n3A_2536, %select_n3A_2574 : vector<16xi1>, vector<16xf32>
      %select_n3A_2580 = arith.select %gt3A_2577, %select_n3A_2576, %select_n3A_2538 : vector<16xi1>, vector<16xi32>
      %select_n3A_2581 = arith.select %gt3A_2577, %select_n3A_2538, %select_n3A_2576 : vector<16xi1>, vector<16xi32>
      %broadcast_in_dim3A_2582 = arith.constant 42 : i32
      %broadcast_in_dim3A_2583 = vector.broadcast %broadcast_in_dim3A_2582 : i32 to vector<16xi32>
      %gt3A_2584 = arith.cmpf ogt, %mul3A_765, %select_n3A_2543 : vector<16xf32>
      %select_n3A_2585 = arith.select %gt3A_2584, %mul3A_765, %select_n3A_2543 : vector<16xi1>, vector<16xf32>
      %select_n3A_2586 = arith.select %gt3A_2584, %select_n3A_2543, %mul3A_765 : vector<16xi1>, vector<16xf32>
      %select_n3A_2587 = arith.select %gt3A_2584, %broadcast_in_dim3A_2583, %select_n3A_2545 : vector<16xi1>, vector<16xi32>
      %select_n3A_2588 = arith.select %gt3A_2584, %select_n3A_2545, %broadcast_in_dim3A_2583 : vector<16xi1>, vector<16xi32>
      %gt3A_2589 = arith.cmpf ogt, %select_n3A_2586, %select_n3A_2548 : vector<16xf32>
      %select_n3A_2590 = arith.select %gt3A_2589, %select_n3A_2586, %select_n3A_2548 : vector<16xi1>, vector<16xf32>
      %select_n3A_2591 = arith.select %gt3A_2589, %select_n3A_2548, %select_n3A_2586 : vector<16xi1>, vector<16xf32>
      %select_n3A_2592 = arith.select %gt3A_2589, %select_n3A_2588, %select_n3A_2550 : vector<16xi1>, vector<16xi32>
      %select_n3A_2593 = arith.select %gt3A_2589, %select_n3A_2550, %select_n3A_2588 : vector<16xi1>, vector<16xi32>
      %gt3A_2594 = arith.cmpf ogt, %select_n3A_2591, %select_n3A_2553 : vector<16xf32>
      %select_n3A_2595 = arith.select %gt3A_2594, %select_n3A_2591, %select_n3A_2553 : vector<16xi1>, vector<16xf32>
      %select_n3A_2596 = arith.select %gt3A_2594, %select_n3A_2553, %select_n3A_2591 : vector<16xi1>, vector<16xf32>
      %select_n3A_2597 = arith.select %gt3A_2594, %select_n3A_2593, %select_n3A_2555 : vector<16xi1>, vector<16xi32>
      %select_n3A_2598 = arith.select %gt3A_2594, %select_n3A_2555, %select_n3A_2593 : vector<16xi1>, vector<16xi32>
      %gt3A_2599 = arith.cmpf ogt, %select_n3A_2596, %select_n3A_2558 : vector<16xf32>
      %select_n3A_2600 = arith.select %gt3A_2599, %select_n3A_2596, %select_n3A_2558 : vector<16xi1>, vector<16xf32>
      %select_n3A_2601 = arith.select %gt3A_2599, %select_n3A_2558, %select_n3A_2596 : vector<16xi1>, vector<16xf32>
      %select_n3A_2602 = arith.select %gt3A_2599, %select_n3A_2598, %select_n3A_2560 : vector<16xi1>, vector<16xi32>
      %select_n3A_2603 = arith.select %gt3A_2599, %select_n3A_2560, %select_n3A_2598 : vector<16xi1>, vector<16xi32>
      %gt3A_2604 = arith.cmpf ogt, %select_n3A_2601, %select_n3A_2563 : vector<16xf32>
      %select_n3A_2605 = arith.select %gt3A_2604, %select_n3A_2601, %select_n3A_2563 : vector<16xi1>, vector<16xf32>
      %select_n3A_2606 = arith.select %gt3A_2604, %select_n3A_2563, %select_n3A_2601 : vector<16xi1>, vector<16xf32>
      %select_n3A_2607 = arith.select %gt3A_2604, %select_n3A_2603, %select_n3A_2565 : vector<16xi1>, vector<16xi32>
      %select_n3A_2608 = arith.select %gt3A_2604, %select_n3A_2565, %select_n3A_2603 : vector<16xi1>, vector<16xi32>
      %gt3A_2609 = arith.cmpf ogt, %select_n3A_2606, %select_n3A_2568 : vector<16xf32>
      %select_n3A_2610 = arith.select %gt3A_2609, %select_n3A_2606, %select_n3A_2568 : vector<16xi1>, vector<16xf32>
      %select_n3A_2611 = arith.select %gt3A_2609, %select_n3A_2568, %select_n3A_2606 : vector<16xi1>, vector<16xf32>
      %select_n3A_2612 = arith.select %gt3A_2609, %select_n3A_2608, %select_n3A_2570 : vector<16xi1>, vector<16xi32>
      %select_n3A_2613 = arith.select %gt3A_2609, %select_n3A_2570, %select_n3A_2608 : vector<16xi1>, vector<16xi32>
      %gt3A_2614 = arith.cmpf ogt, %select_n3A_2611, %select_n3A_2573 : vector<16xf32>
      %select_n3A_2615 = arith.select %gt3A_2614, %select_n3A_2611, %select_n3A_2573 : vector<16xi1>, vector<16xf32>
      %select_n3A_2616 = arith.select %gt3A_2614, %select_n3A_2573, %select_n3A_2611 : vector<16xi1>, vector<16xf32>
      %select_n3A_2617 = arith.select %gt3A_2614, %select_n3A_2613, %select_n3A_2575 : vector<16xi1>, vector<16xi32>
      %select_n3A_2618 = arith.select %gt3A_2614, %select_n3A_2575, %select_n3A_2613 : vector<16xi1>, vector<16xi32>
      %gt3A_2619 = arith.cmpf ogt, %select_n3A_2616, %select_n3A_2578 : vector<16xf32>
      %select_n3A_2620 = arith.select %gt3A_2619, %select_n3A_2616, %select_n3A_2578 : vector<16xi1>, vector<16xf32>
      %select_n3A_2621 = arith.select %gt3A_2619, %select_n3A_2578, %select_n3A_2616 : vector<16xi1>, vector<16xf32>
      %select_n3A_2622 = arith.select %gt3A_2619, %select_n3A_2618, %select_n3A_2580 : vector<16xi1>, vector<16xi32>
      %select_n3A_2623 = arith.select %gt3A_2619, %select_n3A_2580, %select_n3A_2618 : vector<16xi1>, vector<16xi32>
      %broadcast_in_dim3A_2624 = arith.constant 43 : i32
      %broadcast_in_dim3A_2625 = vector.broadcast %broadcast_in_dim3A_2624 : i32 to vector<16xi32>
      %gt3A_2626 = arith.cmpf ogt, %mul3A_766, %select_n3A_2585 : vector<16xf32>
      %select_n3A_2627 = arith.select %gt3A_2626, %mul3A_766, %select_n3A_2585 : vector<16xi1>, vector<16xf32>
      %select_n3A_2628 = arith.select %gt3A_2626, %select_n3A_2585, %mul3A_766 : vector<16xi1>, vector<16xf32>
      %select_n3A_2629 = arith.select %gt3A_2626, %broadcast_in_dim3A_2625, %select_n3A_2587 : vector<16xi1>, vector<16xi32>
      %select_n3A_2630 = arith.select %gt3A_2626, %select_n3A_2587, %broadcast_in_dim3A_2625 : vector<16xi1>, vector<16xi32>
      %gt3A_2631 = arith.cmpf ogt, %select_n3A_2628, %select_n3A_2590 : vector<16xf32>
      %select_n3A_2632 = arith.select %gt3A_2631, %select_n3A_2628, %select_n3A_2590 : vector<16xi1>, vector<16xf32>
      %select_n3A_2633 = arith.select %gt3A_2631, %select_n3A_2590, %select_n3A_2628 : vector<16xi1>, vector<16xf32>
      %select_n3A_2634 = arith.select %gt3A_2631, %select_n3A_2630, %select_n3A_2592 : vector<16xi1>, vector<16xi32>
      %select_n3A_2635 = arith.select %gt3A_2631, %select_n3A_2592, %select_n3A_2630 : vector<16xi1>, vector<16xi32>
      %gt3A_2636 = arith.cmpf ogt, %select_n3A_2633, %select_n3A_2595 : vector<16xf32>
      %select_n3A_2637 = arith.select %gt3A_2636, %select_n3A_2633, %select_n3A_2595 : vector<16xi1>, vector<16xf32>
      %select_n3A_2638 = arith.select %gt3A_2636, %select_n3A_2595, %select_n3A_2633 : vector<16xi1>, vector<16xf32>
      %select_n3A_2639 = arith.select %gt3A_2636, %select_n3A_2635, %select_n3A_2597 : vector<16xi1>, vector<16xi32>
      %select_n3A_2640 = arith.select %gt3A_2636, %select_n3A_2597, %select_n3A_2635 : vector<16xi1>, vector<16xi32>
      %gt3A_2641 = arith.cmpf ogt, %select_n3A_2638, %select_n3A_2600 : vector<16xf32>
      %select_n3A_2642 = arith.select %gt3A_2641, %select_n3A_2638, %select_n3A_2600 : vector<16xi1>, vector<16xf32>
      %select_n3A_2643 = arith.select %gt3A_2641, %select_n3A_2600, %select_n3A_2638 : vector<16xi1>, vector<16xf32>
      %select_n3A_2644 = arith.select %gt3A_2641, %select_n3A_2640, %select_n3A_2602 : vector<16xi1>, vector<16xi32>
      %select_n3A_2645 = arith.select %gt3A_2641, %select_n3A_2602, %select_n3A_2640 : vector<16xi1>, vector<16xi32>
      %gt3A_2646 = arith.cmpf ogt, %select_n3A_2643, %select_n3A_2605 : vector<16xf32>
      %select_n3A_2647 = arith.select %gt3A_2646, %select_n3A_2643, %select_n3A_2605 : vector<16xi1>, vector<16xf32>
      %select_n3A_2648 = arith.select %gt3A_2646, %select_n3A_2605, %select_n3A_2643 : vector<16xi1>, vector<16xf32>
      %select_n3A_2649 = arith.select %gt3A_2646, %select_n3A_2645, %select_n3A_2607 : vector<16xi1>, vector<16xi32>
      %select_n3A_2650 = arith.select %gt3A_2646, %select_n3A_2607, %select_n3A_2645 : vector<16xi1>, vector<16xi32>
      %gt3A_2651 = arith.cmpf ogt, %select_n3A_2648, %select_n3A_2610 : vector<16xf32>
      %select_n3A_2652 = arith.select %gt3A_2651, %select_n3A_2648, %select_n3A_2610 : vector<16xi1>, vector<16xf32>
      %select_n3A_2653 = arith.select %gt3A_2651, %select_n3A_2610, %select_n3A_2648 : vector<16xi1>, vector<16xf32>
      %select_n3A_2654 = arith.select %gt3A_2651, %select_n3A_2650, %select_n3A_2612 : vector<16xi1>, vector<16xi32>
      %select_n3A_2655 = arith.select %gt3A_2651, %select_n3A_2612, %select_n3A_2650 : vector<16xi1>, vector<16xi32>
      %gt3A_2656 = arith.cmpf ogt, %select_n3A_2653, %select_n3A_2615 : vector<16xf32>
      %select_n3A_2657 = arith.select %gt3A_2656, %select_n3A_2653, %select_n3A_2615 : vector<16xi1>, vector<16xf32>
      %select_n3A_2658 = arith.select %gt3A_2656, %select_n3A_2615, %select_n3A_2653 : vector<16xi1>, vector<16xf32>
      %select_n3A_2659 = arith.select %gt3A_2656, %select_n3A_2655, %select_n3A_2617 : vector<16xi1>, vector<16xi32>
      %select_n3A_2660 = arith.select %gt3A_2656, %select_n3A_2617, %select_n3A_2655 : vector<16xi1>, vector<16xi32>
      %gt3A_2661 = arith.cmpf ogt, %select_n3A_2658, %select_n3A_2620 : vector<16xf32>
      %select_n3A_2662 = arith.select %gt3A_2661, %select_n3A_2658, %select_n3A_2620 : vector<16xi1>, vector<16xf32>
      %select_n3A_2663 = arith.select %gt3A_2661, %select_n3A_2620, %select_n3A_2658 : vector<16xi1>, vector<16xf32>
      %select_n3A_2664 = arith.select %gt3A_2661, %select_n3A_2660, %select_n3A_2622 : vector<16xi1>, vector<16xi32>
      %select_n3A_2665 = arith.select %gt3A_2661, %select_n3A_2622, %select_n3A_2660 : vector<16xi1>, vector<16xi32>
      %broadcast_in_dim3A_2666 = arith.constant 44 : i32
      %broadcast_in_dim3A_2667 = vector.broadcast %broadcast_in_dim3A_2666 : i32 to vector<16xi32>
      %gt3A_2668 = arith.cmpf ogt, %mul3A_767, %select_n3A_2627 : vector<16xf32>
      %select_n3A_2669 = arith.select %gt3A_2668, %mul3A_767, %select_n3A_2627 : vector<16xi1>, vector<16xf32>
      %select_n3A_2670 = arith.select %gt3A_2668, %select_n3A_2627, %mul3A_767 : vector<16xi1>, vector<16xf32>
      %select_n3A_2671 = arith.select %gt3A_2668, %broadcast_in_dim3A_2667, %select_n3A_2629 : vector<16xi1>, vector<16xi32>
      %select_n3A_2672 = arith.select %gt3A_2668, %select_n3A_2629, %broadcast_in_dim3A_2667 : vector<16xi1>, vector<16xi32>
      %gt3A_2673 = arith.cmpf ogt, %select_n3A_2670, %select_n3A_2632 : vector<16xf32>
      %select_n3A_2674 = arith.select %gt3A_2673, %select_n3A_2670, %select_n3A_2632 : vector<16xi1>, vector<16xf32>
      %select_n3A_2675 = arith.select %gt3A_2673, %select_n3A_2632, %select_n3A_2670 : vector<16xi1>, vector<16xf32>
      %select_n3A_2676 = arith.select %gt3A_2673, %select_n3A_2672, %select_n3A_2634 : vector<16xi1>, vector<16xi32>
      %select_n3A_2677 = arith.select %gt3A_2673, %select_n3A_2634, %select_n3A_2672 : vector<16xi1>, vector<16xi32>
      %gt3A_2678 = arith.cmpf ogt, %select_n3A_2675, %select_n3A_2637 : vector<16xf32>
      %select_n3A_2679 = arith.select %gt3A_2678, %select_n3A_2675, %select_n3A_2637 : vector<16xi1>, vector<16xf32>
      %select_n3A_2680 = arith.select %gt3A_2678, %select_n3A_2637, %select_n3A_2675 : vector<16xi1>, vector<16xf32>
      %select_n3A_2681 = arith.select %gt3A_2678, %select_n3A_2677, %select_n3A_2639 : vector<16xi1>, vector<16xi32>
      %select_n3A_2682 = arith.select %gt3A_2678, %select_n3A_2639, %select_n3A_2677 : vector<16xi1>, vector<16xi32>
      %gt3A_2683 = arith.cmpf ogt, %select_n3A_2680, %select_n3A_2642 : vector<16xf32>
      %select_n3A_2684 = arith.select %gt3A_2683, %select_n3A_2680, %select_n3A_2642 : vector<16xi1>, vector<16xf32>
      %select_n3A_2685 = arith.select %gt3A_2683, %select_n3A_2642, %select_n3A_2680 : vector<16xi1>, vector<16xf32>
      %select_n3A_2686 = arith.select %gt3A_2683, %select_n3A_2682, %select_n3A_2644 : vector<16xi1>, vector<16xi32>
      %select_n3A_2687 = arith.select %gt3A_2683, %select_n3A_2644, %select_n3A_2682 : vector<16xi1>, vector<16xi32>
      %gt3A_2688 = arith.cmpf ogt, %select_n3A_2685, %select_n3A_2647 : vector<16xf32>
      %select_n3A_2689 = arith.select %gt3A_2688, %select_n3A_2685, %select_n3A_2647 : vector<16xi1>, vector<16xf32>
      %select_n3A_2690 = arith.select %gt3A_2688, %select_n3A_2647, %select_n3A_2685 : vector<16xi1>, vector<16xf32>
      %select_n3A_2691 = arith.select %gt3A_2688, %select_n3A_2687, %select_n3A_2649 : vector<16xi1>, vector<16xi32>
      %select_n3A_2692 = arith.select %gt3A_2688, %select_n3A_2649, %select_n3A_2687 : vector<16xi1>, vector<16xi32>
      %gt3A_2693 = arith.cmpf ogt, %select_n3A_2690, %select_n3A_2652 : vector<16xf32>
      %select_n3A_2694 = arith.select %gt3A_2693, %select_n3A_2690, %select_n3A_2652 : vector<16xi1>, vector<16xf32>
      %select_n3A_2695 = arith.select %gt3A_2693, %select_n3A_2652, %select_n3A_2690 : vector<16xi1>, vector<16xf32>
      %select_n3A_2696 = arith.select %gt3A_2693, %select_n3A_2692, %select_n3A_2654 : vector<16xi1>, vector<16xi32>
      %select_n3A_2697 = arith.select %gt3A_2693, %select_n3A_2654, %select_n3A_2692 : vector<16xi1>, vector<16xi32>
      %gt3A_2698 = arith.cmpf ogt, %select_n3A_2695, %select_n3A_2657 : vector<16xf32>
      %select_n3A_2699 = arith.select %gt3A_2698, %select_n3A_2695, %select_n3A_2657 : vector<16xi1>, vector<16xf32>
      %select_n3A_2700 = arith.select %gt3A_2698, %select_n3A_2657, %select_n3A_2695 : vector<16xi1>, vector<16xf32>
      %select_n3A_2701 = arith.select %gt3A_2698, %select_n3A_2697, %select_n3A_2659 : vector<16xi1>, vector<16xi32>
      %select_n3A_2702 = arith.select %gt3A_2698, %select_n3A_2659, %select_n3A_2697 : vector<16xi1>, vector<16xi32>
      %gt3A_2703 = arith.cmpf ogt, %select_n3A_2700, %select_n3A_2662 : vector<16xf32>
      %select_n3A_2704 = arith.select %gt3A_2703, %select_n3A_2700, %select_n3A_2662 : vector<16xi1>, vector<16xf32>
      %select_n3A_2705 = arith.select %gt3A_2703, %select_n3A_2662, %select_n3A_2700 : vector<16xi1>, vector<16xf32>
      %select_n3A_2706 = arith.select %gt3A_2703, %select_n3A_2702, %select_n3A_2664 : vector<16xi1>, vector<16xi32>
      %select_n3A_2707 = arith.select %gt3A_2703, %select_n3A_2664, %select_n3A_2702 : vector<16xi1>, vector<16xi32>
      %broadcast_in_dim3A_2708 = arith.constant 45 : i32
      %broadcast_in_dim3A_2709 = vector.broadcast %broadcast_in_dim3A_2708 : i32 to vector<16xi32>
      %gt3A_2710 = arith.cmpf ogt, %mul3A_768, %select_n3A_2669 : vector<16xf32>
      %select_n3A_2711 = arith.select %gt3A_2710, %mul3A_768, %select_n3A_2669 : vector<16xi1>, vector<16xf32>
      %select_n3A_2712 = arith.select %gt3A_2710, %select_n3A_2669, %mul3A_768 : vector<16xi1>, vector<16xf32>
      %select_n3A_2713 = arith.select %gt3A_2710, %broadcast_in_dim3A_2709, %select_n3A_2671 : vector<16xi1>, vector<16xi32>
      %select_n3A_2714 = arith.select %gt3A_2710, %select_n3A_2671, %broadcast_in_dim3A_2709 : vector<16xi1>, vector<16xi32>
      %gt3A_2715 = arith.cmpf ogt, %select_n3A_2712, %select_n3A_2674 : vector<16xf32>
      %select_n3A_2716 = arith.select %gt3A_2715, %select_n3A_2712, %select_n3A_2674 : vector<16xi1>, vector<16xf32>
      %select_n3A_2717 = arith.select %gt3A_2715, %select_n3A_2674, %select_n3A_2712 : vector<16xi1>, vector<16xf32>
      %select_n3A_2718 = arith.select %gt3A_2715, %select_n3A_2714, %select_n3A_2676 : vector<16xi1>, vector<16xi32>
      %select_n3A_2719 = arith.select %gt3A_2715, %select_n3A_2676, %select_n3A_2714 : vector<16xi1>, vector<16xi32>
      %gt3A_2720 = arith.cmpf ogt, %select_n3A_2717, %select_n3A_2679 : vector<16xf32>
      %select_n3A_2721 = arith.select %gt3A_2720, %select_n3A_2717, %select_n3A_2679 : vector<16xi1>, vector<16xf32>
      %select_n3A_2722 = arith.select %gt3A_2720, %select_n3A_2679, %select_n3A_2717 : vector<16xi1>, vector<16xf32>
      %select_n3A_2723 = arith.select %gt3A_2720, %select_n3A_2719, %select_n3A_2681 : vector<16xi1>, vector<16xi32>
      %select_n3A_2724 = arith.select %gt3A_2720, %select_n3A_2681, %select_n3A_2719 : vector<16xi1>, vector<16xi32>
      %gt3A_2725 = arith.cmpf ogt, %select_n3A_2722, %select_n3A_2684 : vector<16xf32>
      %select_n3A_2726 = arith.select %gt3A_2725, %select_n3A_2722, %select_n3A_2684 : vector<16xi1>, vector<16xf32>
      %select_n3A_2727 = arith.select %gt3A_2725, %select_n3A_2684, %select_n3A_2722 : vector<16xi1>, vector<16xf32>
      %select_n3A_2728 = arith.select %gt3A_2725, %select_n3A_2724, %select_n3A_2686 : vector<16xi1>, vector<16xi32>
      %select_n3A_2729 = arith.select %gt3A_2725, %select_n3A_2686, %select_n3A_2724 : vector<16xi1>, vector<16xi32>
      %gt3A_2730 = arith.cmpf ogt, %select_n3A_2727, %select_n3A_2689 : vector<16xf32>
      %select_n3A_2731 = arith.select %gt3A_2730, %select_n3A_2727, %select_n3A_2689 : vector<16xi1>, vector<16xf32>
      %select_n3A_2732 = arith.select %gt3A_2730, %select_n3A_2689, %select_n3A_2727 : vector<16xi1>, vector<16xf32>
      %select_n3A_2733 = arith.select %gt3A_2730, %select_n3A_2729, %select_n3A_2691 : vector<16xi1>, vector<16xi32>
      %select_n3A_2734 = arith.select %gt3A_2730, %select_n3A_2691, %select_n3A_2729 : vector<16xi1>, vector<16xi32>
      %gt3A_2735 = arith.cmpf ogt, %select_n3A_2732, %select_n3A_2694 : vector<16xf32>
      %select_n3A_2736 = arith.select %gt3A_2735, %select_n3A_2732, %select_n3A_2694 : vector<16xi1>, vector<16xf32>
      %select_n3A_2737 = arith.select %gt3A_2735, %select_n3A_2694, %select_n3A_2732 : vector<16xi1>, vector<16xf32>
      %select_n3A_2738 = arith.select %gt3A_2735, %select_n3A_2734, %select_n3A_2696 : vector<16xi1>, vector<16xi32>
      %select_n3A_2739 = arith.select %gt3A_2735, %select_n3A_2696, %select_n3A_2734 : vector<16xi1>, vector<16xi32>
      %gt3A_2740 = arith.cmpf ogt, %select_n3A_2737, %select_n3A_2699 : vector<16xf32>
      %select_n3A_2741 = arith.select %gt3A_2740, %select_n3A_2737, %select_n3A_2699 : vector<16xi1>, vector<16xf32>
      %select_n3A_2742 = arith.select %gt3A_2740, %select_n3A_2699, %select_n3A_2737 : vector<16xi1>, vector<16xf32>
      %select_n3A_2743 = arith.select %gt3A_2740, %select_n3A_2739, %select_n3A_2701 : vector<16xi1>, vector<16xi32>
      %select_n3A_2744 = arith.select %gt3A_2740, %select_n3A_2701, %select_n3A_2739 : vector<16xi1>, vector<16xi32>
      %gt3A_2745 = arith.cmpf ogt, %select_n3A_2742, %select_n3A_2704 : vector<16xf32>
      %select_n3A_2746 = arith.select %gt3A_2745, %select_n3A_2742, %select_n3A_2704 : vector<16xi1>, vector<16xf32>
      %select_n3A_2747 = arith.select %gt3A_2745, %select_n3A_2704, %select_n3A_2742 : vector<16xi1>, vector<16xf32>
      %select_n3A_2748 = arith.select %gt3A_2745, %select_n3A_2744, %select_n3A_2706 : vector<16xi1>, vector<16xi32>
      %select_n3A_2749 = arith.select %gt3A_2745, %select_n3A_2706, %select_n3A_2744 : vector<16xi1>, vector<16xi32>
      %broadcast_in_dim3A_2750 = arith.constant 46 : i32
      %broadcast_in_dim3A_2751 = vector.broadcast %broadcast_in_dim3A_2750 : i32 to vector<16xi32>
      %gt3A_2752 = arith.cmpf ogt, %mul3A_769, %select_n3A_2711 : vector<16xf32>
      %select_n3A_2753 = arith.select %gt3A_2752, %mul3A_769, %select_n3A_2711 : vector<16xi1>, vector<16xf32>
      %select_n3A_2754 = arith.select %gt3A_2752, %select_n3A_2711, %mul3A_769 : vector<16xi1>, vector<16xf32>
      %select_n3A_2755 = arith.select %gt3A_2752, %broadcast_in_dim3A_2751, %select_n3A_2713 : vector<16xi1>, vector<16xi32>
      %select_n3A_2756 = arith.select %gt3A_2752, %select_n3A_2713, %broadcast_in_dim3A_2751 : vector<16xi1>, vector<16xi32>
      %gt3A_2757 = arith.cmpf ogt, %select_n3A_2754, %select_n3A_2716 : vector<16xf32>
      %select_n3A_2758 = arith.select %gt3A_2757, %select_n3A_2754, %select_n3A_2716 : vector<16xi1>, vector<16xf32>
      %select_n3A_2759 = arith.select %gt3A_2757, %select_n3A_2716, %select_n3A_2754 : vector<16xi1>, vector<16xf32>
      %select_n3A_2760 = arith.select %gt3A_2757, %select_n3A_2756, %select_n3A_2718 : vector<16xi1>, vector<16xi32>
      %select_n3A_2761 = arith.select %gt3A_2757, %select_n3A_2718, %select_n3A_2756 : vector<16xi1>, vector<16xi32>
      %gt3A_2762 = arith.cmpf ogt, %select_n3A_2759, %select_n3A_2721 : vector<16xf32>
      %select_n3A_2763 = arith.select %gt3A_2762, %select_n3A_2759, %select_n3A_2721 : vector<16xi1>, vector<16xf32>
      %select_n3A_2764 = arith.select %gt3A_2762, %select_n3A_2721, %select_n3A_2759 : vector<16xi1>, vector<16xf32>
      %select_n3A_2765 = arith.select %gt3A_2762, %select_n3A_2761, %select_n3A_2723 : vector<16xi1>, vector<16xi32>
      %select_n3A_2766 = arith.select %gt3A_2762, %select_n3A_2723, %select_n3A_2761 : vector<16xi1>, vector<16xi32>
      %gt3A_2767 = arith.cmpf ogt, %select_n3A_2764, %select_n3A_2726 : vector<16xf32>
      %select_n3A_2768 = arith.select %gt3A_2767, %select_n3A_2764, %select_n3A_2726 : vector<16xi1>, vector<16xf32>
      %select_n3A_2769 = arith.select %gt3A_2767, %select_n3A_2726, %select_n3A_2764 : vector<16xi1>, vector<16xf32>
      %select_n3A_2770 = arith.select %gt3A_2767, %select_n3A_2766, %select_n3A_2728 : vector<16xi1>, vector<16xi32>
      %select_n3A_2771 = arith.select %gt3A_2767, %select_n3A_2728, %select_n3A_2766 : vector<16xi1>, vector<16xi32>
      %gt3A_2772 = arith.cmpf ogt, %select_n3A_2769, %select_n3A_2731 : vector<16xf32>
      %select_n3A_2773 = arith.select %gt3A_2772, %select_n3A_2769, %select_n3A_2731 : vector<16xi1>, vector<16xf32>
      %select_n3A_2774 = arith.select %gt3A_2772, %select_n3A_2731, %select_n3A_2769 : vector<16xi1>, vector<16xf32>
      %select_n3A_2775 = arith.select %gt3A_2772, %select_n3A_2771, %select_n3A_2733 : vector<16xi1>, vector<16xi32>
      %select_n3A_2776 = arith.select %gt3A_2772, %select_n3A_2733, %select_n3A_2771 : vector<16xi1>, vector<16xi32>
      %gt3A_2777 = arith.cmpf ogt, %select_n3A_2774, %select_n3A_2736 : vector<16xf32>
      %select_n3A_2778 = arith.select %gt3A_2777, %select_n3A_2774, %select_n3A_2736 : vector<16xi1>, vector<16xf32>
      %select_n3A_2779 = arith.select %gt3A_2777, %select_n3A_2736, %select_n3A_2774 : vector<16xi1>, vector<16xf32>
      %select_n3A_2780 = arith.select %gt3A_2777, %select_n3A_2776, %select_n3A_2738 : vector<16xi1>, vector<16xi32>
      %select_n3A_2781 = arith.select %gt3A_2777, %select_n3A_2738, %select_n3A_2776 : vector<16xi1>, vector<16xi32>
      %gt3A_2782 = arith.cmpf ogt, %select_n3A_2779, %select_n3A_2741 : vector<16xf32>
      %select_n3A_2783 = arith.select %gt3A_2782, %select_n3A_2779, %select_n3A_2741 : vector<16xi1>, vector<16xf32>
      %select_n3A_2784 = arith.select %gt3A_2782, %select_n3A_2741, %select_n3A_2779 : vector<16xi1>, vector<16xf32>
      %select_n3A_2785 = arith.select %gt3A_2782, %select_n3A_2781, %select_n3A_2743 : vector<16xi1>, vector<16xi32>
      %select_n3A_2786 = arith.select %gt3A_2782, %select_n3A_2743, %select_n3A_2781 : vector<16xi1>, vector<16xi32>
      %gt3A_2787 = arith.cmpf ogt, %select_n3A_2784, %select_n3A_2746 : vector<16xf32>
      %select_n3A_2788 = arith.select %gt3A_2787, %select_n3A_2784, %select_n3A_2746 : vector<16xi1>, vector<16xf32>
      %select_n3A_2789 = arith.select %gt3A_2787, %select_n3A_2746, %select_n3A_2784 : vector<16xi1>, vector<16xf32>
      %select_n3A_2790 = arith.select %gt3A_2787, %select_n3A_2786, %select_n3A_2748 : vector<16xi1>, vector<16xi32>
      %select_n3A_2791 = arith.select %gt3A_2787, %select_n3A_2748, %select_n3A_2786 : vector<16xi1>, vector<16xi32>
      %broadcast_in_dim3A_2792 = arith.constant 47 : i32
      %broadcast_in_dim3A_2793 = vector.broadcast %broadcast_in_dim3A_2792 : i32 to vector<16xi32>
      %gt3A_2794 = arith.cmpf ogt, %mul3A_770, %select_n3A_2753 : vector<16xf32>
      %select_n3A_2795 = arith.select %gt3A_2794, %mul3A_770, %select_n3A_2753 : vector<16xi1>, vector<16xf32>
      %select_n3A_2796 = arith.select %gt3A_2794, %select_n3A_2753, %mul3A_770 : vector<16xi1>, vector<16xf32>
      %select_n3A_2797 = arith.select %gt3A_2794, %broadcast_in_dim3A_2793, %select_n3A_2755 : vector<16xi1>, vector<16xi32>
      %select_n3A_2798 = arith.select %gt3A_2794, %select_n3A_2755, %broadcast_in_dim3A_2793 : vector<16xi1>, vector<16xi32>
      %gt3A_2799 = arith.cmpf ogt, %select_n3A_2796, %select_n3A_2758 : vector<16xf32>
      %select_n3A_2800 = arith.select %gt3A_2799, %select_n3A_2796, %select_n3A_2758 : vector<16xi1>, vector<16xf32>
      %select_n3A_2801 = arith.select %gt3A_2799, %select_n3A_2758, %select_n3A_2796 : vector<16xi1>, vector<16xf32>
      %select_n3A_2802 = arith.select %gt3A_2799, %select_n3A_2798, %select_n3A_2760 : vector<16xi1>, vector<16xi32>
      %select_n3A_2803 = arith.select %gt3A_2799, %select_n3A_2760, %select_n3A_2798 : vector<16xi1>, vector<16xi32>
      %gt3A_2804 = arith.cmpf ogt, %select_n3A_2801, %select_n3A_2763 : vector<16xf32>
      %select_n3A_2805 = arith.select %gt3A_2804, %select_n3A_2801, %select_n3A_2763 : vector<16xi1>, vector<16xf32>
      %select_n3A_2806 = arith.select %gt3A_2804, %select_n3A_2763, %select_n3A_2801 : vector<16xi1>, vector<16xf32>
      %select_n3A_2807 = arith.select %gt3A_2804, %select_n3A_2803, %select_n3A_2765 : vector<16xi1>, vector<16xi32>
      %select_n3A_2808 = arith.select %gt3A_2804, %select_n3A_2765, %select_n3A_2803 : vector<16xi1>, vector<16xi32>
      %gt3A_2809 = arith.cmpf ogt, %select_n3A_2806, %select_n3A_2768 : vector<16xf32>
      %select_n3A_2810 = arith.select %gt3A_2809, %select_n3A_2806, %select_n3A_2768 : vector<16xi1>, vector<16xf32>
      %select_n3A_2811 = arith.select %gt3A_2809, %select_n3A_2768, %select_n3A_2806 : vector<16xi1>, vector<16xf32>
      %select_n3A_2812 = arith.select %gt3A_2809, %select_n3A_2808, %select_n3A_2770 : vector<16xi1>, vector<16xi32>
      %select_n3A_2813 = arith.select %gt3A_2809, %select_n3A_2770, %select_n3A_2808 : vector<16xi1>, vector<16xi32>
      %gt3A_2814 = arith.cmpf ogt, %select_n3A_2811, %select_n3A_2773 : vector<16xf32>
      %select_n3A_2815 = arith.select %gt3A_2814, %select_n3A_2811, %select_n3A_2773 : vector<16xi1>, vector<16xf32>
      %select_n3A_2816 = arith.select %gt3A_2814, %select_n3A_2773, %select_n3A_2811 : vector<16xi1>, vector<16xf32>
      %select_n3A_2817 = arith.select %gt3A_2814, %select_n3A_2813, %select_n3A_2775 : vector<16xi1>, vector<16xi32>
      %select_n3A_2818 = arith.select %gt3A_2814, %select_n3A_2775, %select_n3A_2813 : vector<16xi1>, vector<16xi32>
      %gt3A_2819 = arith.cmpf ogt, %select_n3A_2816, %select_n3A_2778 : vector<16xf32>
      %select_n3A_2820 = arith.select %gt3A_2819, %select_n3A_2816, %select_n3A_2778 : vector<16xi1>, vector<16xf32>
      %select_n3A_2821 = arith.select %gt3A_2819, %select_n3A_2778, %select_n3A_2816 : vector<16xi1>, vector<16xf32>
      %select_n3A_2822 = arith.select %gt3A_2819, %select_n3A_2818, %select_n3A_2780 : vector<16xi1>, vector<16xi32>
      %select_n3A_2823 = arith.select %gt3A_2819, %select_n3A_2780, %select_n3A_2818 : vector<16xi1>, vector<16xi32>
      %gt3A_2824 = arith.cmpf ogt, %select_n3A_2821, %select_n3A_2783 : vector<16xf32>
      %select_n3A_2825 = arith.select %gt3A_2824, %select_n3A_2821, %select_n3A_2783 : vector<16xi1>, vector<16xf32>
      %select_n3A_2826 = arith.select %gt3A_2824, %select_n3A_2783, %select_n3A_2821 : vector<16xi1>, vector<16xf32>
      %select_n3A_2827 = arith.select %gt3A_2824, %select_n3A_2823, %select_n3A_2785 : vector<16xi1>, vector<16xi32>
      %select_n3A_2828 = arith.select %gt3A_2824, %select_n3A_2785, %select_n3A_2823 : vector<16xi1>, vector<16xi32>
      %gt3A_2829 = arith.cmpf ogt, %select_n3A_2826, %select_n3A_2788 : vector<16xf32>
      %select_n3A_2830 = arith.select %gt3A_2829, %select_n3A_2826, %select_n3A_2788 : vector<16xi1>, vector<16xf32>
      %select_n3A_2831 = arith.select %gt3A_2829, %select_n3A_2788, %select_n3A_2826 : vector<16xi1>, vector<16xf32>
      %select_n3A_2832 = arith.select %gt3A_2829, %select_n3A_2828, %select_n3A_2790 : vector<16xi1>, vector<16xi32>
      %select_n3A_2833 = arith.select %gt3A_2829, %select_n3A_2790, %select_n3A_2828 : vector<16xi1>, vector<16xi32>
      %broadcast_in_dim3A_2834 = arith.constant 48 : i32
      %broadcast_in_dim3A_2835 = vector.broadcast %broadcast_in_dim3A_2834 : i32 to vector<16xi32>
      %gt3A_2836 = arith.cmpf ogt, %mul3A_771, %select_n3A_2795 : vector<16xf32>
      %select_n3A_2837 = arith.select %gt3A_2836, %mul3A_771, %select_n3A_2795 : vector<16xi1>, vector<16xf32>
      %select_n3A_2838 = arith.select %gt3A_2836, %select_n3A_2795, %mul3A_771 : vector<16xi1>, vector<16xf32>
      %select_n3A_2839 = arith.select %gt3A_2836, %broadcast_in_dim3A_2835, %select_n3A_2797 : vector<16xi1>, vector<16xi32>
      %select_n3A_2840 = arith.select %gt3A_2836, %select_n3A_2797, %broadcast_in_dim3A_2835 : vector<16xi1>, vector<16xi32>
      %gt3A_2841 = arith.cmpf ogt, %select_n3A_2838, %select_n3A_2800 : vector<16xf32>
      %select_n3A_2842 = arith.select %gt3A_2841, %select_n3A_2838, %select_n3A_2800 : vector<16xi1>, vector<16xf32>
      %select_n3A_2843 = arith.select %gt3A_2841, %select_n3A_2800, %select_n3A_2838 : vector<16xi1>, vector<16xf32>
      %select_n3A_2844 = arith.select %gt3A_2841, %select_n3A_2840, %select_n3A_2802 : vector<16xi1>, vector<16xi32>
      %select_n3A_2845 = arith.select %gt3A_2841, %select_n3A_2802, %select_n3A_2840 : vector<16xi1>, vector<16xi32>
      %gt3A_2846 = arith.cmpf ogt, %select_n3A_2843, %select_n3A_2805 : vector<16xf32>
      %select_n3A_2847 = arith.select %gt3A_2846, %select_n3A_2843, %select_n3A_2805 : vector<16xi1>, vector<16xf32>
      %select_n3A_2848 = arith.select %gt3A_2846, %select_n3A_2805, %select_n3A_2843 : vector<16xi1>, vector<16xf32>
      %select_n3A_2849 = arith.select %gt3A_2846, %select_n3A_2845, %select_n3A_2807 : vector<16xi1>, vector<16xi32>
      %select_n3A_2850 = arith.select %gt3A_2846, %select_n3A_2807, %select_n3A_2845 : vector<16xi1>, vector<16xi32>
      %gt3A_2851 = arith.cmpf ogt, %select_n3A_2848, %select_n3A_2810 : vector<16xf32>
      %select_n3A_2852 = arith.select %gt3A_2851, %select_n3A_2848, %select_n3A_2810 : vector<16xi1>, vector<16xf32>
      %select_n3A_2853 = arith.select %gt3A_2851, %select_n3A_2810, %select_n3A_2848 : vector<16xi1>, vector<16xf32>
      %select_n3A_2854 = arith.select %gt3A_2851, %select_n3A_2850, %select_n3A_2812 : vector<16xi1>, vector<16xi32>
      %select_n3A_2855 = arith.select %gt3A_2851, %select_n3A_2812, %select_n3A_2850 : vector<16xi1>, vector<16xi32>
      %gt3A_2856 = arith.cmpf ogt, %select_n3A_2853, %select_n3A_2815 : vector<16xf32>
      %select_n3A_2857 = arith.select %gt3A_2856, %select_n3A_2853, %select_n3A_2815 : vector<16xi1>, vector<16xf32>
      %select_n3A_2858 = arith.select %gt3A_2856, %select_n3A_2815, %select_n3A_2853 : vector<16xi1>, vector<16xf32>
      %select_n3A_2859 = arith.select %gt3A_2856, %select_n3A_2855, %select_n3A_2817 : vector<16xi1>, vector<16xi32>
      %select_n3A_2860 = arith.select %gt3A_2856, %select_n3A_2817, %select_n3A_2855 : vector<16xi1>, vector<16xi32>
      %gt3A_2861 = arith.cmpf ogt, %select_n3A_2858, %select_n3A_2820 : vector<16xf32>
      %select_n3A_2862 = arith.select %gt3A_2861, %select_n3A_2858, %select_n3A_2820 : vector<16xi1>, vector<16xf32>
      %select_n3A_2863 = arith.select %gt3A_2861, %select_n3A_2820, %select_n3A_2858 : vector<16xi1>, vector<16xf32>
      %select_n3A_2864 = arith.select %gt3A_2861, %select_n3A_2860, %select_n3A_2822 : vector<16xi1>, vector<16xi32>
      %select_n3A_2865 = arith.select %gt3A_2861, %select_n3A_2822, %select_n3A_2860 : vector<16xi1>, vector<16xi32>
      %gt3A_2866 = arith.cmpf ogt, %select_n3A_2863, %select_n3A_2825 : vector<16xf32>
      %select_n3A_2867 = arith.select %gt3A_2866, %select_n3A_2863, %select_n3A_2825 : vector<16xi1>, vector<16xf32>
      %select_n3A_2868 = arith.select %gt3A_2866, %select_n3A_2825, %select_n3A_2863 : vector<16xi1>, vector<16xf32>
      %select_n3A_2869 = arith.select %gt3A_2866, %select_n3A_2865, %select_n3A_2827 : vector<16xi1>, vector<16xi32>
      %select_n3A_2870 = arith.select %gt3A_2866, %select_n3A_2827, %select_n3A_2865 : vector<16xi1>, vector<16xi32>
      %gt3A_2871 = arith.cmpf ogt, %select_n3A_2868, %select_n3A_2830 : vector<16xf32>
      %select_n3A_2872 = arith.select %gt3A_2871, %select_n3A_2868, %select_n3A_2830 : vector<16xi1>, vector<16xf32>
      %select_n3A_2873 = arith.select %gt3A_2871, %select_n3A_2830, %select_n3A_2868 : vector<16xi1>, vector<16xf32>
      %select_n3A_2874 = arith.select %gt3A_2871, %select_n3A_2870, %select_n3A_2832 : vector<16xi1>, vector<16xi32>
      %select_n3A_2875 = arith.select %gt3A_2871, %select_n3A_2832, %select_n3A_2870 : vector<16xi1>, vector<16xi32>
      %broadcast_in_dim3A_2876 = arith.constant 49 : i32
      %broadcast_in_dim3A_2877 = vector.broadcast %broadcast_in_dim3A_2876 : i32 to vector<16xi32>
      %gt3A_2878 = arith.cmpf ogt, %mul3A_772, %select_n3A_2837 : vector<16xf32>
      %select_n3A_2879 = arith.select %gt3A_2878, %mul3A_772, %select_n3A_2837 : vector<16xi1>, vector<16xf32>
      %select_n3A_2880 = arith.select %gt3A_2878, %select_n3A_2837, %mul3A_772 : vector<16xi1>, vector<16xf32>
      %select_n3A_2881 = arith.select %gt3A_2878, %broadcast_in_dim3A_2877, %select_n3A_2839 : vector<16xi1>, vector<16xi32>
      %select_n3A_2882 = arith.select %gt3A_2878, %select_n3A_2839, %broadcast_in_dim3A_2877 : vector<16xi1>, vector<16xi32>
      %gt3A_2883 = arith.cmpf ogt, %select_n3A_2880, %select_n3A_2842 : vector<16xf32>
      %select_n3A_2884 = arith.select %gt3A_2883, %select_n3A_2880, %select_n3A_2842 : vector<16xi1>, vector<16xf32>
      %select_n3A_2885 = arith.select %gt3A_2883, %select_n3A_2842, %select_n3A_2880 : vector<16xi1>, vector<16xf32>
      %select_n3A_2886 = arith.select %gt3A_2883, %select_n3A_2882, %select_n3A_2844 : vector<16xi1>, vector<16xi32>
      %select_n3A_2887 = arith.select %gt3A_2883, %select_n3A_2844, %select_n3A_2882 : vector<16xi1>, vector<16xi32>
      %gt3A_2888 = arith.cmpf ogt, %select_n3A_2885, %select_n3A_2847 : vector<16xf32>
      %select_n3A_2889 = arith.select %gt3A_2888, %select_n3A_2885, %select_n3A_2847 : vector<16xi1>, vector<16xf32>
      %select_n3A_2890 = arith.select %gt3A_2888, %select_n3A_2847, %select_n3A_2885 : vector<16xi1>, vector<16xf32>
      %select_n3A_2891 = arith.select %gt3A_2888, %select_n3A_2887, %select_n3A_2849 : vector<16xi1>, vector<16xi32>
      %select_n3A_2892 = arith.select %gt3A_2888, %select_n3A_2849, %select_n3A_2887 : vector<16xi1>, vector<16xi32>
      %gt3A_2893 = arith.cmpf ogt, %select_n3A_2890, %select_n3A_2852 : vector<16xf32>
      %select_n3A_2894 = arith.select %gt3A_2893, %select_n3A_2890, %select_n3A_2852 : vector<16xi1>, vector<16xf32>
      %select_n3A_2895 = arith.select %gt3A_2893, %select_n3A_2852, %select_n3A_2890 : vector<16xi1>, vector<16xf32>
      %select_n3A_2896 = arith.select %gt3A_2893, %select_n3A_2892, %select_n3A_2854 : vector<16xi1>, vector<16xi32>
      %select_n3A_2897 = arith.select %gt3A_2893, %select_n3A_2854, %select_n3A_2892 : vector<16xi1>, vector<16xi32>
      %gt3A_2898 = arith.cmpf ogt, %select_n3A_2895, %select_n3A_2857 : vector<16xf32>
      %select_n3A_2899 = arith.select %gt3A_2898, %select_n3A_2895, %select_n3A_2857 : vector<16xi1>, vector<16xf32>
      %select_n3A_2900 = arith.select %gt3A_2898, %select_n3A_2857, %select_n3A_2895 : vector<16xi1>, vector<16xf32>
      %select_n3A_2901 = arith.select %gt3A_2898, %select_n3A_2897, %select_n3A_2859 : vector<16xi1>, vector<16xi32>
      %select_n3A_2902 = arith.select %gt3A_2898, %select_n3A_2859, %select_n3A_2897 : vector<16xi1>, vector<16xi32>
      %gt3A_2903 = arith.cmpf ogt, %select_n3A_2900, %select_n3A_2862 : vector<16xf32>
      %select_n3A_2904 = arith.select %gt3A_2903, %select_n3A_2900, %select_n3A_2862 : vector<16xi1>, vector<16xf32>
      %select_n3A_2905 = arith.select %gt3A_2903, %select_n3A_2862, %select_n3A_2900 : vector<16xi1>, vector<16xf32>
      %select_n3A_2906 = arith.select %gt3A_2903, %select_n3A_2902, %select_n3A_2864 : vector<16xi1>, vector<16xi32>
      %select_n3A_2907 = arith.select %gt3A_2903, %select_n3A_2864, %select_n3A_2902 : vector<16xi1>, vector<16xi32>
      %gt3A_2908 = arith.cmpf ogt, %select_n3A_2905, %select_n3A_2867 : vector<16xf32>
      %select_n3A_2909 = arith.select %gt3A_2908, %select_n3A_2905, %select_n3A_2867 : vector<16xi1>, vector<16xf32>
      %select_n3A_2910 = arith.select %gt3A_2908, %select_n3A_2867, %select_n3A_2905 : vector<16xi1>, vector<16xf32>
      %select_n3A_2911 = arith.select %gt3A_2908, %select_n3A_2907, %select_n3A_2869 : vector<16xi1>, vector<16xi32>
      %select_n3A_2912 = arith.select %gt3A_2908, %select_n3A_2869, %select_n3A_2907 : vector<16xi1>, vector<16xi32>
      %gt3A_2913 = arith.cmpf ogt, %select_n3A_2910, %select_n3A_2872 : vector<16xf32>
      %select_n3A_2914 = arith.select %gt3A_2913, %select_n3A_2910, %select_n3A_2872 : vector<16xi1>, vector<16xf32>
      %select_n3A_2915 = arith.select %gt3A_2913, %select_n3A_2872, %select_n3A_2910 : vector<16xi1>, vector<16xf32>
      %select_n3A_2916 = arith.select %gt3A_2913, %select_n3A_2912, %select_n3A_2874 : vector<16xi1>, vector<16xi32>
      %select_n3A_2917 = arith.select %gt3A_2913, %select_n3A_2874, %select_n3A_2912 : vector<16xi1>, vector<16xi32>
      %broadcast_in_dim3A_2918 = arith.constant 50 : i32
      %broadcast_in_dim3A_2919 = vector.broadcast %broadcast_in_dim3A_2918 : i32 to vector<16xi32>
      %gt3A_2920 = arith.cmpf ogt, %mul3A_773, %select_n3A_2879 : vector<16xf32>
      %select_n3A_2921 = arith.select %gt3A_2920, %mul3A_773, %select_n3A_2879 : vector<16xi1>, vector<16xf32>
      %select_n3A_2922 = arith.select %gt3A_2920, %select_n3A_2879, %mul3A_773 : vector<16xi1>, vector<16xf32>
      %select_n3A_2923 = arith.select %gt3A_2920, %broadcast_in_dim3A_2919, %select_n3A_2881 : vector<16xi1>, vector<16xi32>
      %select_n3A_2924 = arith.select %gt3A_2920, %select_n3A_2881, %broadcast_in_dim3A_2919 : vector<16xi1>, vector<16xi32>
      %gt3A_2925 = arith.cmpf ogt, %select_n3A_2922, %select_n3A_2884 : vector<16xf32>
      %select_n3A_2926 = arith.select %gt3A_2925, %select_n3A_2922, %select_n3A_2884 : vector<16xi1>, vector<16xf32>
      %select_n3A_2927 = arith.select %gt3A_2925, %select_n3A_2884, %select_n3A_2922 : vector<16xi1>, vector<16xf32>
      %select_n3A_2928 = arith.select %gt3A_2925, %select_n3A_2924, %select_n3A_2886 : vector<16xi1>, vector<16xi32>
      %select_n3A_2929 = arith.select %gt3A_2925, %select_n3A_2886, %select_n3A_2924 : vector<16xi1>, vector<16xi32>
      %gt3A_2930 = arith.cmpf ogt, %select_n3A_2927, %select_n3A_2889 : vector<16xf32>
      %select_n3A_2931 = arith.select %gt3A_2930, %select_n3A_2927, %select_n3A_2889 : vector<16xi1>, vector<16xf32>
      %select_n3A_2932 = arith.select %gt3A_2930, %select_n3A_2889, %select_n3A_2927 : vector<16xi1>, vector<16xf32>
      %select_n3A_2933 = arith.select %gt3A_2930, %select_n3A_2929, %select_n3A_2891 : vector<16xi1>, vector<16xi32>
      %select_n3A_2934 = arith.select %gt3A_2930, %select_n3A_2891, %select_n3A_2929 : vector<16xi1>, vector<16xi32>
      %gt3A_2935 = arith.cmpf ogt, %select_n3A_2932, %select_n3A_2894 : vector<16xf32>
      %select_n3A_2936 = arith.select %gt3A_2935, %select_n3A_2932, %select_n3A_2894 : vector<16xi1>, vector<16xf32>
      %select_n3A_2937 = arith.select %gt3A_2935, %select_n3A_2894, %select_n3A_2932 : vector<16xi1>, vector<16xf32>
      %select_n3A_2938 = arith.select %gt3A_2935, %select_n3A_2934, %select_n3A_2896 : vector<16xi1>, vector<16xi32>
      %select_n3A_2939 = arith.select %gt3A_2935, %select_n3A_2896, %select_n3A_2934 : vector<16xi1>, vector<16xi32>
      %gt3A_2940 = arith.cmpf ogt, %select_n3A_2937, %select_n3A_2899 : vector<16xf32>
      %select_n3A_2941 = arith.select %gt3A_2940, %select_n3A_2937, %select_n3A_2899 : vector<16xi1>, vector<16xf32>
      %select_n3A_2942 = arith.select %gt3A_2940, %select_n3A_2899, %select_n3A_2937 : vector<16xi1>, vector<16xf32>
      %select_n3A_2943 = arith.select %gt3A_2940, %select_n3A_2939, %select_n3A_2901 : vector<16xi1>, vector<16xi32>
      %select_n3A_2944 = arith.select %gt3A_2940, %select_n3A_2901, %select_n3A_2939 : vector<16xi1>, vector<16xi32>
      %gt3A_2945 = arith.cmpf ogt, %select_n3A_2942, %select_n3A_2904 : vector<16xf32>
      %select_n3A_2946 = arith.select %gt3A_2945, %select_n3A_2942, %select_n3A_2904 : vector<16xi1>, vector<16xf32>
      %select_n3A_2947 = arith.select %gt3A_2945, %select_n3A_2904, %select_n3A_2942 : vector<16xi1>, vector<16xf32>
      %select_n3A_2948 = arith.select %gt3A_2945, %select_n3A_2944, %select_n3A_2906 : vector<16xi1>, vector<16xi32>
      %select_n3A_2949 = arith.select %gt3A_2945, %select_n3A_2906, %select_n3A_2944 : vector<16xi1>, vector<16xi32>
      %gt3A_2950 = arith.cmpf ogt, %select_n3A_2947, %select_n3A_2909 : vector<16xf32>
      %select_n3A_2951 = arith.select %gt3A_2950, %select_n3A_2947, %select_n3A_2909 : vector<16xi1>, vector<16xf32>
      %select_n3A_2952 = arith.select %gt3A_2950, %select_n3A_2909, %select_n3A_2947 : vector<16xi1>, vector<16xf32>
      %select_n3A_2953 = arith.select %gt3A_2950, %select_n3A_2949, %select_n3A_2911 : vector<16xi1>, vector<16xi32>
      %select_n3A_2954 = arith.select %gt3A_2950, %select_n3A_2911, %select_n3A_2949 : vector<16xi1>, vector<16xi32>
      %gt3A_2955 = arith.cmpf ogt, %select_n3A_2952, %select_n3A_2914 : vector<16xf32>
      %select_n3A_2956 = arith.select %gt3A_2955, %select_n3A_2952, %select_n3A_2914 : vector<16xi1>, vector<16xf32>
      %select_n3A_2957 = arith.select %gt3A_2955, %select_n3A_2914, %select_n3A_2952 : vector<16xi1>, vector<16xf32>
      %select_n3A_2958 = arith.select %gt3A_2955, %select_n3A_2954, %select_n3A_2916 : vector<16xi1>, vector<16xi32>
      %select_n3A_2959 = arith.select %gt3A_2955, %select_n3A_2916, %select_n3A_2954 : vector<16xi1>, vector<16xi32>
      %broadcast_in_dim3A_2960 = arith.constant 51 : i32
      %broadcast_in_dim3A_2961 = vector.broadcast %broadcast_in_dim3A_2960 : i32 to vector<16xi32>
      %gt3A_2962 = arith.cmpf ogt, %mul3A_774, %select_n3A_2921 : vector<16xf32>
      %select_n3A_2963 = arith.select %gt3A_2962, %mul3A_774, %select_n3A_2921 : vector<16xi1>, vector<16xf32>
      %select_n3A_2964 = arith.select %gt3A_2962, %select_n3A_2921, %mul3A_774 : vector<16xi1>, vector<16xf32>
      %select_n3A_2965 = arith.select %gt3A_2962, %broadcast_in_dim3A_2961, %select_n3A_2923 : vector<16xi1>, vector<16xi32>
      %select_n3A_2966 = arith.select %gt3A_2962, %select_n3A_2923, %broadcast_in_dim3A_2961 : vector<16xi1>, vector<16xi32>
      %gt3A_2967 = arith.cmpf ogt, %select_n3A_2964, %select_n3A_2926 : vector<16xf32>
      %select_n3A_2968 = arith.select %gt3A_2967, %select_n3A_2964, %select_n3A_2926 : vector<16xi1>, vector<16xf32>
      %select_n3A_2969 = arith.select %gt3A_2967, %select_n3A_2926, %select_n3A_2964 : vector<16xi1>, vector<16xf32>
      %select_n3A_2970 = arith.select %gt3A_2967, %select_n3A_2966, %select_n3A_2928 : vector<16xi1>, vector<16xi32>
      %select_n3A_2971 = arith.select %gt3A_2967, %select_n3A_2928, %select_n3A_2966 : vector<16xi1>, vector<16xi32>
      %gt3A_2972 = arith.cmpf ogt, %select_n3A_2969, %select_n3A_2931 : vector<16xf32>
      %select_n3A_2973 = arith.select %gt3A_2972, %select_n3A_2969, %select_n3A_2931 : vector<16xi1>, vector<16xf32>
      %select_n3A_2974 = arith.select %gt3A_2972, %select_n3A_2931, %select_n3A_2969 : vector<16xi1>, vector<16xf32>
      %select_n3A_2975 = arith.select %gt3A_2972, %select_n3A_2971, %select_n3A_2933 : vector<16xi1>, vector<16xi32>
      %select_n3A_2976 = arith.select %gt3A_2972, %select_n3A_2933, %select_n3A_2971 : vector<16xi1>, vector<16xi32>
      %gt3A_2977 = arith.cmpf ogt, %select_n3A_2974, %select_n3A_2936 : vector<16xf32>
      %select_n3A_2978 = arith.select %gt3A_2977, %select_n3A_2974, %select_n3A_2936 : vector<16xi1>, vector<16xf32>
      %select_n3A_2979 = arith.select %gt3A_2977, %select_n3A_2936, %select_n3A_2974 : vector<16xi1>, vector<16xf32>
      %select_n3A_2980 = arith.select %gt3A_2977, %select_n3A_2976, %select_n3A_2938 : vector<16xi1>, vector<16xi32>
      %select_n3A_2981 = arith.select %gt3A_2977, %select_n3A_2938, %select_n3A_2976 : vector<16xi1>, vector<16xi32>
      %gt3A_2982 = arith.cmpf ogt, %select_n3A_2979, %select_n3A_2941 : vector<16xf32>
      %select_n3A_2983 = arith.select %gt3A_2982, %select_n3A_2979, %select_n3A_2941 : vector<16xi1>, vector<16xf32>
      %select_n3A_2984 = arith.select %gt3A_2982, %select_n3A_2941, %select_n3A_2979 : vector<16xi1>, vector<16xf32>
      %select_n3A_2985 = arith.select %gt3A_2982, %select_n3A_2981, %select_n3A_2943 : vector<16xi1>, vector<16xi32>
      %select_n3A_2986 = arith.select %gt3A_2982, %select_n3A_2943, %select_n3A_2981 : vector<16xi1>, vector<16xi32>
      %gt3A_2987 = arith.cmpf ogt, %select_n3A_2984, %select_n3A_2946 : vector<16xf32>
      %select_n3A_2988 = arith.select %gt3A_2987, %select_n3A_2984, %select_n3A_2946 : vector<16xi1>, vector<16xf32>
      %select_n3A_2989 = arith.select %gt3A_2987, %select_n3A_2946, %select_n3A_2984 : vector<16xi1>, vector<16xf32>
      %select_n3A_2990 = arith.select %gt3A_2987, %select_n3A_2986, %select_n3A_2948 : vector<16xi1>, vector<16xi32>
      %select_n3A_2991 = arith.select %gt3A_2987, %select_n3A_2948, %select_n3A_2986 : vector<16xi1>, vector<16xi32>
      %gt3A_2992 = arith.cmpf ogt, %select_n3A_2989, %select_n3A_2951 : vector<16xf32>
      %select_n3A_2993 = arith.select %gt3A_2992, %select_n3A_2989, %select_n3A_2951 : vector<16xi1>, vector<16xf32>
      %select_n3A_2994 = arith.select %gt3A_2992, %select_n3A_2951, %select_n3A_2989 : vector<16xi1>, vector<16xf32>
      %select_n3A_2995 = arith.select %gt3A_2992, %select_n3A_2991, %select_n3A_2953 : vector<16xi1>, vector<16xi32>
      %select_n3A_2996 = arith.select %gt3A_2992, %select_n3A_2953, %select_n3A_2991 : vector<16xi1>, vector<16xi32>
      %gt3A_2997 = arith.cmpf ogt, %select_n3A_2994, %select_n3A_2956 : vector<16xf32>
      %select_n3A_2998 = arith.select %gt3A_2997, %select_n3A_2994, %select_n3A_2956 : vector<16xi1>, vector<16xf32>
      %select_n3A_2999 = arith.select %gt3A_2997, %select_n3A_2956, %select_n3A_2994 : vector<16xi1>, vector<16xf32>
      %select_n3A_3000 = arith.select %gt3A_2997, %select_n3A_2996, %select_n3A_2958 : vector<16xi1>, vector<16xi32>
      %select_n3A_3001 = arith.select %gt3A_2997, %select_n3A_2958, %select_n3A_2996 : vector<16xi1>, vector<16xi32>
      %broadcast_in_dim3A_3002 = arith.constant 52 : i32
      %broadcast_in_dim3A_3003 = vector.broadcast %broadcast_in_dim3A_3002 : i32 to vector<16xi32>
      %gt3A_3004 = arith.cmpf ogt, %mul3A_775, %select_n3A_2963 : vector<16xf32>
      %select_n3A_3005 = arith.select %gt3A_3004, %mul3A_775, %select_n3A_2963 : vector<16xi1>, vector<16xf32>
      %select_n3A_3006 = arith.select %gt3A_3004, %select_n3A_2963, %mul3A_775 : vector<16xi1>, vector<16xf32>
      %select_n3A_3007 = arith.select %gt3A_3004, %broadcast_in_dim3A_3003, %select_n3A_2965 : vector<16xi1>, vector<16xi32>
      %select_n3A_3008 = arith.select %gt3A_3004, %select_n3A_2965, %broadcast_in_dim3A_3003 : vector<16xi1>, vector<16xi32>
      %gt3A_3009 = arith.cmpf ogt, %select_n3A_3006, %select_n3A_2968 : vector<16xf32>
      %select_n3A_3010 = arith.select %gt3A_3009, %select_n3A_3006, %select_n3A_2968 : vector<16xi1>, vector<16xf32>
      %select_n3A_3011 = arith.select %gt3A_3009, %select_n3A_2968, %select_n3A_3006 : vector<16xi1>, vector<16xf32>
      %select_n3A_3012 = arith.select %gt3A_3009, %select_n3A_3008, %select_n3A_2970 : vector<16xi1>, vector<16xi32>
      %select_n3A_3013 = arith.select %gt3A_3009, %select_n3A_2970, %select_n3A_3008 : vector<16xi1>, vector<16xi32>
      %gt3A_3014 = arith.cmpf ogt, %select_n3A_3011, %select_n3A_2973 : vector<16xf32>
      %select_n3A_3015 = arith.select %gt3A_3014, %select_n3A_3011, %select_n3A_2973 : vector<16xi1>, vector<16xf32>
      %select_n3A_3016 = arith.select %gt3A_3014, %select_n3A_2973, %select_n3A_3011 : vector<16xi1>, vector<16xf32>
      %select_n3A_3017 = arith.select %gt3A_3014, %select_n3A_3013, %select_n3A_2975 : vector<16xi1>, vector<16xi32>
      %select_n3A_3018 = arith.select %gt3A_3014, %select_n3A_2975, %select_n3A_3013 : vector<16xi1>, vector<16xi32>
      %gt3A_3019 = arith.cmpf ogt, %select_n3A_3016, %select_n3A_2978 : vector<16xf32>
      %select_n3A_3020 = arith.select %gt3A_3019, %select_n3A_3016, %select_n3A_2978 : vector<16xi1>, vector<16xf32>
      %select_n3A_3021 = arith.select %gt3A_3019, %select_n3A_2978, %select_n3A_3016 : vector<16xi1>, vector<16xf32>
      %select_n3A_3022 = arith.select %gt3A_3019, %select_n3A_3018, %select_n3A_2980 : vector<16xi1>, vector<16xi32>
      %select_n3A_3023 = arith.select %gt3A_3019, %select_n3A_2980, %select_n3A_3018 : vector<16xi1>, vector<16xi32>
      %gt3A_3024 = arith.cmpf ogt, %select_n3A_3021, %select_n3A_2983 : vector<16xf32>
      %select_n3A_3025 = arith.select %gt3A_3024, %select_n3A_3021, %select_n3A_2983 : vector<16xi1>, vector<16xf32>
      %select_n3A_3026 = arith.select %gt3A_3024, %select_n3A_2983, %select_n3A_3021 : vector<16xi1>, vector<16xf32>
      %select_n3A_3027 = arith.select %gt3A_3024, %select_n3A_3023, %select_n3A_2985 : vector<16xi1>, vector<16xi32>
      %select_n3A_3028 = arith.select %gt3A_3024, %select_n3A_2985, %select_n3A_3023 : vector<16xi1>, vector<16xi32>
      %gt3A_3029 = arith.cmpf ogt, %select_n3A_3026, %select_n3A_2988 : vector<16xf32>
      %select_n3A_3030 = arith.select %gt3A_3029, %select_n3A_3026, %select_n3A_2988 : vector<16xi1>, vector<16xf32>
      %select_n3A_3031 = arith.select %gt3A_3029, %select_n3A_2988, %select_n3A_3026 : vector<16xi1>, vector<16xf32>
      %select_n3A_3032 = arith.select %gt3A_3029, %select_n3A_3028, %select_n3A_2990 : vector<16xi1>, vector<16xi32>
      %select_n3A_3033 = arith.select %gt3A_3029, %select_n3A_2990, %select_n3A_3028 : vector<16xi1>, vector<16xi32>
      %gt3A_3034 = arith.cmpf ogt, %select_n3A_3031, %select_n3A_2993 : vector<16xf32>
      %select_n3A_3035 = arith.select %gt3A_3034, %select_n3A_3031, %select_n3A_2993 : vector<16xi1>, vector<16xf32>
      %select_n3A_3036 = arith.select %gt3A_3034, %select_n3A_2993, %select_n3A_3031 : vector<16xi1>, vector<16xf32>
      %select_n3A_3037 = arith.select %gt3A_3034, %select_n3A_3033, %select_n3A_2995 : vector<16xi1>, vector<16xi32>
      %select_n3A_3038 = arith.select %gt3A_3034, %select_n3A_2995, %select_n3A_3033 : vector<16xi1>, vector<16xi32>
      %gt3A_3039 = arith.cmpf ogt, %select_n3A_3036, %select_n3A_2998 : vector<16xf32>
      %select_n3A_3040 = arith.select %gt3A_3039, %select_n3A_3036, %select_n3A_2998 : vector<16xi1>, vector<16xf32>
      %select_n3A_3041 = arith.select %gt3A_3039, %select_n3A_2998, %select_n3A_3036 : vector<16xi1>, vector<16xf32>
      %select_n3A_3042 = arith.select %gt3A_3039, %select_n3A_3038, %select_n3A_3000 : vector<16xi1>, vector<16xi32>
      %select_n3A_3043 = arith.select %gt3A_3039, %select_n3A_3000, %select_n3A_3038 : vector<16xi1>, vector<16xi32>
      %broadcast_in_dim3A_3044 = arith.constant 53 : i32
      %broadcast_in_dim3A_3045 = vector.broadcast %broadcast_in_dim3A_3044 : i32 to vector<16xi32>
      %gt3A_3046 = arith.cmpf ogt, %mul3A_776, %select_n3A_3005 : vector<16xf32>
      %select_n3A_3047 = arith.select %gt3A_3046, %mul3A_776, %select_n3A_3005 : vector<16xi1>, vector<16xf32>
      %select_n3A_3048 = arith.select %gt3A_3046, %select_n3A_3005, %mul3A_776 : vector<16xi1>, vector<16xf32>
      %select_n3A_3049 = arith.select %gt3A_3046, %broadcast_in_dim3A_3045, %select_n3A_3007 : vector<16xi1>, vector<16xi32>
      %select_n3A_3050 = arith.select %gt3A_3046, %select_n3A_3007, %broadcast_in_dim3A_3045 : vector<16xi1>, vector<16xi32>
      %gt3A_3051 = arith.cmpf ogt, %select_n3A_3048, %select_n3A_3010 : vector<16xf32>
      %select_n3A_3052 = arith.select %gt3A_3051, %select_n3A_3048, %select_n3A_3010 : vector<16xi1>, vector<16xf32>
      %select_n3A_3053 = arith.select %gt3A_3051, %select_n3A_3010, %select_n3A_3048 : vector<16xi1>, vector<16xf32>
      %select_n3A_3054 = arith.select %gt3A_3051, %select_n3A_3050, %select_n3A_3012 : vector<16xi1>, vector<16xi32>
      %select_n3A_3055 = arith.select %gt3A_3051, %select_n3A_3012, %select_n3A_3050 : vector<16xi1>, vector<16xi32>
      %gt3A_3056 = arith.cmpf ogt, %select_n3A_3053, %select_n3A_3015 : vector<16xf32>
      %select_n3A_3057 = arith.select %gt3A_3056, %select_n3A_3053, %select_n3A_3015 : vector<16xi1>, vector<16xf32>
      %select_n3A_3058 = arith.select %gt3A_3056, %select_n3A_3015, %select_n3A_3053 : vector<16xi1>, vector<16xf32>
      %select_n3A_3059 = arith.select %gt3A_3056, %select_n3A_3055, %select_n3A_3017 : vector<16xi1>, vector<16xi32>
      %select_n3A_3060 = arith.select %gt3A_3056, %select_n3A_3017, %select_n3A_3055 : vector<16xi1>, vector<16xi32>
      %gt3A_3061 = arith.cmpf ogt, %select_n3A_3058, %select_n3A_3020 : vector<16xf32>
      %select_n3A_3062 = arith.select %gt3A_3061, %select_n3A_3058, %select_n3A_3020 : vector<16xi1>, vector<16xf32>
      %select_n3A_3063 = arith.select %gt3A_3061, %select_n3A_3020, %select_n3A_3058 : vector<16xi1>, vector<16xf32>
      %select_n3A_3064 = arith.select %gt3A_3061, %select_n3A_3060, %select_n3A_3022 : vector<16xi1>, vector<16xi32>
      %select_n3A_3065 = arith.select %gt3A_3061, %select_n3A_3022, %select_n3A_3060 : vector<16xi1>, vector<16xi32>
      %gt3A_3066 = arith.cmpf ogt, %select_n3A_3063, %select_n3A_3025 : vector<16xf32>
      %select_n3A_3067 = arith.select %gt3A_3066, %select_n3A_3063, %select_n3A_3025 : vector<16xi1>, vector<16xf32>
      %select_n3A_3068 = arith.select %gt3A_3066, %select_n3A_3025, %select_n3A_3063 : vector<16xi1>, vector<16xf32>
      %select_n3A_3069 = arith.select %gt3A_3066, %select_n3A_3065, %select_n3A_3027 : vector<16xi1>, vector<16xi32>
      %select_n3A_3070 = arith.select %gt3A_3066, %select_n3A_3027, %select_n3A_3065 : vector<16xi1>, vector<16xi32>
      %gt3A_3071 = arith.cmpf ogt, %select_n3A_3068, %select_n3A_3030 : vector<16xf32>
      %select_n3A_3072 = arith.select %gt3A_3071, %select_n3A_3068, %select_n3A_3030 : vector<16xi1>, vector<16xf32>
      %select_n3A_3073 = arith.select %gt3A_3071, %select_n3A_3030, %select_n3A_3068 : vector<16xi1>, vector<16xf32>
      %select_n3A_3074 = arith.select %gt3A_3071, %select_n3A_3070, %select_n3A_3032 : vector<16xi1>, vector<16xi32>
      %select_n3A_3075 = arith.select %gt3A_3071, %select_n3A_3032, %select_n3A_3070 : vector<16xi1>, vector<16xi32>
      %gt3A_3076 = arith.cmpf ogt, %select_n3A_3073, %select_n3A_3035 : vector<16xf32>
      %select_n3A_3077 = arith.select %gt3A_3076, %select_n3A_3073, %select_n3A_3035 : vector<16xi1>, vector<16xf32>
      %select_n3A_3078 = arith.select %gt3A_3076, %select_n3A_3035, %select_n3A_3073 : vector<16xi1>, vector<16xf32>
      %select_n3A_3079 = arith.select %gt3A_3076, %select_n3A_3075, %select_n3A_3037 : vector<16xi1>, vector<16xi32>
      %select_n3A_3080 = arith.select %gt3A_3076, %select_n3A_3037, %select_n3A_3075 : vector<16xi1>, vector<16xi32>
      %gt3A_3081 = arith.cmpf ogt, %select_n3A_3078, %select_n3A_3040 : vector<16xf32>
      %select_n3A_3082 = arith.select %gt3A_3081, %select_n3A_3078, %select_n3A_3040 : vector<16xi1>, vector<16xf32>
      %select_n3A_3083 = arith.select %gt3A_3081, %select_n3A_3040, %select_n3A_3078 : vector<16xi1>, vector<16xf32>
      %select_n3A_3084 = arith.select %gt3A_3081, %select_n3A_3080, %select_n3A_3042 : vector<16xi1>, vector<16xi32>
      %select_n3A_3085 = arith.select %gt3A_3081, %select_n3A_3042, %select_n3A_3080 : vector<16xi1>, vector<16xi32>
      %broadcast_in_dim3A_3086 = arith.constant 54 : i32
      %broadcast_in_dim3A_3087 = vector.broadcast %broadcast_in_dim3A_3086 : i32 to vector<16xi32>
      %gt3A_3088 = arith.cmpf ogt, %mul3A_777, %select_n3A_3047 : vector<16xf32>
      %select_n3A_3089 = arith.select %gt3A_3088, %mul3A_777, %select_n3A_3047 : vector<16xi1>, vector<16xf32>
      %select_n3A_3090 = arith.select %gt3A_3088, %select_n3A_3047, %mul3A_777 : vector<16xi1>, vector<16xf32>
      %select_n3A_3091 = arith.select %gt3A_3088, %broadcast_in_dim3A_3087, %select_n3A_3049 : vector<16xi1>, vector<16xi32>
      %select_n3A_3092 = arith.select %gt3A_3088, %select_n3A_3049, %broadcast_in_dim3A_3087 : vector<16xi1>, vector<16xi32>
      %gt3A_3093 = arith.cmpf ogt, %select_n3A_3090, %select_n3A_3052 : vector<16xf32>
      %select_n3A_3094 = arith.select %gt3A_3093, %select_n3A_3090, %select_n3A_3052 : vector<16xi1>, vector<16xf32>
      %select_n3A_3095 = arith.select %gt3A_3093, %select_n3A_3052, %select_n3A_3090 : vector<16xi1>, vector<16xf32>
      %select_n3A_3096 = arith.select %gt3A_3093, %select_n3A_3092, %select_n3A_3054 : vector<16xi1>, vector<16xi32>
      %select_n3A_3097 = arith.select %gt3A_3093, %select_n3A_3054, %select_n3A_3092 : vector<16xi1>, vector<16xi32>
      %gt3A_3098 = arith.cmpf ogt, %select_n3A_3095, %select_n3A_3057 : vector<16xf32>
      %select_n3A_3099 = arith.select %gt3A_3098, %select_n3A_3095, %select_n3A_3057 : vector<16xi1>, vector<16xf32>
      %select_n3A_3100 = arith.select %gt3A_3098, %select_n3A_3057, %select_n3A_3095 : vector<16xi1>, vector<16xf32>
      %select_n3A_3101 = arith.select %gt3A_3098, %select_n3A_3097, %select_n3A_3059 : vector<16xi1>, vector<16xi32>
      %select_n3A_3102 = arith.select %gt3A_3098, %select_n3A_3059, %select_n3A_3097 : vector<16xi1>, vector<16xi32>
      %gt3A_3103 = arith.cmpf ogt, %select_n3A_3100, %select_n3A_3062 : vector<16xf32>
      %select_n3A_3104 = arith.select %gt3A_3103, %select_n3A_3100, %select_n3A_3062 : vector<16xi1>, vector<16xf32>
      %select_n3A_3105 = arith.select %gt3A_3103, %select_n3A_3062, %select_n3A_3100 : vector<16xi1>, vector<16xf32>
      %select_n3A_3106 = arith.select %gt3A_3103, %select_n3A_3102, %select_n3A_3064 : vector<16xi1>, vector<16xi32>
      %select_n3A_3107 = arith.select %gt3A_3103, %select_n3A_3064, %select_n3A_3102 : vector<16xi1>, vector<16xi32>
      %gt3A_3108 = arith.cmpf ogt, %select_n3A_3105, %select_n3A_3067 : vector<16xf32>
      %select_n3A_3109 = arith.select %gt3A_3108, %select_n3A_3105, %select_n3A_3067 : vector<16xi1>, vector<16xf32>
      %select_n3A_3110 = arith.select %gt3A_3108, %select_n3A_3067, %select_n3A_3105 : vector<16xi1>, vector<16xf32>
      %select_n3A_3111 = arith.select %gt3A_3108, %select_n3A_3107, %select_n3A_3069 : vector<16xi1>, vector<16xi32>
      %select_n3A_3112 = arith.select %gt3A_3108, %select_n3A_3069, %select_n3A_3107 : vector<16xi1>, vector<16xi32>
      %gt3A_3113 = arith.cmpf ogt, %select_n3A_3110, %select_n3A_3072 : vector<16xf32>
      %select_n3A_3114 = arith.select %gt3A_3113, %select_n3A_3110, %select_n3A_3072 : vector<16xi1>, vector<16xf32>
      %select_n3A_3115 = arith.select %gt3A_3113, %select_n3A_3072, %select_n3A_3110 : vector<16xi1>, vector<16xf32>
      %select_n3A_3116 = arith.select %gt3A_3113, %select_n3A_3112, %select_n3A_3074 : vector<16xi1>, vector<16xi32>
      %select_n3A_3117 = arith.select %gt3A_3113, %select_n3A_3074, %select_n3A_3112 : vector<16xi1>, vector<16xi32>
      %gt3A_3118 = arith.cmpf ogt, %select_n3A_3115, %select_n3A_3077 : vector<16xf32>
      %select_n3A_3119 = arith.select %gt3A_3118, %select_n3A_3115, %select_n3A_3077 : vector<16xi1>, vector<16xf32>
      %select_n3A_3120 = arith.select %gt3A_3118, %select_n3A_3077, %select_n3A_3115 : vector<16xi1>, vector<16xf32>
      %select_n3A_3121 = arith.select %gt3A_3118, %select_n3A_3117, %select_n3A_3079 : vector<16xi1>, vector<16xi32>
      %select_n3A_3122 = arith.select %gt3A_3118, %select_n3A_3079, %select_n3A_3117 : vector<16xi1>, vector<16xi32>
      %gt3A_3123 = arith.cmpf ogt, %select_n3A_3120, %select_n3A_3082 : vector<16xf32>
      %select_n3A_3124 = arith.select %gt3A_3123, %select_n3A_3120, %select_n3A_3082 : vector<16xi1>, vector<16xf32>
      %select_n3A_3125 = arith.select %gt3A_3123, %select_n3A_3082, %select_n3A_3120 : vector<16xi1>, vector<16xf32>
      %select_n3A_3126 = arith.select %gt3A_3123, %select_n3A_3122, %select_n3A_3084 : vector<16xi1>, vector<16xi32>
      %select_n3A_3127 = arith.select %gt3A_3123, %select_n3A_3084, %select_n3A_3122 : vector<16xi1>, vector<16xi32>
      %broadcast_in_dim3A_3128 = arith.constant 55 : i32
      %broadcast_in_dim3A_3129 = vector.broadcast %broadcast_in_dim3A_3128 : i32 to vector<16xi32>
      %gt3A_3130 = arith.cmpf ogt, %mul3A_778, %select_n3A_3089 : vector<16xf32>
      %select_n3A_3131 = arith.select %gt3A_3130, %mul3A_778, %select_n3A_3089 : vector<16xi1>, vector<16xf32>
      %select_n3A_3132 = arith.select %gt3A_3130, %select_n3A_3089, %mul3A_778 : vector<16xi1>, vector<16xf32>
      %select_n3A_3133 = arith.select %gt3A_3130, %broadcast_in_dim3A_3129, %select_n3A_3091 : vector<16xi1>, vector<16xi32>
      %select_n3A_3134 = arith.select %gt3A_3130, %select_n3A_3091, %broadcast_in_dim3A_3129 : vector<16xi1>, vector<16xi32>
      %gt3A_3135 = arith.cmpf ogt, %select_n3A_3132, %select_n3A_3094 : vector<16xf32>
      %select_n3A_3136 = arith.select %gt3A_3135, %select_n3A_3132, %select_n3A_3094 : vector<16xi1>, vector<16xf32>
      %select_n3A_3137 = arith.select %gt3A_3135, %select_n3A_3094, %select_n3A_3132 : vector<16xi1>, vector<16xf32>
      %select_n3A_3138 = arith.select %gt3A_3135, %select_n3A_3134, %select_n3A_3096 : vector<16xi1>, vector<16xi32>
      %select_n3A_3139 = arith.select %gt3A_3135, %select_n3A_3096, %select_n3A_3134 : vector<16xi1>, vector<16xi32>
      %gt3A_3140 = arith.cmpf ogt, %select_n3A_3137, %select_n3A_3099 : vector<16xf32>
      %select_n3A_3141 = arith.select %gt3A_3140, %select_n3A_3137, %select_n3A_3099 : vector<16xi1>, vector<16xf32>
      %select_n3A_3142 = arith.select %gt3A_3140, %select_n3A_3099, %select_n3A_3137 : vector<16xi1>, vector<16xf32>
      %select_n3A_3143 = arith.select %gt3A_3140, %select_n3A_3139, %select_n3A_3101 : vector<16xi1>, vector<16xi32>
      %select_n3A_3144 = arith.select %gt3A_3140, %select_n3A_3101, %select_n3A_3139 : vector<16xi1>, vector<16xi32>
      %gt3A_3145 = arith.cmpf ogt, %select_n3A_3142, %select_n3A_3104 : vector<16xf32>
      %select_n3A_3146 = arith.select %gt3A_3145, %select_n3A_3142, %select_n3A_3104 : vector<16xi1>, vector<16xf32>
      %select_n3A_3147 = arith.select %gt3A_3145, %select_n3A_3104, %select_n3A_3142 : vector<16xi1>, vector<16xf32>
      %select_n3A_3148 = arith.select %gt3A_3145, %select_n3A_3144, %select_n3A_3106 : vector<16xi1>, vector<16xi32>
      %select_n3A_3149 = arith.select %gt3A_3145, %select_n3A_3106, %select_n3A_3144 : vector<16xi1>, vector<16xi32>
      %gt3A_3150 = arith.cmpf ogt, %select_n3A_3147, %select_n3A_3109 : vector<16xf32>
      %select_n3A_3151 = arith.select %gt3A_3150, %select_n3A_3147, %select_n3A_3109 : vector<16xi1>, vector<16xf32>
      %select_n3A_3152 = arith.select %gt3A_3150, %select_n3A_3109, %select_n3A_3147 : vector<16xi1>, vector<16xf32>
      %select_n3A_3153 = arith.select %gt3A_3150, %select_n3A_3149, %select_n3A_3111 : vector<16xi1>, vector<16xi32>
      %select_n3A_3154 = arith.select %gt3A_3150, %select_n3A_3111, %select_n3A_3149 : vector<16xi1>, vector<16xi32>
      %gt3A_3155 = arith.cmpf ogt, %select_n3A_3152, %select_n3A_3114 : vector<16xf32>
      %select_n3A_3156 = arith.select %gt3A_3155, %select_n3A_3152, %select_n3A_3114 : vector<16xi1>, vector<16xf32>
      %select_n3A_3157 = arith.select %gt3A_3155, %select_n3A_3114, %select_n3A_3152 : vector<16xi1>, vector<16xf32>
      %select_n3A_3158 = arith.select %gt3A_3155, %select_n3A_3154, %select_n3A_3116 : vector<16xi1>, vector<16xi32>
      %select_n3A_3159 = arith.select %gt3A_3155, %select_n3A_3116, %select_n3A_3154 : vector<16xi1>, vector<16xi32>
      %gt3A_3160 = arith.cmpf ogt, %select_n3A_3157, %select_n3A_3119 : vector<16xf32>
      %select_n3A_3161 = arith.select %gt3A_3160, %select_n3A_3157, %select_n3A_3119 : vector<16xi1>, vector<16xf32>
      %select_n3A_3162 = arith.select %gt3A_3160, %select_n3A_3119, %select_n3A_3157 : vector<16xi1>, vector<16xf32>
      %select_n3A_3163 = arith.select %gt3A_3160, %select_n3A_3159, %select_n3A_3121 : vector<16xi1>, vector<16xi32>
      %select_n3A_3164 = arith.select %gt3A_3160, %select_n3A_3121, %select_n3A_3159 : vector<16xi1>, vector<16xi32>
      %gt3A_3165 = arith.cmpf ogt, %select_n3A_3162, %select_n3A_3124 : vector<16xf32>
      %select_n3A_3166 = arith.select %gt3A_3165, %select_n3A_3162, %select_n3A_3124 : vector<16xi1>, vector<16xf32>
      %select_n3A_3167 = arith.select %gt3A_3165, %select_n3A_3124, %select_n3A_3162 : vector<16xi1>, vector<16xf32>
      %select_n3A_3168 = arith.select %gt3A_3165, %select_n3A_3164, %select_n3A_3126 : vector<16xi1>, vector<16xi32>
      %select_n3A_3169 = arith.select %gt3A_3165, %select_n3A_3126, %select_n3A_3164 : vector<16xi1>, vector<16xi32>
      %broadcast_in_dim3A_3170 = arith.constant 56 : i32
      %broadcast_in_dim3A_3171 = vector.broadcast %broadcast_in_dim3A_3170 : i32 to vector<16xi32>
      %gt3A_3172 = arith.cmpf ogt, %mul3A_779, %select_n3A_3131 : vector<16xf32>
      %select_n3A_3173 = arith.select %gt3A_3172, %mul3A_779, %select_n3A_3131 : vector<16xi1>, vector<16xf32>
      %select_n3A_3174 = arith.select %gt3A_3172, %select_n3A_3131, %mul3A_779 : vector<16xi1>, vector<16xf32>
      %select_n3A_3175 = arith.select %gt3A_3172, %broadcast_in_dim3A_3171, %select_n3A_3133 : vector<16xi1>, vector<16xi32>
      %select_n3A_3176 = arith.select %gt3A_3172, %select_n3A_3133, %broadcast_in_dim3A_3171 : vector<16xi1>, vector<16xi32>
      %gt3A_3177 = arith.cmpf ogt, %select_n3A_3174, %select_n3A_3136 : vector<16xf32>
      %select_n3A_3178 = arith.select %gt3A_3177, %select_n3A_3174, %select_n3A_3136 : vector<16xi1>, vector<16xf32>
      %select_n3A_3179 = arith.select %gt3A_3177, %select_n3A_3136, %select_n3A_3174 : vector<16xi1>, vector<16xf32>
      %select_n3A_3180 = arith.select %gt3A_3177, %select_n3A_3176, %select_n3A_3138 : vector<16xi1>, vector<16xi32>
      %select_n3A_3181 = arith.select %gt3A_3177, %select_n3A_3138, %select_n3A_3176 : vector<16xi1>, vector<16xi32>
      %gt3A_3182 = arith.cmpf ogt, %select_n3A_3179, %select_n3A_3141 : vector<16xf32>
      %select_n3A_3183 = arith.select %gt3A_3182, %select_n3A_3179, %select_n3A_3141 : vector<16xi1>, vector<16xf32>
      %select_n3A_3184 = arith.select %gt3A_3182, %select_n3A_3141, %select_n3A_3179 : vector<16xi1>, vector<16xf32>
      %select_n3A_3185 = arith.select %gt3A_3182, %select_n3A_3181, %select_n3A_3143 : vector<16xi1>, vector<16xi32>
      %select_n3A_3186 = arith.select %gt3A_3182, %select_n3A_3143, %select_n3A_3181 : vector<16xi1>, vector<16xi32>
      %gt3A_3187 = arith.cmpf ogt, %select_n3A_3184, %select_n3A_3146 : vector<16xf32>
      %select_n3A_3188 = arith.select %gt3A_3187, %select_n3A_3184, %select_n3A_3146 : vector<16xi1>, vector<16xf32>
      %select_n3A_3189 = arith.select %gt3A_3187, %select_n3A_3146, %select_n3A_3184 : vector<16xi1>, vector<16xf32>
      %select_n3A_3190 = arith.select %gt3A_3187, %select_n3A_3186, %select_n3A_3148 : vector<16xi1>, vector<16xi32>
      %select_n3A_3191 = arith.select %gt3A_3187, %select_n3A_3148, %select_n3A_3186 : vector<16xi1>, vector<16xi32>
      %gt3A_3192 = arith.cmpf ogt, %select_n3A_3189, %select_n3A_3151 : vector<16xf32>
      %select_n3A_3193 = arith.select %gt3A_3192, %select_n3A_3189, %select_n3A_3151 : vector<16xi1>, vector<16xf32>
      %select_n3A_3194 = arith.select %gt3A_3192, %select_n3A_3151, %select_n3A_3189 : vector<16xi1>, vector<16xf32>
      %select_n3A_3195 = arith.select %gt3A_3192, %select_n3A_3191, %select_n3A_3153 : vector<16xi1>, vector<16xi32>
      %select_n3A_3196 = arith.select %gt3A_3192, %select_n3A_3153, %select_n3A_3191 : vector<16xi1>, vector<16xi32>
      %gt3A_3197 = arith.cmpf ogt, %select_n3A_3194, %select_n3A_3156 : vector<16xf32>
      %select_n3A_3198 = arith.select %gt3A_3197, %select_n3A_3194, %select_n3A_3156 : vector<16xi1>, vector<16xf32>
      %select_n3A_3199 = arith.select %gt3A_3197, %select_n3A_3156, %select_n3A_3194 : vector<16xi1>, vector<16xf32>
      %select_n3A_3200 = arith.select %gt3A_3197, %select_n3A_3196, %select_n3A_3158 : vector<16xi1>, vector<16xi32>
      %select_n3A_3201 = arith.select %gt3A_3197, %select_n3A_3158, %select_n3A_3196 : vector<16xi1>, vector<16xi32>
      %gt3A_3202 = arith.cmpf ogt, %select_n3A_3199, %select_n3A_3161 : vector<16xf32>
      %select_n3A_3203 = arith.select %gt3A_3202, %select_n3A_3199, %select_n3A_3161 : vector<16xi1>, vector<16xf32>
      %select_n3A_3204 = arith.select %gt3A_3202, %select_n3A_3161, %select_n3A_3199 : vector<16xi1>, vector<16xf32>
      %select_n3A_3205 = arith.select %gt3A_3202, %select_n3A_3201, %select_n3A_3163 : vector<16xi1>, vector<16xi32>
      %select_n3A_3206 = arith.select %gt3A_3202, %select_n3A_3163, %select_n3A_3201 : vector<16xi1>, vector<16xi32>
      %gt3A_3207 = arith.cmpf ogt, %select_n3A_3204, %select_n3A_3166 : vector<16xf32>
      %select_n3A_3208 = arith.select %gt3A_3207, %select_n3A_3204, %select_n3A_3166 : vector<16xi1>, vector<16xf32>
      %select_n3A_3209 = arith.select %gt3A_3207, %select_n3A_3166, %select_n3A_3204 : vector<16xi1>, vector<16xf32>
      %select_n3A_3210 = arith.select %gt3A_3207, %select_n3A_3206, %select_n3A_3168 : vector<16xi1>, vector<16xi32>
      %select_n3A_3211 = arith.select %gt3A_3207, %select_n3A_3168, %select_n3A_3206 : vector<16xi1>, vector<16xi32>
      %broadcast_in_dim3A_3212 = arith.constant 57 : i32
      %broadcast_in_dim3A_3213 = vector.broadcast %broadcast_in_dim3A_3212 : i32 to vector<16xi32>
      %gt3A_3214 = arith.cmpf ogt, %mul3A_780, %select_n3A_3173 : vector<16xf32>
      %select_n3A_3215 = arith.select %gt3A_3214, %mul3A_780, %select_n3A_3173 : vector<16xi1>, vector<16xf32>
      %select_n3A_3216 = arith.select %gt3A_3214, %select_n3A_3173, %mul3A_780 : vector<16xi1>, vector<16xf32>
      %select_n3A_3217 = arith.select %gt3A_3214, %broadcast_in_dim3A_3213, %select_n3A_3175 : vector<16xi1>, vector<16xi32>
      %select_n3A_3218 = arith.select %gt3A_3214, %select_n3A_3175, %broadcast_in_dim3A_3213 : vector<16xi1>, vector<16xi32>
      %gt3A_3219 = arith.cmpf ogt, %select_n3A_3216, %select_n3A_3178 : vector<16xf32>
      %select_n3A_3220 = arith.select %gt3A_3219, %select_n3A_3216, %select_n3A_3178 : vector<16xi1>, vector<16xf32>
      %select_n3A_3221 = arith.select %gt3A_3219, %select_n3A_3178, %select_n3A_3216 : vector<16xi1>, vector<16xf32>
      %select_n3A_3222 = arith.select %gt3A_3219, %select_n3A_3218, %select_n3A_3180 : vector<16xi1>, vector<16xi32>
      %select_n3A_3223 = arith.select %gt3A_3219, %select_n3A_3180, %select_n3A_3218 : vector<16xi1>, vector<16xi32>
      %gt3A_3224 = arith.cmpf ogt, %select_n3A_3221, %select_n3A_3183 : vector<16xf32>
      %select_n3A_3225 = arith.select %gt3A_3224, %select_n3A_3221, %select_n3A_3183 : vector<16xi1>, vector<16xf32>
      %select_n3A_3226 = arith.select %gt3A_3224, %select_n3A_3183, %select_n3A_3221 : vector<16xi1>, vector<16xf32>
      %select_n3A_3227 = arith.select %gt3A_3224, %select_n3A_3223, %select_n3A_3185 : vector<16xi1>, vector<16xi32>
      %select_n3A_3228 = arith.select %gt3A_3224, %select_n3A_3185, %select_n3A_3223 : vector<16xi1>, vector<16xi32>
      %gt3A_3229 = arith.cmpf ogt, %select_n3A_3226, %select_n3A_3188 : vector<16xf32>
      %select_n3A_3230 = arith.select %gt3A_3229, %select_n3A_3226, %select_n3A_3188 : vector<16xi1>, vector<16xf32>
      %select_n3A_3231 = arith.select %gt3A_3229, %select_n3A_3188, %select_n3A_3226 : vector<16xi1>, vector<16xf32>
      %select_n3A_3232 = arith.select %gt3A_3229, %select_n3A_3228, %select_n3A_3190 : vector<16xi1>, vector<16xi32>
      %select_n3A_3233 = arith.select %gt3A_3229, %select_n3A_3190, %select_n3A_3228 : vector<16xi1>, vector<16xi32>
      %gt3A_3234 = arith.cmpf ogt, %select_n3A_3231, %select_n3A_3193 : vector<16xf32>
      %select_n3A_3235 = arith.select %gt3A_3234, %select_n3A_3231, %select_n3A_3193 : vector<16xi1>, vector<16xf32>
      %select_n3A_3236 = arith.select %gt3A_3234, %select_n3A_3193, %select_n3A_3231 : vector<16xi1>, vector<16xf32>
      %select_n3A_3237 = arith.select %gt3A_3234, %select_n3A_3233, %select_n3A_3195 : vector<16xi1>, vector<16xi32>
      %select_n3A_3238 = arith.select %gt3A_3234, %select_n3A_3195, %select_n3A_3233 : vector<16xi1>, vector<16xi32>
      %gt3A_3239 = arith.cmpf ogt, %select_n3A_3236, %select_n3A_3198 : vector<16xf32>
      %select_n3A_3240 = arith.select %gt3A_3239, %select_n3A_3236, %select_n3A_3198 : vector<16xi1>, vector<16xf32>
      %select_n3A_3241 = arith.select %gt3A_3239, %select_n3A_3198, %select_n3A_3236 : vector<16xi1>, vector<16xf32>
      %select_n3A_3242 = arith.select %gt3A_3239, %select_n3A_3238, %select_n3A_3200 : vector<16xi1>, vector<16xi32>
      %select_n3A_3243 = arith.select %gt3A_3239, %select_n3A_3200, %select_n3A_3238 : vector<16xi1>, vector<16xi32>
      %gt3A_3244 = arith.cmpf ogt, %select_n3A_3241, %select_n3A_3203 : vector<16xf32>
      %select_n3A_3245 = arith.select %gt3A_3244, %select_n3A_3241, %select_n3A_3203 : vector<16xi1>, vector<16xf32>
      %select_n3A_3246 = arith.select %gt3A_3244, %select_n3A_3203, %select_n3A_3241 : vector<16xi1>, vector<16xf32>
      %select_n3A_3247 = arith.select %gt3A_3244, %select_n3A_3243, %select_n3A_3205 : vector<16xi1>, vector<16xi32>
      %select_n3A_3248 = arith.select %gt3A_3244, %select_n3A_3205, %select_n3A_3243 : vector<16xi1>, vector<16xi32>
      %gt3A_3249 = arith.cmpf ogt, %select_n3A_3246, %select_n3A_3208 : vector<16xf32>
      %select_n3A_3250 = arith.select %gt3A_3249, %select_n3A_3246, %select_n3A_3208 : vector<16xi1>, vector<16xf32>
      %select_n3A_3251 = arith.select %gt3A_3249, %select_n3A_3208, %select_n3A_3246 : vector<16xi1>, vector<16xf32>
      %select_n3A_3252 = arith.select %gt3A_3249, %select_n3A_3248, %select_n3A_3210 : vector<16xi1>, vector<16xi32>
      %select_n3A_3253 = arith.select %gt3A_3249, %select_n3A_3210, %select_n3A_3248 : vector<16xi1>, vector<16xi32>
      %broadcast_in_dim3A_3254 = arith.constant 58 : i32
      %broadcast_in_dim3A_3255 = vector.broadcast %broadcast_in_dim3A_3254 : i32 to vector<16xi32>
      %gt3A_3256 = arith.cmpf ogt, %mul3A_781, %select_n3A_3215 : vector<16xf32>
      %select_n3A_3257 = arith.select %gt3A_3256, %mul3A_781, %select_n3A_3215 : vector<16xi1>, vector<16xf32>
      %select_n3A_3258 = arith.select %gt3A_3256, %select_n3A_3215, %mul3A_781 : vector<16xi1>, vector<16xf32>
      %select_n3A_3259 = arith.select %gt3A_3256, %broadcast_in_dim3A_3255, %select_n3A_3217 : vector<16xi1>, vector<16xi32>
      %select_n3A_3260 = arith.select %gt3A_3256, %select_n3A_3217, %broadcast_in_dim3A_3255 : vector<16xi1>, vector<16xi32>
      %gt3A_3261 = arith.cmpf ogt, %select_n3A_3258, %select_n3A_3220 : vector<16xf32>
      %select_n3A_3262 = arith.select %gt3A_3261, %select_n3A_3258, %select_n3A_3220 : vector<16xi1>, vector<16xf32>
      %select_n3A_3263 = arith.select %gt3A_3261, %select_n3A_3220, %select_n3A_3258 : vector<16xi1>, vector<16xf32>
      %select_n3A_3264 = arith.select %gt3A_3261, %select_n3A_3260, %select_n3A_3222 : vector<16xi1>, vector<16xi32>
      %select_n3A_3265 = arith.select %gt3A_3261, %select_n3A_3222, %select_n3A_3260 : vector<16xi1>, vector<16xi32>
      %gt3A_3266 = arith.cmpf ogt, %select_n3A_3263, %select_n3A_3225 : vector<16xf32>
      %select_n3A_3267 = arith.select %gt3A_3266, %select_n3A_3263, %select_n3A_3225 : vector<16xi1>, vector<16xf32>
      %select_n3A_3268 = arith.select %gt3A_3266, %select_n3A_3225, %select_n3A_3263 : vector<16xi1>, vector<16xf32>
      %select_n3A_3269 = arith.select %gt3A_3266, %select_n3A_3265, %select_n3A_3227 : vector<16xi1>, vector<16xi32>
      %select_n3A_3270 = arith.select %gt3A_3266, %select_n3A_3227, %select_n3A_3265 : vector<16xi1>, vector<16xi32>
      %gt3A_3271 = arith.cmpf ogt, %select_n3A_3268, %select_n3A_3230 : vector<16xf32>
      %select_n3A_3272 = arith.select %gt3A_3271, %select_n3A_3268, %select_n3A_3230 : vector<16xi1>, vector<16xf32>
      %select_n3A_3273 = arith.select %gt3A_3271, %select_n3A_3230, %select_n3A_3268 : vector<16xi1>, vector<16xf32>
      %select_n3A_3274 = arith.select %gt3A_3271, %select_n3A_3270, %select_n3A_3232 : vector<16xi1>, vector<16xi32>
      %select_n3A_3275 = arith.select %gt3A_3271, %select_n3A_3232, %select_n3A_3270 : vector<16xi1>, vector<16xi32>
      %gt3A_3276 = arith.cmpf ogt, %select_n3A_3273, %select_n3A_3235 : vector<16xf32>
      %select_n3A_3277 = arith.select %gt3A_3276, %select_n3A_3273, %select_n3A_3235 : vector<16xi1>, vector<16xf32>
      %select_n3A_3278 = arith.select %gt3A_3276, %select_n3A_3235, %select_n3A_3273 : vector<16xi1>, vector<16xf32>
      %select_n3A_3279 = arith.select %gt3A_3276, %select_n3A_3275, %select_n3A_3237 : vector<16xi1>, vector<16xi32>
      %select_n3A_3280 = arith.select %gt3A_3276, %select_n3A_3237, %select_n3A_3275 : vector<16xi1>, vector<16xi32>
      %gt3A_3281 = arith.cmpf ogt, %select_n3A_3278, %select_n3A_3240 : vector<16xf32>
      %select_n3A_3282 = arith.select %gt3A_3281, %select_n3A_3278, %select_n3A_3240 : vector<16xi1>, vector<16xf32>
      %select_n3A_3283 = arith.select %gt3A_3281, %select_n3A_3240, %select_n3A_3278 : vector<16xi1>, vector<16xf32>
      %select_n3A_3284 = arith.select %gt3A_3281, %select_n3A_3280, %select_n3A_3242 : vector<16xi1>, vector<16xi32>
      %select_n3A_3285 = arith.select %gt3A_3281, %select_n3A_3242, %select_n3A_3280 : vector<16xi1>, vector<16xi32>
      %gt3A_3286 = arith.cmpf ogt, %select_n3A_3283, %select_n3A_3245 : vector<16xf32>
      %select_n3A_3287 = arith.select %gt3A_3286, %select_n3A_3283, %select_n3A_3245 : vector<16xi1>, vector<16xf32>
      %select_n3A_3288 = arith.select %gt3A_3286, %select_n3A_3245, %select_n3A_3283 : vector<16xi1>, vector<16xf32>
      %select_n3A_3289 = arith.select %gt3A_3286, %select_n3A_3285, %select_n3A_3247 : vector<16xi1>, vector<16xi32>
      %select_n3A_3290 = arith.select %gt3A_3286, %select_n3A_3247, %select_n3A_3285 : vector<16xi1>, vector<16xi32>
      %gt3A_3291 = arith.cmpf ogt, %select_n3A_3288, %select_n3A_3250 : vector<16xf32>
      %select_n3A_3292 = arith.select %gt3A_3291, %select_n3A_3288, %select_n3A_3250 : vector<16xi1>, vector<16xf32>
      %select_n3A_3293 = arith.select %gt3A_3291, %select_n3A_3250, %select_n3A_3288 : vector<16xi1>, vector<16xf32>
      %select_n3A_3294 = arith.select %gt3A_3291, %select_n3A_3290, %select_n3A_3252 : vector<16xi1>, vector<16xi32>
      %select_n3A_3295 = arith.select %gt3A_3291, %select_n3A_3252, %select_n3A_3290 : vector<16xi1>, vector<16xi32>
      %broadcast_in_dim3A_3296 = arith.constant 59 : i32
      %broadcast_in_dim3A_3297 = vector.broadcast %broadcast_in_dim3A_3296 : i32 to vector<16xi32>
      %gt3A_3298 = arith.cmpf ogt, %mul3A_782, %select_n3A_3257 : vector<16xf32>
      %select_n3A_3299 = arith.select %gt3A_3298, %mul3A_782, %select_n3A_3257 : vector<16xi1>, vector<16xf32>
      %select_n3A_3300 = arith.select %gt3A_3298, %select_n3A_3257, %mul3A_782 : vector<16xi1>, vector<16xf32>
      %select_n3A_3301 = arith.select %gt3A_3298, %broadcast_in_dim3A_3297, %select_n3A_3259 : vector<16xi1>, vector<16xi32>
      %select_n3A_3302 = arith.select %gt3A_3298, %select_n3A_3259, %broadcast_in_dim3A_3297 : vector<16xi1>, vector<16xi32>
      %gt3A_3303 = arith.cmpf ogt, %select_n3A_3300, %select_n3A_3262 : vector<16xf32>
      %select_n3A_3304 = arith.select %gt3A_3303, %select_n3A_3300, %select_n3A_3262 : vector<16xi1>, vector<16xf32>
      %select_n3A_3305 = arith.select %gt3A_3303, %select_n3A_3262, %select_n3A_3300 : vector<16xi1>, vector<16xf32>
      %select_n3A_3306 = arith.select %gt3A_3303, %select_n3A_3302, %select_n3A_3264 : vector<16xi1>, vector<16xi32>
      %select_n3A_3307 = arith.select %gt3A_3303, %select_n3A_3264, %select_n3A_3302 : vector<16xi1>, vector<16xi32>
      %gt3A_3308 = arith.cmpf ogt, %select_n3A_3305, %select_n3A_3267 : vector<16xf32>
      %select_n3A_3309 = arith.select %gt3A_3308, %select_n3A_3305, %select_n3A_3267 : vector<16xi1>, vector<16xf32>
      %select_n3A_3310 = arith.select %gt3A_3308, %select_n3A_3267, %select_n3A_3305 : vector<16xi1>, vector<16xf32>
      %select_n3A_3311 = arith.select %gt3A_3308, %select_n3A_3307, %select_n3A_3269 : vector<16xi1>, vector<16xi32>
      %select_n3A_3312 = arith.select %gt3A_3308, %select_n3A_3269, %select_n3A_3307 : vector<16xi1>, vector<16xi32>
      %gt3A_3313 = arith.cmpf ogt, %select_n3A_3310, %select_n3A_3272 : vector<16xf32>
      %select_n3A_3314 = arith.select %gt3A_3313, %select_n3A_3310, %select_n3A_3272 : vector<16xi1>, vector<16xf32>
      %select_n3A_3315 = arith.select %gt3A_3313, %select_n3A_3272, %select_n3A_3310 : vector<16xi1>, vector<16xf32>
      %select_n3A_3316 = arith.select %gt3A_3313, %select_n3A_3312, %select_n3A_3274 : vector<16xi1>, vector<16xi32>
      %select_n3A_3317 = arith.select %gt3A_3313, %select_n3A_3274, %select_n3A_3312 : vector<16xi1>, vector<16xi32>
      %gt3A_3318 = arith.cmpf ogt, %select_n3A_3315, %select_n3A_3277 : vector<16xf32>
      %select_n3A_3319 = arith.select %gt3A_3318, %select_n3A_3315, %select_n3A_3277 : vector<16xi1>, vector<16xf32>
      %select_n3A_3320 = arith.select %gt3A_3318, %select_n3A_3277, %select_n3A_3315 : vector<16xi1>, vector<16xf32>
      %select_n3A_3321 = arith.select %gt3A_3318, %select_n3A_3317, %select_n3A_3279 : vector<16xi1>, vector<16xi32>
      %select_n3A_3322 = arith.select %gt3A_3318, %select_n3A_3279, %select_n3A_3317 : vector<16xi1>, vector<16xi32>
      %gt3A_3323 = arith.cmpf ogt, %select_n3A_3320, %select_n3A_3282 : vector<16xf32>
      %select_n3A_3324 = arith.select %gt3A_3323, %select_n3A_3320, %select_n3A_3282 : vector<16xi1>, vector<16xf32>
      %select_n3A_3325 = arith.select %gt3A_3323, %select_n3A_3282, %select_n3A_3320 : vector<16xi1>, vector<16xf32>
      %select_n3A_3326 = arith.select %gt3A_3323, %select_n3A_3322, %select_n3A_3284 : vector<16xi1>, vector<16xi32>
      %select_n3A_3327 = arith.select %gt3A_3323, %select_n3A_3284, %select_n3A_3322 : vector<16xi1>, vector<16xi32>
      %gt3A_3328 = arith.cmpf ogt, %select_n3A_3325, %select_n3A_3287 : vector<16xf32>
      %select_n3A_3329 = arith.select %gt3A_3328, %select_n3A_3325, %select_n3A_3287 : vector<16xi1>, vector<16xf32>
      %select_n3A_3330 = arith.select %gt3A_3328, %select_n3A_3287, %select_n3A_3325 : vector<16xi1>, vector<16xf32>
      %select_n3A_3331 = arith.select %gt3A_3328, %select_n3A_3327, %select_n3A_3289 : vector<16xi1>, vector<16xi32>
      %select_n3A_3332 = arith.select %gt3A_3328, %select_n3A_3289, %select_n3A_3327 : vector<16xi1>, vector<16xi32>
      %gt3A_3333 = arith.cmpf ogt, %select_n3A_3330, %select_n3A_3292 : vector<16xf32>
      %select_n3A_3334 = arith.select %gt3A_3333, %select_n3A_3330, %select_n3A_3292 : vector<16xi1>, vector<16xf32>
      %select_n3A_3335 = arith.select %gt3A_3333, %select_n3A_3292, %select_n3A_3330 : vector<16xi1>, vector<16xf32>
      %select_n3A_3336 = arith.select %gt3A_3333, %select_n3A_3332, %select_n3A_3294 : vector<16xi1>, vector<16xi32>
      %select_n3A_3337 = arith.select %gt3A_3333, %select_n3A_3294, %select_n3A_3332 : vector<16xi1>, vector<16xi32>
      %broadcast_in_dim3A_3338 = arith.constant 60 : i32
      %broadcast_in_dim3A_3339 = vector.broadcast %broadcast_in_dim3A_3338 : i32 to vector<16xi32>
      %gt3A_3340 = arith.cmpf ogt, %mul3A_783, %select_n3A_3299 : vector<16xf32>
      %select_n3A_3341 = arith.select %gt3A_3340, %mul3A_783, %select_n3A_3299 : vector<16xi1>, vector<16xf32>
      %select_n3A_3342 = arith.select %gt3A_3340, %select_n3A_3299, %mul3A_783 : vector<16xi1>, vector<16xf32>
      %select_n3A_3343 = arith.select %gt3A_3340, %broadcast_in_dim3A_3339, %select_n3A_3301 : vector<16xi1>, vector<16xi32>
      %select_n3A_3344 = arith.select %gt3A_3340, %select_n3A_3301, %broadcast_in_dim3A_3339 : vector<16xi1>, vector<16xi32>
      %gt3A_3345 = arith.cmpf ogt, %select_n3A_3342, %select_n3A_3304 : vector<16xf32>
      %select_n3A_3346 = arith.select %gt3A_3345, %select_n3A_3342, %select_n3A_3304 : vector<16xi1>, vector<16xf32>
      %select_n3A_3347 = arith.select %gt3A_3345, %select_n3A_3304, %select_n3A_3342 : vector<16xi1>, vector<16xf32>
      %select_n3A_3348 = arith.select %gt3A_3345, %select_n3A_3344, %select_n3A_3306 : vector<16xi1>, vector<16xi32>
      %select_n3A_3349 = arith.select %gt3A_3345, %select_n3A_3306, %select_n3A_3344 : vector<16xi1>, vector<16xi32>
      %gt3A_3350 = arith.cmpf ogt, %select_n3A_3347, %select_n3A_3309 : vector<16xf32>
      %select_n3A_3351 = arith.select %gt3A_3350, %select_n3A_3347, %select_n3A_3309 : vector<16xi1>, vector<16xf32>
      %select_n3A_3352 = arith.select %gt3A_3350, %select_n3A_3309, %select_n3A_3347 : vector<16xi1>, vector<16xf32>
      %select_n3A_3353 = arith.select %gt3A_3350, %select_n3A_3349, %select_n3A_3311 : vector<16xi1>, vector<16xi32>
      %select_n3A_3354 = arith.select %gt3A_3350, %select_n3A_3311, %select_n3A_3349 : vector<16xi1>, vector<16xi32>
      %gt3A_3355 = arith.cmpf ogt, %select_n3A_3352, %select_n3A_3314 : vector<16xf32>
      %select_n3A_3356 = arith.select %gt3A_3355, %select_n3A_3352, %select_n3A_3314 : vector<16xi1>, vector<16xf32>
      %select_n3A_3357 = arith.select %gt3A_3355, %select_n3A_3314, %select_n3A_3352 : vector<16xi1>, vector<16xf32>
      %select_n3A_3358 = arith.select %gt3A_3355, %select_n3A_3354, %select_n3A_3316 : vector<16xi1>, vector<16xi32>
      %select_n3A_3359 = arith.select %gt3A_3355, %select_n3A_3316, %select_n3A_3354 : vector<16xi1>, vector<16xi32>
      %gt3A_3360 = arith.cmpf ogt, %select_n3A_3357, %select_n3A_3319 : vector<16xf32>
      %select_n3A_3361 = arith.select %gt3A_3360, %select_n3A_3357, %select_n3A_3319 : vector<16xi1>, vector<16xf32>
      %select_n3A_3362 = arith.select %gt3A_3360, %select_n3A_3319, %select_n3A_3357 : vector<16xi1>, vector<16xf32>
      %select_n3A_3363 = arith.select %gt3A_3360, %select_n3A_3359, %select_n3A_3321 : vector<16xi1>, vector<16xi32>
      %select_n3A_3364 = arith.select %gt3A_3360, %select_n3A_3321, %select_n3A_3359 : vector<16xi1>, vector<16xi32>
      %gt3A_3365 = arith.cmpf ogt, %select_n3A_3362, %select_n3A_3324 : vector<16xf32>
      %select_n3A_3366 = arith.select %gt3A_3365, %select_n3A_3362, %select_n3A_3324 : vector<16xi1>, vector<16xf32>
      %select_n3A_3367 = arith.select %gt3A_3365, %select_n3A_3324, %select_n3A_3362 : vector<16xi1>, vector<16xf32>
      %select_n3A_3368 = arith.select %gt3A_3365, %select_n3A_3364, %select_n3A_3326 : vector<16xi1>, vector<16xi32>
      %select_n3A_3369 = arith.select %gt3A_3365, %select_n3A_3326, %select_n3A_3364 : vector<16xi1>, vector<16xi32>
      %gt3A_3370 = arith.cmpf ogt, %select_n3A_3367, %select_n3A_3329 : vector<16xf32>
      %select_n3A_3371 = arith.select %gt3A_3370, %select_n3A_3367, %select_n3A_3329 : vector<16xi1>, vector<16xf32>
      %select_n3A_3372 = arith.select %gt3A_3370, %select_n3A_3329, %select_n3A_3367 : vector<16xi1>, vector<16xf32>
      %select_n3A_3373 = arith.select %gt3A_3370, %select_n3A_3369, %select_n3A_3331 : vector<16xi1>, vector<16xi32>
      %select_n3A_3374 = arith.select %gt3A_3370, %select_n3A_3331, %select_n3A_3369 : vector<16xi1>, vector<16xi32>
      %gt3A_3375 = arith.cmpf ogt, %select_n3A_3372, %select_n3A_3334 : vector<16xf32>
      %select_n3A_3376 = arith.select %gt3A_3375, %select_n3A_3372, %select_n3A_3334 : vector<16xi1>, vector<16xf32>
      %select_n3A_3377 = arith.select %gt3A_3375, %select_n3A_3334, %select_n3A_3372 : vector<16xi1>, vector<16xf32>
      %select_n3A_3378 = arith.select %gt3A_3375, %select_n3A_3374, %select_n3A_3336 : vector<16xi1>, vector<16xi32>
      %select_n3A_3379 = arith.select %gt3A_3375, %select_n3A_3336, %select_n3A_3374 : vector<16xi1>, vector<16xi32>
      %broadcast_in_dim3A_3380 = arith.constant 61 : i32
      %broadcast_in_dim3A_3381 = vector.broadcast %broadcast_in_dim3A_3380 : i32 to vector<16xi32>
      %gt3A_3382 = arith.cmpf ogt, %mul3A_784, %select_n3A_3341 : vector<16xf32>
      %select_n3A_3383 = arith.select %gt3A_3382, %mul3A_784, %select_n3A_3341 : vector<16xi1>, vector<16xf32>
      %select_n3A_3384 = arith.select %gt3A_3382, %select_n3A_3341, %mul3A_784 : vector<16xi1>, vector<16xf32>
      %select_n3A_3385 = arith.select %gt3A_3382, %broadcast_in_dim3A_3381, %select_n3A_3343 : vector<16xi1>, vector<16xi32>
      %select_n3A_3386 = arith.select %gt3A_3382, %select_n3A_3343, %broadcast_in_dim3A_3381 : vector<16xi1>, vector<16xi32>
      %gt3A_3387 = arith.cmpf ogt, %select_n3A_3384, %select_n3A_3346 : vector<16xf32>
      %select_n3A_3388 = arith.select %gt3A_3387, %select_n3A_3384, %select_n3A_3346 : vector<16xi1>, vector<16xf32>
      %select_n3A_3389 = arith.select %gt3A_3387, %select_n3A_3346, %select_n3A_3384 : vector<16xi1>, vector<16xf32>
      %select_n3A_3390 = arith.select %gt3A_3387, %select_n3A_3386, %select_n3A_3348 : vector<16xi1>, vector<16xi32>
      %select_n3A_3391 = arith.select %gt3A_3387, %select_n3A_3348, %select_n3A_3386 : vector<16xi1>, vector<16xi32>
      %gt3A_3392 = arith.cmpf ogt, %select_n3A_3389, %select_n3A_3351 : vector<16xf32>
      %select_n3A_3393 = arith.select %gt3A_3392, %select_n3A_3389, %select_n3A_3351 : vector<16xi1>, vector<16xf32>
      %select_n3A_3394 = arith.select %gt3A_3392, %select_n3A_3351, %select_n3A_3389 : vector<16xi1>, vector<16xf32>
      %select_n3A_3395 = arith.select %gt3A_3392, %select_n3A_3391, %select_n3A_3353 : vector<16xi1>, vector<16xi32>
      %select_n3A_3396 = arith.select %gt3A_3392, %select_n3A_3353, %select_n3A_3391 : vector<16xi1>, vector<16xi32>
      %gt3A_3397 = arith.cmpf ogt, %select_n3A_3394, %select_n3A_3356 : vector<16xf32>
      %select_n3A_3398 = arith.select %gt3A_3397, %select_n3A_3394, %select_n3A_3356 : vector<16xi1>, vector<16xf32>
      %select_n3A_3399 = arith.select %gt3A_3397, %select_n3A_3356, %select_n3A_3394 : vector<16xi1>, vector<16xf32>
      %select_n3A_3400 = arith.select %gt3A_3397, %select_n3A_3396, %select_n3A_3358 : vector<16xi1>, vector<16xi32>
      %select_n3A_3401 = arith.select %gt3A_3397, %select_n3A_3358, %select_n3A_3396 : vector<16xi1>, vector<16xi32>
      %gt3A_3402 = arith.cmpf ogt, %select_n3A_3399, %select_n3A_3361 : vector<16xf32>
      %select_n3A_3403 = arith.select %gt3A_3402, %select_n3A_3399, %select_n3A_3361 : vector<16xi1>, vector<16xf32>
      %select_n3A_3404 = arith.select %gt3A_3402, %select_n3A_3361, %select_n3A_3399 : vector<16xi1>, vector<16xf32>
      %select_n3A_3405 = arith.select %gt3A_3402, %select_n3A_3401, %select_n3A_3363 : vector<16xi1>, vector<16xi32>
      %select_n3A_3406 = arith.select %gt3A_3402, %select_n3A_3363, %select_n3A_3401 : vector<16xi1>, vector<16xi32>
      %gt3A_3407 = arith.cmpf ogt, %select_n3A_3404, %select_n3A_3366 : vector<16xf32>
      %select_n3A_3408 = arith.select %gt3A_3407, %select_n3A_3404, %select_n3A_3366 : vector<16xi1>, vector<16xf32>
      %select_n3A_3409 = arith.select %gt3A_3407, %select_n3A_3366, %select_n3A_3404 : vector<16xi1>, vector<16xf32>
      %select_n3A_3410 = arith.select %gt3A_3407, %select_n3A_3406, %select_n3A_3368 : vector<16xi1>, vector<16xi32>
      %select_n3A_3411 = arith.select %gt3A_3407, %select_n3A_3368, %select_n3A_3406 : vector<16xi1>, vector<16xi32>
      %gt3A_3412 = arith.cmpf ogt, %select_n3A_3409, %select_n3A_3371 : vector<16xf32>
      %select_n3A_3413 = arith.select %gt3A_3412, %select_n3A_3409, %select_n3A_3371 : vector<16xi1>, vector<16xf32>
      %select_n3A_3414 = arith.select %gt3A_3412, %select_n3A_3371, %select_n3A_3409 : vector<16xi1>, vector<16xf32>
      %select_n3A_3415 = arith.select %gt3A_3412, %select_n3A_3411, %select_n3A_3373 : vector<16xi1>, vector<16xi32>
      %select_n3A_3416 = arith.select %gt3A_3412, %select_n3A_3373, %select_n3A_3411 : vector<16xi1>, vector<16xi32>
      %gt3A_3417 = arith.cmpf ogt, %select_n3A_3414, %select_n3A_3376 : vector<16xf32>
      %select_n3A_3418 = arith.select %gt3A_3417, %select_n3A_3414, %select_n3A_3376 : vector<16xi1>, vector<16xf32>
      %select_n3A_3419 = arith.select %gt3A_3417, %select_n3A_3376, %select_n3A_3414 : vector<16xi1>, vector<16xf32>
      %select_n3A_3420 = arith.select %gt3A_3417, %select_n3A_3416, %select_n3A_3378 : vector<16xi1>, vector<16xi32>
      %select_n3A_3421 = arith.select %gt3A_3417, %select_n3A_3378, %select_n3A_3416 : vector<16xi1>, vector<16xi32>
      %broadcast_in_dim3A_3422 = arith.constant 62 : i32
      %broadcast_in_dim3A_3423 = vector.broadcast %broadcast_in_dim3A_3422 : i32 to vector<16xi32>
      %gt3A_3424 = arith.cmpf ogt, %mul3A_785, %select_n3A_3383 : vector<16xf32>
      %select_n3A_3425 = arith.select %gt3A_3424, %mul3A_785, %select_n3A_3383 : vector<16xi1>, vector<16xf32>
      %select_n3A_3426 = arith.select %gt3A_3424, %select_n3A_3383, %mul3A_785 : vector<16xi1>, vector<16xf32>
      %select_n3A_3427 = arith.select %gt3A_3424, %broadcast_in_dim3A_3423, %select_n3A_3385 : vector<16xi1>, vector<16xi32>
      %select_n3A_3428 = arith.select %gt3A_3424, %select_n3A_3385, %broadcast_in_dim3A_3423 : vector<16xi1>, vector<16xi32>
      %gt3A_3429 = arith.cmpf ogt, %select_n3A_3426, %select_n3A_3388 : vector<16xf32>
      %select_n3A_3430 = arith.select %gt3A_3429, %select_n3A_3426, %select_n3A_3388 : vector<16xi1>, vector<16xf32>
      %select_n3A_3431 = arith.select %gt3A_3429, %select_n3A_3388, %select_n3A_3426 : vector<16xi1>, vector<16xf32>
      %select_n3A_3432 = arith.select %gt3A_3429, %select_n3A_3428, %select_n3A_3390 : vector<16xi1>, vector<16xi32>
      %select_n3A_3433 = arith.select %gt3A_3429, %select_n3A_3390, %select_n3A_3428 : vector<16xi1>, vector<16xi32>
      %gt3A_3434 = arith.cmpf ogt, %select_n3A_3431, %select_n3A_3393 : vector<16xf32>
      %select_n3A_3435 = arith.select %gt3A_3434, %select_n3A_3431, %select_n3A_3393 : vector<16xi1>, vector<16xf32>
      %select_n3A_3436 = arith.select %gt3A_3434, %select_n3A_3393, %select_n3A_3431 : vector<16xi1>, vector<16xf32>
      %select_n3A_3437 = arith.select %gt3A_3434, %select_n3A_3433, %select_n3A_3395 : vector<16xi1>, vector<16xi32>
      %select_n3A_3438 = arith.select %gt3A_3434, %select_n3A_3395, %select_n3A_3433 : vector<16xi1>, vector<16xi32>
      %gt3A_3439 = arith.cmpf ogt, %select_n3A_3436, %select_n3A_3398 : vector<16xf32>
      %select_n3A_3440 = arith.select %gt3A_3439, %select_n3A_3436, %select_n3A_3398 : vector<16xi1>, vector<16xf32>
      %select_n3A_3441 = arith.select %gt3A_3439, %select_n3A_3398, %select_n3A_3436 : vector<16xi1>, vector<16xf32>
      %select_n3A_3442 = arith.select %gt3A_3439, %select_n3A_3438, %select_n3A_3400 : vector<16xi1>, vector<16xi32>
      %select_n3A_3443 = arith.select %gt3A_3439, %select_n3A_3400, %select_n3A_3438 : vector<16xi1>, vector<16xi32>
      %gt3A_3444 = arith.cmpf ogt, %select_n3A_3441, %select_n3A_3403 : vector<16xf32>
      %select_n3A_3445 = arith.select %gt3A_3444, %select_n3A_3441, %select_n3A_3403 : vector<16xi1>, vector<16xf32>
      %select_n3A_3446 = arith.select %gt3A_3444, %select_n3A_3403, %select_n3A_3441 : vector<16xi1>, vector<16xf32>
      %select_n3A_3447 = arith.select %gt3A_3444, %select_n3A_3443, %select_n3A_3405 : vector<16xi1>, vector<16xi32>
      %select_n3A_3448 = arith.select %gt3A_3444, %select_n3A_3405, %select_n3A_3443 : vector<16xi1>, vector<16xi32>
      %gt3A_3449 = arith.cmpf ogt, %select_n3A_3446, %select_n3A_3408 : vector<16xf32>
      %select_n3A_3450 = arith.select %gt3A_3449, %select_n3A_3446, %select_n3A_3408 : vector<16xi1>, vector<16xf32>
      %select_n3A_3451 = arith.select %gt3A_3449, %select_n3A_3408, %select_n3A_3446 : vector<16xi1>, vector<16xf32>
      %select_n3A_3452 = arith.select %gt3A_3449, %select_n3A_3448, %select_n3A_3410 : vector<16xi1>, vector<16xi32>
      %select_n3A_3453 = arith.select %gt3A_3449, %select_n3A_3410, %select_n3A_3448 : vector<16xi1>, vector<16xi32>
      %gt3A_3454 = arith.cmpf ogt, %select_n3A_3451, %select_n3A_3413 : vector<16xf32>
      %select_n3A_3455 = arith.select %gt3A_3454, %select_n3A_3451, %select_n3A_3413 : vector<16xi1>, vector<16xf32>
      %select_n3A_3456 = arith.select %gt3A_3454, %select_n3A_3413, %select_n3A_3451 : vector<16xi1>, vector<16xf32>
      %select_n3A_3457 = arith.select %gt3A_3454, %select_n3A_3453, %select_n3A_3415 : vector<16xi1>, vector<16xi32>
      %select_n3A_3458 = arith.select %gt3A_3454, %select_n3A_3415, %select_n3A_3453 : vector<16xi1>, vector<16xi32>
      %gt3A_3459 = arith.cmpf ogt, %select_n3A_3456, %select_n3A_3418 : vector<16xf32>
      %select_n3A_3460 = arith.select %gt3A_3459, %select_n3A_3456, %select_n3A_3418 : vector<16xi1>, vector<16xf32>
      %select_n3A_3461 = arith.select %gt3A_3459, %select_n3A_3418, %select_n3A_3456 : vector<16xi1>, vector<16xf32>
      %select_n3A_3462 = arith.select %gt3A_3459, %select_n3A_3458, %select_n3A_3420 : vector<16xi1>, vector<16xi32>
      %select_n3A_3463 = arith.select %gt3A_3459, %select_n3A_3420, %select_n3A_3458 : vector<16xi1>, vector<16xi32>
      %broadcast_in_dim3A_3464 = arith.constant 63 : i32
      %broadcast_in_dim3A_3465 = vector.broadcast %broadcast_in_dim3A_3464 : i32 to vector<16xi32>
      %gt3A_3466 = arith.cmpf ogt, %mul3A_786, %select_n3A_3425 : vector<16xf32>
      %select_n3A_3467 = arith.select %gt3A_3466, %mul3A_786, %select_n3A_3425 : vector<16xi1>, vector<16xf32>
      %select_n3A_3468 = arith.select %gt3A_3466, %select_n3A_3425, %mul3A_786 : vector<16xi1>, vector<16xf32>
      %select_n3A_3469 = arith.select %gt3A_3466, %broadcast_in_dim3A_3465, %select_n3A_3427 : vector<16xi1>, vector<16xi32>
      %select_n3A_3470 = arith.select %gt3A_3466, %select_n3A_3427, %broadcast_in_dim3A_3465 : vector<16xi1>, vector<16xi32>
      %gt3A_3471 = arith.cmpf ogt, %select_n3A_3468, %select_n3A_3430 : vector<16xf32>
      %select_n3A_3472 = arith.select %gt3A_3471, %select_n3A_3468, %select_n3A_3430 : vector<16xi1>, vector<16xf32>
      %select_n3A_3473 = arith.select %gt3A_3471, %select_n3A_3430, %select_n3A_3468 : vector<16xi1>, vector<16xf32>
      %select_n3A_3474 = arith.select %gt3A_3471, %select_n3A_3470, %select_n3A_3432 : vector<16xi1>, vector<16xi32>
      %select_n3A_3475 = arith.select %gt3A_3471, %select_n3A_3432, %select_n3A_3470 : vector<16xi1>, vector<16xi32>
      %gt3A_3476 = arith.cmpf ogt, %select_n3A_3473, %select_n3A_3435 : vector<16xf32>
      %select_n3A_3477 = arith.select %gt3A_3476, %select_n3A_3473, %select_n3A_3435 : vector<16xi1>, vector<16xf32>
      %select_n3A_3478 = arith.select %gt3A_3476, %select_n3A_3435, %select_n3A_3473 : vector<16xi1>, vector<16xf32>
      %select_n3A_3479 = arith.select %gt3A_3476, %select_n3A_3475, %select_n3A_3437 : vector<16xi1>, vector<16xi32>
      %select_n3A_3480 = arith.select %gt3A_3476, %select_n3A_3437, %select_n3A_3475 : vector<16xi1>, vector<16xi32>
      %gt3A_3481 = arith.cmpf ogt, %select_n3A_3478, %select_n3A_3440 : vector<16xf32>
      %select_n3A_3482 = arith.select %gt3A_3481, %select_n3A_3478, %select_n3A_3440 : vector<16xi1>, vector<16xf32>
      %select_n3A_3483 = arith.select %gt3A_3481, %select_n3A_3440, %select_n3A_3478 : vector<16xi1>, vector<16xf32>
      %select_n3A_3484 = arith.select %gt3A_3481, %select_n3A_3480, %select_n3A_3442 : vector<16xi1>, vector<16xi32>
      %select_n3A_3485 = arith.select %gt3A_3481, %select_n3A_3442, %select_n3A_3480 : vector<16xi1>, vector<16xi32>
      %gt3A_3486 = arith.cmpf ogt, %select_n3A_3483, %select_n3A_3445 : vector<16xf32>
      %select_n3A_3487 = arith.select %gt3A_3486, %select_n3A_3483, %select_n3A_3445 : vector<16xi1>, vector<16xf32>
      %select_n3A_3488 = arith.select %gt3A_3486, %select_n3A_3445, %select_n3A_3483 : vector<16xi1>, vector<16xf32>
      %select_n3A_3489 = arith.select %gt3A_3486, %select_n3A_3485, %select_n3A_3447 : vector<16xi1>, vector<16xi32>
      %select_n3A_3490 = arith.select %gt3A_3486, %select_n3A_3447, %select_n3A_3485 : vector<16xi1>, vector<16xi32>
      %gt3A_3491 = arith.cmpf ogt, %select_n3A_3488, %select_n3A_3450 : vector<16xf32>
      %select_n3A_3492 = arith.select %gt3A_3491, %select_n3A_3488, %select_n3A_3450 : vector<16xi1>, vector<16xf32>
      %select_n3A_3493 = arith.select %gt3A_3491, %select_n3A_3450, %select_n3A_3488 : vector<16xi1>, vector<16xf32>
      %select_n3A_3494 = arith.select %gt3A_3491, %select_n3A_3490, %select_n3A_3452 : vector<16xi1>, vector<16xi32>
      %select_n3A_3495 = arith.select %gt3A_3491, %select_n3A_3452, %select_n3A_3490 : vector<16xi1>, vector<16xi32>
      %gt3A_3496 = arith.cmpf ogt, %select_n3A_3493, %select_n3A_3455 : vector<16xf32>
      %select_n3A_3497 = arith.select %gt3A_3496, %select_n3A_3493, %select_n3A_3455 : vector<16xi1>, vector<16xf32>
      %select_n3A_3498 = arith.select %gt3A_3496, %select_n3A_3455, %select_n3A_3493 : vector<16xi1>, vector<16xf32>
      %select_n3A_3499 = arith.select %gt3A_3496, %select_n3A_3495, %select_n3A_3457 : vector<16xi1>, vector<16xi32>
      %select_n3A_3500 = arith.select %gt3A_3496, %select_n3A_3457, %select_n3A_3495 : vector<16xi1>, vector<16xi32>
      %gt3A_3501 = arith.cmpf ogt, %select_n3A_3498, %select_n3A_3460 : vector<16xf32>
      %select_n3A_3502 = arith.select %gt3A_3501, %select_n3A_3498, %select_n3A_3460 : vector<16xi1>, vector<16xf32>
      %select_n3A_3503 = arith.select %gt3A_3501, %select_n3A_3460, %select_n3A_3498 : vector<16xi1>, vector<16xf32>
      %select_n3A_3504 = arith.select %gt3A_3501, %select_n3A_3500, %select_n3A_3462 : vector<16xi1>, vector<16xi32>
      %select_n3A_3505 = arith.select %gt3A_3501, %select_n3A_3462, %select_n3A_3500 : vector<16xi1>, vector<16xi32>
      %add3A_3506 = vector.broadcast %mul3A_18 : i32 to vector<16xi32>
      %add3A_3507 = arith.addi %add3A_3506, %iota3A : vector<16xi32>
      %gather3A = tpu.vector_load_idx %arg6[%select_n3A_3469, %add3A_3507] : memref<64x512xf32, #tpu.memory_space<vmem>>[vector<16xi32>, vector<16xi32>], vector<16xf32>,
      %gather3A_3508 = tpu.vector_load_idx %arg7[%select_n3A_3469] : memref<64xf32, #tpu.memory_space<vmem>>[vector<16xi32>], vector<16xf32>,
      %sub3A_3509 = arith.subf %gather3A, %gather3A_3508 : vector<16xf32>
      %gather3A_3510 = tpu.vector_load_idx %arg6[%select_n3A_3474, %add3A_3507] : memref<64x512xf32, #tpu.memory_space<vmem>>[vector<16xi32>, vector<16xi32>], vector<16xf32>,
      %gather3A_3511 = tpu.vector_load_idx %arg7[%select_n3A_3474] : memref<64xf32, #tpu.memory_space<vmem>>[vector<16xi32>], vector<16xf32>,
      %sub3A_3512 = arith.subf %gather3A_3510, %gather3A_3511 : vector<16xf32>
      %gather3A_3513 = tpu.vector_load_idx %arg6[%select_n3A_3479, %add3A_3507] : memref<64x512xf32, #tpu.memory_space<vmem>>[vector<16xi32>, vector<16xi32>], vector<16xf32>,
      %gather3A_3514 = tpu.vector_load_idx %arg7[%select_n3A_3479] : memref<64xf32, #tpu.memory_space<vmem>>[vector<16xi32>], vector<16xf32>,
      %sub3A_3515 = arith.subf %gather3A_3513, %gather3A_3514 : vector<16xf32>
      %gather3A_3516 = tpu.vector_load_idx %arg6[%select_n3A_3484, %add3A_3507] : memref<64x512xf32, #tpu.memory_space<vmem>>[vector<16xi32>, vector<16xi32>], vector<16xf32>,
      %gather3A_3517 = tpu.vector_load_idx %arg7[%select_n3A_3484] : memref<64xf32, #tpu.memory_space<vmem>>[vector<16xi32>], vector<16xf32>,
      %sub3A_3518 = arith.subf %gather3A_3516, %gather3A_3517 : vector<16xf32>
      %gather3A_3519 = tpu.vector_load_idx %arg6[%select_n3A_3489, %add3A_3507] : memref<64x512xf32, #tpu.memory_space<vmem>>[vector<16xi32>, vector<16xi32>], vector<16xf32>,
      %gather3A_3520 = tpu.vector_load_idx %arg7[%select_n3A_3489] : memref<64xf32, #tpu.memory_space<vmem>>[vector<16xi32>], vector<16xf32>,
      %sub3A_3521 = arith.subf %gather3A_3519, %gather3A_3520 : vector<16xf32>
      %gather3A_3522 = tpu.vector_load_idx %arg6[%select_n3A_3494, %add3A_3507] : memref<64x512xf32, #tpu.memory_space<vmem>>[vector<16xi32>, vector<16xi32>], vector<16xf32>,
      %gather3A_3523 = tpu.vector_load_idx %arg7[%select_n3A_3494] : memref<64xf32, #tpu.memory_space<vmem>>[vector<16xi32>], vector<16xf32>,
      %sub3A_3524 = arith.subf %gather3A_3522, %gather3A_3523 : vector<16xf32>
      %gather3A_3525 = tpu.vector_load_idx %arg6[%select_n3A_3499, %add3A_3507] : memref<64x512xf32, #tpu.memory_space<vmem>>[vector<16xi32>, vector<16xi32>], vector<16xf32>,
      %gather3A_3526 = tpu.vector_load_idx %arg7[%select_n3A_3499] : memref<64xf32, #tpu.memory_space<vmem>>[vector<16xi32>], vector<16xf32>,
      %sub3A_3527 = arith.subf %gather3A_3525, %gather3A_3526 : vector<16xf32>
      %gather3A_3528 = tpu.vector_load_idx %arg6[%select_n3A_3504, %add3A_3507] : memref<64x512xf32, #tpu.memory_space<vmem>>[vector<16xi32>, vector<16xi32>], vector<16xf32>,
      %gather3A_3529 = tpu.vector_load_idx %arg7[%select_n3A_3504] : memref<64xf32, #tpu.memory_space<vmem>>[vector<16xi32>], vector<16xf32>,
      %sub3A_3530 = arith.subf %gather3A_3528, %gather3A_3529 : vector<16xf32>
      %add3A_3531 = arith.addf %sub3A_3509, %sub3A_3512 : vector<16xf32>
      %add3A_3532 = arith.addf %add3A_3531, %sub3A_3515 : vector<16xf32>
      %add3A_3533 = arith.addf %add3A_3532, %sub3A_3518 : vector<16xf32>
      %add3A_3534 = arith.addf %add3A_3533, %sub3A_3521 : vector<16xf32>
      %add3A_3535 = arith.addf %add3A_3534, %sub3A_3524 : vector<16xf32>
      %add3A_3536 = arith.addf %add3A_3535, %sub3A_3527 : vector<16xf32>
      %add3A_3537 = arith.addf %add3A_3536, %sub3A_3530 : vector<16xf32>
      %div3A = arith.constant 2.500000e+00 : f32
      %div3A_3538 = vector.broadcast %div3A : f32 to vector<16xf32>
      %div3A_3539 = arith.divf %div3A_3538, %add3A_3537 : vector<16xf32>
      %broadcast_in_dim3A_3540 = arith.constant 0 : i32
      %broadcast_in_dim3A_3541 = vector.broadcast %broadcast_in_dim3A_3540 : i32 to vector<16xi32>
      %mul3A_3542 = arith.mulf %sub3A_3509, %div3A_3539 : vector<16xf32>
      tpu.vector_store_idx %arg8[%add3A_3507, %broadcast_in_dim3A_3541], %mul3A_3542 : memref<512x8xf32, #tpu.memory_space<vmem>>[vector<16xi32>, vector<16xi32>], vector<16xf32>,
      tpu.vector_store_idx %arg9[%add3A_3507, %broadcast_in_dim3A_3541], %select_n3A_3469 : memref<512x8xi32, #tpu.memory_space<vmem>>[vector<16xi32>, vector<16xi32>], vector<16xi32>,
      %broadcast_in_dim3A_3543 = arith.constant 1 : i32
      %broadcast_in_dim3A_3544 = vector.broadcast %broadcast_in_dim3A_3543 : i32 to vector<16xi32>
      %mul3A_3545 = arith.mulf %sub3A_3512, %div3A_3539 : vector<16xf32>
      tpu.vector_store_idx %arg8[%add3A_3507, %broadcast_in_dim3A_3544], %mul3A_3545 : memref<512x8xf32, #tpu.memory_space<vmem>>[vector<16xi32>, vector<16xi32>], vector<16xf32>,
      tpu.vector_store_idx %arg9[%add3A_3507, %broadcast_in_dim3A_3544], %select_n3A_3474 : memref<512x8xi32, #tpu.memory_space<vmem>>[vector<16xi32>, vector<16xi32>], vector<16xi32>,
      %broadcast_in_dim3A_3546 = arith.constant 2 : i32
      %broadcast_in_dim3A_3547 = vector.broadcast %broadcast_in_dim3A_3546 : i32 to vector<16xi32>
      %mul3A_3548 = arith.mulf %sub3A_3515, %div3A_3539 : vector<16xf32>
      tpu.vector_store_idx %arg8[%add3A_3507, %broadcast_in_dim3A_3547], %mul3A_3548 : memref<512x8xf32, #tpu.memory_space<vmem>>[vector<16xi32>, vector<16xi32>], vector<16xf32>,
      tpu.vector_store_idx %arg9[%add3A_3507, %broadcast_in_dim3A_3547], %select_n3A_3479 : memref<512x8xi32, #tpu.memory_space<vmem>>[vector<16xi32>, vector<16xi32>], vector<16xi32>,
      %broadcast_in_dim3A_3549 = arith.constant 3 : i32
      %broadcast_in_dim3A_3550 = vector.broadcast %broadcast_in_dim3A_3549 : i32 to vector<16xi32>
      %mul3A_3551 = arith.mulf %sub3A_3518, %div3A_3539 : vector<16xf32>
      tpu.vector_store_idx %arg8[%add3A_3507, %broadcast_in_dim3A_3550], %mul3A_3551 : memref<512x8xf32, #tpu.memory_space<vmem>>[vector<16xi32>, vector<16xi32>], vector<16xf32>,
      tpu.vector_store_idx %arg9[%add3A_3507, %broadcast_in_dim3A_3550], %select_n3A_3484 : memref<512x8xi32, #tpu.memory_space<vmem>>[vector<16xi32>, vector<16xi32>], vector<16xi32>,
      %broadcast_in_dim3A_3552 = arith.constant 4 : i32
      %broadcast_in_dim3A_3553 = vector.broadcast %broadcast_in_dim3A_3552 : i32 to vector<16xi32>
      %mul3A_3554 = arith.mulf %sub3A_3521, %div3A_3539 : vector<16xf32>
      tpu.vector_store_idx %arg8[%add3A_3507, %broadcast_in_dim3A_3553], %mul3A_3554 : memref<512x8xf32, #tpu.memory_space<vmem>>[vector<16xi32>, vector<16xi32>], vector<16xf32>,
      tpu.vector_store_idx %arg9[%add3A_3507, %broadcast_in_dim3A_3553], %select_n3A_3489 : memref<512x8xi32, #tpu.memory_space<vmem>>[vector<16xi32>, vector<16xi32>], vector<16xi32>,
      %broadcast_in_dim3A_3555 = arith.constant 5 : i32
      %broadcast_in_dim3A_3556 = vector.broadcast %broadcast_in_dim3A_3555 : i32 to vector<16xi32>
      %mul3A_3557 = arith.mulf %sub3A_3524, %div3A_3539 : vector<16xf32>
      tpu.vector_store_idx %arg8[%add3A_3507, %broadcast_in_dim3A_3556], %mul3A_3557 : memref<512x8xf32, #tpu.memory_space<vmem>>[vector<16xi32>, vector<16xi32>], vector<16xf32>,
      tpu.vector_store_idx %arg9[%add3A_3507, %broadcast_in_dim3A_3556], %select_n3A_3494 : memref<512x8xi32, #tpu.memory_space<vmem>>[vector<16xi32>, vector<16xi32>], vector<16xi32>,
      %broadcast_in_dim3A_3558 = arith.constant 6 : i32
      %broadcast_in_dim3A_3559 = vector.broadcast %broadcast_in_dim3A_3558 : i32 to vector<16xi32>
      %mul3A_3560 = arith.mulf %sub3A_3527, %div3A_3539 : vector<16xf32>
      tpu.vector_store_idx %arg8[%add3A_3507, %broadcast_in_dim3A_3559], %mul3A_3560 : memref<512x8xf32, #tpu.memory_space<vmem>>[vector<16xi32>, vector<16xi32>], vector<16xf32>,
      tpu.vector_store_idx %arg9[%add3A_3507, %broadcast_in_dim3A_3559], %select_n3A_3499 : memref<512x8xi32, #tpu.memory_space<vmem>>[vector<16xi32>, vector<16xi32>], vector<16xi32>,
      %broadcast_in_dim3A_3561 = arith.constant 7 : i32
      %broadcast_in_dim3A_3562 = vector.broadcast %broadcast_in_dim3A_3561 : i32 to vector<16xi32>
      %mul3A_3563 = arith.mulf %sub3A_3530, %div3A_3539 : vector<16xf32>
      tpu.vector_store_idx %arg8[%add3A_3507, %broadcast_in_dim3A_3562], %mul3A_3563 : memref<512x8xf32, #tpu.memory_space<vmem>>[vector<16xi32>, vector<16xi32>], vector<16xf32>,
      tpu.vector_store_idx %arg9[%add3A_3507, %broadcast_in_dim3A_3562], %select_n3A_3504 : memref<512x8xi32, #tpu.memory_space<vmem>>[vector<16xi32>, vector<16xi32>], vector<16xi32>,
    }
    %scan3A_15 = arith.constant 32 : i32
    "tpu.region"() ({
      %run_scoped3A = tpu.sem_alloc : memref<!tpu.dma_semaphore, #tpu.memory_space<semaphore_mem>>
      %dma_start3A_16 = arith.constant 0 : i32
      %dma_start3A_17 = tpu.memref_slice %arg4[%mul3A_2, %dma_start3A_16] : memref<16384x8xf32, #tpu.memory_space<hbm>> -> memref<512x8xf32, #tpu.memory_space<hbm>>
      %dma_start3A_18 = arith.constant 0 : i32
      %dma_start3A_19 = tpu.memref_slice %arg4[%mul3A_2, %dma_start3A_18] : memref<16384x8xf32, #tpu.memory_space<hbm>> -> memref<512x8xf32, #tpu.memory_space<hbm>>
      tpu.enqueue_dma source(%arg8 : memref<512x8xf32, #tpu.memory_space<vmem>>) target(%dma_start3A_19 : memref<512x8xf32, #tpu.memory_space<hbm>>) target_semaphore(%run_scoped3A : memref<!tpu.dma_semaphore, #tpu.memory_space<semaphore_mem>>)
      %dma_wait3A_20 = arith.constant 0 : i32
      %dma_wait3A_21 = tpu.memref_slice %arg4[%mul3A_2, %dma_wait3A_20] : memref<16384x8xf32, #tpu.memory_space<hbm>> -> memref<512x8xf32, #tpu.memory_space<hbm>>
      %dma_wait3A_22 = arith.constant 0 : i32
      %dma_wait3A_23 = tpu.memref_slice %arg4[%mul3A_2, %dma_wait3A_22] : memref<16384x8xf32, #tpu.memory_space<hbm>> -> memref<512x8xf32, #tpu.memory_space<hbm>>
      tpu.wait_dma2 semaphore(%run_scoped3A : memref<!tpu.dma_semaphore, #tpu.memory_space<semaphore_mem>>) src(%arg8 : memref<512x8xf32, #tpu.memory_space<vmem>>) dst(%dma_wait3A_23 : memref<512x8xf32, #tpu.memory_space<hbm>>)
      tpu.yield
    }) : () -> ()
    "tpu.region"() ({
      %run_scoped3A = tpu.sem_alloc : memref<!tpu.dma_semaphore, #tpu.memory_space<semaphore_mem>>
      %dma_start3A_16 = arith.constant 0 : i32
      %dma_start3A_17 = tpu.memref_slice %arg5[%mul3A_2, %dma_start3A_16] : memref<16384x8xi32, #tpu.memory_space<hbm>> -> memref<512x8xi32, #tpu.memory_space<hbm>>
      %dma_start3A_18 = arith.constant 0 : i32
      %dma_start3A_19 = tpu.memref_slice %arg5[%mul3A_2, %dma_start3A_18] : memref<16384x8xi32, #tpu.memory_space<hbm>> -> memref<512x8xi32, #tpu.memory_space<hbm>>
      tpu.enqueue_dma source(%arg9 : memref<512x8xi32, #tpu.memory_space<vmem>>) target(%dma_start3A_19 : memref<512x8xi32, #tpu.memory_space<hbm>>) target_semaphore(%run_scoped3A : memref<!tpu.dma_semaphore, #tpu.memory_space<semaphore_mem>>)
      %dma_wait3A_20 = arith.constant 0 : i32
      %dma_wait3A_21 = tpu.memref_slice %arg5[%mul3A_2, %dma_wait3A_20] : memref<16384x8xi32, #tpu.memory_space<hbm>> -> memref<512x8xi32, #tpu.memory_space<hbm>>
      %dma_wait3A_22 = arith.constant 0 : i32
      %dma_wait3A_23 = tpu.memref_slice %arg5[%mul3A_2, %dma_wait3A_22] : memref<16384x8xi32, #tpu.memory_space<hbm>> -> memref<512x8xi32, #tpu.memory_space<hbm>>
      tpu.wait_dma2 semaphore(%run_scoped3A : memref<!tpu.dma_semaphore, #tpu.memory_space<semaphore_mem>>) src(%arg9 : memref<512x8xi32, #tpu.memory_space<vmem>>) dst(%dma_wait3A_23 : memref<512x8xi32, #tpu.memory_space<hbm>>)
      tpu.yield
    }) : () -> ()
    return
  }
}

module attributes {stable_mosaic.version = 14 : i64} {
  func.func @_scores_kernel(%arg0: i32, %arg1: memref<1024x2048xf32, #tpu.memory_space<vmem>>, %arg2: memref<64x2048xf32, #tpu.memory_space<vmem>>, %arg3: memref<64x1xf32, #tpu.memory_space<vmem>>, %arg4: memref<64x1024xf32, #tpu.memory_space<vmem>>) attributes {dimension_semantics = [#tpu.dimension_semantics<arbitrary>], iteration_bounds = array<i64: 16>, scalar_prefetch = 0 : i64, scratch_operands = 0 : i64, tpu.core_type = #tpu.core_type<tc>, window_params = [{transform_indices = @transform_0, window_bounds = array<i64: 1024, 2048>}, {pipeline_mode = #tpu.pipeline_mode<synchronous>, transform_indices = @transform_1, window_bounds = array<i64: 64, 2048>}, {pipeline_mode = #tpu.pipeline_mode<synchronous>, transform_indices = @transform_2, window_bounds = array<i64: 64, 1>}, {transform_indices = @transform_3, window_bounds = array<i64: 64, 1024>}]} {
    %get3A = arith.constant 0 : index
    %get3A_0 = arith.constant 0 : index
    %get3A_1 = vector.load %arg2[%get3A, %get3A_0] : memref<64x2048xf32, #tpu.memory_space<vmem>>, vector<64x2048xf32>
    %get3A_2 = arith.constant 0 : index
    %get3A_3 = arith.constant 0 : index
    %get3A_4 = vector.load %arg1[%get3A_2, %get3A_3] : memref<1024x2048xf32, #tpu.memory_space<vmem>>, vector<1024x2048xf32>
    %dot_general3A = arith.constant dense<0.000000e+00> : vector<64x1024xf32>
    %dot_general3A_5 = tpu.matmul %get3A_1, %get3A_4, %dot_general3A {dimension_numbers = #tpu.dot_dimension_numbers<[1], [1], [0], [0], [0, 0, 1, 0], [], []>, transpose_lhs_hint = false} : vector<64x2048xf32>, vector<1024x2048xf32>, vector<64x1024xf32> -> vector<64x1024xf32>
    %logistic3A = arith.negf %dot_general3A_5 : vector<64x1024xf32>
    %logistic3A_6 = math.exp %logistic3A : vector<64x1024xf32>
    %logistic3A_7 = arith.constant 1.000000e+00 : f32
    %logistic3A_8 = vector.broadcast %logistic3A_7 : f32 to vector<64x1024xf32>
    %logistic3A_9 = arith.addf %logistic3A_8, %logistic3A_6 : vector<64x1024xf32>
    %logistic3A_10 = arith.divf %logistic3A_8, %logistic3A_9 : vector<64x1024xf32>
    %get3A_11 = arith.constant 0 : index
    %get3A_12 = arith.constant 0 : index
    %get3A_13 = vector.load %arg3[%get3A_11, %get3A_12] : memref<64x1xf32, #tpu.memory_space<vmem>>, vector<64x1xf32>
    %add3A = vector.broadcast %get3A_13 : vector<64x1xf32> to vector<64x1024xf32>
    %add3A_14 = arith.addf %logistic3A_10, %add3A : vector<64x1024xf32>
    %swap3A = arith.constant 0 : index
    %swap3A_15 = arith.constant 0 : index
    %swap3A_16 = vector.load %arg4[%swap3A, %swap3A_15] : memref<64x1024xf32, #tpu.memory_space<vmem>>, vector<64x1024xf32>
    tpu.vector_store %arg4[%swap3A, %swap3A_15], %add3A_14 {strides = array<i32>} : memref<64x1024xf32, #tpu.memory_space<vmem>>, vector<64x1024xf32>,
    return
  }
  func.func @transform_0(%arg0: i32) -> (i32, i32) {
    %c0_i32 = arith.constant 0 : i32
    %c0_i32_0 = arith.constant 0 : i32
    return %arg0, %c0_i32 : i32, i32
  }
  func.func @transform_1(%arg0: i32) -> (i32, i32) {
    %c0_i32 = arith.constant 0 : i32
    %c0_i32_0 = arith.constant 0 : i32
    %c0_i32_1 = arith.constant 0 : i32
    return %c0_i32, %c0_i32_0 : i32, i32
  }
  func.func @transform_2(%arg0: i32) -> (i32, i32) {
    %c0_i32 = arith.constant 0 : i32
    %c0_i32_0 = arith.constant 0 : i32
    %c0_i32_1 = arith.constant 0 : i32
    return %c0_i32, %c0_i32_0 : i32, i32
  }
  func.func @transform_3(%arg0: i32) -> (i32, i32) {
    %c0_i32 = arith.constant 0 : i32
    %c0_i32_0 = arith.constant 0 : i32
    return %c0_i32, %arg0 : i32, i32
  }
}

</mosaic_0001>

<sc_bundles>
// kernel: kernel.4.cloned.1.call-start
scs
__scs_entry_jumppad:
0x0: {  	(pc) =	sbr.rel $0x88, $3  }
0x1: {  	(tag) =	ssettag $0x0;
	lr =	simm.s32 $0x1  }
0x2: {  	[smem:$0x3F9E] =	sst lr;
	_ =	strace $0xD0000000  }
0x3: {  	_ = 	snop  }
0x4: {  	_ = 	snop  }
0x5: {  	_ = 	snop  }
0x6: {  	_ = 	snop  }
0x7: {  	_ = 	snop  }
__scs_overlays_trampoline_lowered:
0x8: {  	[smem:$0x3FAD] =	sst s0  }
0x9: {  	[smem:$0x3FAE] =	sst s1  }
0xa: {  	[smem:$0x3FAF] =	sst s2  }
0xb: {  	[smem:$0x3FB0] =	sst s3  }
0xc: {  	[smem:$0x3FB1] =	sst s4  }
0xd: {  	[smem:$0x3FB2] =	sst s5  }
0xe: {  	[smem:$0x3FB3] =	sst s6  }
0xf: {  	[smem:$0x3FB4] =	sst s7  }
0x10: {  	[smem:$0x3FB5] =	sst s8  }
0x11: {  	[smem:$0x3FB6] =	sst s9;
	s0 =	simm.s32 @!p0 $0x0  }
0x12: {  	s1 =	sld [smem:$0x3F9C];
	s0 =	simm.s32 @p0 $0x1  }
0x13: {  	[smem:$0x3FB7] =	sst s0;
	s0 =	simm.s32 @!p1 $0x0  }
0x14: {  	s2 =	sld [smem:$0x3F9B];
	s0 =	simm.s32 @p1 $0x1  }
0x15: {  	[smem:$0x3FB8] =	sst s0;
	s0 =	simm.s32 @!p2 $0x0  }
0x16: {  	s3 =	sld [smem:$0x3FDB];
	s0 =	simm.s32 @p2 $0x1  }
0x17: {  	s4 =	simm.s32 $0x1BF5;
	[smem:$0x3FBA] =	sst s0  }
0x18: {  	s0 =	sld [smem:$0x3F9D];
	_ =	swait.ge [sflag:s4], $0x0  }
0x19: {  	s7 =	sld [smem:$0x3F9E]  }
0x1a: {  	s8 =	sadd.s32 $0xFFFFE003, lr  }
0x1b: {  	s9 =	sadd.s32 $0xFFFFFEF7, lr;
	s5 =	simm.s32 $0xFFFFFFFF;
	p2 =	slt.u32 s8, $0xFFFFF086  }
0x1c: {  	p1 =	slt.u32 s9, $0xF7A;
	s5 =	simm.s32 @!p2 $0x0  }
0x1d: {  	s5 =	simm.s32 @p1 $0x1;
	p0 =	seq.s32 s7, s2  }
0x1e: {  	s7 =	smul.u32 @!p0 $0xF7A, s2;
	p2 =	seq.s32 @!p0 s5, $0x0  }
0x1f: {  	s9 =	smul.u32 $0xF7A, s1;
	s8 =	simm.s32 @!p0 $0x1BF5;
	p2 =	por !p2, p0  }
0x20: {  	[sflag:s8] =	ssyncset.s32 @!p0 $0xFFFFF086;
	s6 =	sadd.s32 @!p0 s3, s7;
	s7 =	simm.s32 @!p0 $0x108  }
0x21: {  	s3 =	sadd.s32 s3, s9;
	s6 =	sadd.s32 @!p0 $0x88, s6;
	s7 =	simm.s32 @p2 $0x1082  }
0x22: {  	[simem:s7], [sflag:s8] =	dma.local @!p0 [hbm:s6], $0xF7A  }
0x23: {  	s9 =	sor.u32 $0xD0000000, s2;
	s6 =	simm.s32 $0x108;
	_ =	swait.ge @!p0 [sflag:s8], $0x0  }
0x24: {  	s3 =	sadd.s32 $0x88, s3;
	s6 =	simm.s32 @!p1 $0x1082;
	[sflag:s4] =	ssyncset.s32 $0xFFFFF086  }
0x25: {  	[simem:s6], [sflag:s4] =	dma.local [hbm:s3], $0xF7A  }
0x26: {  	[smem:$0x3F9E] =	sst s1;
	(tag) =	ssettag s2;
	_ =	strace s9  }
0x27: {  	s1 =	sld [smem:$0x3FAE]  }
0x28: {  	s2 =	sld [smem:$0x3FAF]  }
0x29: {  	s4 =	sld [smem:$0x3FB1]  }
0x2a: {  	p0 =	seq.s32 s5, $0x0;
	s5 =	sld [smem:$0x3FB2]  }
0x2b: {  	s6 =	sld [smem:$0x3FB3]  }
0x2c: {  	s7 =	sld [smem:$0x3FB4]  }
0x2d: {  	s3 =	simm.s32 $0x108;
	s8 =	sld [smem:$0x3FB5]  }
0x2e: {  	s3 =	simm.s32 @!p0 $0x1082;
	s9 =	sld [smem:$0x3FB6]  }
0x2f: {  	lr =	sadd.s32 s0, s3;
	s0 =	sld [smem:$0x3FAD]  }
0x30: {  	s3 =	sld [smem:$0x3FB0]  }
0x31: {  	[smem:$0x3FB9] =	sst s10  }
0x32: {  	s10 =	sld [smem:$0x3FB7];
	_ =	sdelay $0x3  }
0x33: {  	p0 =	seq.s32 s10, $0x1;
	s10 =	sld [smem:$0x3FB9];
	_ =	sdelay $0x3  }
0x34: {  	[smem:$0x3FB9] =	sst s10  }
0x35: {  	s10 =	sld [smem:$0x3FB8];
	_ =	sdelay $0x3  }
0x36: {  	p1 =	seq.s32 s10, $0x1;
	s10 =	sld [smem:$0x3FB9];
	_ =	sdelay $0x3  }
0x37: {  	[smem:$0x3FB9] =	sst s10  }
0x38: {  	s10 =	sld [smem:$0x3FBA]  }
0x39: {  	_ = 	snop;
	(pc) =	sbr.ind lr, $3  }
0x3a: {  	_ = 	snop  }
0x3b: {  	_ = 	snop  }
0x3c: {  	p2 =	seq.s32 s10, $0x1;
	s10 =	sld [smem:$0x3FB9]  }
0x3d: {  	_ =	shalt  }
0x3e: {  	_ =	shalt  }
0x3f: {  	_ =	shalt  }
0x40: {  	_ =	shalt  }
0x41: {  	_ =	shalt  }
0x42: {  	_ =	shalt  }
0x43: {  	_ =	shalt  }
0x44: {  	_ =	shalt  }
0x45: {  	_ =	shalt  }
0x46: {  	_ =	shalt  }
0x47: {  	_ =	shalt  }
0x48: {  	_ =	shalt  }
0x49: {  	_ =	shalt  }
0x4a: {  	_ =	shalt  }
0x4b: {  	_ =	shalt  }
0x4c: {  	_ =	shalt  }
0x4d: {  	_ =	shalt  }
0x4e: {  	_ =	shalt  }
0x4f: {  	_ =	shalt  }
0x50: {  	_ =	shalt  }
0x51: {  	_ =	shalt  }
0x52: {  	_ =	shalt  }
0x53: {  	_ =	shalt  }
0x54: {  	_ =	shalt  }
0x55: {  	_ =	shalt  }
0x56: {  	_ =	shalt  }
0x57: {  	_ =	shalt  }
0x58: {  	_ =	shalt  }
0x59: {  	_ =	shalt  }
0x5a: {  	_ =	shalt  }
0x5b: {  	_ =	shalt  }
0x5c: {  	_ =	shalt  }
0x5d: {  	_ =	shalt  }
0x5e: {  	_ =	shalt  }
0x5f: {  	_ =	shalt  }
0x60: {  	_ =	shalt  }
0x61: {  	_ =	shalt  }
0x62: {  	_ =	shalt  }
0x63: {  	_ =	shalt  }
0x64: {  	_ =	shalt  }
0x65: {  	_ =	shalt  }
0x66: {  	_ =	shalt  }
0x67: {  	_ =	shalt  }
0x68: {  	_ =	shalt  }
0x69: {  	_ =	shalt  }
0x6a: {  	_ =	shalt  }
0x6b: {  	_ =	shalt  }
0x6c: {  	_ =	shalt  }
0x6d: {  	_ =	shalt  }
0x6e: {  	_ =	shalt  }
0x6f: {  	_ =	shalt  }
0x70: {  	_ =	shalt  }
0x71: {  	_ =	shalt  }
0x72: {  	_ =	shalt  }
0x73: {  	_ =	shalt  }
0x74: {  	_ =	shalt  }
0x75: {  	_ =	shalt  }
0x76: {  	_ =	shalt  }
0x77: {  	_ =	shalt  }
0x78: {  	_ =	shalt  }
0x79: {  	_ =	shalt  }
0x7a: {  	_ =	shalt  }
0x7b: {  	_ =	shalt  }
0x7c: {  	_ =	shalt  }
0x7d: {  	_ =	shalt  }
0x7e: {  	_ =	shalt  }
0x7f: {  	_ =	shalt  }
0x80: {  	_ =	shalt  }
0x81: {  	_ =	shalt  }
0x82: {  	_ =	shalt  }
0x83: {  	_ =	shalt  }
0x84: {  	_ =	shalt  }
0x85: {  	_ =	shalt  }
0x86: {  	_ =	shalt  }
0x87: {  	_ =	shalt  }
.Lfunc_end0:
.L_simem_size_0:
called_computation_lowered:
.L_overlay_start_0:
0x88: {  	s2 =	sld [smem:$0x3FD9]  }
0x89: {  	s3 =	sld [smem:$0x3FFE];
	_ =	sdelay $0x1  }
0x8a: {  	s1 =	srdreg.scid  }
0x8b: {  	s0 =	sand.u32 $0x1, s1  }
0x8c: {  	s14 =	sshll.u32 s0, $0xA;
	s2 =	sadd.s32 s3, s2  }
0x8d: {  	s2 =	sadd.s32 s2, s14  }
0x8e: {  	[smem:$0x3FC5] =	sst s2  }
0x8f: {  	_ = 	snop  }
0x90: {  	s2 =	sld [smem:$0x3FD0];
	_ =	sdelay $0x2  }
0x91: {  	s4 =	simm.s32 $0xA;
	s5 =	simm.s32 $0x10;
	s15 =	sld [smem:$0x3FC7]  }
0x92: {  	[smem:s5], [sflag:s4] =	dma.local [hbm:s2], $0x1  }
0x93: {  	_ =	swait.eq [sflag:s4], $0x1  }
0x94: {  	[sflag:s4] =	ssyncset.done $0x0  }
0x95: {  	s16 =	sld [smem:$0x10];
	[sflag:s4] =	ssyncadd.s32 $0xFFFFFFFF  }
0x96: {  	s17 =	sld [smem:$0x11];
	(tm) =	ssettm $0x1  }
0x97: {  	s18 =	sld [smem:$0x3FFB];
	_ =	sdelay $0x3  }
0x98: {  	_ =	strace s18  }
0x99: {  	s5 =	sld [smem:$0x3FFC];
	_ =	sdelay $0x3  }
0x9a: {  	_ =	strace s5  }
0x9b: {  	s5 =	sld [smem:$0x3FFD];
	_ =	sdelay $0x3  }
0x9c: {  	_ =	strace s5  }
0x9d: {  	_ =	strace $0x8FFFFFFF  }
0x9e: {  	s19 =	sld [smem:$0x3FDB];
	_ =	sdelay $0x1  }
0x9f: {  	s6 =	simm.s32 $_scs_section_size  }
0xa0: {  	s7 =	simm.s32 $_size__tile_overlayer_lowered;
	s8 =	simm.s32 $_tile_overlayer_lowered  }
0xa1: {  	s22 =	simm.s32 $0x1BFF;
	s21 =	sshll.u32 s8, $0x1;
	s5 =	sadd.s32 s6, s19  }
0xa2: {  	s9 =	simm.s32 $0x0;
	s20 =	sshll.u32 s7, $0x1;
	s7 =	sadd.s32 s21, s5  }
0xa3: {  	[timem:s9], [sflag:s22] =	dma.local [hbm:s7], s20  }
0xa4: {  	_ =	swait.ge [sflag:s22], s20  }
0xa5: {  	s6 =	ssub.s32 $0x0, s20;
	[sflag:s22] =	ssyncset.done $0x0  }
0xa6: {  	[sflag:s22] =	ssyncadd.s32 s6;
	_ =	sdelay $0x1  }
0xa7: {  	s23 =	simm.s32 $0x1B8B  }
0xa8: {  	_ =	swait.ge [sflag:s23], $0x1  }
0xa9: {  	[sflag:s23] =	ssyncset.done $0x0  }
0xaa: {  	s25 =	simm.s32 $0x1B8E;
	s24 =	sld [smem:$0x3FFE];
	[sflag:s23] =	ssyncadd.s32 $0xFFFFFFFF  }
0xab: {  	s26 =	simm.s32 $execute0_lowered;
	[smem:$0x3FD2] =	sst s25  }
0xac: {  	s7 =	sshll.u32 s26, $0x1;
	_ =	strace $0x80000046;
	[dreg:$0x1] =	wrdreg $0xFFFFFFFF  }
0xad: {  	s28 =	simm.s32 $_size_execute0_lowered;
	s5 =	sadd.s32 s5, s7;
	[dreg:$0x0] =	wrdreg $0x0  }
0xae: {  	s7 =	sshll.u32 s28, $0x1;
	[dreg:$0x2] =	wrdreg s5  }
0xaf: {  	[dreg:$0x3] =	wrdreg s7  }
0xb0: {  	[dreg:$0x4] =	wrdreg $0xC0  }
0xb1: {  	_ =	task [dreg:s9], $0x5FFFF  }
0xb2: {  	[dreg:$0x1] =	wrdreg $0xFFFFFFFF  }
0xb3: {  	[dreg:$0x0] =	wrdreg $0x60  }
0xb4: {  	[dreg:$0x2] =	wrdreg s24  }
0xb5: {  	[dreg:$0x3] =	wrdreg s15  }
0xb6: {  	[dreg:$0x4] =	wrdreg s16  }
0xb7: {  	[dreg:$0x5] =	wrdreg s17  }
0xb8: {  	[dreg:$0x6] =	wrdreg $0x9  }
0xb9: {  	_ =	task.clear_ibuf [dreg:s9], $0x7FFFF;
	_ =	strace $0x90000046  }
0xba: {  	s29 =	simm.s32 $0x9;
	_ =	strace $0x80000048  }
0xbb: {  	_ =	swait.ge [sflag:s29], $0x1  }
0xbc: {  	[sflag:s29] =	ssyncadd.s32 $0xFFFFFFFF  }
0xbd: {  	_ =	strace $0x90000048  }
0xbe: {  	_ =	sfence  }
0xbf: {  	s30 =	sld [smem:$0x0];
	_ =	sdelay $0x2  }
0xc0: {  	s31 =	sshll.u32 s1, $0xD;
	s1 =	sshrl.u32 s1, $0x2  }
0xc1: {  	s3 =	sand.u32 $0x4000, s31;
	s1 =	sadd.s32 s1, s30  }
0xc2: {  	s0 =	sor.u32 s3, s0;
	s1 =	sshll.u32 s1, $0x11  }
0xc3: {  	s0 =	sor.u32 s1, s0  }
0xc4: {  	s0 =	sadd.s32 $0x8F2B, s0  }
0xc5: {  	[sflag:s0] =	ssyncadd.remote.s32 $0x1  }
0xc6: {  	_ =	sfence.sel $0xFFFF  }
0xc7: {  	[dreg:$0x0] =	wrdreg $0xFFFFFFFF;
	(pc) =	sbr.abs _section_cstart, $3  }
0xc8: {  	[dreg:$0x1] =	wrdreg $0xFFFFFFFF  }
0xc9: {  	_ =	task.clear_ibuf [dreg:s9], $0x2FFFF;
	_ =	strace $0x9FFFFFFF  }
0xca: {  	(tm) =	ssettm $0x7FFFFFFF  }
0xcb: {  	_ =	shalt  }
tec
execute0_lowered:
.L_overlay_start_1:
0x0: {  	(tag) =	ssettag $0x1  }
0x1: {  	s4 =	rddreg [dreg:$0x0]  }
0x2: {  	s1 =	rddreg [dreg:$0x1];
	s2 =	srdreg.scid  }
0x3: {  	s5 =	rddreg [dreg:$0x2];
	s0 =	stileid.u32  }
0x4: {  	s7 =	rddreg [dreg:$0x3];
	s10 =	simm.s32 $0x8000;
	s11 =	simm.s32 $0x1  }
0x5: {  	s12 =	simm.s32 $0x2;
	s13 =	simm.s32 $0x8040;
	s14 =	simm.s32 $0x9040  }
0x6: {  	s15 =	simm.s32 $0x3;
	s16 =	simm.s32 $0x0;
	s6 =	sand.u32 $0x1, s2  }
0x7: {  	s3 =	sshll.u32 s0, $0xA;
	s2 =	rddreg [dreg:$0x4];
	s8 =	sshll.u32 s6, $0x9  }
0x8: {  	s6 =	ssub.s32 $0x2, s6;
	s8 =	sor.u32 s8, s3;
	s3 =	simm.s32 $0x0  }
0x9: {  	s31 =	sshrl.u32 s6, $0x1;
	s9 =	sshrl.u32 s8, $0x3;
	[smem:$0x7FF] =	sst s3  }
0xa: {  	s5 =	sadd.s32 s5, s8;
	s4 =	sadd.s32 s9, s4;
	_ =	strace $0x80000047  }
0xb: {  	v0 =	vlaneseq.u32;
	s9 =	ssub.s32 s6, s31;
	s6 =	sadd.s32 s7, s8;
	s8 =	simm.s32 $0x200  }
0xc: {  	v1 =	vimm.f32 $0.0e+00;
	v27 =	vimm.s32 $0x0;
	v33 =	vand.u32 $0x7, v0;
	s4 =	sadd.s32 $0xC00, s4;
	s7 =	smax.u32 s9, $0x1;
	s9 =	simm.s32 $0x4000  }
.LBB2_1:
0xd: {  	[tilespmem:s3], [sflag:$0x1] =	stream.strided.gather [hbm4b:s4+s8], $0x8000, s9, s8, $0x38;
	[tilespmem:$0xA040] =	vst v63  }
0xe: {  	_ = 	snop  }
0xf: {  	[tilespmem:s10], [sflag:$0x2] =	stream.linear.gather [hbm4b:s1+s3], $0x40, $0x38;
	[tilespmem:$0xA040] =	vst v63  }
0x10: {  	_ =	swait.ge [sflag:s11], $0x8000  }
0x11: {  	[sflag:s11] =	ssyncset.done $0x0  }
0x12: {  	[sflag:s11] =	ssyncadd.s32 $0xFFFF8000  }
0x13: {  	_ =	swait.ge [sflag:s12], $0x40  }
0x14: {  	[sflag:s12] =	ssyncset.done $0x0  }
0x15: {  	s17 =	simm.s32 $0x0;
	s18 =	simm.s32 $0x0;
	[sflag:s12] =	ssyncadd.s32 $0xFFFFFFC0  }
.LBB2_2:
0x16: {  	s19 =	sshra.s32 s18, $0x2  }
0x17: {  	v6 =	vld [tilespmem:s19+$0x0]  }
0x18: {  	v5 =	vld [tilespmem:s19+$0x200]  }
0x19: {  	v3 =	vld [tilespmem:s19+$0x400]  }
0x1a: {  	v0 =	vld [tilespmem:s19+$0x600]  }
0x1b: {  	v2 =	vld [tilespmem:s19+$0x800]  }
0x1c: {  	v60 =	vld [tilespmem:s19+$0xA00]  }
0x1d: {  	v59 =	vld [tilespmem:s19+$0x1000]  }
0x1e: {  	v58 =	vld [tilespmem:s19+$0x1200]  }
0x1f: {  	v51 =	vld [tilespmem:s19+$0x2000]  }
0x20: {  	v50 =	vld [tilespmem:s19+$0x2200]  }
0x21: {  	v57 =	vld [tilespmem:s19+$0x1400]  }
0x22: {  	v49 =	vld [tilespmem:s19+$0x2400]  }
0x23: {  	v56 =	vld [tilespmem:s19+$0x1600];
	v4 =	vmax.f32 v6, v5  }
0x24: {  	v62 =	vld [tilespmem:s19+$0xC00];
	v7 =	vmin.f32 v6, v5;
	v9 =	vmax.f32 v59, v58;
	v10 =	vmin.f32 v59, v58  }
0x25: {  	v55 =	vld [tilespmem:s19+$0x1800];
	v18 =	vmax.f32 v51, v50;
	v20 =	vmin.f32 v51, v50;
	v8 =	vmin.f32 v4, v3  }
0x26: {  	v63 =	vld [tilespmem:s19+$0xE00];
	v4 =	vmax.f32 v4, v3;
	v11 =	vmin.f32 v9, v57;
	v9 =	vmax.f32 v9, v57  }
0x27: {  	v54 =	vld [tilespmem:s19+$0x1A00];
	v21 =	vmin.f32 v18, v49;
	v7 =	vmax.f32 v7, v8;
	v40 =	vmin.f32 v4, v0  }
0x28: {  	v53 =	vld [tilespmem:s19+$0x1C00];
	v4 =	vmax.f32 v4, v0;
	v10 =	vmax.f32 v10, v11;
	v12 =	vmin.f32 v9, v56  }
0x29: {  	v52 =	vld [tilespmem:s19+$0x1E00];
	v9 =	vmax.f32 v9, v56;
	v7 =	vmax.f32 v7, v40;
	v41 =	vmin.f32 v4, v2  }
0x2a: {  	v48 =	vld [tilespmem:s19+$0x2600];
	v4 =	vmax.f32 v4, v2;
	v10 =	vmax.f32 v10, v12;
	v13 =	vmin.f32 v9, v55  }
0x2b: {  	v47 =	vld [tilespmem:s19+$0x2800];
	v9 =	vmax.f32 v9, v55;
	v7 =	vmax.f32 v7, v41;
	v42 =	vmin.f32 v4, v60  }
0x2c: {  	v44 =	vld [tilespmem:s19+$0x2A00];
	v4 =	vmax.f32 v4, v60;
	v10 =	vmax.f32 v10, v13;
	v14 =	vmin.f32 v9, v54  }
0x2d: {  	v45 =	vld [tilespmem:s19+$0x2C00];
	v9 =	vmax.f32 v9, v54;
	v7 =	vmax.f32 v7, v42;
	v43 =	vmin.f32 v4, v62  }
0x2e: {  	v46 =	vld [tilespmem:s19+$0x2E00];
	v4 =	vmax.f32 v4, v62;
	v10 =	vmax.f32 v10, v14;
	v15 =	vmin.f32 v9, v53  }
0x2f: {  	v35 =	vld [tilespmem:s19+$0x4000];
	v9 =	vmax.f32 v9, v53;
	v7 =	vmax.f32 v7, v43;
	v61 =	vmin.f32 v4, v63  }
0x30: {  	v42 =	vld [tilespmem:s19+$0x3200];
	v16 =	vmax.f32 v10, v15;
	v17 =	vmin.f32 v9, v52;
	v4 =	vmax.f32 v4, v63  }
0x31: {  	v43 =	vld [tilespmem:s19+$0x3000];
	v9 =	vmax.f32 v9, v52;
	v7 =	vmax.f32 v7, v61;
	v8 =	vmax.f32 v16, v17  }
0x32: {  	v34 =	vld [tilespmem:s19+$0x4200];
	v14 =	vadd.f32 v7, v4;
	v19 =	vadd.f32 v8, v9;
	v4 =	vmax.f32 v18, v49  }
0x33: {  	v41 =	vld [tilespmem:s19+$0x3400];
	v7 =	vmax.f32 v20, v21;
	v22 =	vmin.f32 v4, v48;
	v4 =	vmax.f32 v4, v48  }
0x34: {  	v39 =	vld [tilespmem:s19+$0x3800];
	v7 =	vmax.f32 v7, v22;
	v23 =	vmin.f32 v4, v47;
	v4 =	vmax.f32 v4, v47  }
0x35: {  	v40 =	vld [tilespmem:s19+$0x3600];
	vm0 =	vge.f32 v14, v19;
	v7 =	vmax.f32 v7, v23;
	v30 =	vmin.f32 v4, v44  }
0x36: {  	v38 =	vld [tilespmem:s19+$0x3A00];
	v4 =	vmax.f32 v4, v44;
	v61 =	vmax.f32 v43, v42;
	v16 =	vmin.f32 v43, v42  }
0x37: {  	v37 =	vld [tilespmem:s19+$0x3C00];
	v7 =	vmax.f32 v7, v30;
	v31 =	vmin.f32 v4, v45;
	v4 =	vmax.f32 v4, v45  }
0x38: {  	v12 =	vld [tilespmem:s19+$0x4400];
	v17 =	vmin.f32 v61, v41;
	v9 =	vmax.f32 v61, v41;
	v61 =	vmax.f32 v35, v34  }
0x39: {  	v36 =	vld [tilespmem:s19+$0x3E00];
	v7 =	vmax.f32 v7, v31;
	v32 =	vmin.f32 v4, v46;
	v10 =	vmax.f32 v16, v17  }
0x3a: {  	v24 =	vld [tilespmem:s19+$0x4C00];
	v18 =	vmin.f32 v9, v40;
	v9 =	vmax.f32 v9, v40;
	v4 =	vmax.f32 v4, v46  }
0x3b: {  	v11 =	vld [tilespmem:s19+$0x5200];
	v10 =	vmax.f32 v10, v18;
	v21 =	vmin.f32 v9, v39;
	v9 =	vmax.f32 v9, v39  }
0x3c: {  	v13 =	vld [tilespmem:s19+$0x4800];
	v7 =	vmax.f32 v7, v32;
	v10 =	vmax.f32 v10, v21;
	v22 =	vmin.f32 v9, v38  }
0x3d: {  	v15 =	vld [tilespmem:s19+$0x4600];
	v9 =	vmax.f32 v9, v38;
	v21 =	vadd.f32 v7, v4;
	v4 =	vmax.f32 v61, v12  }
0x3e: {  	v23 =	vld [tilespmem:s19+$0x4A00];
	v10 =	vmax.f32 v10, v22;
	v30 =	vmin.f32 v9, v37;
	v9 =	vmax.f32 v9, v37  }
0x3f: {  	v18 =	vld [tilespmem:s19+$0x5000];
	v22 =	vmin.f32 v35, v34;
	v31 =	vmax.f32 v10, v30;
	v32 =	vmin.f32 v9, v36  }
0x40: {  	v17 =	vld [tilespmem:s19+$0x5400];
	v9 =	vmax.f32 v9, v36;
	v30 =	vmin.f32 v61, v12;
	vm1 =	vge.f32 v14, v21  }
0x41: {  	v25 =	vld [tilespmem:s19+$0x4E00];
	vm5 =	vge.f32 v19, v21;
	v8 =	vmax.f32 v31, v32;
	v7 =	vmax.f32 v22, v30  }
0x42: {  	v16 =	vld [tilespmem:s19+$0x5600];
	v31 =	vmin.f32 v4, v15;
	v4 =	vmax.f32 v4, v15;
	v20 =	vadd.f32 v8, v9  }
0x43: {  	[tilespmem:$0x1FE20] =	vst v12;
	v12 =	vld [tilespmem:s19+$0x5800];
	v7 =	vmax.f32 v7, v31;
	v32 =	vmin.f32 v4, v13;
	v4 =	vmax.f32 v4, v13  }
0x44: {  	[tilespmem:$0x1FE30] =	vst v15;
	v15 =	vld [tilespmem:s19+$0x5A00];
	v30 =	vmax.f32 v18, v11;
	v31 =	vmin.f32 v18, v11;
	v7 =	vmax.f32 v7, v32  }
0x45: {  	[tilespmem:$0x1FE40] =	vst v13;
	v13 =	vld [tilespmem:s19+$0x5C00];
	v61 =	vmin.f32 v4, v23;
	v4 =	vmax.f32 v4, v23;
	v32 =	vmin.f32 v30, v17  }
0x46: {  	[tilespmem:$0x1FE80] =	vst v18;
	v18 =	vld [tilespmem:s19+$0x6400];
	v9 =	vmax.f32 v30, v17;
	v7 =	vmax.f32 v7, v61;
	v22 =	vmin.f32 v4, v24  }
0x47: {  	[tilespmem:$0x1FE90] =	vst v11;
	v11 =	vld [tilespmem:s19+$0x7400];
	v4 =	vmax.f32 v4, v24;
	v10 =	vmax.f32 v31, v32;
	v61 =	vmin.f32 v9, v16  }
0x48: {  	[tilespmem:$0x1FE50] =	vst v23;
	v23 =	vld [tilespmem:s19+$0x5E00];
	v9 =	vmax.f32 v9, v16;
	vm15 =	vge.f32 v14, v20;
	vm7 =	vge.f32 v19, v20  }
0x49: {  	[tilespmem:$0x1FE60] =	vst v24;
	v24 =	vld [tilespmem:s19+$0x6000];
	v7 =	vmax.f32 v7, v22;
	v8 =	vmin.f32 v4, v25;
	v10 =	vmax.f32 v10, v61  }
0x4a: {  	[tilespmem:$0x1FEA0] =	vst v17;
	v22 =	vld [tilespmem:s19+$0x6200];
	v30 =	vmin.f32 v9, v12;
	v9 =	vmax.f32 v9, v12;
	v4 =	vmax.f32 v4, v25  }
0x4b: {  	[tilespmem:$0x1FEB0] =	vst v16;
	v17 =	vld [tilespmem:s19+$0x6600];
	v10 =	vmax.f32 v10, v30;
	v31 =	vmin.f32 v9, v15;
	v9 =	vmax.f32 v9, v15  }
0x4c: {  	v16 =	vld [tilespmem:s19+$0x6A00];
	[tilespmem:$0x1FEC0] =	vst v12;
	v10 =	vmax.f32 v10, v31;
	v32 =	vmin.f32 v9, v13;
	v9 =	vmax.f32 v9, v13  }
0x4d: {  	v12 =	vld [tilespmem:s19+$0x6800];
	v7 =	vmax.f32 v7, v8;
	[tilespmem:$0x1FEE0] =	vst v13;
	v61 =	vmax.f32 v10, v32;
	v13 =	vmin.f32 v9, v23  }
0x4e: {  	[tilespmem:$0x1FEF0] =	vst v23;
	v9 =	vmax.f32 v9, v23;
	v23 =	vadd.f32 v7, v4;
	v10 =	vld [tilespmem:s19+$0x7200];
	v8 =	vmax.f32 v61, v13  }
0x4f: {  	v13 =	vld [tilespmem:s19+$0x7000];
	v61 =	vadd.f32 v8, v9;
	v30 =	vmax.f32 v24, v22;
	v32 =	vmin.f32 v24, v22  }
0x50: {  	[tilespmem:$0x1FED0] =	vst v15;
	v15 =	vld [tilespmem:s19+$0x6C00];
	vm4 =	vge.f32 v14, v23;
	v31 =	vmin.f32 v30, v18;
	v4 =	vmax.f32 v30, v18  }
0x51: {  	[tilespmem:$0x1FF20] =	vst v18;
	v7 =	vmax.f32 v32, v31;
	v18 =	vmin.f32 v4, v17;
	v4 =	vmax.f32 v4, v17  }
0x52: {  	[tilespmem:$0x1FF10] =	vst v22;
	vm8 =	vge.f32 v19, v23;
	v7 =	vmax.f32 v7, v18;
	v22 =	vmin.f32 v4, v12  }
0x53: {  	[tilespmem:$0x1FF40] =	vst v12;
	vm6 =	vge.f32 v14, v61;
	v4 =	vmax.f32 v4, v12;
	v12 =	vld [tilespmem:s19+$0x7600];
	v7 =	vmax.f32 v7, v22  }
0x54: {  	[tilespmem:$0x1FFA0] =	vst v11;
	v30 =	vmin.f32 v4, v16;
	v4 =	vmax.f32 v4, v16;
	v22 =	vld [tilespmem:s19+$0x6E00];
	v32 =	vmax.f32 v13, v10  }
0x55: {  	[tilespmem:$0x1FF30] =	vst v17;
	v18 =	vld [tilespmem:s19+$0x7800];
	v17 =	vmin.f32 v13, v10;
	v7 =	vmax.f32 v7, v30;
	v31 =	vmin.f32 v4, v15  }
0x56: {  	[tilespmem:$0x1FF90] =	vst v10;
	v30 =	vmin.f32 v32, v11;
	v10 =	vmax.f32 v4, v15;
	v4 =	vsel vm1, $0x3F800000, v1  }
0x57: {  	[tilespmem:$0x1FF00] =	vst v24;
	v7 =	vmax.f32 v7, v31;
	v8 =	vmax.f32 v17, v30;
	v31 =	vmax.f32 v32, v11  }
0x58: {  	v24 =	vld [tilespmem:s19+$0x7A00];
	[tilespmem:$0x1FFB0] =	vst v12;
	v9 =	vmin.f32 v31, v12;
	v11 =	vmax.f32 v31, v12;
	v12 =	vsel vm0, $0x3F800000, v1  }
0x59: {  	[tilespmem:$0x1FF60] =	vst v15;
	v17 =	vld [tilespmem:s19+$0x7C00];
	v30 =	vsub.f32 $1.000000000e+00, v4;
	v32 =	vmin.f32 v10, v22;
	v15 =	vsub.f32 $1.000000000e+00, v12  }
0x5a: {  	[tilespmem:$0x1FF80] =	vst v13;
	v31 =	vmax.f32 v8, v9;
	v13 =	vmax.f32 v7, v32;
	v32 =	vmin.f32 v11, v18  }
0x5b: {  	vm2 =	vge.f32 v19, v61;
	v7 =	vsel vm15, $0x3F800000, v1;
	v9 =	vmax.f32 v31, v32  }
0x5c: {  	v15 =	vadd.f32 v30, v15;
	v30 =	vmax.f32 v10, v22;
	v31 =	vmax.f32 v11, v18  }
0x5d: {  	[tilespmem:$0x1FFC0] =	vst v18;
	v32 =	vsub.f32 $1.000000000e+00, v7;
	v11 =	vmin.f32 v31, v24;
	v10 =	vmax.f32 v31, v24  }
0x5e: {  	[tilespmem:$0x1FF70] =	vst v22;
	v22 =	vld [tilespmem:s19+$0x7E00];
	v8 =	vadd.f32 v13, v30;
	v9 =	vmax.f32 v9, v11;
	v18 =	vmin.f32 v10, v17  }
0x5f: {  	v13 =	vadd.f32 v32, v15;
	v15 =	vmax.f32 v10, v17;
	v10 =	vsel vm5, $0x3F800000, v1  }
0x60: {  	[tilespmem:$0x1FFE0] =	vst v17;
	v17 =	vsel vm2, $0x3F800000, v1;
	vm5 =	vge.f32 v20, v61;
	vm2 =	vge.f32 v23, v61  }
0x61: {  	v11 =	vmax.f32 v9, v18;
	v9 =	vsel vm4, $0x3F800000, v1;
	v32 =	vsub.f32 $1.000000000e+00, v10  }
0x62: {  	vm9 =	vge.f32 v14, v8;
	vm11 =	vge.f32 v19, v8;
	v31 =	vsub.f32 $1.000000000e+00, v9  }
0x63: {  	[tilespmem:$0x1FE70] =	vst v25;
	v25 =	vsub.f32 $1.000000000e+00, v17;
	vm4 =	vge.f32 v20, v8;
	v30 =	vmin.f32 v15, v22  }
0x64: {  	[tilespmem:$0x1FF50] =	vst v16;
	v4 =	vadd.f32 v10, v4;
	v16 =	vmax.f32 v11, v30;
	v13 =	vadd.f32 v31, v13  }
0x65: {  	v11 =	vsel vm6, $0x3F800000, v1;
	v30 =	vadd.f32 v32, v12;
	v12 =	vsel vm7, $0x3F800000, v1  }
0x66: {  	v15 =	vmax.f32 v15, v22;
	v31 =	vsub.f32 $1.000000000e+00, v11;
	v32 =	vsub.f32 $1.000000000e+00, v12  }
0x67: {  	vm1 =	vge.f32 v23, v8;
	v15 =	vadd.f32 v16, v15;
	v7 =	vadd.f32 v12, v7  }
0x68: {  	vm6 =	vge.f32 v20, v23;
	v10 =	vadd.f32 v17, v11;
	v18 =	vadd.f32 v31, v13  }
0x69: {  	[tilespmem:$0x1FFD0] =	vst v24;
	v13 =	vsel vm8, $0x3F800000, v1;
	vm10 =	vge.f32 v14, v15;
	v14 =	vsel vm9, $0x3F800000, v1  }
0x6a: {  	[tilespmem:$0x1FFF0] =	vst v22;
	v22 =	vadd.f32 v32, v30;
	vm12 =	vge.f32 v19, v15;
	v24 =	vsub.f32 $1.000000000e+00, v14  }
0x6b: {  	vm9 =	vge.f32 v21, v61;
	vm8 =	vge.f32 v21, v8;
	v16 =	vsel vm10, $0x3F800000, v1  }
0x6c: {  	vm7 =	vge.f32 v21, v15;
	v26 =	vsub.f32 $1.000000000e+00, v16;
	v24 =	vadd.f32 v24, v18  }
0x6d: {  	vm3 =	vge.f32 v20, v15;
	vm15 =	vge.f32 v23, v15;
	v30 =	vsub.f32 $1.000000000e+00, v13  }
0x6e: {  	v31 =	vimm.s32 $0x0;
	v19 =	vsel vm12, $0x3F800000, v1;
	v24 =	vadd.f32 v26, v24  }
0x6f: {  	vm10 =	vge.f32 v21, v23;
	v9 =	vadd.f32 v13, v9;
	v22 =	vadd.f32 v30, v22  }
0x70: {  	v18 =	vsel vm11, $0x3F800000, v1;
	vm11 =	vge.f32 v21, v20;
	vm13 =	vlt.f32 v24, $4.000000000e+00  }
0x71: {  	v22 =	vadd.f32 v25, v22;
	v25 =	vsub.f32 $1.000000000e+00, v18;
	v24 =	vsel vm13, $0x3F800000, v1  }
0x72: {  	v12 =	vadd.f32 v18, v14;
	v18 =	vsel vm10, $0x3F800000, v1;
	v6 =	vmul.f32 v24, v6  }
0x73: {  	v20 =	vsel vm15, $0xFFFFFFFF, v31;
	v9 =	vadd.f32 v9, v18;
	v22 =	vadd.f32 v25, v22  }
0x74: {  	v25 =	vsub.f32 $1.000000000e+00, v19;
	v5 =	vmul.f32 v24, v5;
	vm14 =	vgt.f32 v6, $-1.000000020e+30  }
0x75: {  	v3 =	vmul.f32 v24, v3;
	v0 =	vmul.f32 v24, v0;
	v6 =	vnsel vm14, $0xF149F2CA, v6  }
0x76: {  	v2 =	vmul.f32 v24, v2;
	v21 =	vmul.f32 v24, v62;
	vm12 =	vgt.f32 v5, v6  }
0x77: {  	v23 =	vmul.f32 v24, v63;
	v32 =	vsel vm12, v5, v6;
	v5 =	vsel vm12, v6, v5  }
0x78: {  	v6 =	vmul.f32 v24, v60;
	vm13 =	vgt.f32 v5, $-1.000000020e+30;
	vm14 =	vgt.f32 v3, v32  }
0x79: {  	vm15 =	vmneg vm12;
	v5 =	vnsel vm13, $0xF149F2CA, v5;
	v24 =	vsel vm14, v32, v3  }
0x7a: {  	v22 =	vadd.f32 v25, v22;
	vm13 =	vmand vm13, vm15;
	vm0 =	vgt.f32 v24, v5  }
0x7b: {  	v30 =	vsel vm0, v24, v5;
	v5 =	vsel vm0, v5, v24;
	v24 =	vsel vm12, $0x1, v27  }
0x7c: {  	v3 =	vsel vm14, v3, v32;
	v25 =	vsel vm13, $0x1, v27;
	v26 =	vnsel vm14, $0x2, v24  }
0x7d: {  	vm12 =	vgt.f32 v0, v3;
	vm13 =	vgt.f32 v5, $-1.000000020e+30;
	v31 =	vsel vm0, v26, v25  }
0x7e: {  	v25 =	vsel vm0, v25, v26;
	v26 =	vsel vm12, v3, v0;
	v0 =	vsel vm12, v0, v3  }
0x7f: {  	v3 =	vsel vm14, $0x2, v24;
	v5 =	vnsel vm13, $0xF149F2CA, v5;
	vm15 =	vgt.f32 v26, v30  }
0x80: {  	[tilespmem:$0x1FE10] =	vst v20;
	v24 =	vsel vm15, v30, v26;
	v20 =	vsel vm15, v26, v30;
	v26 =	vnsel vm12, $0x3, v3  }
0x81: {  	vm0 =	vgt.f32 v24, v5;
	v32 =	vsel vm15, v26, v31;
	v26 =	vsel vm15, v31, v26  }
0x82: {  	v30 =	vsel vm0, v24, v5;
	v5 =	vsel vm0, v5, v24;
	v24 =	vnsel vm13, $0x0, v25  }
0x83: {  	v11 =	vsub.f32 $1.000000000e+00, v18;
	vm13 =	vgt.f32 v2, v0;
	v25 =	vsel vm0, v26, v24  }
0x84: {  	v24 =	vsel vm0, v24, v26;
	v26 =	vsel vm13, v0, v2;
	v0 =	vsel vm13, v2, v0  }
0x85: {  	v2 =	vsel vm12, $0x3, v3;
	vm14 =	vgt.f32 v5, $-1.000000020e+30;
	vm0 =	vgt.f32 v26, v20  }
0x86: {  	v5 =	vnsel vm14, $0xF149F2CA, v5;
	vm12 =	vgt.f32 v6, v0;
	v24 =	vnsel vm14, $0x0, v24  }
0x87: {  	v3 =	vsel vm0, v26, v20;
	v20 =	vsel vm0, v20, v26;
	v26 =	vnsel vm13, $0x4, v2  }
0x88: {  	v2 =	vsel vm13, $0x4, v2;
	vm15 =	vgt.f32 v20, v30;
	v63 =	vsel vm0, v26, v32  }
0x89: {  	v26 =	vsel vm0, v32, v26;
	v32 =	vsel vm12, v0, v6;
	v31 =	vsel vm15, v30, v20  }
0x8a: {  	v0 =	vsel vm12, v6, v0;
	v20 =	vsel vm15, v20, v30;
	vm0 =	vgt.f32 v31, v5  }
0x8b: {  	v60 =	vsel vm15, v26, v25;
	v25 =	vsel vm15, v25, v26;
	v26 =	vsel vm0, v31, v5  }
0x8c: {  	v5 =	vsel vm0, v5, v31;
	v27 =	vsel vm0, v25, v24;
	v24 =	vsel vm0, v24, v25  }
0x8d: {  	vm0 =	vgt.f32 v32, v3;
	v25 =	vnsel vm12, $0x5, v2;
	v2 =	vsel vm12, $0x5, v2  }
0x8e: {  	v30 =	vsel vm0, v3, v32;
	v3 =	vsel vm0, v32, v3;
	v62 =	vsel vm0, v25, v63  }
0x8f: {  	v25 =	vsel vm0, v63, v25;
	vm14 =	vgt.f32 v5, $-1.000000020e+30;
	vm13 =	vgt.f32 v30, v20  }
0x90: {  	v5 =	vnsel vm14, $0xF149F2CA, v5;
	v31 =	vsel vm13, v20, v30;
	v6 =	vsel vm13, v30, v20  }
0x91: {  	v20 =	vsel vm13, v25, v60;
	v25 =	vsel vm13, v60, v25;
	vm13 =	vgt.f32 v21, v0  }
0x92: {  	v24 =	vnsel vm14, $0x0, v24;
	vm0 =	vgt.f32 v31, v26;
	v28 =	vsel vm13, v0, v21  }
0x93: {  	v0 =	vsel vm13, v21, v0;
	v32 =	vnsel vm13, $0x6, v2;
	v2 =	vsel vm13, $0x6, v2  }
0x94: {  	v60 =	vsel vm0, v31, v26;
	v26 =	vsel vm0, v26, v31;
	v63 =	vsel vm0, v25, v27  }
0x95: {  	v25 =	vsel vm0, v27, v25;
	vm14 =	vgt.f32 v28, v3;
	vm0 =	vgt.f32 v26, v5  }
0x96: {  	v21 =	vsel vm14, v62, v32;
	v27 =	vsel vm0, v26, v5;
	v5 =	vsel vm0, v5, v26  }
0x97: {  	v26 =	vsel vm0, v25, v24;
	v24 =	vsel vm0, v24, v25;
	v25 =	vsel vm14, v3, v28  }
0x98: {  	v3 =	vsel vm14, v28, v3;
	v28 =	vsel vm14, v32, v62;
	vm0 =	vgt.f32 v25, v6  }
0x99: {  	vm14 =	vgt.f32 v5, $-1.000000020e+30;
	v29 =	vsel vm0, v6, v25;
	v6 =	vsel vm0, v25, v6  }
0x9a: {  	v25 =	vsel vm0, v21, v20;
	v20 =	vsel vm0, v20, v21;
	vm12 =	vgt.f32 v29, v60  }
0x9b: {  	v5 =	vnsel vm14, $0xF149F2CA, v5;
	v32 =	vsel vm12, v60, v29;
	v29 =	vsel vm12, v29, v60  }
0x9c: {  	v60 =	vsel vm12, v20, v63;
	v20 =	vsel vm12, v63, v20;
	vm12 =	vgt.f32 v23, v0  }
0x9d: {  	v24 =	vnsel vm14, $0x0, v24;
	vm0 =	vgt.f32 v32, v27;
	v30 =	vsel vm12, v0, v23  }
0x9e: {  	v0 =	vsel vm12, v23, v0;
	v62 =	vsel vm0, v32, v27;
	v21 =	vsel vm0, v27, v32  }
0x9f: {  	v27 =	vsel vm0, v20, v26;
	v20 =	vsel vm0, v26, v20;
	vm14 =	vgt.f32 v30, v3  }
0xa0: {  	v32 =	vnsel vm12, $0x7, v2;
	v2 =	vsel vm12, $0x7, v2;
	vm0 =	vgt.f32 v21, v5  }
0xa1: {  	v31 =	vsel vm14, v3, v30;
	v3 =	vsel vm14, v30, v3;
	v63 =	vsel vm14, v32, v28  }
0xa2: {  	v23 =	vsel vm14, v28, v32;
	v26 =	vsel vm0, v21, v5;
	v5 =	vsel vm0, v5, v21  }
0xa3: {  	v21 =	vsel vm0, v20, v24;
	v20 =	vsel vm0, v24, v20;
	vm13 =	vgt.f32 v31, v6  }
0xa4: {  	vm0 =	vlt.f32 v22, $4.000000000e+00;
	v24 =	vsel vm13, v6, v31;
	v6 =	vsel vm13, v31, v6  }
0xa5: {  	v22 =	vsel vm13, v23, v25;
	v23 =	vsel vm13, v25, v23;
	vm14 =	vgt.f32 v24, v29  }
0xa6: {  	v28 =	vsel vm14, v29, v24;
	v24 =	vsel vm14, v24, v29;
	v25 =	vsel vm14, v23, v60  }
0xa7: {  	v23 =	vsel vm14, v60, v23;
	v60 =	vsel vm0, $0x3F800000, v1;
	vm13 =	vgt.f32 v28, v62  }
0xa8: {  	vm14 =	vge.f32 v61, v8;
	v52 =	vmul.f32 v60, v52;
	v29 =	vsel vm13, v28, v62  }
0xa9: {  	v28 =	vsel vm13, v62, v28;
	v62 =	vsel vm13, v23, v27;
	v23 =	vsel vm13, v27, v23  }
0xaa: {  	v27 =	vmul.f32 v60, v59;
	vm13 =	vgt.f32 v5, $-1.000000020e+30;
	vm0 =	vgt.f32 v28, v26  }
0xab: {  	v5 =	vnsel vm13, $0xF149F2CA, v5;
	v20 =	vnsel vm13, $0x0, v20;
	v59 =	vsel vm0, v28, v26  }
0xac: {  	v26 =	vsel vm0, v26, v28;
	vm15 =	vgt.f32 v27, v0;
	v28 =	vsel vm0, v23, v21  }
0xad: {  	v21 =	vsel vm0, v21, v23;
	vm0 =	vgt.f32 v26, v5;
	v23 =	vsel vm15, v0, v27  }
0xae: {  	v0 =	vsel vm15, v27, v0;
	vm13 =	vgt.f32 v23, v3;
	v30 =	vsel vm0, v26, v5  }
0xaf: {  	v5 =	vsel vm0, v5, v26;
	v26 =	vsel vm0, v21, v20;
	v31 =	vsel vm13, v3, v23  }
0xb0: {  	v20 =	vsel vm0, v20, v21;
	v21 =	vnsel vm15, $0x8, v2;
	vm0 =	vgt.f32 v31, v6  }
0xb1: {  	v3 =	vsel vm13, v23, v3;
	v32 =	vsel vm13, v21, v63;
	v23 =	vsel vm0, v6, v31  }
0xb2: {  	v21 =	vsel vm13, v63, v21;
	vm13 =	vge.f32 v61, v15;
	vm12 =	vgt.f32 v23, v24  }
0xb3: {  	v6 =	vsel vm0, v31, v6;
	v31 =	vsel vm0, v21, v22;
	v63 =	vsel vm12, v24, v23  }
0xb4: {  	v21 =	vsel vm0, v22, v21;
	v22 =	vsel vm12, v23, v24;
	vm0 =	vgt.f32 v63, v29  }
0xb5: {  	v23 =	vsel vm12, v21, v25;
	v21 =	vsel vm12, v25, v21;
	v24 =	vsel vm0, v29, v63  }
0xb6: {  	v25 =	vsel vm0, v63, v29;
	v29 =	vsel vm0, v21, v62;
	vm12 =	vgt.f32 v24, v59  }
0xb7: {  	v21 =	vsel vm0, v62, v21;
	v62 =	vsel vm12, v24, v59;
	v24 =	vsel vm12, v59, v24  }
0xb8: {  	v59 =	vsel vm12, v21, v28;
	v21 =	vsel vm12, v28, v21;
	vm12 =	vgt.f32 v5, $-1.000000020e+30  }
0xb9: {  	vm0 =	vgt.f32 v24, v30;
	v5 =	vnsel vm12, $0xF149F2CA, v5;
	v20 =	vnsel vm12, $0x0, v20  }
0xba: {  	vm12 =	vge.f32 v8, v15;
	v8 =	vmul.f32 v60, v58;
	v58 =	vsel vm11, $0x3F800000, v1  }
0xbb: {  	v15 =	vadd.f32 v19, v16;
	v16 =	vsel vm15, $0x8, v2;
	v28 =	vsel vm0, v24, v30  }
0xbc: {  	v24 =	vsel vm0, v30, v24;
	v30 =	vsel vm0, v21, v26;
	v21 =	vsel vm0, v26, v21  }
0xbd: {  	v61 =	vsub.f32 $1.000000000e+00, v58;
	v7 =	vadd.f32 v7, v58;
	vm0 =	vgt.f32 v24, v5  }
0xbe: {  	v58 =	vsel vm8, $0x3F800000, v1;
	vm11 =	vgt.f32 v8, v0;
	v5 =	vsel vm0, v24, v5  }
0xbf: {  	v20 =	vsel vm0, v21, v20;
	v63 =	vsel vm11, v0, v8;
	v2 =	vadd.f32 v61, v4  }
0xc0: {  	v19 =	vnsel vm11, $0x9, v16;
	v21 =	vsel vm9, $0x3F800000, v1;
	v61 =	vsub.f32 $1.000000000e+00, v58  }
0xc1: {  	v0 =	vsel vm11, v8, v0;
	v16 =	vsel vm11, $0x9, v16;
	vm15 =	vgt.f32 v63, v3  }
0xc2: {  	v10 =	vadd.f32 v10, v21;
	v4 =	vsel vm15, v63, v3;
	v3 =	vsel vm15, v3, v63  }
0xc3: {  	v14 =	vsel vm15, v19, v32;
	v13 =	vsel vm15, v32, v19;
	v2 =	vadd.f32 v11, v2  }
0xc4: {  	v32 =	vsub.f32 $1.000000000e+00, v21;
	v63 =	vsel vm7, $0x3F800000, v1;
	vm15 =	vgt.f32 v3, v6  }
0xc5: {  	v15 =	vadd.f32 v15, v63;
	v21 =	vsub.f32 $1.000000000e+00, v63;
	v18 =	vsel vm15, v3, v6  }
0xc6: {  	v3 =	vsel vm15, v6, v3;
	v19 =	vsel vm15, v13, v31;
	v13 =	vsel vm15, v31, v13  }
0xc7: {  	v2 =	vadd.f32 v32, v2;
	v6 =	vadd.f32 v12, v58;
	v31 =	vsel vm6, $0x3F800000, v1  }
0xc8: {  	vm9 =	vgt.f32 v3, v22;
	v32 =	vsub.f32 $1.000000000e+00, v31;
	v9 =	vadd.f32 v9, v31  }
0xc9: {  	v2 =	vadd.f32 v61, v2;
	v11 =	vsel vm9, v3, v22;
	v3 =	vsel vm9, v22, v3  }
0xca: {  	v12 =	vsel vm9, v13, v23;
	v13 =	vsel vm9, v23, v13;
	vm10 =	vgt.f32 v3, v25  }
0xcb: {  	v61 =	vsel vm3, $0x3F800000, v1;
	v7 =	vadd.f32 v32, v7;
	v17 =	vsel vm10, v3, v25  }
0xcc: {  	v3 =	vsel vm10, v25, v3;
	v22 =	vsel vm10, v13, v29;
	v13 =	vsel vm10, v29, v13  }
0xcd: {  	v2 =	vadd.f32 v21, v2;
	v25 =	vsel vm5, $0x3F800000, v1;
	vm15 =	vgt.f32 v3, v62  }
0xce: {  	v58 =	vsub.f32 $1.000000000e+00, v25;
	v10 =	vadd.f32 v10, v25;
	v25 =	vsel vm4, $0x3F800000, v1  }
0xcf: {  	v24 =	vsel vm15, v3, v62;
	v3 =	vsel vm15, v62, v3;
	v26 =	vsel vm15, v13, v59  }
0xd0: {  	v13 =	vsel vm15, v59, v13;
	v59 =	vmul.f32 v60, v57;
	vm7 =	vgt.f32 v3, v28  }
0xd1: {  	v6 =	vadd.f32 v6, v25;
	v7 =	vadd.f32 v58, v7;
	v8 =	vsel vm7, v3, v28  }
0xd2: {  	v3 =	vsel vm7, v28, v3;
	v21 =	vsel vm7, v13, v30;
	vm9 =	vgt.f32 v59, v0  }
0xd3: {  	v13 =	vsel vm7, v30, v13;
	vm8 =	vgt.f32 v3, v5;
	v62 =	vsel vm9, v0, v59  }
0xd4: {  	v27 =	vnsel vm9, $0xA, v16;
	v0 =	vsel vm9, v59, v0;
	v5 =	vsel vm8, v3, v5  }
0xd5: {  	v3 =	vsub.f32 $1.000000000e+00, v25;
	v13 =	vsel vm8, v13, v20;
	vm10 =	vgt.f32 v62, v4  }
0xd6: {  	v20 =	vsub.f32 $1.000000000e+00, v61;
	v25 =	vsel vm2, $0x3F800000, v1;
	v28 =	vsel vm10, v62, v4  }
0xd7: {  	v4 =	vsel vm10, v4, v62;
	v63 =	vsub.f32 $1.000000000e+00, v25;
	v29 =	vsel vm10, v27, v14  }
0xd8: {  	v14 =	vsel vm10, v14, v27;
	v10 =	vadd.f32 v10, v25;
	v3 =	vadd.f32 v3, v7  }
0xd9: {  	v7 =	vadd.f32 v15, v61;
	vm11 =	vgt.f32 v4, v18;
	v9 =	vadd.f32 v63, v9  }
0xda: {  	v32 =	vsel vm11, v18, v4;
	v4 =	vsel vm11, v4, v18;
	v57 =	vsel vm11, v14, v19  }
0xdb: {  	v14 =	vsel vm11, v19, v14;
	v63 =	vmul.f32 v60, v56;
	vm15 =	vgt.f32 v32, v11  }
0xdc: {  	v56 =	vld [tilespmem:$0x1FE10];
	v3 =	vadd.f32 v20, v3;
	v58 =	vsel vm15, v11, v32;
	v11 =	vsel vm15, v32, v11  }
0xdd: {  	v59 =	vsel vm15, v14, v12;
	v12 =	vsel vm15, v12, v14;
	vm3 =	vgt.f32 v63, v0  }
0xde: {  	vm5 =	vgt.f32 v58, v17;
	v30 =	vsel vm3, v0, v63;
	v15 =	vsel vm3, v63, v0  }
0xdf: {  	vm0 =	vlt.f32 v3, $4.000000000e+00;
	v14 =	vsel vm5, v58, v17;
	v17 =	vsel vm5, v17, v58  }
0xe0: {  	v61 =	vsel vm5, v12, v22;
	v12 =	vsel vm5, v22, v12;
	vm6 =	vgt.f32 v17, v24  }
0xe1: {  	vm15 =	vnez.u8 v56;
	v62 =	vsel vm6, v17, v24;
	v17 =	vsel vm6, v24, v17  }
0xe2: {  	v22 =	vsel vm6, v12, v26;
	v12 =	vsel vm6, v26, v12;
	v26 =	vsel vm1, $0x3F800000, v1  }
0xe3: {  	vm1 =	vlt.f32 v2, $4.000000000e+00;
	vm7 =	vgt.f32 v17, v8;
	v32 =	vsub.f32 $1.000000000e+00, v26  }
0xe4: {  	v6 =	vadd.f32 v6, v26;
	v24 =	vsel vm7, v17, v8;
	v8 =	vsel vm7, v8, v17  }
0xe5: {  	v26 =	vsel vm12, $0x3F800000, v1;
	v17 =	vsel vm7, v12, v21;
	vm8 =	vgt.f32 v8, v5  }
0xe6: {  	v12 =	vsel vm7, v21, v12;
	v9 =	vadd.f32 v32, v9;
	v5 =	vsel vm8, v8, v5  }
0xe7: {  	v8 =	vsel vm9, $0xA, v16;
	v12 =	vsel vm8, v12, v13;
	vm9 =	vgt.f32 v30, v28  }
0xe8: {  	v31 =	vnsel vm3, $0xB, v8;
	v21 =	vsel vm9, v30, v28;
	v16 =	vsel vm9, v28, v30  }
0xe9: {  	v8 =	vsel vm3, $0xB, v8;
	v25 =	vsel vm9, v31, v29;
	vm10 =	vgt.f32 v16, v4  }
0xea: {  	v13 =	vsel vm9, v29, v31;
	v27 =	vsel vm10, v16, v4;
	v4 =	vsel vm10, v4, v16  }
0xeb: {  	v28 =	vsel vm10, v13, v57;
	v13 =	vsel vm10, v57, v13;
	v16 =	vsel vm15, $0x3F800000, v1  }
0xec: {  	vm11 =	vgt.f32 v4, v11;
	v58 =	vsub.f32 $1.000000000e+00, v16;
	v7 =	vadd.f32 v7, v16  }
0xed: {  	v57 =	vsel vm11, v4, v11;
	v4 =	vsel vm11, v11, v4;
	v29 =	vsel vm11, v13, v59  }
0xee: {  	v13 =	vsel vm11, v59, v13;
	vm4 =	vgt.f32 v4, v14;
	v9 =	vadd.f32 v58, v9  }
0xef: {  	v59 =	vsel vm4, v14, v4;
	v4 =	vsel vm4, v4, v14;
	v14 =	vsel vm4, v13, v61  }
0xf0: {  	v0 =	vsel vm4, v61, v13;
	v61 =	vmul.f32 v60, v55;
	vm5 =	vgt.f32 v59, v62  }
0xf1: {  	vm3 =	vlt.f32 v9, $4.000000000e+00;
	v13 =	vsel vm5, v59, v62;
	v11 =	vsel vm5, v62, v59  }
0xf2: {  	v16 =	vsel vm5, v0, v22;
	v0 =	vsel vm5, v22, v0;
	v62 =	vsel vm14, $0x3F800000, v1  }
0xf3: {  	vm2 =	vgt.f32 v61, v15;
	vm6 =	vgt.f32 v11, v24;
	v6 =	vadd.f32 v6, v62  }
0xf4: {  	v20 =	vsub.f32 $1.000000000e+00, v62;
	v55 =	vsel vm2, v15, v61;
	v56 =	vnsel vm2, $0xC, v8  }
0xf5: {  	v58 =	vsel vm2, v61, v15;
	v61 =	vmul.f32 v60, v54;
	v8 =	vsel vm2, $0xC, v8  }
0xf6: {  	v63 =	vsel vm6, v11, v24;
	v11 =	vsel vm6, v24, v11;
	v23 =	vsel vm6, v0, v17  }
0xf7: {  	v0 =	vsel vm6, v17, v0;
	vm8 =	vgt.f32 v55, v21;
	v24 =	vsel vm13, $0x3F800000, v1  }
0xf8: {  	vm7 =	vgt.f32 v11, v5;
	v10 =	vadd.f32 v20, v10;
	v20 =	vsel vm8, v56, v25  }
0xf9: {  	v17 =	vsel vm8, v25, v56;
	v7 =	vadd.f32 v7, v24;
	v24 =	vsub.f32 $1.000000000e+00, v24  }
0xfa: {  	vm4 =	vgt.f32 v61, v58;
	v5 =	vsel vm7, v11, v5;
	v11 =	vsel vm7, v0, v12  }
0xfb: {  	v0 =	vsel vm8, v21, v55;
	v12 =	vsel vm8, v55, v21;
	v19 =	vsel vm4, v58, v61  }
0xfc: {  	v31 =	vnsel vm4, $0xD, v8;
	v8 =	vsel vm4, $0xD, v8;
	vm9 =	vgt.f32 v0, v27  }
0xfd: {  	v55 =	vadd.f32 v7, v26;
	vm15 =	vgt.f32 v19, v12;
	v7 =	vsel vm4, v61, v58  }
0xfe: {  	v21 =	vsel vm9, v0, v27;
	v0 =	vsel vm9, v27, v0;
	v25 =	vsel vm9, v17, v28  }
0xff: {  	v17 =	vsel vm9, v28, v17;
	v28 =	vsub.f32 $1.000000000e+00, v26;
	vm10 =	vgt.f32 v0, v57  }
0x100: {  	v54 =	vsel vm15, v31, v20;
	v27 =	vsel vm10, v0, v57;
	v18 =	vsel vm10, v57, v0  }
0x101: {  	v30 =	vsel vm10, v17, v29;
	v17 =	vsel vm10, v29, v17;
	vm11 =	vgt.f32 v18, v4  }
0x102: {  	v0 =	vadd.f32 v24, v10;
	v56 =	vadd.f32 v28, v6;
	v57 =	vsel vm11, v4, v18  }
0x103: {  	v4 =	vsel vm11, v18, v4;
	v10 =	vsel vm11, v17, v14;
	vm12 =	vgt.f32 v57, v13  }
0x104: {  	v14 =	vsel vm11, v14, v17;
	v59 =	vsel vm12, v13, v57;
	v6 =	vsel vm12, v57, v13  }
0x105: {  	v17 =	vsel vm12, v14, v16;
	v14 =	vsel vm12, v16, v14;
	vm13 =	vgt.f32 v59, v63  }
0x106: {  	v62 =	vsel vm13, v59, v63;
	v15 =	vsel vm13, v63, v59;
	v63 =	vsel vm13, v14, v23  }
0x107: {  	v14 =	vsel vm13, v23, v14;
	v23 =	vsel vm15, v12, v19;
	vm14 =	vgt.f32 v15, v5  }
0x108: {  	v59 =	vmul.f32 v60, v53;
	vm7 =	vgt.f32 v23, v21;
	v2 =	vsel vm14, v15, v5  }
0x109: {  	v3 =	vsel vm14, v14, v11;
	v11 =	vsel vm15, v19, v12;
	v32 =	vsel vm7, v21, v23  }
0x10a: {  	v12 =	vsel vm15, v20, v31;
	v5 =	vsel vm7, v23, v21;
	vm8 =	vgt.f32 v32, v27  }
0x10b: {  	vm2 =	vgt.f32 v59, v7;
	v15 =	vsel vm7, v12, v25;
	v57 =	vsel vm8, v27, v32  }
0x10c: {  	v12 =	vsel vm7, v25, v12;
	v13 =	vsel vm8, v32, v27;
	vm9 =	vgt.f32 v57, v4  }
0x10d: {  	v20 =	vsel vm8, v12, v30;
	v12 =	vsel vm8, v30, v12;
	v58 =	vsel vm9, v4, v57  }
0x10e: {  	v30 =	vnsel vm2, $0xE, v8;
	v8 =	vsel vm2, $0xE, v8;
	vm10 =	vgt.f32 v58, v6  }
0x10f: {  	v4 =	vsel vm9, v57, v4;
	v19 =	vsel vm9, v12, v10;
	v61 =	vsel vm10, v6, v58  }
0x110: {  	v10 =	vsel vm9, v10, v12;
	v6 =	vsel vm10, v58, v6;
	vm11 =	vgt.f32 v61, v62  }
0x111: {  	v21 =	vsel vm10, v10, v17;
	v10 =	vsel vm10, v17, v10;
	v17 =	vsel vm11, v61, v62  }
0x112: {  	v16 =	vsel vm11, v62, v61;
	v22 =	vsel vm11, v10, v63;
	v62 =	vsel vm2, v7, v59  }
0x113: {  	v10 =	vsel vm11, v63, v10;
	v7 =	vsel vm2, v59, v7;
	vm13 =	vgt.f32 v62, v11  }
0x114: {  	vm12 =	vgt.f32 v16, v2;
	vm11 =	vgt.f32 v52, v7;
	v63 =	vsel vm13, v11, v62  }
0x115: {  	v2 =	vsel vm12, v16, v2;
	v3 =	vsel vm12, v10, v3;
	vm14 =	vgt.f32 v63, v5  }
0x116: {  	v9 =	vsel vm13, v62, v11;
	v32 =	vsel vm13, v30, v54;
	v31 =	vsel vm14, v5, v63  }
0x117: {  	v11 =	vsel vm13, v54, v30;
	v30 =	vnsel vm11, $0xF, v8;
	vm15 =	vgt.f32 v31, v13  }
0x118: {  	v8 =	vsel vm11, $0xF, v8;
	v5 =	vsel vm14, v63, v5;
	v53 =	vsel vm15, v13, v31  }
0x119: {  	v54 =	vsel vm14, v11, v15;
	v11 =	vsel vm14, v15, v11;
	vm8 =	vgt.f32 v53, v4  }
0x11a: {  	v63 =	vsel vm11, v7, v52;
	v7 =	vsel vm11, v52, v7;
	v58 =	vsel vm8, v4, v53  }
0x11b: {  	vm13 =	vgt.f32 v63, v9;
	v57 =	vsel vm15, v31, v13;
	vm9 =	vgt.f32 v58, v6  }
0x11c: {  	v15 =	vsel vm15, v11, v20;
	v11 =	vsel vm15, v20, v11;
	v60 =	vsel vm9, v6, v58  }
0x11d: {  	v14 =	vsel vm13, v30, v32;
	v4 =	vsel vm8, v53, v4;
	vm10 =	vgt.f32 v60, v17  }
0x11e: {  	v59 =	vsel vm8, v11, v19;
	v11 =	vsel vm8, v19, v11;
	v16 =	vsel vm10, v17, v60  }
0x11f: {  	v61 =	vsel vm9, v11, v21;
	v11 =	vsel vm9, v21, v11;
	vm12 =	vgt.f32 v16, v2  }
0x120: {  	v62 =	vsel vm10, v60, v17;
	v16 =	vsel vm12, v16, v2;
	v2 =	vsel vm13, v9, v63  }
0x121: {  	v17 =	vsel vm10, v11, v22;
	v11 =	vsel vm10, v22, v11;
	vm14 =	vgt.f32 v2, v5  }
0x122: {  	v6 =	vsel vm9, v58, v6;
	v3 =	vsel vm12, v11, v3;
	v31 =	vsel vm14, v5, v2  }
0x123: {  	v9 =	vsel vm13, v63, v9;
	v11 =	vsel vm13, v32, v30;
	vm15 =	vgt.f32 v31, v57  }
0x124: {  	v5 =	vsel vm14, v2, v5;
	v2 =	vsel vm14, v54, v11;
	v12 =	vsel vm15, v57, v31  }
0x125: {  	v32 =	vsel vm14, v11, v54;
	v52 =	vsel vm15, v2, v15;
	vm6 =	vgt.f32 v12, v4  }
0x126: {  	v2 =	vsel vm15, v15, v2;
	v53 =	vsel vm6, v12, v4;
	v4 =	vsel vm6, v4, v12  }
0x127: {  	v54 =	vsel vm6, v2, v59;
	v10 =	vsel vm6, v59, v2;
	v2 =	vsel vm1, $0x3F800000, v1  }
0x128: {  	v11 =	vsel vm15, v31, v57;
	vm7 =	vgt.f32 v4, v6;
	v58 =	vmul.f32 v2, v51  }
0x129: {  	v57 =	vsel vm7, v4, v6;
	v4 =	vsel vm7, v6, v4;
	v59 =	vsel vm7, v10, v61  }
0x12a: {  	v10 =	vsel vm7, v61, v10;
	vm8 =	vgt.f32 v4, v62;
	vm1 =	vgt.f32 v58, v7  }
0x12b: {  	v60 =	vsel vm8, v4, v62;
	v4 =	vsel vm8, v62, v4;
	v62 =	vsel vm1, v7, v58  }
0x12c: {  	v61 =	vsel vm8, v10, v17;
	v10 =	vsel vm8, v17, v10;
	vm10 =	vgt.f32 v62, v9  }
0x12d: {  	v6 =	vsel vm1, v58, v7;
	vm9 =	vgt.f32 v4, v16;
	v63 =	vsel vm10, v9, v62  }
0x12e: {  	v30 =	vnsel vm1, $0x10, v8;
	v4 =	vsel vm9, v4, v16;
	vm11 =	vgt.f32 v63, v5  }
0x12f: {  	v3 =	vsel vm9, v10, v3;
	v9 =	vsel vm10, v62, v9;
	v31 =	vsel vm11, v5, v63  }
0x130: {  	v16 =	vsel vm10, v30, v14;
	v7 =	vsel vm10, v14, v30;
	vm12 =	vgt.f32 v31, v11  }
0x131: {  	v10 =	vsel vm11, v7, v32;
	v7 =	vsel vm11, v32, v7;
	v32 =	vsel vm12, v11, v31  }
0x132: {  	v5 =	vsel vm11, v63, v5;
	v11 =	vsel vm12, v31, v11;
	vm13 =	vgt.f32 v32, v53  }
0x133: {  	v51 =	vsel vm12, v7, v52;
	v7 =	vsel vm12, v52, v7;
	v14 =	vsel vm13, v53, v32  }
0x134: {  	v52 =	vsel vm13, v32, v53;
	v53 =	vsel vm13, v7, v54;
	vm14 =	vgt.f32 v14, v57  }
0x135: {  	v7 =	vsel vm13, v54, v7;
	v54 =	vsel vm14, v14, v57;
	v14 =	vsel vm14, v57, v14  }
0x136: {  	v57 =	vmul.f32 v2, v50;
	v58 =	vsel vm14, v7, v59;
	vm15 =	vgt.f32 v14, v60  }
0x137: {  	v7 =	vsel vm14, v59, v7;
	v59 =	vsel vm15, v14, v60;
	v13 =	vsel vm15, v60, v14  }
0x138: {  	vm2 =	vgt.f32 v57, v6;
	v14 =	vsel vm15, v7, v61;
	v7 =	vsel vm15, v61, v7  }
0x139: {  	v61 =	vsel vm1, $0x10, v8;
	vm8 =	vgt.f32 v13, v4;
	v60 =	vsel vm2, v6, v57  }
0x13a: {  	v6 =	vsel vm2, v57, v6;
	v63 =	vnsel vm2, $0x11, v61;
	vm9 =	vgt.f32 v60, v9  }
0x13b: {  	v4 =	vsel vm8, v13, v4;
	v3 =	vsel vm8, v7, v3;
	v62 =	vsel vm9, v9, v60  }
0x13c: {  	v7 =	vsel vm2, $0x11, v61;
	vm2 =	vlt.f32 v0, $4.000000000e+00;
	vm10 =	vgt.f32 v62, v5  }
0x13d: {  	v9 =	vsel vm9, v60, v9;
	v19 =	vsel vm9, v63, v16;
	v30 =	vsel vm10, v5, v62  }
0x13e: {  	v13 =	vsel vm9, v16, v63;
	v5 =	vsel vm10, v62, v5;
	vm11 =	vgt.f32 v30, v11  }
0x13f: {  	v31 =	vsel vm10, v13, v10;
	v10 =	vsel vm10, v10, v13;
	v32 =	vsel vm11, v11, v30  }
0x140: {  	v11 =	vsel vm11, v30, v11;
	v50 =	vsel vm11, v10, v51;
	vm12 =	vgt.f32 v32, v52  }
0x141: {  	v10 =	vsel vm11, v51, v10;
	v51 =	vsel vm12, v32, v52;
	v13 =	vsel vm12, v52, v32  }
0x142: {  	v52 =	vsel vm12, v10, v53;
	v10 =	vsel vm12, v53, v10;
	vm13 =	vgt.f32 v13, v54  }
0x143: {  	v53 =	vsel vm13, v13, v54;
	v12 =	vsel vm13, v54, v13;
	v54 =	vmul.f32 v2, v49  }
0x144: {  	v57 =	vsel vm13, v10, v58;
	v10 =	vsel vm13, v58, v10;
	vm14 =	vgt.f32 v12, v59  }
0x145: {  	v58 =	vsel vm14, v12, v59;
	v12 =	vsel vm14, v59, v12;
	vm4 =	vgt.f32 v54, v6  }
0x146: {  	v59 =	vsel vm14, v10, v14;
	v10 =	vsel vm14, v14, v10;
	v60 =	vsel vm4, v6, v54  }
0x147: {  	vm15 =	vgt.f32 v12, v4;
	v6 =	vsel vm4, v54, v6;
	vm7 =	vgt.f32 v60, v9  }
0x148: {  	v62 =	vnsel vm4, $0x12, v7;
	v7 =	vsel vm4, $0x12, v7;
	v61 =	vsel vm7, v9, v60  }
0x149: {  	v4 =	vsel vm15, v12, v4;
	v3 =	vsel vm15, v10, v3;
	vm8 =	vgt.f32 v61, v5  }
0x14a: {  	v9 =	vsel vm7, v60, v9;
	v63 =	vsel vm7, v62, v19;
	v23 =	vsel vm8, v5, v61  }
0x14b: {  	v12 =	vsel vm7, v19, v62;
	v5 =	vsel vm8, v61, v5;
	vm9 =	vgt.f32 v23, v11  }
0x14c: {  	v30 =	vsel vm8, v12, v31;
	v8 =	vsel vm8, v31, v12;
	v31 =	vsel vm9, v11, v23  }
0x14d: {  	v32 =	vsel vm9, v8, v50;
	v8 =	vsel vm9, v50, v8;
	vm10 =	vgt.f32 v31, v51  }
0x14e: {  	v11 =	vsel vm9, v23, v11;
	v12 =	vsel vm10, v51, v31;
	v50 =	vsel vm10, v8, v52  }
0x14f: {  	v8 =	vsel vm10, v52, v8;
	v52 =	vmul.f32 v2, v48;
	vm11 =	vgt.f32 v12, v53  }
0x150: {  	v49 =	vsel vm10, v31, v51;
	v51 =	vsel vm11, v12, v53;
	v12 =	vsel vm11, v53, v12  }
0x151: {  	v53 =	vsel vm11, v8, v57;
	v8 =	vsel vm11, v57, v8;
	vm1 =	vgt.f32 v52, v6  }
0x152: {  	vm12 =	vgt.f32 v12, v58;
	v60 =	vnsel vm1, $0x13, v7;
	v7 =	vsel vm1, $0x13, v7  }
0x153: {  	v54 =	vsel vm12, v12, v58;
	v12 =	vsel vm12, v58, v12;
	v58 =	vsel vm1, v6, v52  }
0x154: {  	v57 =	vsel vm12, v8, v59;
	v8 =	vsel vm12, v59, v8;
	vm14 =	vgt.f32 v58, v9  }
0x155: {  	v6 =	vsel vm1, v52, v6;
	vm13 =	vgt.f32 v12, v4;
	v59 =	vsel vm14, v9, v58  }
0x156: {  	vm1 =	vlt.f32 v56, $4.000000000e+00;
	v4 =	vsel vm13, v12, v4;
	vm15 =	vgt.f32 v59, v5  }
0x157: {  	v3 =	vsel vm13, v8, v3;
	v9 =	vsel vm14, v58, v9;
	v62 =	vsel vm15, v5, v59  }
0x158: {  	v61 =	vsel vm14, v60, v63;
	v12 =	vsel vm14, v63, v60;
	vm8 =	vgt.f32 v62, v11  }
0x159: {  	v63 =	vsel vm15, v12, v30;
	v10 =	vsel vm15, v30, v12;
	v23 =	vsel vm8, v11, v62  }
0x15a: {  	v30 =	vsel vm8, v10, v32;
	v10 =	vsel vm8, v32, v10;
	vm9 =	vgt.f32 v23, v49  }
0x15b: {  	v5 =	vsel vm15, v59, v5;
	v12 =	vsel vm9, v49, v23;
	v32 =	vsel vm9, v10, v50  }
0x15c: {  	v10 =	vsel vm9, v50, v10;
	v50 =	vmul.f32 v2, v47;
	vm10 =	vgt.f32 v12, v51  }
0x15d: {  	v11 =	vsel vm8, v62, v11;
	v31 =	vsel vm9, v23, v49;
	v48 =	vsel vm10, v12, v51  }
0x15e: {  	v12 =	vsel vm10, v51, v12;
	v49 =	vsel vm10, v10, v53;
	vm13 =	vgt.f32 v50, v6  }
0x15f: {  	v10 =	vsel vm10, v53, v10;
	vm11 =	vgt.f32 v12, v54;
	v53 =	vsel vm13, v6, v50  }
0x160: {  	v6 =	vsel vm13, v50, v6;
	v58 =	vnsel vm13, $0x14, v7;
	v7 =	vsel vm13, $0x14, v7  }
0x161: {  	v51 =	vsel vm11, v12, v54;
	v12 =	vsel vm11, v54, v12;
	v52 =	vsel vm11, v10, v57  }
0x162: {  	v10 =	vsel vm11, v57, v10;
	v54 =	vmul.f32 v2, v44;
	vm14 =	vgt.f32 v53, v9  }
0x163: {  	vm12 =	vgt.f32 v12, v4;
	v57 =	vsel vm14, v9, v53;
	v60 =	vsel vm14, v58, v61  }
0x164: {  	v15 =	vsel vm14, v61, v58;
	v0 =	vsel vm12, v12, v4;
	v3 =	vsel vm12, v10, v3  }
0x165: {  	v12 =	vmul.f32 v2, v45;
	v2 =	vmul.f32 v2, v46;
	vm15 =	vgt.f32 v57, v5  }
0x166: {  	v4 =	vsel vm14, v53, v9;
	vm12 =	vgt.f32 v54, v6;
	v59 =	vsel vm15, v5, v57  }
0x167: {  	v5 =	vsel vm15, v57, v5;
	v19 =	vsel vm15, v15, v63;
	v8 =	vsel vm15, v63, v15  }
0x168: {  	v46 =	vsel vm12, v6, v54;
	v6 =	vsel vm12, v54, v6;
	v10 =	vsel vm12, $0x15, v7  }
0x169: {  	v7 =	vnsel vm12, $0x15, v7;
	vm8 =	vgt.f32 v59, v11;
	vm14 =	vgt.f32 v46, v4  }
0x16a: {  	vm12 =	vgt.f32 v12, v6;
	v61 =	vsel vm8, v11, v59;
	v9 =	vsel vm8, v59, v11  }
0x16b: {  	v62 =	vsel vm8, v8, v30;
	v8 =	vsel vm8, v30, v8;
	vm9 =	vgt.f32 v61, v31  }
0x16c: {  	v47 =	vsel vm14, v4, v46;
	v4 =	vsel vm14, v46, v4;
	v63 =	vsel vm9, v31, v61  }
0x16d: {  	vm15 =	vgt.f32 v47, v5;
	v14 =	vsel vm9, v61, v31;
	vm10 =	vgt.f32 v63, v48  }
0x16e: {  	v30 =	vsel vm9, v8, v32;
	v8 =	vsel vm9, v32, v8;
	v31 =	vsel vm10, v63, v48  }
0x16f: {  	v13 =	vsel vm10, v48, v63;
	v32 =	vsel vm10, v8, v49;
	v8 =	vsel vm10, v49, v8  }
0x170: {  	v48 =	vsel vm15, v5, v47;
	v49 =	vsel vm14, v7, v60;
	v7 =	vsel vm14, v60, v7  }
0x171: {  	v5 =	vsel vm15, v47, v5;
	v60 =	vsel vm12, v6, v12;
	v63 =	vnsel vm12, $0x16, v10  }
0x172: {  	v6 =	vsel vm12, v12, v6;
	v10 =	vsel vm12, $0x16, v10;
	vm11 =	vgt.f32 v13, v51  }
0x173: {  	vm8 =	vgt.f32 v48, v9;
	v50 =	vsel vm15, v7, v19;
	v7 =	vsel vm15, v19, v7  }
0x174: {  	vm12 =	vgt.f32 v2, v6;
	v44 =	vsel vm11, v13, v51;
	v13 =	vsel vm11, v51, v13  }
0x175: {  	v45 =	vsel vm11, v8, v52;
	v8 =	vsel vm11, v52, v8;
	v51 =	vsel vm8, v9, v48  }
0x176: {  	v9 =	vsel vm8, v48, v9;
	v52 =	vsel vm8, v7, v62;
	vm13 =	vgt.f32 v13, v0  }
0x177: {  	v7 =	vsel vm8, v62, v7;
	vm9 =	vgt.f32 v51, v14;
	v0 =	vsel vm13, v13, v0  }
0x178: {  	v3 =	vsel vm13, v8, v3;
	v53 =	vsel vm9, v14, v51;
	v14 =	vsel vm9, v51, v14  }
0x179: {  	v54 =	vsel vm9, v7, v30;
	v7 =	vsel vm9, v30, v7;
	vm13 =	vgt.f32 v60, v4  }
0x17a: {  	v51 =	vsel vm12, v6, v2;
	v2 =	vsel vm12, v2, v6;
	vm10 =	vgt.f32 v53, v31  }
0x17b: {  	v62 =	vsel vm13, v4, v60;
	v4 =	vsel vm13, v60, v4;
	v57 =	vsel vm10, v53, v31  }
0x17c: {  	v11 =	vsel vm10, v31, v53;
	v58 =	vsel vm10, v7, v32;
	v7 =	vsel vm10, v32, v7  }
0x17d: {  	vm15 =	vgt.f32 v62, v5;
	v31 =	vsel vm13, v63, v49;
	vm11 =	vgt.f32 v11, v44  }
0x17e: {  	v30 =	vsel vm15, v5, v62;
	v5 =	vsel vm15, v62, v5;
	v59 =	vsel vm11, v11, v44  }
0x17f: {  	v11 =	vsel vm11, v44, v11;
	v61 =	vsel vm11, v7, v45;
	vm8 =	vgt.f32 v30, v9  }
0x180: {  	v7 =	vsel vm11, v45, v7;
	vm14 =	vgt.f32 v11, v0;
	v32 =	vsel vm8, v9, v30  }
0x181: {  	v44 =	vsel vm8, v30, v9;
	v0 =	vsel vm14, v11, v0;
	v3 =	vsel vm14, v7, v3  }
0x182: {  	v7 =	vsel vm13, v49, v63;
	vm9 =	vgt.f32 v32, v14;
	vm14 =	vgt.f32 v51, v4  }
0x183: {  	v20 =	vsel vm15, v7, v50;
	v7 =	vsel vm15, v50, v7;
	v46 =	vsel vm9, v14, v32  }
0x184: {  	v12 =	vsel vm9, v32, v14;
	v45 =	vsel vm8, v7, v52;
	v7 =	vsel vm8, v52, v7  }
0x185: {  	vm10 =	vgt.f32 v46, v57;
	v52 =	vsel vm14, v51, v4;
	v4 =	vsel vm14, v4, v51  }
0x186: {  	v13 =	vsel vm9, v7, v54;
	v7 =	vsel vm9, v54, v7;
	v47 =	vsel vm10, v57, v46  }
0x187: {  	v11 =	vsel vm10, v46, v57;
	vm15 =	vgt.f32 v4, v5;
	vm11 =	vgt.f32 v47, v59  }
0x188: {  	v48 =	vsel vm10, v7, v58;
	v7 =	vsel vm10, v58, v7;
	v57 =	vsel vm15, v5, v4  }
0x189: {  	v4 =	vsel vm15, v4, v5;
	v49 =	vsel vm11, v47, v59;
	v14 =	vsel vm11, v59, v47  }
0x18a: {  	v50 =	vsel vm11, v7, v61;
	v7 =	vsel vm11, v61, v7;
	vm8 =	vgt.f32 v57, v44  }
0x18b: {  	vm13 =	vgt.f32 v14, v0;
	v59 =	vsel vm8, v44, v57;
	v6 =	vsel vm8, v57, v44  }
0x18c: {  	v14 =	vsel vm13, v14, v0;
	v3 =	vsel vm13, v7, v3;
	v0 =	vnsel vm12, $0x17, v10  }
0x18d: {  	vm9 =	vgt.f32 v59, v12;
	v10 =	vsel vm12, $0x17, v10;
	v53 =	vsel vm14, v0, v31  }
0x18e: {  	v54 =	vsel vm14, v31, v0;
	v0 =	vsel vm0, $0x3F800000, v1;
	v62 =	vsel vm9, v12, v59  }
0x18f: {  	v12 =	vsel vm9, v59, v12;
	v58 =	vsel vm15, v54, v20;
	v19 =	vsel vm15, v20, v54  }
0x190: {  	v60 =	vmul.f32 v0, v43;
	vm10 =	vgt.f32 v62, v11;
	v51 =	vmul.f32 v0, v42  }
0x191: {  	v41 =	vmul.f32 v0, v41;
	v61 =	vsel vm8, v19, v45;
	v9 =	vsel vm8, v45, v19  }
0x192: {  	v30 =	vsel vm10, v62, v11;
	v11 =	vsel vm10, v11, v62;
	v63 =	vsel vm9, v9, v13  }
0x193: {  	v9 =	vsel vm9, v13, v9;
	vm11 =	vgt.f32 v11, v49;
	vm0 =	vgt.f32 v60, v2  }
0x194: {  	v31 =	vsel vm10, v9, v48;
	v9 =	vsel vm10, v48, v9;
	v32 =	vsel vm11, v11, v49  }
0x195: {  	v11 =	vsel vm11, v49, v11;
	v44 =	vsel vm0, v2, v60;
	v2 =	vsel vm0, v60, v2  }
0x196: {  	v46 =	vnsel vm0, $0x18, v10;
	v10 =	vsel vm0, $0x18, v10;
	v43 =	vsel vm11, v9, v50  }
0x197: {  	v9 =	vsel vm11, v50, v9;
	vm12 =	vgt.f32 v11, v14;
	vm13 =	vgt.f32 v44, v52  }
0x198: {  	vm11 =	vgt.f32 v51, v2;
	v11 =	vsel vm12, v11, v14;
	v3 =	vsel vm12, v9, v3  }
0x199: {  	v45 =	vsel vm13, v52, v44;
	v7 =	vsel vm13, v44, v52;
	v47 =	vsel vm13, v46, v53  }
0x19a: {  	v14 =	vsel vm13, v53, v46;
	v60 =	vsel vm11, v2, v51;
	v2 =	vsel vm11, v51, v2  }
0x19b: {  	v62 =	vnsel vm11, $0x19, v10;
	v10 =	vsel vm11, $0x19, v10;
	vm14 =	vgt.f32 v45, v4  }
0x19c: {  	vm13 =	vgt.f32 v60, v7;
	vm0 =	vgt.f32 v41, v2;
	v48 =	vsel vm14, v4, v45  }
0x19d: {  	v4 =	vsel vm14, v45, v4;
	v49 =	vsel vm14, v14, v58;
	v5 =	vsel vm14, v58, v14  }
0x19e: {  	v51 =	vnsel vm0, $0x1A, v10;
	v10 =	vsel vm0, $0x1A, v10;
	vm15 =	vgt.f32 v48, v6  }
0x19f: {  	v50 =	vsel vm15, v6, v48;
	v6 =	vsel vm15, v48, v6;
	v52 =	vsel vm15, v5, v61  }
0x1a0: {  	v5 =	vsel vm15, v61, v5;
	v61 =	vsel vm13, v7, v60;
	vm8 =	vgt.f32 v50, v12  }
0x1a1: {  	v7 =	vsel vm13, v60, v7;
	vm14 =	vgt.f32 v61, v4;
	v53 =	vsel vm8, v12, v50  }
0x1a2: {  	v12 =	vsel vm8, v50, v12;
	v54 =	vsel vm8, v5, v63;
	vm9 =	vgt.f32 v53, v30  }
0x1a3: {  	v5 =	vsel vm8, v63, v5;
	v63 =	vsel vm13, v62, v47;
	v56 =	vsel vm9, v53, v30  }
0x1a4: {  	v8 =	vsel vm9, v30, v53;
	v57 =	vsel vm9, v5, v31;
	v5 =	vsel vm9, v31, v5  }
0x1a5: {  	v30 =	vsel vm14, v4, v61;
	v4 =	vsel vm14, v61, v4;
	vm10 =	vgt.f32 v8, v32  }
0x1a6: {  	vm15 =	vgt.f32 v30, v6;
	v58 =	vsel vm10, v8, v32;
	v8 =	vsel vm10, v32, v8  }
0x1a7: {  	v59 =	vsel vm10, v5, v43;
	v5 =	vsel vm10, v43, v5;
	v32 =	vsel vm15, v6, v30  }
0x1a8: {  	v6 =	vsel vm15, v30, v6;
	vm12 =	vgt.f32 v8, v11;
	vm8 =	vgt.f32 v32, v12  }
0x1a9: {  	v8 =	vsel vm12, v8, v11;
	v3 =	vsel vm12, v5, v3;
	v11 =	vsel vm13, v47, v62  }
0x1aa: {  	v43 =	vsel vm8, v12, v32;
	v31 =	vsel vm14, v11, v49;
	v9 =	vsel vm14, v49, v11  }
0x1ab: {  	v11 =	vsel vm8, v32, v12;
	vm9 =	vgt.f32 v43, v56;
	v49 =	vsel vm0, v2, v41  }
0x1ac: {  	v2 =	vsel vm0, v41, v2;
	v42 =	vsel vm15, v9, v52;
	v9 =	vsel vm15, v52, v9  }
0x1ad: {  	v45 =	vsel vm9, v43, v56;
	v20 =	vsel vm9, v56, v43;
	vm12 =	vgt.f32 v49, v7  }
0x1ae: {  	v44 =	vsel vm8, v9, v54;
	v9 =	vsel vm8, v54, v9;
	vm10 =	vgt.f32 v20, v58  }
0x1af: {  	v50 =	vsel vm12, v7, v49;
	v7 =	vsel vm12, v49, v7;
	v52 =	vsel vm12, v51, v63  }
0x1b0: {  	v16 =	vsel vm12, v63, v51;
	v46 =	vsel vm9, v9, v57;
	v9 =	vsel vm9, v57, v9  }
0x1b1: {  	v47 =	vsel vm10, v20, v58;
	v19 =	vsel vm10, v58, v20;
	vm13 =	vgt.f32 v50, v4  }
0x1b2: {  	v57 =	vmul.f32 v0, v40;
	v48 =	vsel vm10, v9, v59;
	v9 =	vsel vm10, v59, v9  }
0x1b3: {  	vm11 =	vgt.f32 v19, v8;
	v53 =	vsel vm13, v4, v50;
	v4 =	vsel vm13, v50, v4  }
0x1b4: {  	v54 =	vsel vm13, v16, v31;
	v5 =	vsel vm13, v31, v16;
	v8 =	vsel vm11, v19, v8  }
0x1b5: {  	v3 =	vsel vm11, v9, v3;
	vm14 =	vgt.f32 v53, v6;
	vm10 =	vgt.f32 v57, v2  }
0x1b6: {  	v56 =	vsel vm14, v6, v53;
	v6 =	vsel vm14, v53, v6;
	v58 =	vsel vm14, v5, v42  }
0x1b7: {  	v5 =	vsel vm14, v42, v5;
	v31 =	vsel vm10, v2, v57;
	v2 =	vsel vm10, v57, v2  }
0x1b8: {  	v40 =	vnsel vm10, $0x1B, v10;
	v10 =	vsel vm10, $0x1B, v10;
	vm15 =	vgt.f32 v56, v11  }
0x1b9: {  	vm12 =	vgt.f32 v31, v7;
	v59 =	vsel vm15, v11, v56;
	v11 =	vsel vm15, v56, v11  }
0x1ba: {  	v60 =	vsel vm15, v5, v44;
	v5 =	vsel vm15, v44, v5;
	v32 =	vsel vm12, v7, v31  }
0x1bb: {  	v7 =	vsel vm12, v31, v7;
	v41 =	vsel vm12, v40, v52;
	vm8 =	vgt.f32 v59, v45  }
0x1bc: {  	vm13 =	vgt.f32 v32, v4;
	v61 =	vsel vm8, v59, v45;
	v14 =	vsel vm8, v45, v59  }
0x1bd: {  	v62 =	vsel vm8, v5, v46;
	v5 =	vsel vm8, v46, v5;
	v42 =	vsel vm13, v4, v32  }
0x1be: {  	v4 =	vsel vm13, v32, v4;
	v45 =	vmul.f32 v0, v39;
	vm9 =	vgt.f32 v14, v47  }
0x1bf: {  	vm14 =	vgt.f32 v42, v6;
	v63 =	vsel vm9, v14, v47;
	v13 =	vsel vm9, v47, v14  }
0x1c0: {  	v30 =	vsel vm9, v5, v48;
	v5 =	vsel vm9, v48, v5;
	v44 =	vsel vm14, v6, v42  }
0x1c1: {  	v6 =	vsel vm14, v42, v6;
	vm0 =	vgt.f32 v45, v2;
	vm11 =	vgt.f32 v13, v8  }
0x1c2: {  	vm15 =	vgt.f32 v44, v11;
	v53 =	vsel vm0, v2, v45;
	v2 =	vsel vm0, v45, v2  }
0x1c3: {  	v56 =	vnsel vm0, $0x1C, v10;
	v10 =	vsel vm0, $0x1C, v10;
	vm0 =	vlt.f32 v55, $4.000000000e+00  }
0x1c4: {  	v8 =	vsel vm11, v13, v8;
	v3 =	vsel vm11, v5, v3;
	v13 =	vsel vm12, v52, v40  }
0x1c5: {  	v47 =	vsel vm15, v11, v44;
	v11 =	vsel vm15, v44, v11;
	vm11 =	vgt.f32 v53, v7  }
0x1c6: {  	v43 =	vsel vm13, v13, v54;
	v9 =	vsel vm13, v54, v13;
	vm8 =	vgt.f32 v47, v61  }
0x1c7: {  	v54 =	vsel vm11, v7, v53;
	v7 =	vsel vm11, v53, v7;
	v57 =	vsel vm11, v56, v41  }
0x1c8: {  	v46 =	vsel vm14, v9, v58;
	v9 =	vsel vm14, v58, v9;
	v49 =	vsel vm8, v47, v61  }
0x1c9: {  	v12 =	vsel vm8, v61, v47;
	vm12 =	vgt.f32 v54, v4;
	v61 =	vmul.f32 v0, v38  }
0x1ca: {  	v48 =	vsel vm15, v9, v60;
	v9 =	vsel vm15, v60, v9;
	vm9 =	vgt.f32 v12, v63  }
0x1cb: {  	v58 =	vsel vm12, v4, v54;
	v4 =	vsel vm12, v54, v4;
	v50 =	vsel vm8, v9, v62  }
0x1cc: {  	v9 =	vsel vm8, v62, v9;
	v51 =	vsel vm9, v12, v63;
	v12 =	vsel vm9, v63, v12  }
0x1cd: {  	vm13 =	vgt.f32 v58, v6;
	v52 =	vsel vm9, v9, v30;
	v9 =	vsel vm9, v30, v9  }
0x1ce: {  	vm10 =	vgt.f32 v12, v8;
	v60 =	vsel vm13, v6, v58;
	v6 =	vsel vm13, v58, v6  }
0x1cf: {  	vm9 =	vgt.f32 v61, v2;
	v8 =	vsel vm10, v12, v8;
	v3 =	vsel vm10, v9, v3  }
0x1d0: {  	v12 =	vsel vm11, v41, v56;
	vm14 =	vgt.f32 v60, v11;
	v40 =	vsel vm9, v2, v61  }
0x1d1: {  	v42 =	vnsel vm9, $0x1D, v10;
	v2 =	vsel vm9, v61, v2;
	v10 =	vsel vm9, $0x1D, v10  }
0x1d2: {  	v59 =	vsel vm12, v12, v43;
	v5 =	vsel vm12, v43, v12;
	v63 =	vsel vm14, v11, v60  }
0x1d3: {  	v11 =	vsel vm14, v60, v11;
	vm11 =	vgt.f32 v40, v7;
	v62 =	vsel vm13, v5, v46  }
0x1d4: {  	v5 =	vsel vm13, v46, v5;
	vm15 =	vgt.f32 v63, v49;
	v41 =	vsel vm11, v7, v40  }
0x1d5: {  	v7 =	vsel vm11, v40, v7;
	v43 =	vsel vm11, v42, v57;
	v14 =	vsel vm11, v57, v42  }
0x1d6: {  	v30 =	vsel vm14, v5, v48;
	v5 =	vsel vm14, v48, v5;
	v31 =	vsel vm15, v63, v49  }
0x1d7: {  	v16 =	vsel vm15, v49, v63;
	vm12 =	vgt.f32 v41, v4;
	v32 =	vsel vm15, v5, v50  }
0x1d8: {  	v5 =	vsel vm15, v50, v5;
	vm8 =	vgt.f32 v16, v51;
	v44 =	vsel vm12, v4, v41  }
0x1d9: {  	v4 =	vsel vm12, v41, v4;
	v45 =	vsel vm12, v14, v59;
	v9 =	vsel vm12, v59, v14  }
0x1da: {  	v50 =	vmul.f32 v0, v37;
	v0 =	vmul.f32 v0, v36;
	v36 =	vsel vm3, $0x3F800000, v1  }
0x1db: {  	v38 =	vsel vm8, v16, v51;
	v16 =	vsel vm8, v51, v16;
	v39 =	vsel vm8, v5, v52  }
0x1dc: {  	v5 =	vsel vm8, v52, v5;
	vm13 =	vgt.f32 v44, v6;
	v23 =	vmul.f32 v36, v34  }
0x1dd: {  	vm10 =	vgt.f32 v16, v8;
	v46 =	vsel vm13, v44, v6;
	v6 =	vsel vm13, v6, v44  }
0x1de: {  	v47 =	vsel vm13, v9, v62;
	v9 =	vsel vm13, v62, v9;
	v62 =	vmul.f32 v36, v35  }
0x1df: {  	v8 =	vsel vm10, v16, v8;
	v3 =	vsel vm10, v5, v3;
	vm14 =	vgt.f32 v6, v11  }
0x1e0: {  	vm10 =	vgt.f32 v50, v2;
	v48 =	vsel vm14, v6, v11;
	v6 =	vsel vm14, v11, v6  }
0x1e1: {  	v49 =	vsel vm14, v9, v30;
	v9 =	vsel vm14, v30, v9;
	v55 =	vsel vm10, v2, v50  }
0x1e2: {  	v56 =	vnsel vm10, $0x1E, v10;
	v2 =	vsel vm10, v50, v2;
	vm15 =	vgt.f32 v6, v31  }
0x1e3: {  	v10 =	vsel vm10, $0x1E, v10;
	vm12 =	vgt.f32 v55, v7;
	v51 =	vsel vm15, v31, v6  }
0x1e4: {  	v6 =	vsel vm15, v6, v31;
	v52 =	vsel vm15, v9, v32;
	v9 =	vsel vm15, v32, v9  }
0x1e5: {  	v57 =	vsel vm12, v55, v7;
	v7 =	vsel vm12, v7, v55;
	vm9 =	vgt.f32 v51, v38  }
0x1e6: {  	v58 =	vsel vm12, v56, v43;
	vm13 =	vgt.f32 v7, v4;
	v53 =	vsel vm9, v51, v38  }
0x1e7: {  	v17 =	vsel vm9, v38, v51;
	v54 =	vsel vm9, v9, v39;
	v9 =	vsel vm9, v39, v9  }
0x1e8: {  	v59 =	vsel vm13, v4, v7;
	v4 =	vsel vm13, v7, v4;
	vm9 =	vgt.f32 v0, v2  }
0x1e9: {  	vm11 =	vgt.f32 v17, v8;
	vm14 =	vgt.f32 v59, v46;
	v39 =	vsel vm9, v2, v0  }
0x1ea: {  	v0 =	vsel vm9, v0, v2;
	v2 =	vsel vm9, $0x1F, v10;
	v41 =	vnsel vm9, $0x1F, v10  }
0x1eb: {  	v8 =	vsel vm11, v17, v8;
	v3 =	vsel vm11, v9, v3;
	v9 =	vsel vm12, v43, v56  }
0x1ec: {  	v61 =	vsel vm14, v46, v59;
	v12 =	vsel vm14, v59, v46;
	vm11 =	vgt.f32 v39, v57  }
0x1ed: {  	vm3 =	vgt.f32 v62, v0;
	v60 =	vsel vm13, v9, v45;
	v5 =	vsel vm13, v45, v9  }
0x1ee: {  	vm15 =	vgt.f32 v61, v48;
	v40 =	vsel vm11, v57, v39;
	v42 =	vsel vm11, v39, v57  }
0x1ef: {  	v44 =	vsel vm11, v41, v58;
	v57 =	vnsel vm3, $0x20, v2;
	v2 =	vsel vm3, $0x20, v2  }
0x1f0: {  	v63 =	vsel vm14, v5, v47;
	v5 =	vsel vm14, v47, v5;
	v30 =	vsel vm15, v48, v61  }
0x1f1: {  	v9 =	vsel vm15, v61, v48;
	vm12 =	vgt.f32 v40, v4;
	v31 =	vsel vm15, v5, v49  }
0x1f2: {  	vm7 =	vgt.f32 v30, v6;
	v5 =	vsel vm15, v49, v5;
	v43 =	vsel vm12, v4, v40  }
0x1f3: {  	v4 =	vsel vm12, v40, v4;
	v32 =	vsel vm7, v30, v6;
	v6 =	vsel vm7, v6, v30  }
0x1f4: {  	v35 =	vsel vm7, v5, v52;
	v5 =	vsel vm7, v52, v5;
	vm13 =	vgt.f32 v43, v12  }
0x1f5: {  	vm8 =	vgt.f32 v6, v53;
	v46 =	vsel vm13, v12, v43;
	v47 =	vsel vm13, v43, v12  }
0x1f6: {  	v37 =	vsel vm8, v6, v53;
	v6 =	vsel vm8, v53, v6;
	v38 =	vsel vm8, v5, v54  }
0x1f7: {  	v5 =	vsel vm8, v54, v5;
	vm14 =	vgt.f32 v46, v9;
	v54 =	vsel vm3, v0, v62  }
0x1f8: {  	v40 =	vld [tilespmem:$0x1FE20];
	v0 =	vsel vm3, v62, v0;
	vm10 =	vgt.f32 v6, v8;
	v49 =	vsel vm14, v9, v46  }
0x1f9: {  	v9 =	vsel vm14, v46, v9;
	vm9 =	vgt.f32 v54, v42;
	vm4 =	vgt.f32 v23, v0  }
0x1fa: {  	v6 =	vsel vm10, v6, v8;
	v3 =	vsel vm10, v5, v3;
	v8 =	vsel vm11, v58, v41  }
0x1fb: {  	vm15 =	vgt.f32 v49, v32;
	v56 =	vsel vm9, v42, v54;
	v10 =	vsel vm9, v54, v42  }
0x1fc: {  	v59 =	vsel vm9, v57, v44;
	v34 =	vsel vm4, v0, v23;
	v0 =	vsel vm4, v23, v0  }
0x1fd: {  	v19 =	vmul.f32 v36, v40;
	v45 =	vsel vm12, v8, v60;
	v7 =	vsel vm12, v60, v8  }
0x1fe: {  	v51 =	vsel vm15, v49, v32;
	v11 =	vsel vm15, v32, v49;
	vm11 =	vgt.f32 v56, v4  }
0x1ff: {  	v48 =	vsel vm13, v7, v63;
	v7 =	vsel vm13, v63, v7;
	vm8 =	vgt.f32 v11, v37  }
0x200: {  	v58 =	vsel vm11, v4, v56;
	v4 =	vsel vm11, v56, v4;
	v50 =	vsel vm14, v7, v31  }
0x201: {  	v7 =	vsel vm14, v31, v7;
	v53 =	vsel vm8, v11, v37;
	v11 =	vsel vm8, v37, v11  }
0x202: {  	vm12 =	vgt.f32 v58, v47;
	v37 =	vnsel vm4, $0x21, v2;
	v2 =	vsel vm4, $0x21, v2  }
0x203: {  	v52 =	vsel vm15, v7, v35;
	v7 =	vsel vm15, v35, v7;
	vm10 =	vgt.f32 v11, v6  }
0x204: {  	v60 =	vsel vm12, v47, v58;
	v62 =	vsel vm12, v58, v47;
	v55 =	vsel vm8, v7, v38  }
0x205: {  	v7 =	vsel vm8, v38, v7;
	v6 =	vsel vm10, v11, v6;
	vm13 =	vgt.f32 v60, v9  }
0x206: {  	v43 =	vld [tilespmem:$0x1FE30];
	v3 =	vsel vm10, v7, v3;
	v7 =	vsel vm9, v44, v57;
	v21 =	vsel vm13, v9, v60  }
0x207: {  	v9 =	vsel vm13, v60, v9;
	vm9 =	vgt.f32 v34, v10;
	v61 =	vsel vm11, v7, v45  }
0x208: {  	v5 =	vsel vm11, v45, v7;
	vm14 =	vgt.f32 v21, v51;
	v35 =	vsel vm9, v10, v34  }
0x209: {  	v10 =	vsel vm9, v34, v10;
	v38 =	vsel vm9, v37, v59;
	v63 =	vsel vm12, v5, v48  }
0x20a: {  	v5 =	vsel vm12, v48, v5;
	v22 =	vsel vm14, v51, v21;
	v11 =	vsel vm14, v21, v51  }
0x20b: {  	vm10 =	vgt.f32 v35, v4;
	v21 =	vmul.f32 v36, v43;
	v12 =	vsel vm13, v5, v50  }
0x20c: {  	v5 =	vsel vm13, v50, v5;
	vm15 =	vgt.f32 v22, v53;
	v39 =	vsel vm10, v4, v35  }
0x20d: {  	v4 =	vsel vm10, v35, v4;
	v30 =	vsel vm14, v5, v52;
	v5 =	vsel vm14, v52, v5  }
0x20e: {  	v31 =	vsel vm15, v22, v53;
	v16 =	vsel vm15, v53, v22;
	vm11 =	vgt.f32 v39, v62  }
0x20f: {  	v32 =	vsel vm15, v5, v55;
	v5 =	vsel vm15, v55, v5;
	vm8 =	vgt.f32 v16, v6  }
0x210: {  	v43 =	vld [tilespmem:$0x1FE40];
	v42 =	vsel vm11, v62, v39;
	v7 =	vsel vm11, v39, v62;
	vm15 =	vgt.f32 v19, v0  }
0x211: {  	v6 =	vsel vm8, v16, v6;
	v3 =	vsel vm8, v5, v3;
	v16 =	vsel vm9, v59, v37  }
0x212: {  	vm12 =	vgt.f32 v42, v9;
	v51 =	vsel vm15, v0, v19;
	v0 =	vsel vm15, v19, v0  }
0x213: {  	v53 =	vsel vm15, $0x22, v2;
	v2 =	vnsel vm15, $0x22, v2;
	v41 =	vsel vm10, v16, v61  }
0x214: {  	v16 =	vsel vm10, v61, v16;
	v45 =	vsel vm12, v9, v42;
	v9 =	vsel vm12, v42, v9  }
0x215: {  	vm9 =	vgt.f32 v51, v10;
	vm3 =	vgt.f32 v21, v0;
	v14 =	vmul.f32 v36, v43  }
0x216: {  	v44 =	vsel vm11, v16, v63;
	v8 =	vsel vm11, v63, v16;
	vm13 =	vgt.f32 v45, v11  }
0x217: {  	v52 =	vsel vm9, v10, v51;
	v10 =	vsel vm9, v51, v10;
	v55 =	vsel vm9, v2, v38  }
0x218: {  	v2 =	vsel vm9, v38, v2;
	v46 =	vsel vm12, v8, v12;
	v8 =	vsel vm12, v12, v8  }
0x219: {  	v47 =	vsel vm13, v45, v11;
	v11 =	vsel vm13, v11, v45;
	vm10 =	vgt.f32 v52, v4  }
0x21a: {  	v48 =	vsel vm13, v8, v30;
	v8 =	vsel vm13, v30, v8;
	vm14 =	vgt.f32 v11, v31  }
0x21b: {  	v54 =	vsel vm10, v4, v52;
	v4 =	vsel vm10, v52, v4;
	v56 =	vsel vm10, v2, v41  }
0x21c: {  	v2 =	vsel vm10, v41, v2;
	v49 =	vsel vm14, v11, v31;
	v11 =	vsel vm14, v31, v11  }
0x21d: {  	v50 =	vsel vm14, v8, v32;
	v8 =	vsel vm14, v32, v8;
	vm11 =	vgt.f32 v54, v7  }
0x21e: {  	v51 =	vld [tilespmem:$0x1FE50];
	v31 =	vsel vm3, v0, v21;
	v0 =	vsel vm3, v21, v0;
	vm8 =	vgt.f32 v11, v6  }
0x21f: {  	v57 =	vsel vm11, v7, v54;
	v58 =	vsel vm11, v54, v7;
	v59 =	vsel vm11, v2, v44  }
0x220: {  	v2 =	vsel vm11, v44, v2;
	vm15 =	vgt.f32 v31, v10;
	vm4 =	vgt.f32 v14, v0  }
0x221: {  	v6 =	vsel vm8, v11, v6;
	v3 =	vsel vm8, v8, v3;
	vm12 =	vgt.f32 v57, v9  }
0x222: {  	v34 =	vsel vm15, v10, v31;
	v10 =	vsel vm15, v31, v10;
	v11 =	vsel vm3, $0x23, v53  }
0x223: {  	v20 =	vmul.f32 v36, v51;
	v60 =	vsel vm12, v9, v57;
	v9 =	vsel vm12, v57, v9  }
0x224: {  	v61 =	vsel vm12, v2, v46;
	v2 =	vsel vm12, v46, v2;
	vm9 =	vgt.f32 v34, v4  }
0x225: {  	v54 =	vld [tilespmem:$0x1FE60];
	vm13 =	vgt.f32 v60, v47;
	v35 =	vsel vm9, v4, v34;
	v4 =	vsel vm9, v34, v4  }
0x226: {  	v62 =	vsel vm13, v60, v47;
	v12 =	vsel vm13, v47, v60;
	v63 =	vsel vm13, v2, v48  }
0x227: {  	v2 =	vsel vm13, v48, v2;
	vm10 =	vgt.f32 v35, v58;
	v47 =	vsel vm4, v0, v14  }
0x228: {  	v0 =	vsel vm4, v14, v0;
	v48 =	vnsel vm4, $0x24, v11;
	v11 =	vsel vm4, $0x24, v11  }
0x229: {  	vm14 =	vgt.f32 v12, v49;
	v38 =	vsel vm10, v58, v35;
	v5 =	vsel vm10, v35, v58  }
0x22a: {  	v21 =	vmul.f32 v36, v54;
	v30 =	vsel vm14, v12, v49;
	v12 =	vsel vm14, v49, v12  }
0x22b: {  	v32 =	vsel vm14, v2, v50;
	v2 =	vsel vm14, v50, v2;
	vm11 =	vgt.f32 v38, v9  }
0x22c: {  	vm8 =	vgt.f32 v12, v6;
	v39 =	vsel vm11, v9, v38;
	v40 =	vsel vm11, v38, v9  }
0x22d: {  	v6 =	vsel vm8, v12, v6;
	v2 =	vsel vm8, v2, v3;
	v3 =	vnsel vm3, $0x23, v53  }
0x22e: {  	vm12 =	vgt.f32 v39, v62;
	v37 =	vsel vm15, v3, v55;
	v3 =	vsel vm15, v55, v3  }
0x22f: {  	v42 =	vsel vm12, v62, v39;
	v12 =	vsel vm12, v39, v62;
	vm15 =	vgt.f32 v47, v10  }
0x230: {  	v19 =	vsel vm9, v3, v56;
	v3 =	vsel vm9, v56, v3;
	vm13 =	vgt.f32 v42, v30  }
0x231: {  	v49 =	vsel vm15, v48, v37;
	v8 =	vsel vm10, v3, v59;
	v3 =	vsel vm10, v59, v3  }
0x232: {  	v13 =	vsel vm13, v30, v42;
	v41 =	vsel vm11, v3, v61;
	v3 =	vsel vm11, v61, v3  }
0x233: {  	v45 =	vsel vm13, v42, v30;
	vm14 =	vgt.f32 v13, v6;
	v44 =	vsel vm12, v3, v63  }
0x234: {  	v3 =	vsel vm12, v63, v3;
	v6 =	vsel vm14, v13, v6;
	v13 =	vsel vm15, v37, v48  }
0x235: {  	v46 =	vsel vm13, v3, v32;
	v3 =	vsel vm13, v32, v3;
	vm13 =	vgt.f32 v20, v0  }
0x236: {  	v2 =	vsel vm14, v3, v2;
	v3 =	vsel vm15, v10, v47;
	v10 =	vsel vm15, v47, v10  }
0x237: {  	v62 =	vsel vm13, v0, v20;
	v0 =	vsel vm13, v20, v0;
	v30 =	vsel vm13, $0x25, v11  }
0x238: {  	v11 =	vnsel vm13, $0x25, v11;
	vm8 =	vgt.f32 v3, v4;
	vm15 =	vgt.f32 v62, v10  }
0x239: {  	vm3 =	vgt.f32 v21, v0;
	v50 =	vsel vm8, v4, v3;
	v3 =	vsel vm8, v3, v4  }
0x23a: {  	v52 =	vsel vm8, v13, v19;
	v13 =	vsel vm8, v19, v13;
	v63 =	vsel vm15, v10, v62  }
0x23b: {  	v10 =	vsel vm15, v62, v10;
	v32 =	vsel vm15, v11, v49;
	v11 =	vsel vm15, v49, v11  }
0x23c: {  	v42 =	vsel vm3, v0, v21;
	v0 =	vsel vm3, v21, v0;
	vm9 =	vgt.f32 v50, v5  }
0x23d: {  	vm8 =	vgt.f32 v63, v3;
	vm13 =	vgt.f32 v42, v10;
	v53 =	vsel vm9, v5, v50  }
0x23e: {  	v5 =	vsel vm9, v50, v5;
	v55 =	vsel vm9, v13, v8;
	v8 =	vsel vm9, v8, v13  }
0x23f: {  	v49 =	vld [tilespmem:$0x1FE70];
	v31 =	vsel vm8, v3, v63;
	v3 =	vsel vm8, v63, v3;
	v34 =	vsel vm8, v11, v52  }
0x240: {  	v4 =	vsel vm8, v52, v11;
	vm10 =	vgt.f32 v53, v40;
	vm9 =	vgt.f32 v31, v5  }
0x241: {  	v56 =	vsel vm10, v40, v53;
	v7 =	vsel vm10, v53, v40;
	v57 =	vsel vm10, v8, v41  }
0x242: {  	v8 =	vsel vm10, v41, v8;
	v35 =	vsel vm9, v5, v31;
	v5 =	vsel vm9, v31, v5  }
0x243: {  	v11 =	vsel vm9, v4, v55;
	v4 =	vsel vm9, v55, v4;
	vm11 =	vgt.f32 v56, v12  }
0x244: {  	vm10 =	vgt.f32 v35, v7;
	v20 =	vmul.f32 v36, v49;
	v58 =	vsel vm11, v56, v12  }
0x245: {  	v12 =	vsel vm11, v12, v56;
	v59 =	vsel vm11, v8, v44;
	v8 =	vsel vm11, v44, v8  }
0x246: {  	v37 =	vsel vm10, v7, v35;
	v7 =	vsel vm10, v35, v7;
	v38 =	vsel vm10, v4, v57  }
0x247: {  	v4 =	vsel vm10, v57, v4;
	v44 =	vsel vm13, v10, v42;
	vm12 =	vgt.f32 v12, v45  }
0x248: {  	vm11 =	vgt.f32 v37, v58;
	vm15 =	vgt.f32 v44, v3;
	v60 =	vsel vm12, v12, v45  }
0x249: {  	v12 =	vsel vm12, v45, v12;
	v61 =	vsel vm12, v8, v46;
	v8 =	vsel vm12, v46, v8  }
0x24a: {  	v39 =	vsel vm11, v37, v58;
	v9 =	vsel vm11, v58, v37;
	v40 =	vsel vm11, v4, v59  }
0x24b: {  	v4 =	vsel vm11, v59, v4;
	v45 =	vnsel vm3, $0x26, v30;
	v46 =	vsel vm13, v42, v10  }
0x24c: {  	v47 =	vsel vm15, v3, v44;
	v3 =	vsel vm15, v44, v3;
	vm14 =	vgt.f32 v12, v6  }
0x24d: {  	vm12 =	vgt.f32 v9, v60;
	v48 =	vsel vm13, v45, v32;
	vm8 =	vgt.f32 v47, v5  }
0x24e: {  	v6 =	vsel vm14, v12, v6;
	v2 =	vsel vm14, v8, v2;
	v41 =	vsel vm12, v9, v60  }
0x24f: {  	v9 =	vsel vm12, v60, v9;
	v43 =	vsel vm12, v4, v61;
	v4 =	vsel vm12, v61, v4  }
0x250: {  	v50 =	vsel vm8, v5, v47;
	v5 =	vsel vm8, v47, v5;
	vm12 =	vgt.f32 v20, v0  }
0x251: {  	v12 =	vsel vm3, $0x26, v30;
	vm14 =	vgt.f32 v9, v6;
	vm9 =	vgt.f32 v50, v7  }
0x252: {  	v57 =	vsel vm12, v0, v20;
	v58 =	vsel vm12, v20, v0;
	v0 =	vnsel vm12, $0x27, v12  }
0x253: {  	v12 =	vsel vm12, $0x27, v12;
	v6 =	vsel vm14, v9, v6;
	v2 =	vsel vm14, v4, v2  }
0x254: {  	v31 =	vld [tilespmem:$0x1FE80];
	v4 =	vsel vm13, v32, v45;
	v52 =	vsel vm9, v7, v50;
	v7 =	vsel vm9, v50, v7  }
0x255: {  	vm14 =	vgt.f32 v57, v46;
	v51 =	vsel vm15, v4, v34;
	v4 =	vsel vm15, v34, v4  }
0x256: {  	vm10 =	vgt.f32 v52, v39;
	v59 =	vsel vm14, v46, v57;
	v9 =	vsel vm14, v57, v46  }
0x257: {  	v47 =	vld [tilespmem:$0x1FE90];
	v60 =	vsel vm14, v0, v48;
	v61 =	vsel vm14, v48, v0;
	v0 =	vsel vm2, $0x3F800000, v1  }
0x258: {  	v53 =	vsel vm8, v4, v11;
	v4 =	vsel vm8, v11, v4;
	v54 =	vsel vm10, v39, v52  }
0x259: {  	v8 =	vsel vm10, v52, v39;
	vm15 =	vgt.f32 v59, v3;
	v21 =	vmul.f32 v0, v31  }
0x25a: {  	v11 =	vsel vm9, v4, v38;
	v4 =	vsel vm9, v38, v4;
	vm11 =	vgt.f32 v54, v41  }
0x25b: {  	v62 =	vsel vm15, v3, v59;
	v3 =	vsel vm15, v59, v3;
	v63 =	vsel vm15, v61, v51  }
0x25c: {  	v18 =	vsel vm15, v51, v61;
	v17 =	vmul.f32 v0, v47;
	v14 =	vsel vm10, v4, v40  }
0x25d: {  	v4 =	vsel vm10, v40, v4;
	v55 =	vsel vm11, v54, v41;
	v13 =	vsel vm11, v41, v54  }
0x25e: {  	vm8 =	vgt.f32 v62, v5;
	vm2 =	vgt.f32 v21, v58;
	v56 =	vsel vm11, v4, v43  }
0x25f: {  	v4 =	vsel vm11, v43, v4;
	vm13 =	vgt.f32 v13, v6;
	v30 =	vsel vm8, v5, v62  }
0x260: {  	v5 =	vsel vm8, v62, v5;
	v32 =	vsel vm8, v18, v53;
	v10 =	vsel vm8, v53, v18  }
0x261: {  	v40 =	vsel vm2, v58, v21;
	v42 =	vnsel vm2, $0x28, v12;
	v12 =	vsel vm2, $0x28, v12  }
0x262: {  	v6 =	vsel vm13, v13, v6;
	v2 =	vsel vm13, v4, v2;
	vm9 =	vgt.f32 v30, v7  }
0x263: {  	vm13 =	vgt.f32 v40, v9;
	v4 =	vsel vm2, v21, v58;
	v34 =	vsel vm9, v7, v30  }
0x264: {  	v62 =	vld [tilespmem:$0x1FEA0];
	v7 =	vsel vm9, v30, v7;
	v35 =	vsel vm9, v10, v11;
	v10 =	vsel vm9, v11, v10  }
0x265: {  	v41 =	vsel vm13, v9, v40;
	v9 =	vsel vm13, v40, v9;
	vm10 =	vgt.f32 v34, v8  }
0x266: {  	v43 =	vsel vm13, v42, v60;
	vm14 =	vgt.f32 v41, v3;
	v36 =	vsel vm10, v34, v8  }
0x267: {  	v8 =	vsel vm10, v8, v34;
	v37 =	vsel vm10, v10, v14;
	v10 =	vsel vm10, v14, v10  }
0x268: {  	v44 =	vsel vm14, v3, v41;
	v3 =	vsel vm14, v41, v3;
	vm11 =	vgt.f32 v8, v55  }
0x269: {  	vm15 =	vgt.f32 v44, v5;
	v16 =	vmul.f32 v0, v62;
	v38 =	vsel vm11, v8, v55  }
0x26a: {  	v8 =	vsel vm11, v55, v8;
	v39 =	vsel vm11, v10, v56;
	v10 =	vsel vm11, v56, v10  }
0x26b: {  	v46 =	vsel vm15, v5, v44;
	v5 =	vsel vm15, v44, v5;
	vm11 =	vgt.f32 v17, v4  }
0x26c: {  	vm12 =	vgt.f32 v8, v6;
	vm8 =	vgt.f32 v46, v7;
	v55 =	vsel vm11, v4, v17  }
0x26d: {  	v4 =	vsel vm11, v17, v4;
	v57 =	vnsel vm11, $0x29, v12;
	v12 =	vsel vm11, $0x29, v12  }
0x26e: {  	v6 =	vsel vm12, v8, v6;
	v2 =	vsel vm12, v10, v2;
	v10 =	vsel vm13, v60, v42  }
0x26f: {  	v49 =	vsel vm8, v7, v46;
	v7 =	vsel vm8, v46, v7;
	vm13 =	vgt.f32 v55, v9  }
0x270: {  	vm2 =	vgt.f32 v16, v4;
	v45 =	vsel vm14, v10, v63;
	v10 =	vsel vm14, v63, v10  }
0x271: {  	vm9 =	vgt.f32 v49, v36;
	v56 =	vsel vm13, v9, v55;
	v9 =	vsel vm13, v55, v9  }
0x272: {  	v58 =	vsel vm13, v57, v43;
	v48 =	vsel vm15, v10, v32;
	v10 =	vsel vm15, v32, v10  }
0x273: {  	v44 =	vld [tilespmem:$0x1FEB0];
	v51 =	vsel vm9, v49, v36;
	v11 =	vsel vm9, v36, v49;
	vm14 =	vgt.f32 v56, v3  }
0x274: {  	v50 =	vsel vm8, v10, v35;
	v10 =	vsel vm8, v35, v10;
	vm10 =	vgt.f32 v11, v38  }
0x275: {  	v59 =	vsel vm14, v3, v56;
	v3 =	vsel vm14, v56, v3;
	v52 =	vsel vm9, v10, v37  }
0x276: {  	v10 =	vsel vm9, v37, v10;
	v53 =	vsel vm10, v11, v38;
	v11 =	vsel vm10, v38, v11  }
0x277: {  	vm15 =	vgt.f32 v59, v5;
	v37 =	vsel vm2, v4, v16;
	v4 =	vsel vm2, v16, v4  }
0x278: {  	v16 =	vmul.f32 v0, v44;
	v54 =	vsel vm10, v10, v39;
	v10 =	vsel vm10, v39, v10  }
0x279: {  	vm12 =	vgt.f32 v11, v6;
	v61 =	vsel vm15, v5, v59;
	v5 =	vsel vm15, v59, v5  }
0x27a: {  	v39 =	vnsel vm2, $0x2A, v12;
	v12 =	vsel vm2, $0x2A, v12;
	v6 =	vsel vm12, v11, v6  }
0x27b: {  	v2 =	vsel vm12, v10, v2;
	v11 =	vsel vm13, v43, v57;
	vm8 =	vgt.f32 v61, v7  }
0x27c: {  	vm12 =	vgt.f32 v37, v9;
	v60 =	vsel vm14, v11, v45;
	v8 =	vsel vm14, v45, v11  }
0x27d: {  	v30 =	vsel vm8, v7, v61;
	v7 =	vsel vm8, v61, v7;
	v38 =	vsel vm12, v9, v37  }
0x27e: {  	v9 =	vsel vm12, v37, v9;
	v40 =	vsel vm12, v39, v58;
	v15 =	vsel vm12, v58, v39  }
0x27f: {  	v59 =	vld [tilespmem:$0x1FEC0];
	v63 =	vsel vm15, v8, v48;
	v8 =	vsel vm15, v48, v8;
	vm9 =	vgt.f32 v30, v51  }
0x280: {  	vm13 =	vgt.f32 v38, v3;
	v31 =	vsel vm8, v8, v50;
	v8 =	vsel vm8, v50, v8  }
0x281: {  	v32 =	vsel vm9, v30, v51;
	v20 =	vsel vm9, v51, v30;
	v41 =	vsel vm13, v3, v38  }
0x282: {  	v3 =	vsel vm13, v38, v3;
	v42 =	vsel vm13, v15, v60;
	v10 =	vsel vm13, v60, v15  }
0x283: {  	v34 =	vsel vm9, v8, v52;
	v8 =	vsel vm9, v52, v8;
	vm10 =	vgt.f32 v20, v53  }
0x284: {  	vm14 =	vgt.f32 v41, v5;
	v14 =	vmul.f32 v0, v59;
	v35 =	vsel vm10, v20, v53  }
0x285: {  	v18 =	vsel vm10, v53, v20;
	v36 =	vsel vm10, v8, v54;
	v8 =	vsel vm10, v54, v8  }
0x286: {  	v43 =	vsel vm14, v5, v41;
	v5 =	vsel vm14, v41, v5;
	v45 =	vsel vm14, v10, v63  }
0x287: {  	v10 =	vsel vm14, v63, v10;
	vm10 =	vgt.f32 v16, v4;
	vm11 =	vgt.f32 v18, v6  }
0x288: {  	vm15 =	vgt.f32 v43, v7;
	v52 =	vsel vm10, v4, v16;
	v4 =	vsel vm10, v16, v4  }
0x289: {  	v54 =	vnsel vm10, $0x2B, v12;
	v12 =	vsel vm10, $0x2B, v12;
	v6 =	vsel vm11, v18, v6  }
0x28a: {  	v2 =	vsel vm11, v8, v2;
	v46 =	vsel vm15, v7, v43;
	v7 =	vsel vm15, v43, v7  }
0x28b: {  	v47 =	vsel vm15, v10, v31;
	v10 =	vsel vm15, v31, v10;
	vm12 =	vgt.f32 v52, v9  }
0x28c: {  	v41 =	vld [tilespmem:$0x1FED0];
	vm2 =	vgt.f32 v14, v4;
	vm8 =	vgt.f32 v46, v32;
	v53 =	vsel vm12, v9, v52  }
0x28d: {  	v9 =	vsel vm12, v52, v9;
	v55 =	vsel vm12, v54, v40;
	v48 =	vsel vm8, v46, v32  }
0x28e: {  	v13 =	vsel vm8, v32, v46;
	v49 =	vsel vm8, v10, v34;
	v10 =	vsel vm8, v34, v10  }
0x28f: {  	vm13 =	vgt.f32 v53, v3;
	v34 =	vsel vm2, v4, v14;
	v4 =	vsel vm2, v14, v4  }
0x290: {  	vm9 =	vgt.f32 v13, v35;
	v56 =	vsel vm13, v3, v53;
	v3 =	vsel vm13, v53, v3  }
0x291: {  	v16 =	vmul.f32 v0, v41;
	v50 =	vsel vm9, v13, v35;
	v13 =	vsel vm9, v35, v13  }
0x292: {  	v51 =	vsel vm9, v10, v36;
	v10 =	vsel vm9, v36, v10;
	vm14 =	vgt.f32 v56, v5  }
0x293: {  	v36 =	vnsel vm2, $0x2C, v12;
	v12 =	vsel vm2, $0x2C, v12;
	vm11 =	vgt.f32 v13, v6  }
0x294: {  	v58 =	vsel vm14, v5, v56;
	v5 =	vsel vm14, v56, v5;
	vm3 =	vgt.f32 v16, v4  }
0x295: {  	v6 =	vsel vm11, v13, v6;
	v2 =	vsel vm11, v10, v2;
	v13 =	vsel vm12, v40, v54  }
0x296: {  	vm15 =	vgt.f32 v58, v7;
	vm11 =	vgt.f32 v34, v9;
	v53 =	vnsel vm3, $0x2D, v12  }
0x297: {  	v12 =	vsel vm3, $0x2D, v12;
	v57 =	vsel vm13, v13, v42;
	v8 =	vsel vm13, v42, v13  }
0x298: {  	v61 =	vsel vm15, v7, v58;
	v7 =	vsel vm15, v58, v7;
	v35 =	vsel vm11, v9, v34  }
0x299: {  	v9 =	vsel vm11, v34, v9;
	v37 =	vsel vm11, v36, v55;
	v60 =	vsel vm14, v8, v45  }
0x29a: {  	v8 =	vsel vm14, v45, v8;
	vm8 =	vgt.f32 v61, v48;
	vm12 =	vgt.f32 v35, v3  }
0x29b: {  	v62 =	vsel vm15, v8, v47;
	v8 =	vsel vm15, v47, v8;
	v63 =	vsel vm8, v61, v48  }
0x29c: {  	v11 =	vsel vm8, v48, v61;
	v38 =	vsel vm12, v3, v35;
	v3 =	vsel vm12, v35, v3  }
0x29d: {  	v30 =	vsel vm8, v8, v49;
	v8 =	vsel vm8, v49, v8;
	vm9 =	vgt.f32 v11, v50  }
0x29e: {  	vm13 =	vgt.f32 v38, v5;
	v49 =	vsel vm3, v4, v16;
	v4 =	vsel vm3, v16, v4  }
0x29f: {  	v31 =	vsel vm9, v11, v50;
	v11 =	vsel vm9, v50, v11;
	v32 =	vsel vm9, v8, v51  }
0x2a0: {  	v8 =	vsel vm9, v51, v8;
	v40 =	vsel vm13, v5, v38;
	vm10 =	vgt.f32 v11, v6  }
0x2a1: {  	v5 =	vsel vm13, v38, v5;
	vm14 =	vgt.f32 v40, v7;
	v6 =	vsel vm10, v11, v6  }
0x2a2: {  	v50 =	vld [tilespmem:$0x1FEE0];
	v2 =	vsel vm10, v8, v2;
	v11 =	vsel vm11, v55, v36;
	v43 =	vsel vm14, v7, v40  }
0x2a3: {  	v51 =	vld [tilespmem:$0x1FEF0];
	v7 =	vsel vm14, v40, v7;
	vm10 =	vgt.f32 v49, v9;
	v39 =	vsel vm12, v11, v57  }
0x2a4: {  	v10 =	vsel vm12, v57, v11;
	vm15 =	vgt.f32 v43, v63;
	v52 =	vsel vm10, v9, v49  }
0x2a5: {  	v9 =	vsel vm10, v49, v9;
	v55 =	vsel vm10, v53, v37;
	v42 =	vsel vm13, v10, v60  }
0x2a6: {  	v10 =	vsel vm13, v60, v10;
	v45 =	vsel vm15, v43, v63;
	v15 =	vsel vm15, v63, v43  }
0x2a7: {  	vm11 =	vgt.f32 v52, v3;
	v44 =	vsel vm14, v10, v62;
	v10 =	vsel vm14, v62, v10  }
0x2a8: {  	vm8 =	vgt.f32 v15, v31;
	v22 =	vmul.f32 v0, v50;
	v23 =	vmul.f32 v0, v51  }
0x2a9: {  	v54 =	vsel vm11, v3, v52;
	v3 =	vsel vm11, v52, v3;
	v46 =	vsel vm15, v10, v30  }
0x2aa: {  	v10 =	vsel vm15, v30, v10;
	v47 =	vsel vm8, v15, v31;
	v15 =	vsel vm8, v31, v15  }
0x2ab: {  	vm12 =	vgt.f32 v54, v5;
	v48 =	vsel vm8, v10, v32;
	v10 =	vsel vm8, v32, v10  }
0x2ac: {  	vm9 =	vgt.f32 v15, v6;
	v56 =	vsel vm12, v5, v54;
	v5 =	vsel vm12, v54, v5  }
0x2ad: {  	vm2 =	vgt.f32 v22, v4;
	v0 =	vsel vm9, v15, v6;
	v2 =	vsel vm9, v10, v2  }
0x2ae: {  	v10 =	vsel vm10, v37, v53;
	vm13 =	vgt.f32 v56, v7;
	v63 =	vsel vm2, v4, v22  }
0x2af: {  	v4 =	vsel vm2, v22, v4;
	v30 =	vnsel vm2, $0x2E, v12;
	v12 =	vsel vm2, $0x2E, v12  }
0x2b0: {  	v14 =	vsel vm11, v10, v39;
	v8 =	vsel vm11, v39, v10;
	v57 =	vsel vm13, v7, v56  }
0x2b1: {  	v6 =	vsel vm13, v56, v7;
	vm9 =	vgt.f32 v63, v9;
	vm3 =	vgt.f32 v23, v4  }
0x2b2: {  	v10 =	vsel vm12, v8, v42;
	v8 =	vsel vm12, v42, v8;
	vm14 =	vgt.f32 v57, v45  }
0x2b3: {  	v32 =	vsel vm9, v30, v55;
	v39 =	vsel vm3, v4, v23;
	v4 =	vsel vm3, v23, v4  }
0x2b4: {  	v42 =	vnsel vm3, $0x2F, v12;
	v12 =	vsel vm3, $0x2F, v12;
	v59 =	vsel vm14, v45, v57  }
0x2b5: {  	v58 =	vsel vm13, v8, v44;
	v8 =	vsel vm13, v44, v8;
	vm15 =	vgt.f32 v59, v47  }
0x2b6: {  	v13 =	vsel vm14, v57, v45;
	v60 =	vsel vm14, v8, v46;
	v11 =	vsel vm15, v47, v59  }
0x2b7: {  	v8 =	vsel vm14, v46, v8;
	v61 =	vsel vm15, v59, v47;
	vm8 =	vgt.f32 v11, v0  }
0x2b8: {  	v62 =	vsel vm15, v8, v48;
	v8 =	vsel vm15, v48, v8;
	v11 =	vsel vm8, v11, v0  }
0x2b9: {  	v0 =	vsel vm9, v9, v63;
	v2 =	vsel vm8, v8, v2;
	v9 =	vsel vm9, v63, v9  }
0x2ba: {  	v8 =	vsel vm9, v55, v30;
	vm10 =	vgt.f32 v0, v3;
	vm8 =	vgt.f32 v39, v9  }
0x2bb: {  	v31 =	vsel vm10, v3, v0;
	v3 =	vsel vm10, v0, v3;
	v16 =	vsel vm10, v8, v14  }
0x2bc: {  	v8 =	vsel vm10, v14, v8;
	v41 =	vsel vm8, v9, v39;
	v9 =	vsel vm8, v39, v9  }
0x2bd: {  	v44 =	vsel vm8, v42, v32;
	vm11 =	vgt.f32 v31, v5;
	vm9 =	vgt.f32 v41, v3  }
0x2be: {  	v0 =	vsel vm11, v5, v31;
	v5 =	vsel vm11, v31, v5;
	v14 =	vsel vm11, v8, v10  }
0x2bf: {  	v8 =	vsel vm11, v10, v8;
	v43 =	vsel vm9, v3, v41;
	vm12 =	vgt.f32 v0, v6  }
0x2c0: {  	v3 =	vsel vm9, v41, v3;
	vm10 =	vgt.f32 v43, v5;
	v34 =	vsel vm12, v6, v0  }
0x2c1: {  	v6 =	vsel vm12, v0, v6;
	v35 =	vsel vm12, v8, v58;
	v0 =	vsel vm12, v58, v8  }
0x2c2: {  	v45 =	vsel vm10, v5, v43;
	v5 =	vsel vm10, v43, v5;
	vm13 =	vgt.f32 v34, v13  }
0x2c3: {  	v40 =	vld [tilespmem:$0x1FF00];
	vm11 =	vgt.f32 v45, v6;
	v36 =	vsel vm13, v34, v13;
	v37 =	vsel vm13, v13, v34  }
0x2c4: {  	v38 =	vsel vm13, v0, v60;
	v0 =	vsel vm13, v60, v0;
	v46 =	vsel vm11, v6, v45  }
0x2c5: {  	v6 =	vsel vm11, v45, v6;
	vm14 =	vgt.f32 v37, v61;
	vm12 =	vgt.f32 v46, v36  }
0x2c6: {  	v13 =	vsel vm14, v37, v61;
	v8 =	vsel vm14, v61, v37;
	v15 =	vsel vm14, v0, v62  }
0x2c7: {  	v18 =	vsel vm14, v62, v0;
	v0 =	vsel vm1, $0x3F800000, v1;
	v48 =	vsel vm12, v36, v46  }
0x2c8: {  	v7 =	vsel vm12, v46, v36;
	vm15 =	vgt.f32 v8, v11;
	v21 =	vmul.f32 v0, v40  }
0x2c9: {  	v31 =	vld [tilespmem:$0x1FF20];
	vm13 =	vgt.f32 v48, v13;
	v8 =	vsel vm15, v8, v11;
	v2 =	vsel vm15, v18, v2  }
0x2ca: {  	v18 =	vsel vm8, v32, v42;
	v49 =	vsel vm13, v48, v13;
	v13 =	vsel vm13, v13, v48  }
0x2cb: {  	v20 =	vsel vm9, v18, v16;
	v16 =	vsel vm9, v16, v18;
	vm1 =	vgt.f32 v21, v4  }
0x2cc: {  	v46 =	vld [tilespmem:$0x1FF30];
	vm14 =	vgt.f32 v13, v8;
	v18 =	vsel vm10, v16, v14;
	v14 =	vsel vm10, v14, v16  }
0x2cd: {  	v51 =	vsel vm1, v4, v21;
	v8 =	vsel vm14, v13, v8;
	v4 =	vsel vm1, v21, v4  }
0x2ce: {  	v52 =	vld [tilespmem:$0x1FF10];
	v54 =	vnsel vm1, $0x30, v12;
	v16 =	vmul.f32 v0, v31;
	v12 =	vsel vm1, $0x30, v12  }
0x2cf: {  	v47 =	vsel vm11, v14, v35;
	v14 =	vsel vm11, v35, v14;
	vm15 =	vgt.f32 v51, v9  }
0x2d0: {  	v17 =	vsel vm12, v14, v38;
	v10 =	vsel vm12, v38, v14;
	v53 =	vsel vm15, v9, v51  }
0x2d1: {  	v9 =	vsel vm15, v51, v9;
	v56 =	vsel vm15, v54, v44;
	v14 =	vmul.f32 v0, v46  }
0x2d2: {  	v50 =	vsel vm13, v10, v15;
	v10 =	vsel vm13, v15, v10;
	vm7 =	vgt.f32 v53, v3  }
0x2d3: {  	v15 =	vmul.f32 v0, v52;
	v2 =	vsel vm14, v10, v2;
	v55 =	vsel vm7, v3, v53  }
0x2d4: {  	v10 =	vsel vm15, v44, v54;
	v3 =	vsel vm7, v53, v3;
	vm8 =	vgt.f32 v55, v5  }
0x2d5: {  	v19 =	vsel vm7, v10, v20;
	v10 =	vsel vm7, v20, v10;
	vm12 =	vgt.f32 v15, v4  }
0x2d6: {  	v57 =	vsel vm8, v5, v55;
	v5 =	vsel vm8, v55, v5;
	v20 =	vsel vm8, v10, v18  }
0x2d7: {  	v10 =	vsel vm8, v18, v10;
	v30 =	vsel vm12, v4, v15;
	v4 =	vsel vm12, v15, v4  }
0x2d8: {  	v34 =	vnsel vm12, $0x31, v12;
	v12 =	vsel vm12, $0x31, v12;
	vm9 =	vgt.f32 v57, v6  }
0x2d9: {  	vm14 =	vgt.f32 v30, v9;
	vm1 =	vgt.f32 v16, v4;
	v58 =	vsel vm9, v6, v57  }
0x2da: {  	v6 =	vsel vm9, v57, v6;
	v59 =	vsel vm9, v10, v47;
	v10 =	vsel vm9, v47, v10  }
0x2db: {  	v32 =	vsel vm14, v9, v30;
	v9 =	vsel vm14, v30, v9;
	v36 =	vsel vm14, v34, v56  }
0x2dc: {  	v45 =	vsel vm1, v4, v16;
	v4 =	vsel vm1, v16, v4;
	v48 =	vnsel vm1, $0x32, v12  }
0x2dd: {  	v12 =	vsel vm1, $0x32, v12;
	vm10 =	vgt.f32 v58, v7;
	vm15 =	vgt.f32 v32, v3  }
0x2de: {  	vm2 =	vgt.f32 v14, v4;
	v60 =	vsel vm10, v7, v58;
	v7 =	vsel vm10, v58, v7  }
0x2df: {  	v61 =	vsel vm10, v10, v17;
	v10 =	vsel vm10, v17, v10;
	v35 =	vsel vm15, v3, v32  }
0x2e0: {  	v3 =	vsel vm15, v32, v3;
	vm11 =	vgt.f32 v60, v49;
	vm6 =	vgt.f32 v35, v5  }
0x2e1: {  	v62 =	vsel vm11, v60, v49;
	v11 =	vsel vm11, v49, v60;
	v63 =	vsel vm11, v10, v50  }
0x2e2: {  	v10 =	vsel vm11, v50, v10;
	v37 =	vsel vm6, v5, v35;
	v5 =	vsel vm6, v35, v5  }
0x2e3: {  	vm11 =	vgt.f32 v45, v9;
	vm13 =	vgt.f32 v11, v8;
	vm7 =	vgt.f32 v37, v6  }
0x2e4: {  	v47 =	vsel vm11, v9, v45;
	v9 =	vsel vm11, v45, v9;
	v50 =	vsel vm11, v48, v36  }
0x2e5: {  	v8 =	vsel vm13, v11, v8;
	v2 =	vsel vm13, v10, v2;
	v10 =	vsel vm14, v56, v34  }
0x2e6: {  	v39 =	vsel vm7, v6, v37;
	v6 =	vsel vm7, v37, v6;
	vm12 =	vgt.f32 v47, v3  }
0x2e7: {  	v60 =	vld [tilespmem:$0x1FF40];
	v22 =	vsel vm15, v10, v19;
	v10 =	vsel vm15, v19, v10;
	vm8 =	vgt.f32 v39, v7  }
0x2e8: {  	v49 =	vsel vm12, v3, v47;
	v3 =	vsel vm12, v47, v3;
	v38 =	vsel vm6, v10, v20  }
0x2e9: {  	v10 =	vsel vm6, v20, v10;
	v41 =	vsel vm8, v7, v39;
	v7 =	vsel vm8, v39, v7  }
0x2ea: {  	vm13 =	vgt.f32 v49, v5;
	v40 =	vsel vm7, v10, v59;
	v10 =	vsel vm7, v59, v10  }
0x2eb: {  	vm9 =	vgt.f32 v41, v62;
	v51 =	vsel vm13, v5, v49;
	v5 =	vsel vm13, v49, v5  }
0x2ec: {  	v59 =	vsel vm2, v4, v14;
	v17 =	vmul.f32 v0, v60;
	v4 =	vsel vm2, v14, v4  }
0x2ed: {  	v42 =	vsel vm8, v10, v61;
	v10 =	vsel vm8, v61, v10;
	v43 =	vsel vm9, v41, v62  }
0x2ee: {  	v13 =	vsel vm9, v62, v41;
	vm14 =	vgt.f32 v51, v6;
	v62 =	vnsel vm2, $0x33, v12  }
0x2ef: {  	v12 =	vsel vm2, $0x33, v12;
	v44 =	vsel vm9, v10, v63;
	v10 =	vsel vm9, v63, v10  }
0x2f0: {  	vm10 =	vgt.f32 v13, v8;
	v53 =	vsel vm14, v6, v51;
	v6 =	vsel vm14, v51, v6  }
0x2f1: {  	vm1 =	vgt.f32 v17, v4;
	v8 =	vsel vm10, v13, v8;
	v2 =	vsel vm10, v10, v2  }
0x2f2: {  	v10 =	vsel vm11, v36, v48;
	vm15 =	vgt.f32 v53, v7;
	vm10 =	vgt.f32 v59, v9  }
0x2f3: {  	v21 =	vsel vm12, v10, v22;
	v10 =	vsel vm12, v22, v10;
	v55 =	vsel vm15, v7, v53  }
0x2f4: {  	v41 =	vld [tilespmem:$0x1FF50];
	v7 =	vsel vm15, v53, v7;
	v61 =	vsel vm10, v9, v59;
	v9 =	vsel vm10, v59, v9  }
0x2f5: {  	v30 =	vsel vm10, v62, v50;
	v52 =	vsel vm13, v10, v38;
	v10 =	vsel vm13, v38, v10  }
0x2f6: {  	vm8 =	vgt.f32 v55, v43;
	vm11 =	vgt.f32 v61, v3;
	v54 =	vsel vm14, v10, v40  }
0x2f7: {  	v10 =	vsel vm14, v40, v10;
	v57 =	vsel vm8, v55, v43;
	v11 =	vsel vm8, v43, v55  }
0x2f8: {  	v63 =	vsel vm11, v3, v61;
	v3 =	vsel vm11, v61, v3;
	v40 =	vsel vm1, v4, v17  }
0x2f9: {  	v18 =	vmul.f32 v0, v41;
	v4 =	vsel vm1, v17, v4;
	v43 =	vnsel vm1, $0x34, v12  }
0x2fa: {  	v12 =	vsel vm1, $0x34, v12;
	v56 =	vsel vm15, v10, v42;
	v10 =	vsel vm15, v42, v10  }
0x2fb: {  	vm9 =	vgt.f32 v11, v8;
	vm12 =	vgt.f32 v63, v5;
	v58 =	vsel vm8, v10, v44  }
0x2fc: {  	v10 =	vsel vm8, v44, v10;
	v8 =	vsel vm9, v11, v8;
	v31 =	vsel vm12, v5, v63  }
0x2fd: {  	v55 =	vld [tilespmem:$0x1FF60];
	v5 =	vsel vm12, v63, v5;
	vm2 =	vgt.f32 v18, v4;
	v2 =	vsel vm9, v10, v2  }
0x2fe: {  	v10 =	vsel vm10, v50, v62;
	vm13 =	vgt.f32 v31, v6;
	vm9 =	vgt.f32 v40, v9  }
0x2ff: {  	v20 =	vsel vm11, v10, v21;
	v10 =	vsel vm11, v21, v10;
	v34 =	vsel vm13, v6, v31  }
0x300: {  	v6 =	vsel vm13, v31, v6;
	v42 =	vsel vm9, v9, v40;
	v9 =	vsel vm9, v40, v9  }
0x301: {  	v45 =	vsel vm9, v43, v30;
	v32 =	vsel vm12, v10, v52;
	v10 =	vsel vm12, v52, v10  }
0x302: {  	vm14 =	vgt.f32 v34, v7;
	vm10 =	vgt.f32 v42, v3;
	v19 =	vmul.f32 v0, v55  }
0x303: {  	v35 =	vsel vm13, v10, v54;
	v10 =	vsel vm13, v54, v10;
	v36 =	vsel vm14, v7, v34  }
0x304: {  	v7 =	vsel vm14, v34, v7;
	v44 =	vsel vm10, v3, v42;
	v3 =	vsel vm10, v42, v3  }
0x305: {  	v54 =	vsel vm2, v4, v18;
	v4 =	vsel vm2, v18, v4;
	v37 =	vsel vm14, v10, v56  }
0x306: {  	vm15 =	vgt.f32 v36, v57;
	v10 =	vsel vm14, v56, v10;
	vm11 =	vgt.f32 v44, v5  }
0x307: {  	vm3 =	vgt.f32 v19, v4;
	v38 =	vsel vm15, v36, v57;
	v13 =	vsel vm15, v57, v36  }
0x308: {  	v39 =	vsel vm15, v10, v58;
	v10 =	vsel vm15, v58, v10;
	v46 =	vsel vm11, v5, v44  }
0x309: {  	v5 =	vsel vm11, v44, v5;
	v57 =	vnsel vm2, $0x35, v12;
	v34 =	vsel vm3, v4, v19  }
0x30a: {  	v12 =	vsel vm2, $0x35, v12;
	v4 =	vsel vm3, v19, v4;
	vm8 =	vgt.f32 v13, v8  }
0x30b: {  	vm12 =	vgt.f32 v46, v6;
	v8 =	vsel vm8, v13, v8;
	v2 =	vsel vm8, v10, v2  }
0x30c: {  	v10 =	vsel vm9, v30, v43;
	v48 =	vsel vm12, v6, v46;
	v6 =	vsel vm12, v46, v6  }
0x30d: {  	vm8 =	vgt.f32 v54, v9;
	v22 =	vsel vm10, v10, v20;
	v10 =	vsel vm10, v20, v10  }
0x30e: {  	vm13 =	vgt.f32 v48, v7;
	v56 =	vsel vm8, v9, v54;
	v9 =	vsel vm8, v54, v9  }
0x30f: {  	v59 =	vsel vm8, v57, v45;
	v47 =	vsel vm11, v10, v32;
	v10 =	vsel vm11, v32, v10  }
0x310: {  	v50 =	vsel vm13, v7, v48;
	v7 =	vsel vm13, v48, v7;
	vm9 =	vgt.f32 v56, v3  }
0x311: {  	v49 =	vsel vm12, v10, v35;
	v10 =	vsel vm12, v35, v10;
	vm14 =	vgt.f32 v50, v38  }
0x312: {  	v58 =	vsel vm9, v3, v56;
	v3 =	vsel vm9, v56, v3;
	v51 =	vsel vm13, v10, v37  }
0x313: {  	v10 =	vsel vm13, v37, v10;
	v52 =	vsel vm14, v50, v38;
	v11 =	vsel vm14, v38, v50  }
0x314: {  	vm10 =	vgt.f32 v58, v5;
	v37 =	vnsel vm3, $0x36, v12;
	v12 =	vsel vm3, $0x36, v12  }
0x315: {  	v53 =	vsel vm14, v10, v39;
	v10 =	vsel vm14, v39, v10;
	vm15 =	vgt.f32 v11, v8  }
0x316: {  	v35 =	vld [tilespmem:$0x1FF70];
	v60 =	vsel vm10, v5, v58;
	v5 =	vsel vm10, v58, v5;
	v8 =	vsel vm15, v11, v8  }
0x317: {  	v2 =	vsel vm15, v10, v2;
	v10 =	vsel vm8, v45, v57;
	vm11 =	vgt.f32 v60, v6  }
0x318: {  	vm15 =	vgt.f32 v34, v9;
	v21 =	vsel vm9, v10, v22;
	v10 =	vsel vm9, v22, v10  }
0x319: {  	v62 =	vsel vm11, v6, v60;
	v6 =	vsel vm11, v60, v6;
	v36 =	vsel vm15, v9, v34  }
0x31a: {  	v9 =	vsel vm15, v34, v9;
	v39 =	vsel vm15, v37, v59;
	v61 =	vsel vm10, v10, v47  }
0x31b: {  	v10 =	vsel vm10, v47, v10;
	vm12 =	vgt.f32 v62, v7;
	v0 =	vmul.f32 v0, v35  }
0x31c: {  	vm7 =	vgt.f32 v36, v3;
	v63 =	vsel vm11, v10, v49;
	v10 =	vsel vm11, v49, v10  }
0x31d: {  	v23 =	vsel vm12, v7, v62;
	v7 =	vsel vm12, v62, v7;
	v38 =	vsel vm7, v3, v36  }
0x31e: {  	v3 =	vsel vm7, v36, v3;
	v30 =	vsel vm12, v10, v51;
	vm13 =	vgt.f32 v23, v52  }
0x31f: {  	v10 =	vsel vm12, v51, v10;
	vm8 =	vgt.f32 v38, v5;
	vm12 =	vgt.f32 v0, v4  }
0x320: {  	v31 =	vsel vm13, v23, v52;
	v13 =	vsel vm13, v52, v23;
	v32 =	vsel vm13, v10, v53  }
0x321: {  	v10 =	vsel vm13, v53, v10;
	v40 =	vsel vm8, v5, v38;
	v5 =	vsel vm8, v38, v5  }
0x322: {  	v48 =	vsel vm12, v4, v0;
	v4 =	vsel vm12, v0, v4;
	v0 =	vnsel vm12, $0x37, v12  }
0x323: {  	v12 =	vsel vm12, $0x37, v12;
	vm14 =	vgt.f32 v13, v8;
	vm9 =	vgt.f32 v40, v6  }
0x324: {  	v8 =	vsel vm14, v13, v8;
	v2 =	vsel vm14, v10, v2;
	v10 =	vsel vm15, v59, v37  }
0x325: {  	v42 =	vsel vm9, v6, v40;
	v6 =	vsel vm9, v40, v6;
	vm14 =	vgt.f32 v48, v9  }
0x326: {  	v20 =	vsel vm7, v10, v21;
	v10 =	vsel vm7, v21, v10;
	vm10 =	vgt.f32 v42, v7  }
0x327: {  	v49 =	vsel vm14, v9, v48;
	v9 =	vsel vm14, v48, v9;
	v51 =	vsel vm14, v0, v39  }
0x328: {  	v0 =	vsel vm14, v39, v0;
	v41 =	vsel vm8, v10, v61;
	v10 =	vsel vm8, v61, v10  }
0x329: {  	v44 =	vsel vm10, v7, v42;
	v7 =	vsel vm10, v42, v7;
	vm15 =	vgt.f32 v49, v3  }
0x32a: {  	v43 =	vsel vm9, v10, v63;
	v10 =	vsel vm9, v63, v10;
	vm11 =	vgt.f32 v44, v31  }
0x32b: {  	v50 =	vsel vm15, v3, v49;
	v3 =	vsel vm15, v49, v3;
	v52 =	vsel vm15, v0, v20  }
0x32c: {  	v58 =	vld [tilespmem:$0x1FF80];
	v0 =	vsel vm15, v20, v0;
	v45 =	vsel vm10, v10, v30;
	v10 =	vsel vm10, v30, v10  }
0x32d: {  	v36 =	vld [tilespmem:$0x1FFA0];
	v46 =	vsel vm11, v44, v31;
	v11 =	vsel vm11, v31, v44;
	vm6 =	vgt.f32 v50, v5  }
0x32e: {  	v47 =	vsel vm11, v10, v32;
	v10 =	vsel vm11, v32, v10;
	vm13 =	vgt.f32 v11, v8  }
0x32f: {  	v53 =	vsel vm6, v5, v50;
	v5 =	vsel vm6, v50, v5;
	v54 =	vsel vm6, v0, v41  }
0x330: {  	v15 =	vsel vm6, v41, v0;
	v0 =	vsel vm0, $0x3F800000, v1;
	v8 =	vsel vm13, v11, v8  }
0x331: {  	v2 =	vsel vm13, v10, v2;
	vm7 =	vgt.f32 v53, v6;
	v21 =	vmul.f32 v0, v58  }
0x332: {  	v32 =	vld [tilespmem:$0x1FF90];
	v22 =	vmul.f32 v0, v36;
	v55 =	vsel vm7, v6, v53;
	v6 =	vsel vm7, v53, v6  }
0x333: {  	v56 =	vsel vm7, v15, v43;
	v13 =	vsel vm7, v43, v15;
	vm8 =	vgt.f32 v55, v7  }
0x334: {  	vm10 =	vgt.f32 v21, v4;
	v57 =	vsel vm8, v7, v55;
	v7 =	vsel vm8, v55, v7  }
0x335: {  	v59 =	vsel vm8, v13, v45;
	v13 =	vsel vm8, v45, v13;
	v62 =	vsel vm10, v4, v21  }
0x336: {  	v4 =	vsel vm10, v21, v4;
	v23 =	vnsel vm10, $0x38, v12;
	v12 =	vsel vm10, $0x38, v12  }
0x337: {  	vm9 =	vgt.f32 v57, v46;
	vm12 =	vgt.f32 v62, v9;
	v21 =	vmul.f32 v0, v32  }
0x338: {  	v60 =	vsel vm9, v57, v46;
	v15 =	vsel vm9, v46, v57;
	v61 =	vsel vm9, v13, v47  }
0x339: {  	v13 =	vsel vm9, v47, v13;
	v63 =	vsel vm12, v9, v62;
	v9 =	vsel vm12, v62, v9  }
0x33a: {  	v30 =	vsel vm12, v23, v51;
	vm11 =	vgt.f32 v15, v8;
	vm13 =	vgt.f32 v63, v3  }
0x33b: {  	vm0 =	vgt.f32 v21, v4;
	v8 =	vsel vm11, v15, v8;
	v2 =	vsel vm11, v13, v2  }
0x33c: {  	v15 =	vsel vm12, v51, v23;
	v31 =	vsel vm13, v3, v63;
	v3 =	vsel vm13, v63, v3  }
0x33d: {  	v44 =	vsel vm0, v4, v21;
	v4 =	vsel vm0, v21, v4;
	v46 =	vnsel vm0, $0x39, v12  }
0x33e: {  	v12 =	vsel vm0, $0x39, v12;
	vm14 =	vgt.f32 v31, v5;
	v34 =	vsel vm13, v15, v52  }
0x33f: {  	v11 =	vsel vm13, v52, v15;
	vm7 =	vgt.f32 v44, v9;
	vm13 =	vgt.f32 v22, v4  }
0x340: {  	v35 =	vsel vm14, v5, v31;
	v5 =	vsel vm14, v31, v5;
	v37 =	vsel vm14, v11, v54  }
0x341: {  	v10 =	vsel vm14, v54, v11;
	v45 =	vsel vm7, v9, v44;
	v9 =	vsel vm7, v44, v9  }
0x342: {  	v47 =	vsel vm7, v46, v30;
	v57 =	vsel vm13, v4, v22;
	v4 =	vsel vm13, v22, v4  }
0x343: {  	v36 =	vsel vm13, $0x3A, v12;
	vm15 =	vgt.f32 v35, v6;
	vm8 =	vgt.f32 v45, v3  }
0x344: {  	v38 =	vsel vm15, v6, v35;
	v6 =	vsel vm15, v35, v6;
	v39 =	vsel vm15, v10, v56  }
0x345: {  	v10 =	vsel vm15, v56, v10;
	v48 =	vsel vm8, v3, v45;
	v3 =	vsel vm8, v45, v3  }
0x346: {  	vm15 =	vgt.f32 v57, v9;
	vm4 =	vgt.f32 v38, v7;
	vm9 =	vgt.f32 v48, v5  }
0x347: {  	v40 =	vsel vm4, v38, v7;
	v7 =	vsel vm4, v7, v38;
	v41 =	vsel vm4, v10, v59  }
0x348: {  	v10 =	vsel vm4, v59, v10;
	v50 =	vsel vm9, v5, v48;
	v5 =	vsel vm9, v48, v5  }
0x349: {  	v59 =	vsel vm15, v9, v57;
	v9 =	vsel vm15, v57, v9;
	vm5 =	vgt.f32 v7, v60  }
0x34a: {  	vm10 =	vgt.f32 v50, v6;
	v42 =	vsel vm5, v7, v60;
	v7 =	vsel vm5, v60, v7  }
0x34b: {  	v43 =	vsel vm5, v10, v61;
	v10 =	vsel vm5, v61, v10;
	v52 =	vsel vm10, v50, v6  }
0x34c: {  	v6 =	vsel vm10, v6, v50;
	vm5 =	vgt.f32 v59, v3;
	v60 =	vnsel vm13, $0x3A, v12  }
0x34d: {  	vm6 =	vgt.f32 v7, v8;
	vm11 =	vgt.f32 v6, v40;
	v61 =	vsel vm5, v3, v59  }
0x34e: {  	v62 =	vsel vm15, v60, v47;
	v3 =	vsel vm5, v59, v3;
	v7 =	vsel vm6, v7, v8  }
0x34f: {  	v2 =	vsel vm6, v10, v2;
	v10 =	vsel vm7, v30, v46;
	v54 =	vsel vm11, v6, v40  }
0x350: {  	v6 =	vsel vm11, v40, v6;
	vm6 =	vgt.f32 v61, v5;
	v49 =	vsel vm8, v10, v34  }
0x351: {  	v10 =	vsel vm8, v34, v10;
	vm12 =	vgt.f32 v6, v42;
	v63 =	vsel vm6, v5, v61  }
0x352: {  	v30 =	vld [tilespmem:$0x1FFB0];
	v5 =	vsel vm6, v61, v5;
	v51 =	vsel vm9, v10, v37;
	v10 =	vsel vm9, v37, v10  }
0x353: {  	v40 =	vld [tilespmem:$0x1FFC0];
	v56 =	vsel vm12, v6, v42;
	v6 =	vsel vm12, v42, v6;
	vm7 =	vgt.f32 v63, v52  }
0x354: {  	v53 =	vsel vm10, v10, v39;
	v10 =	vsel vm10, v39, v10;
	vm14 =	vgt.f32 v6, v7  }
0x355: {  	v22 =	vsel vm7, v52, v63;
	v55 =	vsel vm11, v10, v41;
	v10 =	vsel vm11, v41, v10  }
0x356: {  	v6 =	vsel vm14, v6, v7;
	v7 =	vsel vm7, v63, v52;
	vm8 =	vgt.f32 v22, v54  }
0x357: {  	v58 =	vsel vm12, v10, v43;
	v10 =	vsel vm12, v43, v10;
	v23 =	vsel vm8, v54, v22  }
0x358: {  	v16 =	vmul.f32 v0, v30;
	v15 =	vsel vm8, v22, v54;
	v21 =	vmul.f32 v0, v40  }
0x359: {  	v2 =	vsel vm14, v10, v2;
	v10 =	vsel vm15, v47, v60;
	vm9 =	vgt.f32 v23, v56  }
0x35a: {  	v52 =	vld [tilespmem:$0x1FFE0];
	v17 =	vsel vm5, v10, v49;
	v8 =	vsel vm5, v49, v10;
	v32 =	vsel vm9, v23, v56  }
0x35b: {  	v11 =	vsel vm9, v56, v23;
	vm10 =	vgt.f32 v16, v4;
	v10 =	vsel vm6, v8, v51  }
0x35c: {  	v24 =	vld [tilespmem:$0x1FFF0];
	v8 =	vsel vm6, v51, v8;
	vm11 =	vgt.f32 v11, v6;
	v35 =	vsel vm10, v4, v16  }
0x35d: {  	v43 =	vld [tilespmem:$0x1FFD0];
	v4 =	vsel vm10, v16, v4;
	v12 =	vnsel vm10, $0x3B, v36;
	v14 =	vsel vm7, v8, v53  }
0x35e: {  	v8 =	vsel vm7, v53, v8;
	v6 =	vsel vm11, v11, v6;
	vm12 =	vgt.f32 v35, v9  }
0x35f: {  	vm1 =	vgt.f32 v21, v4;
	v23 =	vmul.f32 v0, v52;
	v11 =	vsel vm10, $0x3B, v36  }
0x360: {  	v31 =	vsel vm8, v8, v55;
	v8 =	vsel vm8, v55, v8;
	v37 =	vsel vm12, v9, v35  }
0x361: {  	v9 =	vsel vm12, v35, v9;
	v38 =	vsel vm12, v12, v62;
	v12 =	vsel vm12, v62, v12  }
0x362: {  	v22 =	vmul.f32 v0, v43;
	v51 =	vsel vm1, v4, v21;
	v0 =	vmul.f32 v0, v24  }
0x363: {  	v4 =	vsel vm1, v21, v4;
	v54 =	vnsel vm1, $0x3C, v11;
	v11 =	vsel vm1, $0x3C, v11  }
0x364: {  	v34 =	vsel vm9, v8, v58;
	v8 =	vsel vm9, v58, v8;
	vm13 =	vgt.f32 v37, v3  }
0x365: {  	vm7 =	vgt.f32 v51, v9;
	v2 =	vsel vm11, v8, v2;
	v39 =	vsel vm13, v3, v37  }
0x366: {  	v3 =	vsel vm13, v37, v3;
	v41 =	vsel vm13, v12, v17;
	v12 =	vsel vm13, v17, v12  }
0x367: {  	v53 =	vsel vm7, v9, v51;
	v9 =	vsel vm7, v51, v9;
	v56 =	vsel vm7, v54, v38  }
0x368: {  	vm13 =	vgt.f32 v22, v4;
	vm14 =	vgt.f32 v39, v5;
	vm8 =	vgt.f32 v53, v3  }
0x369: {  	v30 =	vsel vm13, v4, v22;
	v4 =	vsel vm13, v22, v4;
	v42 =	vsel vm14, v5, v39  }
0x36a: {  	v5 =	vsel vm14, v39, v5;
	v44 =	vsel vm14, v12, v10;
	v10 =	vsel vm14, v10, v12  }
0x36b: {  	v55 =	vsel vm8, v3, v53;
	v3 =	vsel vm8, v53, v3;
	vm15 =	vgt.f32 v42, v7  }
0x36c: {  	vm9 =	vgt.f32 v55, v5;
	v45 =	vsel vm15, v7, v42;
	v7 =	vsel vm15, v42, v7  }
0x36d: {  	v46 =	vsel vm15, v10, v14;
	v10 =	vsel vm15, v14, v10;
	v57 =	vsel vm9, v5, v55  }
0x36e: {  	v5 =	vsel vm9, v55, v5;
	vm15 =	vgt.f32 v30, v9;
	vm4 =	vgt.f32 v45, v15  }
0x36f: {  	vm10 =	vgt.f32 v57, v7;
	v47 =	vsel vm4, v45, v15;
	v12 =	vsel vm4, v15, v45  }
0x370: {  	v48 =	vsel vm4, v10, v31;
	v10 =	vsel vm4, v31, v10;
	v58 =	vsel vm10, v7, v57  }
0x371: {  	v7 =	vsel vm10, v57, v7;
	v31 =	vsel vm15, v9, v30;
	vm5 =	vgt.f32 v12, v32  }
0x372: {  	v9 =	vsel vm15, v30, v9;
	vm11 =	vgt.f32 v58, v47;
	v49 =	vsel vm5, v12, v32  }
0x373: {  	v12 =	vsel vm5, v32, v12;
	v50 =	vsel vm5, v10, v34;
	v10 =	vsel vm5, v34, v10  }
0x374: {  	v60 =	vsel vm11, v47, v58;
	v14 =	vsel vm11, v58, v47;
	v32 =	vsel vm13, $0x3D, v11  }
0x375: {  	v11 =	vnsel vm13, $0x3D, v11;
	vm6 =	vgt.f32 v12, v6;
	vm12 =	vgt.f32 v60, v49  }
0x376: {  	v35 =	vsel vm15, v11, v56;
	v11 =	vsel vm15, v56, v11;
	v6 =	vsel vm6, v12, v6  }
0x377: {  	v2 =	vsel vm6, v10, v2;
	v10 =	vsel vm7, v38, v54;
	v62 =	vsel vm12, v60, v49  }
0x378: {  	v17 =	vsel vm12, v49, v60;
	vm6 =	vgt.f32 v31, v3;
	v16 =	vsel vm8, v10, v41  }
0x379: {  	v8 =	vsel vm8, v41, v10;
	vm14 =	vgt.f32 v17, v6;
	v34 =	vsel vm6, v3, v31  }
0x37a: {  	v3 =	vsel vm6, v31, v3;
	v10 =	vsel vm9, v8, v44;
	v8 =	vsel vm9, v44, v8  }
0x37b: {  	v6 =	vsel vm14, v17, v6;
	vm7 =	vgt.f32 v34, v5;
	v37 =	vsel vm6, v11, v16  }
0x37c: {  	v11 =	vsel vm6, v16, v11;
	v59 =	vsel vm10, v8, v46;
	v8 =	vsel vm10, v46, v8  }
0x37d: {  	v36 =	vsel vm7, v5, v34;
	v5 =	vsel vm7, v34, v5;
	v16 =	vsel vm7, v11, v10  }
0x37e: {  	v10 =	vsel vm7, v10, v11;
	v46 =	vlaneseq.u32;
	v61 =	vsel vm11, v8, v48  }
0x37f: {  	v8 =	vsel vm11, v48, v8;
	vm8 =	vgt.f32 v36, v7;
	vm11 =	vgt.f32 v23, v4  }
0x380: {  	v63 =	vsel vm12, v8, v50;
	v8 =	vsel vm12, v50, v8;
	v38 =	vsel vm8, v7, v36  }
0x381: {  	v7 =	vsel vm8, v36, v7;
	v11 =	vsel vm8, v10, v59;
	v10 =	vsel vm8, v59, v10  }
0x382: {  	v44 =	vsel vm11, v4, v23;
	v4 =	vsel vm11, v23, v4;
	v47 =	vsel vm11, $0x3E, v32  }
0x383: {  	v2 =	vsel vm14, v8, v2;
	vm9 =	vgt.f32 v38, v14;
	vm13 =	vgt.f32 v44, v9  }
0x384: {  	v8 =	vnsel vm11, $0x3E, v32;
	vm7 =	vgt.f32 v0, v4;
	v39 =	vsel vm9, v14, v38  }
0x385: {  	v40 =	vsel vm9, v38, v14;
	v41 =	vsel vm9, v10, v61;
	v10 =	vsel vm9, v61, v10  }
0x386: {  	v45 =	vsel vm13, v9, v44;
	v9 =	vsel vm13, v44, v9;
	v49 =	vsel vm13, v8, v35  }
0x387: {  	v8 =	vsel vm13, v35, v8;
	v0 =	vsel vm7, v4, v0;
	v59 =	vnsel vm7, $0x3F, v47  }
0x388: {  	vm10 =	vgt.f32 v39, v62;
	vm14 =	vgt.f32 v45, v3;
	vm9 =	vgt.f32 v0, v9  }
0x389: {  	v42 =	vsel vm10, v39, v62;
	v12 =	vsel vm10, v62, v39;
	v43 =	vsel vm10, v10, v63  }
0x38a: {  	v10 =	vsel vm10, v63, v10;
	v48 =	vsel vm14, v3, v45;
	v3 =	vsel vm14, v45, v3  }
0x38b: {  	v50 =	vsel vm14, v8, v37;
	v8 =	vsel vm14, v37, v8;
	v0 =	vsel vm9, v9, v0  }
0x38c: {  	v9 =	vsel vm9, v59, v49;
	v4 =	vsel vm9, v49, v59;
	vm12 =	vgt.f32 v12, v6  }
0x38d: {  	vm15 =	vgt.f32 v48, v5;
	vm10 =	vgt.f32 v0, v3;
	v30 =	vshll.u32 v9, $0x9  }
0x38e: {  	v6 =	vsel vm12, v12, v6;
	v2 =	vsel vm12, v10, v2;
	v51 =	vsel vm15, v5, v48  }
0x38f: {  	v5 =	vsel vm15, v48, v5;
	v17 =	vsel vm15, v8, v16;
	v8 =	vsel vm15, v16, v8  }
0x390: {  	v0 =	vsel vm10, v3, v0;
	v3 =	vor.u32 s17, v46;
	v12 =	vsel vm10, v4, v50  }
0x391: {  	v4 =	vsel vm10, v50, v4;
	vm4 =	vgt.f32 v51, v7;
	v60 =	vand.u32 $0x1F8, v3  }
0x392: {  	vm11 =	vgt.f32 v0, v5;
	v32 =	vshll.u32 v12, $0x9;
	v52 =	vsel vm4, v7, v51  }
0x393: {  	v7 =	vsel vm4, v51, v7;
	v53 =	vsel vm4, v8, v11;
	v8 =	vsel vm4, v11, v8  }
0x394: {  	v0 =	vsel vm11, v5, v0;
	v31 =	vsel vm11, v4, v17;
	v4 =	vsel vm11, v17, v4  }
0x395: {  	v10 =	vor.u32 v60, v30;
	v17 =	vor.u32 v60, v32;
	vm5 =	vgt.f32 v52, v40  }
0x396: {  	vm12 =	vgt.f32 v0, v7;
	v10 =	vor.u32 v33, v10;
	v13 =	vsel vm5, v40, v52  }
0x397: {  	v55 =	vsel vm5, v8, v41;
	v8 =	vsel vm5, v41, v8;
	vm6 =	vgt.f32 v13, v42  }
0x398: {  	v57 =	vsel vm6, v8, v43;
	v58 =	vsel vm6, v43, v8;
	v8 =	vsel vm7, $0x3F, v47  }
0x399: {  	v17 =	vor.u32 v33, v17;
	v35 =	vshll.u32 v31, $0x9;
	v61 =	vshll.u32 v8, $0x9  }
0x39a: {  	v54 =	vsel vm5, v52, v40;
	v0 =	vsel vm12, v7, v0;
	v62 =	vor.u32 v60, v61  }
0x39b: {  	v34 =	vsel vm12, v4, v53;
	v36 =	vor.u32 v60, v35;
	v63 =	vor.u32 v33, v62  }
0x39c: {  	v4 =	vsel vm12, v53, v4;
	vm13 =	vgt.f32 v0, v54;
	v11 =	vor.u32 v33, v36  }
0x39d: {  	v40 =	vld.idx.msk [tilespmem:v9+s10+$0x0], $0xffff;
	v38 =	vshll.u32 v34, $0x9;
	v56 =	vsel vm6, v13, v42;
	v13 =	vsel vm6, v42, v13  }
0x39e: {  	v0 =	vsel vm13, v54, v0;
	v18 =	vsel vm13, v4, v55;
	v4 =	vsel vm13, v55, v4;
	v10 =	vld.idx.msk [tilespmem:v10+s3+$0x0], $0xffff  }
0x39f: {  	v39 =	vor.u32 v60, v38;
	vm8 =	vgt.f32 v13, v6;
	vm14 =	vgt.f32 v0, v56;
	v37 =	vld.idx.msk [tilespmem:v8+s10+$0x0], $0xffff  }
0x3a0: {  	v16 =	vor.u32 v33, v39;
	v41 =	vshll.u32 v18, $0x9;
	v6 =	vsel vm8, v13, v6;
	v5 =	vld.idx.msk [tilespmem:v63+s3+$0x0], $0xffff  }
0x3a1: {  	v2 =	vsel vm8, v58, v2;
	v0 =	vsel vm14, v56, v0;
	v42 =	vsel vm14, v4, v57;
	v17 =	vld.idx.msk [tilespmem:v17+s3+$0x0], $0xffff  }
0x3a2: {  	v43 =	vor.u32 v60, v41;
	vm15 =	vgt.f32 v0, v6;
	v0 =	vld.idx.msk [tilespmem:v12+s10+$0x0], $0xffff;
	v45 =	vshll.u32 v42, $0x9  }
0x3a3: {  	v48 =	vld.idx.msk [tilespmem:v31+s10+$0x0], $0xffff;
	v4 =	vsel vm14, v57, v4;
	v44 =	vor.u32 v33, v43;
	v47 =	vor.u32 v60, v45  }
0x3a4: {  	v2 =	vsel vm15, v4, v2;
	v46 =	vld.idx.msk [tilespmem:v11+s3+$0x0], $0xffff;
	v11 =	vor.u32 v33, v47  }
0x3a5: {  	v51 =	vld.idx.msk [tilespmem:v34+s10+$0x0], $0xffff;
	v49 =	vshll.u32 v2, $0x9;
	v10 =	vsub.f32 v10, v40;
	v5 =	vsub.f32 v5, v37  }
0x3a6: {  	v50 =	vld.idx.msk [tilespmem:v16+s3+$0x0], $0xffff;
	v13 =	vor.u32 v60, v49  }
0x3a7: {  	v53 =	vld.idx.msk [tilespmem:v18+s10+$0x0], $0xffff;
	v13 =	vor.u32 v33, v13;
	v0 =	vsub.f32 v17, v0;
	v52 =	vadd.f32 v10, v5  }
0x3a8: {  	v6 =	vld.idx.msk [tilespmem:v44+s3+$0x0], $0xffff  }
0x3a9: {  	v54 =	vld.idx.msk [tilespmem:v42+s10+$0x0], $0xffff;
	v4 =	vsub.f32 v46, v48;
	v17 =	vadd.f32 v0, v52  }
0x3aa: {  	v11 =	vld.idx.msk [tilespmem:v11+s3+$0x0], $0xffff  }
0x3ab: {  	v56 =	vld.idx.msk [tilespmem:v2+s10+$0x0], $0xffff;
	v14 =	vsub.f32 v50, v51;
	v55 =	vadd.f32 v4, v17  }
0x3ac: {  	v13 =	vld.idx.msk [tilespmem:v13+s3+$0x0], $0xffff  }
0x3ad: {  	v6 =	vsub.f32 v6, v53;
	v16 =	vadd.f32 v14, v55;
	_ =	sdelay $0x1  }
0x3ae: {  	v11 =	vsub.f32 v11, v54;
	v16 =	vadd.f32 v6, v16;
	_ =	sdelay $0x1  }
0x3af: {  	v13 =	vsub.f32 v13, v56;
	v16 =	vadd.f32 v11, v16;
	_ =	sdelay $0x1  }
0x3b0: {  	v16 =	vadd.f32 v13, v16;
	_ =	sdelay $0x1  }
0x3b1: {  	(erf) = vrcp.f32 v16;
	_ =	sdelay $0x8  }
0x3b2: {  	v3 =	vshll.u32 v3, $0x3;
	v16 =	vpop (erf)  }
0x3b3: {  	v16 =	vmul.f32 $2.500000000e+00, v16  }
0x3b4: {  	v57 =	vor.u32 $0x1, v3  }
0x3b5: {  	v5 =	vmul.f32 v16, v5  }
0x3b6: {  	v58 =	vor.u32 $0x2, v3  }
0x3b7: {  	v59 =	vmul.f32 v16, v10;
	[tilespmem:v3+s13+$0x0] =	vst.idx.msk $0xffff, v5  }
0x3b8: {  	v60 =	vor.u32 $0x3, v3;
	[tilespmem:v3+s14+$0x0] =	vst.idx.msk $0xffff, v8  }
0x3b9: {  	v0 =	vmul.f32 v16, v0;
	[tilespmem:v57+s13+$0x0] =	vst.idx.msk $0xffff, v59  }
0x3ba: {  	v61 =	vor.u32 $0x4, v3;
	[tilespmem:v57+s14+$0x0] =	vst.idx.msk $0xffff, v9  }
0x3bb: {  	[tilespmem:v58+s13+$0x0] =	vst.idx.msk $0xffff, v0;
	v0 =	vmul.f32 v16, v4  }
0x3bc: {  	v62 =	vor.u32 $0x5, v3;
	[tilespmem:v58+s14+$0x0] =	vst.idx.msk $0xffff, v12  }
0x3bd: {  	[tilespmem:v60+s13+$0x0] =	vst.idx.msk $0xffff, v0;
	v0 =	vmul.f32 v16, v14  }
0x3be: {  	v63 =	vor.u32 $0x6, v3;
	[tilespmem:v60+s14+$0x0] =	vst.idx.msk $0xffff, v31  }
0x3bf: {  	[tilespmem:v61+s13+$0x0] =	vst.idx.msk $0xffff, v0;
	v0 =	vmul.f32 v16, v6  }
0x3c0: {  	v3 =	vor.u32 $0x7, v3;
	[tilespmem:v61+s14+$0x0] =	vst.idx.msk $0xffff, v34  }
0x3c1: {  	p0 =	sne.s32 s18, $0x7C0;
	[tilespmem:v62+s13+$0x0] =	vst.idx.msk $0xffff, v0;
	v0 =	vmul.f32 v16, v11  }
.Ltmp0:
0x3c2: {  	[tilespmem:v62+s14+$0x0] =	vst.idx.msk $0xffff, v18;
	(pc) =	sbr.rel @p0 .LBB2_2-.Ltmp0, $4  }
0x3c3: {  	[tilespmem:v63+s13+$0x0] =	vst.idx.msk $0xffff, v0;
	v0 =	vmul.f32 v16, v13  }
0x3c4: {  	[tilespmem:v63+s14+$0x0] =	vst.idx.msk $0xffff, v42  }
0x3c5: {  	[tilespmem:v3+s13+$0x0] =	vst.idx.msk $0xffff, v0  }
0x3c6: {  	s18 =	sadd.s32 $0x40, s18;
	v27 =	vimm.s32 $0x0;
	s17 =	sadd.s32 $0x10, s17;
	[tilespmem:v3+s14+$0x0] =	vst.idx.msk $0xffff, v2  }
0x3c7: {  	[hbm4b:s5+s3] =	stream.linear.scatter [tilespmem:s13], [sflag:$0x3], $0x1000, $0x38;
	[tilespmem:$0xA040] =	vst v63  }
0x3c8: {  	s16 =	sadd.s32 $0x1, s16;
	_ =	swait.ge [sflag:s15], $0x1000  }
0x3c9: {  	p0 =	sne.s32 s16, s7;
	[sflag:s15] =	ssyncset.done $0x0  }
.Ltmp1:
0x3ca: {  	[sflag:s15] =	ssyncadd.s32 $0xFFFFF000;
	(pc) =	sbr.rel @p0 .LBB2_1-.Ltmp1, $4  }
0x3cb: {  	[hbm4b:s6+s3] =	stream.linear.scatter [tilespmem:s14], [sflag:$0x3], $0x1000, $0x38;
	[tilespmem:$0xA040] =	vst v63  }
0x3cc: {  	_ =	swait.ge [sflag:s15], $0x1000  }
0x3cd: {  	[sflag:s15] =	ssyncset.done $0x0  }
0x3ce: {  	[sflag:s15] =	ssyncadd.s32 $0xFFFFF000  }
0x3cf: {  	_ =	sfence.sel $0x180000  }
0x3d0: {  	[bflag:$0x0] =	sbarrier.arrive $0xFFFF  }
0x3d1: {  	p0 =	sne.s32 s0, $0x0;
	_ =	strace $0x90000047  }
0x3d2: {  	s0 =	sadd.s32 @!p0 $0x100000, s2;
	[bflag:$0x2] =	sbarrier.arrive $0xFFFF  }
0x3d3: {  	[sflag:s0] =	ssyncadd.tile.s32 @!p0 $0x1;
	_ =	shalt  }
.Lfunc_end2:
_tile_overlayer_lowered:
.L_overlay_start_2:
0x3d4: {  	(tag) =	ssettag $0x2  }
0x3d5: {  	s0 =	rddreg [dreg:$0x0];
	s2 =	stileid.u32  }
0x3d6: {  	s1 =	rddreg [dreg:$0x1];
	p0 =	sne.s32 s2, $0x0  }
0x3d7: {  	s3 =	rddreg [dreg:$0x2];
	[bflag:$0x3] =	sbarrier.arrive $0xFFFF;
	s2 =	simm.s32 @!p0 $0x1C03  }
0x3d8: {  	[timem:s3], [sflag:s2] =	dma.local @!p0 [hbm:s0], s1  }
0x3d9: {  	s0 =	simm.s32 @!p0 $0x3  }
0x3da: {  	_ =	swait.ge @!p0 [sflag:s0], s1  }
0x3db: {  	s1 =	ssub.s32 @!p0 $0x0, s1;
	[sflag:s0] =	ssyncset.done @!p0 $0x0  }
0x3dc: {  	[sflag:s0] =	ssyncadd.s32 @!p0 s1  }
0x3dd: {  	[bflag:$0x3] =	sbarrier.arrive $0xFFFF  }
0x3de: {  	_ =	shalt  }

</sc_bundles>
